<compile_context>
chip_gen: v7x
topology: tpu7x:2x2x1
jax: 0.10.2.dev20260603
libtpu: 0.0.44.dev20260713+nightly
codegen_flags: <defaults>
</compile_context>

<pallas_src>
import functools

import jax
import jax.numpy as jnp
from jax import lax
from jax.experimental import pallas as pl
from jax.experimental.pallas import tpu as pltpu
from jax.experimental.pallas import tpu_sc as plsc

N = 10000
E = 320000
D = 128
NC = 2
NS = 16
NW = NC * NS
EPT = E // NW
NPAD = 10240
SPT = NPAD // NS

K1 = 100
NB1 = EPT // K1
K2 = 40
NB2 = (EPT // 2) // K2

_mesh = plsc.VectorSubcoreMesh(core_axis_name="c", subcore_axis_name="s")



def _sc_degree(dst3d):

    @functools.partial(
        pl.kernel,
        mesh=_mesh,
        compiler_params=pltpu.CompilerParams(use_tc_tiling_on_sc=False),
        out_type=jax.ShapeDtypeStruct((NC, NPAD, 16), jnp.float32),
        scratch_types=[
            pltpu.VMEM((NB1, K1), jnp.int32),
            pltpu.VMEM((K1, 16), jnp.float32),
            pltpu.VMEM((128, 16), jnp.float32),
            pltpu.VMEM_SHARED((NPAD, 16), jnp.float32),
        ],
    )
    def kfn(dst_hbm, out_hbm, idx_v, ones_v, zb_v, acc_s):
        c = lax.axis_index("c")
        s = lax.axis_index("s")
        wid = c * NS + s
        one = jnp.full((16,), 1.0, jnp.float32)
        zero = jnp.zeros((16,), jnp.float32)

        @pl.loop(0, K1)
        def _(i):
            ones_v[i, :] = one

        @pl.loop(0, 128)
        def _(i):
            zb_v[i, :] = zero

        base = s * SPT
        for r in range(SPT // 128):
            pltpu.sync_copy(zb_v, acc_s.at[pl.ds(base + r * 128, 128), :])
        plsc.subcore_barrier()

        pltpu.sync_copy(dst_hbm.at[wid], idx_v)

        @pl.loop(0, NB1)
        def _(j):
            pltpu.sync_copy(ones_v, acc_s.at[idx_v.at[j]], add=True)

        plsc.subcore_barrier()
        pltpu.sync_copy(acc_s.at[pl.ds(base, SPT), :],
                        out_hbm.at[c, pl.ds(base, SPT), :])

    return kfn(dst3d)


def _sc_spmm(g_lo, g_hi, src3d, dst3d):
    HD = 64
    NBUF = 4

    @functools.partial(
        pl.kernel,
        mesh=_mesh,
        compiler_params=pltpu.CompilerParams(use_tc_tiling_on_sc=False),
        out_type=jax.ShapeDtypeStruct((2, NC, NPAD, HD), jnp.float32),
        scratch_types=[
            pltpu.VMEM((NB1, K1), jnp.int32),
            pltpu.VMEM((NB1, K1), jnp.int32),
            pltpu.VMEM((NBUF, K1, HD), jnp.float32),
            pltpu.VMEM((128, HD), jnp.float32),
            pltpu.VMEM_SHARED((NPAD, HD), jnp.float32),
        ] + [pltpu.SemaphoreType.DMA] * (2 * NBUF),
    )
    def kfn(glo_hbm, ghi_hbm, src_hbm, dst_hbm, out_hbm,
            sidx, didx, rows, zb, acc_s, *sems):
        gsems = sems[:NBUF]
        ssems = sems[NBUF:]
        c = lax.axis_index("c")
        s = lax.axis_index("s")
        wid = c * NS + s
        zero = jnp.zeros((16,), jnp.float32)

        @pl.loop(0, 128)
        def _(i):
            for kk in range(HD // 16):
                zb[i, pl.ds(kk * 16, 16)] = zero

        base = s * SPT
        pltpu.sync_copy(src_hbm.at[wid], sidx)
        pltpu.sync_copy(dst_hbm.at[wid], didx)

        for p, g_hbm in enumerate((glo_hbm, ghi_hbm)):
            for r in range(SPT // 128):
                pltpu.sync_copy(zb, acc_s.at[pl.ds(base + r * 128, 128), :])
            plsc.subcore_barrier()

            for b in range(NBUF):
                pltpu.async_copy(g_hbm.at[sidx.at[b]],
                                 rows.at[b], gsems[b])

            @pl.loop(0, NB1, step=NBUF)
            def _(j):
                for b in range(NBUF):
                    jj = j + b
                    pltpu.make_async_copy(g_hbm.at[sidx.at[jj]],
                                          rows.at[b], gsems[b]).wait()
                    pltpu.async_copy(rows.at[b], acc_s.at[didx.at[jj]],
                                     ssems[b], add=True)

                    @pl.when(jj + NBUF < NB1)
                    def _():
                        pltpu.make_async_copy(rows.at[b],
                                              acc_s.at[didx.at[jj]],
                                              ssems[b]).wait()
                        pltpu.async_copy(g_hbm.at[sidx.at[jj + NBUF]],
                                         rows.at[b], gsems[b])

            for b in range(NBUF):
                pltpu.make_async_copy(rows.at[b], acc_s.at[didx.at[0]],
                                      ssems[b]).wait()
            plsc.subcore_barrier()
            pltpu.sync_copy(acc_s.at[pl.ds(base, SPT), :],
                            out_hbm.at[p, c, pl.ds(base, SPT), :])

    return kfn(g_lo, g_hi, src3d, dst3d)


def _sc_edge_gather(P, Q, sm3d, dm3d):
    H = 64
    KB = 2 * K2
    NBUF = 4

    @functools.partial(
        pl.kernel,
        mesh=_mesh,
        compiler_params=pltpu.CompilerParams(use_tc_tiling_on_sc=False),
        out_type=[
            jax.ShapeDtypeStruct((E, H), jnp.float32),
            jax.ShapeDtypeStruct((E, H), jnp.float32),
        ],
        scratch_types=[
            pltpu.VMEM((NB2, KB), jnp.int32),
            pltpu.VMEM((NB2, KB), jnp.int32),
            pltpu.VMEM((NBUF, KB, H), jnp.float32),
            pltpu.VMEM((NBUF, KB, H), jnp.float32),
        ] + [pltpu.SemaphoreType.DMA] * (2 * NBUF),
    )
    def kfn(p_hbm, q_hbm, src_hbm, dst_hbm, gp_hbm, gq_hbm,
            sidx, didx, pb, qb, *sems):
        gsems = sems[:NBUF]
        wsems = sems[NBUF:]
        c = lax.axis_index("c")
        s = lax.axis_index("s")
        wid = c * NS + s

        pltpu.sync_copy(src_hbm.at[wid], sidx)
        pltpu.sync_copy(dst_hbm.at[wid], didx)
        ebase = wid * EPT

        def gather(jj, b):
            pltpu.async_copy(p_hbm.at[sidx.at[jj]], pb.at[b], gsems[b])
            pltpu.async_copy(q_hbm.at[didx.at[jj]], qb.at[b], gsems[b])

        def wait_gather(jj, b):
            pltpu.make_async_copy(p_hbm.at[sidx.at[jj]],
                                  pb.at[b], gsems[b]).wait()
            pltpu.make_async_copy(q_hbm.at[didx.at[jj]],
                                  qb.at[b], gsems[b]).wait()

        def rows(jj):
            return pl.ds(ebase + jj * KB, KB)

        for b in range(NBUF):
            gather(b, b)

        @pl.loop(0, NB2, step=NBUF)
        def _(j):
            for b in range(NBUF):
                jj = j + b

                @pl.when(jj < NB2)
                def _():
                    wait_gather(jj, b)
                    pltpu.async_copy(pb.at[b], gp_hbm.at[rows(jj), :],
                                     wsems[b])
                    pltpu.async_copy(qb.at[b], gq_hbm.at[rows(jj), :],
                                     wsems[b])

                    @pl.when(jj + NBUF < NB2)
                    def _():
                        pltpu.make_async_copy(pb.at[b],
                                              gp_hbm.at[rows(jj), :],
                                              wsems[b]).wait()
                        pltpu.make_async_copy(qb.at[b],
                                              gq_hbm.at[rows(jj), :],
                                              wsems[b]).wait()
                        gather(jj + NBUF, b)

        for b in range(NBUF):
            pltpu.make_async_copy(pb.at[b], gp_hbm.at[rows(0), :],
                                  wsems[b]).wait()
            pltpu.make_async_copy(qb.at[b], gq_hbm.at[rows(0), :],
                                  wsems[b]).wait()

    return kfn(P, Q, sm3d, dm3d)



_BN = 1000


def _tc_scale_in(x, degp, W1):

    def body(x_ref, degp_ref, w_ref, glo_ref, ghi_ref, dinv_ref):
        deg = degp_ref[0] + degp_ref[1] + 1.0
        dinv = lax.rsqrt(deg)
        dinv_ref[...] = dinv
        g = jnp.dot(x_ref[...], w_ref[...],
                    preferred_element_type=jnp.float32) * dinv[:, 0:1]
        glo_ref[...] = g[:, :64]
        ghi_ref[...] = g[:, 64:]

    return pl.pallas_call(
        body,
        grid=(N // _BN,),
        in_specs=[
            pl.BlockSpec((_BN, D), lambda i: (i, 0)),
            pl.BlockSpec((NC, _BN, 16), lambda i: (0, i, 0)),
            pl.BlockSpec((D, D), lambda i: (0, 0)),
        ],
        out_specs=[
            pl.BlockSpec((_BN, 64), lambda i: (i, 0)),
            pl.BlockSpec((_BN, 64), lambda i: (i, 0)),
            pl.BlockSpec((_BN, 16), lambda i: (i, 0)),
        ],
        out_shape=[
            jax.ShapeDtypeStruct((N, 64), jnp.float32),
            jax.ShapeDtypeStruct((N, 64), jnp.float32),
            jax.ShapeDtypeStruct((N, 16), jnp.float32),
        ],
    )(x, degp, W1)


def _tc_mid(acc, glo, ghi, dinv16, W, bprev, relu):

    def body(acc_ref, glo_ref, ghi_ref, dinv_ref, w_ref, b_ref,
             outlo_ref, outhi_ref):
        dinv = dinv_ref[:, 0:1]
        hlo = acc_ref[0, 0] + acc_ref[0, 1] + glo_ref[...]
        hhi = acc_ref[1, 0] + acc_ref[1, 1] + ghi_ref[...]
        h = jnp.concatenate([hlo, hhi], axis=1) * dinv + b_ref[...]
        if relu:
            h = jnp.maximum(h, 0.0)
        out = jnp.dot(h, w_ref[...],
                      preferred_element_type=jnp.float32) * dinv
        outlo_ref[...] = out[:, :64]
        outhi_ref[...] = out[:, 64:]

    return pl.pallas_call(
        body,
        grid=(N // _BN,),
        in_specs=[
            pl.BlockSpec((2, NC, _BN, 64), lambda i: (0, 0, i, 0)),
            pl.BlockSpec((_BN, 64), lambda i: (i, 0)),
            pl.BlockSpec((_BN, 64), lambda i: (i, 0)),
            pl.BlockSpec((_BN, 16), lambda i: (i, 0)),
            pl.BlockSpec((D, D), lambda i: (0, 0)),
            pl.BlockSpec((1, D), lambda i: (0, 0)),
        ],
        out_specs=[
            pl.BlockSpec((_BN, 64), lambda i: (i, 0)),
            pl.BlockSpec((_BN, 64), lambda i: (i, 0)),
        ],
        out_shape=[
            jax.ShapeDtypeStruct((N, 64), jnp.float32),
            jax.ShapeDtypeStruct((N, 64), jnp.float32),
        ],
    )(acc, glo, ghi, dinv16, W, bprev)


def _tc_node_head(acc, glo, ghi, dinv16, W3a, W3b, b2r):

    def body(acc_ref, glo_ref, ghi_ref, dinv_ref, wa_ref, wb_ref, b_ref,
             p_ref, q_ref):
        dinv = dinv_ref[:, 0:1]
        hlo = acc_ref[0, 0] + acc_ref[0, 1] + glo_ref[...]
        hhi = acc_ref[1, 0] + acc_ref[1, 1] + ghi_ref[...]
        h = jnp.concatenate([hlo, hhi], axis=1) * dinv + b_ref[...]
        p_ref[...] = jnp.dot(h, wa_ref[...], preferred_element_type=jnp.float32)
        q_ref[...] = jnp.dot(h, wb_ref[...], preferred_element_type=jnp.float32)

    return pl.pallas_call(
        body,
        grid=(N // _BN,),
        in_specs=[
            pl.BlockSpec((2, NC, _BN, 64), lambda i: (0, 0, i, 0)),
            pl.BlockSpec((_BN, 64), lambda i: (i, 0)),
            pl.BlockSpec((_BN, 64), lambda i: (i, 0)),
            pl.BlockSpec((_BN, 16), lambda i: (i, 0)),
            pl.BlockSpec((D, 64), lambda i: (0, 0)),
            pl.BlockSpec((D, 64), lambda i: (0, 0)),
            pl.BlockSpec((1, D), lambda i: (0, 0)),
        ],
        out_specs=[
            pl.BlockSpec((_BN, 64), lambda i: (i, 0)),
            pl.BlockSpec((_BN, 64), lambda i: (i, 0)),
        ],
        out_shape=[
            jax.ShapeDtypeStruct((N, 64), jnp.float32),
            jax.ShapeDtypeStruct((N, 64), jnp.float32),
        ],
    )(acc, glo, ghi, dinv16, W3a, W3b, b2r)


def _tc_edge_head(Gp2, Gq2, eaT, W3c, b32, W42T, b42T):
    BP = 1280
    HB = (E // 2) // BP

    def body(gp_ref, gq_ref, ealo_ref, eahi_ref, wc_ref, b32_ref, w42_ref,
             b42_ref, out_ref):
        dn = (((0,), (0,)), ((), ()))
        rlo = lax.dot_general(ealo_ref[...], wc_ref[...], dn,
                              preferred_element_type=jnp.float32)
        rhi = lax.dot_general(eahi_ref[...], wc_ref[...], dn,
                              preferred_element_type=jnp.float32)
        z = (gp_ref[...] + gq_ref[...]
             + jnp.concatenate([rlo, rhi], axis=1) + b32_ref[...])
        z = jnp.maximum(z, 0.0)
        out_ref[...] = lax.dot_general(w42_ref[...], z,
                                       (((1,), (1,)), ((), ())),
                                       preferred_element_type=jnp.float32
                                       ) + b42_ref[...]

    return pl.pallas_call(
        body,
        grid=(HB,),
        in_specs=[
            pl.BlockSpec((BP, 128), lambda i: (i, 0)),
            pl.BlockSpec((BP, 128), lambda i: (i, 0)),
            pl.BlockSpec((16, BP), lambda i: (0, i)),
            pl.BlockSpec((16, BP), lambda i: (0, i + HB)),
            pl.BlockSpec((16, 64), lambda i: (0, 0)),
            pl.BlockSpec((1, 128), lambda i: (0, 0)),
            pl.BlockSpec((4, 128), lambda i: (0, 0)),
            pl.BlockSpec((4, 1), lambda i: (0, 0)),
        ],
        out_specs=pl.BlockSpec((4, BP), lambda i: (0, i)),
        out_shape=jax.ShapeDtypeStruct((4, E // 2), jnp.float32),
    )(Gp2, Gq2, eaT, eaT, W3c, b32, W42T, b42T)



def kernel(x, edge_index, edge_attr, edge_src, edge_dst,
           W1, b1, W2, b2, W3, b3, W4, b4):
    src3d = edge_index[0].astype(jnp.int32).reshape(NW, NB1, K1)
    dst3d = edge_index[1].astype(jnp.int32).reshape(NW, NB1, K1)
    es32 = edge_src.astype(jnp.int32)
    ed32 = edge_dst.astype(jnp.int32)
    sm3d = jnp.stack([es32[:E // 2].reshape(NW, NB2, K2),
                      es32[E // 2:].reshape(NW, NB2, K2)],
                     axis=3).reshape(NW, NB2, 2 * K2)
    dm3d = jnp.stack([ed32[:E // 2].reshape(NW, NB2, K2),
                      ed32[E // 2:].reshape(NW, NB2, K2)],
                     axis=3).reshape(NW, NB2, 2 * K2)
    W3a = W3[:D]
    W3b = W3[D:2 * D]
    W3c = W3[2 * D:]

    degp = _sc_degree(dst3d)
    g1lo, g1hi, dinv16 = _tc_scale_in(x, degp, W1)
    acc1 = _sc_spmm(g1lo, g1hi, src3d, dst3d)
    g2lo, g2hi = _tc_mid(acc1, g1lo, g1hi, dinv16, W2,
                         b1.reshape(1, D), relu=True)
    acc2 = _sc_spmm(g2lo, g2hi, src3d, dst3d)
    P, Q = _tc_node_head(acc2, g2lo, g2hi, dinv16, W3a, W3b, b2.reshape(1, D))
    Gp, Gq = _sc_edge_gather(P, Q, sm3d, dm3d)
    Gp2 = Gp.reshape(E // 2, 128)
    Gq2 = Gq.reshape(E // 2, 128)
    eaT = edge_attr.T
    b32 = jnp.concatenate([b3, b3]).reshape(1, 128)
    W42T = (jnp.zeros((4, 128), jnp.float32)
            .at[0:2, 0:64].set(W4.T)
            .at[2:4, 64:128].set(W4.T))
    b42T = jnp.concatenate([b4, b4]).reshape(4, 1)
    out4t = _tc_edge_head(Gp2, Gq2, eaT, W3c, b32, W42T, b42T)
    return (out4t.reshape(2, 2, E // 2).transpose(1, 0, 2)
            .reshape(2, E).T)

# --- scband reference (transcript-rebuilt; emitter-appended) ---
"""Pipeline reference for scband-edge-gcn-86294482911653 (READ-ONLY COPY).

The authoritative reference and input builder live on the scoring server;
editing this copy changes nothing except your own understanding.
"""

import jax, jax.numpy as jnp
import numpy as np

N_NODES = 10000
N_EDGES = 320000
D_FEAT = 128
HIDDEN = 128
D_EDGE = 16


def setup_inputs(seed: int = 0) -> dict:
    key = jax.random.key(seed)
    ks = jax.random.split(key, 16)
    x = jax.random.normal(ks[0], (N_NODES, D_FEAT), dtype=jnp.float32)
    edge_index = jax.random.randint(ks[1], (2, N_EDGES), 0, N_NODES, dtype=jnp.int64)
    edge_attr = jax.random.normal(ks[2], (N_EDGES, D_EDGE), dtype=jnp.float32)
    edge_src = jax.random.randint(ks[3], (N_EDGES,), 0, N_NODES, dtype=jnp.int64)
    edge_dst = jax.random.randint(ks[4], (N_EDGES,), 0, N_NODES, dtype=jnp.int64)
    # learned params
    W1 = jax.random.normal(ks[5], (D_FEAT, HIDDEN), dtype=jnp.float32) * (1.0 / np.sqrt(D_FEAT))
    b1 = jnp.zeros((HIDDEN,), dtype=jnp.float32)
    W2 = jax.random.normal(ks[6], (HIDDEN, HIDDEN), dtype=jnp.float32) * (1.0 / np.sqrt(HIDDEN))
    b2 = jnp.zeros((HIDDEN,), dtype=jnp.float32)
    W3 = jax.random.normal(ks[7], (2 * HIDDEN + D_EDGE, 64), dtype=jnp.float32) * (1.0 / np.sqrt(2 * HIDDEN + D_EDGE))
    b3 = jnp.zeros((64,), dtype=jnp.float32)
    W4 = jax.random.normal(ks[8], (64, 2), dtype=jnp.float32) * (1.0 / np.sqrt(64))
    b4 = jnp.zeros((2,), dtype=jnp.float32)
    return {"x": x, "edge_index": edge_index, "edge_attr": edge_attr,
            "edge_src": edge_src, "edge_dst": edge_dst,
            "W1": W1, "b1": b1, "W2": W2, "b2": b2,
            "W3": W3, "b3": b3, "W4": W4, "b4": b4}


def _gcn_conv(x, edge_index, W, b):
    # PyG GCNConv: add self-loops, symmetric normalization D^-1/2 (A+I) D^-1/2, then linear
    N = x.shape[0]
    loop = jnp.arange(N, dtype=edge_index.dtype)
    src = jnp.concatenate([edge_index[0], loop])
    dst = jnp.concatenate([edge_index[1], loop])
    deg = jax.ops.segment_sum(jnp.ones(src.shape[0], dtype=x.dtype), dst, num_segments=N)
    dinv = jnp.where(deg > 0, deg ** -0.5, 0.0)
    norm = dinv[src] * dinv[dst]
    h = x @ W
    msg = h[src] * norm[:, None]
    out = jax.ops.segment_sum(msg, dst, num_segments=N)
    return out + b


def reference(x, edge_index, edge_attr, edge_src, edge_dst, W1, b1, W2, b2, W3, b3, W4, b4):
    h = jax.nn.relu(_gcn_conv(x, edge_index, W1, b1))
    h = _gcn_conv(h, edge_index, W2, b2)
    edge_inputs = jnp.concatenate([h[edge_src], h[edge_dst], edge_attr], axis=1)
    z = jax.nn.relu(edge_inputs @ W3 + b3)
    return z @ W4 + b4

if __name__ == "__main__":
    import jax
    _d = setup_inputs()
    print(jax.jit(kernel)(*tuple(_d.values())))

</pallas_src>

<mosaic_0001>
#map = affine_map<(d0, d1) -> (0, 0)>
#map1 = affine_map<(d0, d1) -> (0, 0, 0)>
module attributes {stable_mosaic.version = 14 : i64} {
  func.func @kfn(%arg0: i32, %arg1: i32, %arg2: memref<10000x64xf32, #tpu.memory_space<hbm>>, %arg3: memref<10000x64xf32, #tpu.memory_space<hbm>>, %arg4: memref<32x125x80xi32, #tpu.memory_space<hbm>>, %arg5: memref<32x125x80xi32, #tpu.memory_space<hbm>>, %arg6: memref<320000x64xf32, #tpu.memory_space<hbm>>, %arg7: memref<320000x64xf32, #tpu.memory_space<hbm>>, %arg8: memref<125x80xi32, #tpu.memory_space<vmem>>, %arg9: memref<125x80xi32, #tpu.memory_space<vmem>>, %arg10: memref<4x80x64xf32, #tpu.memory_space<vmem>>, %arg11: memref<4x80x64xf32, #tpu.memory_space<vmem>>, %arg12: memref<!tpu.dma_semaphore, #tpu.memory_space<semaphore_mem>>, %arg13: memref<!tpu.dma_semaphore, #tpu.memory_space<semaphore_mem>>, %arg14: memref<!tpu.dma_semaphore, #tpu.memory_space<semaphore_mem>>, %arg15: memref<!tpu.dma_semaphore, #tpu.memory_space<semaphore_mem>>, %arg16: memref<!tpu.dma_semaphore, #tpu.memory_space<semaphore_mem>>, %arg17: memref<!tpu.dma_semaphore, #tpu.memory_space<semaphore_mem>>, %arg18: memref<!tpu.dma_semaphore, #tpu.memory_space<semaphore_mem>>, %arg19: memref<!tpu.dma_semaphore, #tpu.memory_space<semaphore_mem>>) attributes {dimension_semantics = [#tpu.dimension_semantics<core_parallel>, #tpu.dimension_semantics<subcore_parallel>], iteration_bounds = array<i64: 2, 16>, scalar_prefetch = 0 : i64, scratch_operands = 12 : i64, tpu.core_type = #tpu.core_type<sc_vector_subcore>, window_params = [{transform_indices = #map}, {transform_indices = #map}, {transform_indices = #map1}, {transform_indices = #map1}, {transform_indices = #map}, {transform_indices = #map}]} {
    %mul3A = arith.constant 16 : i32
    %mul3A_0 = arith.muli %arg0, %mul3A : i32
    %add3A = arith.addi %mul3A_0, %arg1 : i32
    "tpu.region"() ({
      %run_scoped3A = tpu.sem_alloc : memref<!tpu.dma_semaphore, #tpu.memory_space<semaphore_mem>>
      %dma_start3A_221 = arith.constant 0 : i32
      %dma_start3A_222 = arith.constant 0 : i32
      %dma_start3A_223 = tpu.memref_slice %arg4[%add3A, %dma_start3A_221, %dma_start3A_222] : memref<32x125x80xi32, #tpu.memory_space<hbm>> -> memref<1x125x80xi32, #tpu.memory_space<hbm>>
      %dma_start3A_224 = tpu.memref_squeeze %dma_start3A_223 : memref<1x125x80xi32, #tpu.memory_space<hbm>> -> memref<125x80xi32, #tpu.memory_space<hbm>>
      %dma_start3A_225 = arith.constant 0 : i32
      %dma_start3A_226 = arith.constant 0 : i32
      %dma_start3A_227 = tpu.memref_slice %arg4[%add3A, %dma_start3A_225, %dma_start3A_226] : memref<32x125x80xi32, #tpu.memory_space<hbm>> -> memref<1x125x80xi32, #tpu.memory_space<hbm>>
      %dma_start3A_228 = tpu.memref_squeeze %dma_start3A_227 : memref<1x125x80xi32, #tpu.memory_space<hbm>> -> memref<125x80xi32, #tpu.memory_space<hbm>>
      tpu.enqueue_dma source(%dma_start3A_228 : memref<125x80xi32, #tpu.memory_space<hbm>>) target(%arg8 : memref<125x80xi32, #tpu.memory_space<vmem>>) target_semaphore(%run_scoped3A : memref<!tpu.dma_semaphore, #tpu.memory_space<semaphore_mem>>)
      %dma_wait3A_229 = arith.constant 0 : i32
      %dma_wait3A_230 = arith.constant 0 : i32
      %dma_wait3A_231 = tpu.memref_slice %arg4[%add3A, %dma_wait3A_229, %dma_wait3A_230] : memref<32x125x80xi32, #tpu.memory_space<hbm>> -> memref<1x125x80xi32, #tpu.memory_space<hbm>>
      %dma_wait3A_232 = tpu.memref_squeeze %dma_wait3A_231 : memref<1x125x80xi32, #tpu.memory_space<hbm>> -> memref<125x80xi32, #tpu.memory_space<hbm>>
      %dma_wait3A_233 = arith.constant 0 : i32
      %dma_wait3A_234 = arith.constant 0 : i32
      %dma_wait3A_235 = tpu.memref_slice %arg4[%add3A, %dma_wait3A_233, %dma_wait3A_234] : memref<32x125x80xi32, #tpu.memory_space<hbm>> -> memref<1x125x80xi32, #tpu.memory_space<hbm>>
      %dma_wait3A_236 = tpu.memref_squeeze %dma_wait3A_235 : memref<1x125x80xi32, #tpu.memory_space<hbm>> -> memref<125x80xi32, #tpu.memory_space<hbm>>
      tpu.wait_dma2 semaphore(%run_scoped3A : memref<!tpu.dma_semaphore, #tpu.memory_space<semaphore_mem>>) src(%dma_wait3A_236 : memref<125x80xi32, #tpu.memory_space<hbm>>) dst(%arg8 : memref<125x80xi32, #tpu.memory_space<vmem>>)
      tpu.yield
    }) : () -> ()
    "tpu.region"() ({
      %run_scoped3A = tpu.sem_alloc : memref<!tpu.dma_semaphore, #tpu.memory_space<semaphore_mem>>
      %dma_start3A_221 = arith.constant 0 : i32
      %dma_start3A_222 = arith.constant 0 : i32
      %dma_start3A_223 = tpu.memref_slice %arg5[%add3A, %dma_start3A_221, %dma_start3A_222] : memref<32x125x80xi32, #tpu.memory_space<hbm>> -> memref<1x125x80xi32, #tpu.memory_space<hbm>>
      %dma_start3A_224 = tpu.memref_squeeze %dma_start3A_223 : memref<1x125x80xi32, #tpu.memory_space<hbm>> -> memref<125x80xi32, #tpu.memory_space<hbm>>
      %dma_start3A_225 = arith.constant 0 : i32
      %dma_start3A_226 = arith.constant 0 : i32
      %dma_start3A_227 = tpu.memref_slice %arg5[%add3A, %dma_start3A_225, %dma_start3A_226] : memref<32x125x80xi32, #tpu.memory_space<hbm>> -> memref<1x125x80xi32, #tpu.memory_space<hbm>>
      %dma_start3A_228 = tpu.memref_squeeze %dma_start3A_227 : memref<1x125x80xi32, #tpu.memory_space<hbm>> -> memref<125x80xi32, #tpu.memory_space<hbm>>
      tpu.enqueue_dma source(%dma_start3A_228 : memref<125x80xi32, #tpu.memory_space<hbm>>) target(%arg9 : memref<125x80xi32, #tpu.memory_space<vmem>>) target_semaphore(%run_scoped3A : memref<!tpu.dma_semaphore, #tpu.memory_space<semaphore_mem>>)
      %dma_wait3A_229 = arith.constant 0 : i32
      %dma_wait3A_230 = arith.constant 0 : i32
      %dma_wait3A_231 = tpu.memref_slice %arg5[%add3A, %dma_wait3A_229, %dma_wait3A_230] : memref<32x125x80xi32, #tpu.memory_space<hbm>> -> memref<1x125x80xi32, #tpu.memory_space<hbm>>
      %dma_wait3A_232 = tpu.memref_squeeze %dma_wait3A_231 : memref<1x125x80xi32, #tpu.memory_space<hbm>> -> memref<125x80xi32, #tpu.memory_space<hbm>>
      %dma_wait3A_233 = arith.constant 0 : i32
      %dma_wait3A_234 = arith.constant 0 : i32
      %dma_wait3A_235 = tpu.memref_slice %arg5[%add3A, %dma_wait3A_233, %dma_wait3A_234] : memref<32x125x80xi32, #tpu.memory_space<hbm>> -> memref<1x125x80xi32, #tpu.memory_space<hbm>>
      %dma_wait3A_236 = tpu.memref_squeeze %dma_wait3A_235 : memref<1x125x80xi32, #tpu.memory_space<hbm>> -> memref<125x80xi32, #tpu.memory_space<hbm>>
      tpu.wait_dma2 semaphore(%run_scoped3A : memref<!tpu.dma_semaphore, #tpu.memory_space<semaphore_mem>>) src(%dma_wait3A_236 : memref<125x80xi32, #tpu.memory_space<hbm>>) dst(%arg9 : memref<125x80xi32, #tpu.memory_space<vmem>>)
      tpu.yield
    }) : () -> ()
    %mul3A_1 = arith.constant 10000 : i32
    %mul3A_2 = arith.muli %add3A, %mul3A_1 : i32
    %dma_start3A = arith.constant 0 : i32
    %dma_start3A_3 = arith.constant 0 : i32
    %dma_start3A_4 = arith.constant 0 : i32
    %dma_start3A_5 = arith.constant 0 : i32
    %dma_start3A_6 = tpu.memref_slice %arg10[%dma_start3A_3, %dma_start3A_4, %dma_start3A_5] : memref<4x80x64xf32, #tpu.memory_space<vmem>> -> memref<1x80x64xf32, #tpu.memory_space<vmem>>
    %dma_start3A_7 = tpu.memref_squeeze %dma_start3A_6 : memref<1x80x64xf32, #tpu.memory_space<vmem>> -> memref<80x64xf32, #tpu.memory_space<vmem>>
    %dma_start3A_8 = arith.constant 0 : i32
    %dma_start3A_9 = tpu.memref_slice %arg8[%dma_start3A, %dma_start3A_8] : memref<125x80xi32, #tpu.memory_space<vmem>> -> memref<1x80xi32, #tpu.memory_space<vmem>>
    %dma_start3A_10 = tpu.memref_squeeze %dma_start3A_9 : memref<1x80xi32, #tpu.memory_space<vmem>> -> memref<80xi32, #tpu.memory_space<vmem>>
    %dma_start3A_11 = arith.constant 0 : i32
    %dma_start3A_12 = arith.constant 0 : i32
    %dma_start3A_13 = tpu.memref_slice %arg2[%dma_start3A_11, %dma_start3A_12] : memref<10000x64xf32, #tpu.memory_space<hbm>> -> memref<10000x64xf32, #tpu.memory_space<hbm>>
    tpu.enqueue_indirect_dma source(%dma_start3A_13 : memref<10000x64xf32, #tpu.memory_space<hbm>>) target(%dma_start3A_7 : memref<80x64xf32, #tpu.memory_space<vmem>>) offsets(%dma_start3A_10 : memref<80xi32, #tpu.memory_space<vmem>>) semaphore(%arg12 : memref<!tpu.dma_semaphore, #tpu.memory_space<semaphore_mem>>)
    %dma_start3A_14 = arith.constant 0 : i32
    %dma_start3A_15 = arith.constant 0 : i32
    %dma_start3A_16 = arith.constant 0 : i32
    %dma_start3A_17 = arith.constant 0 : i32
    %dma_start3A_18 = tpu.memref_slice %arg11[%dma_start3A_15, %dma_start3A_16, %dma_start3A_17] : memref<4x80x64xf32, #tpu.memory_space<vmem>> -> memref<1x80x64xf32, #tpu.memory_space<vmem>>
    %dma_start3A_19 = tpu.memref_squeeze %dma_start3A_18 : memref<1x80x64xf32, #tpu.memory_space<vmem>> -> memref<80x64xf32, #tpu.memory_space<vmem>>
    %dma_start3A_20 = arith.constant 0 : i32
    %dma_start3A_21 = tpu.memref_slice %arg9[%dma_start3A_14, %dma_start3A_20] : memref<125x80xi32, #tpu.memory_space<vmem>> -> memref<1x80xi32, #tpu.memory_space<vmem>>
    %dma_start3A_22 = tpu.memref_squeeze %dma_start3A_21 : memref<1x80xi32, #tpu.memory_space<vmem>> -> memref<80xi32, #tpu.memory_space<vmem>>
    %dma_start3A_23 = arith.constant 0 : i32
    %dma_start3A_24 = arith.constant 0 : i32
    %dma_start3A_25 = tpu.memref_slice %arg3[%dma_start3A_23, %dma_start3A_24] : memref<10000x64xf32, #tpu.memory_space<hbm>> -> memref<10000x64xf32, #tpu.memory_space<hbm>>
    tpu.enqueue_indirect_dma source(%dma_start3A_25 : memref<10000x64xf32, #tpu.memory_space<hbm>>) target(%dma_start3A_19 : memref<80x64xf32, #tpu.memory_space<vmem>>) offsets(%dma_start3A_22 : memref<80xi32, #tpu.memory_space<vmem>>) semaphore(%arg12 : memref<!tpu.dma_semaphore, #tpu.memory_space<semaphore_mem>>)
    %dma_start3A_26 = arith.constant 1 : i32
    %dma_start3A_27 = arith.constant 1 : i32
    %dma_start3A_28 = arith.constant 0 : i32
    %dma_start3A_29 = arith.constant 0 : i32
    %dma_start3A_30 = tpu.memref_slice %arg10[%dma_start3A_27, %dma_start3A_28, %dma_start3A_29] : memref<4x80x64xf32, #tpu.memory_space<vmem>> -> memref<1x80x64xf32, #tpu.memory_space<vmem>>
    %dma_start3A_31 = tpu.memref_squeeze %dma_start3A_30 : memref<1x80x64xf32, #tpu.memory_space<vmem>> -> memref<80x64xf32, #tpu.memory_space<vmem>>
    %dma_start3A_32 = arith.constant 0 : i32
    %dma_start3A_33 = tpu.memref_slice %arg8[%dma_start3A_26, %dma_start3A_32] : memref<125x80xi32, #tpu.memory_space<vmem>> -> memref<1x80xi32, #tpu.memory_space<vmem>>
    %dma_start3A_34 = tpu.memref_squeeze %dma_start3A_33 : memref<1x80xi32, #tpu.memory_space<vmem>> -> memref<80xi32, #tpu.memory_space<vmem>>
    %dma_start3A_35 = arith.constant 0 : i32
    %dma_start3A_36 = arith.constant 0 : i32
    %dma_start3A_37 = tpu.memref_slice %arg2[%dma_start3A_35, %dma_start3A_36] : memref<10000x64xf32, #tpu.memory_space<hbm>> -> memref<10000x64xf32, #tpu.memory_space<hbm>>
    tpu.enqueue_indirect_dma source(%dma_start3A_37 : memref<10000x64xf32, #tpu.memory_space<hbm>>) target(%dma_start3A_31 : memref<80x64xf32, #tpu.memory_space<vmem>>) offsets(%dma_start3A_34 : memref<80xi32, #tpu.memory_space<vmem>>) semaphore(%arg13 : memref<!tpu.dma_semaphore, #tpu.memory_space<semaphore_mem>>)
    %dma_start3A_38 = arith.constant 1 : i32
    %dma_start3A_39 = arith.constant 1 : i32
    %dma_start3A_40 = arith.constant 0 : i32
    %dma_start3A_41 = arith.constant 0 : i32
    %dma_start3A_42 = tpu.memref_slice %arg11[%dma_start3A_39, %dma_start3A_40, %dma_start3A_41] : memref<4x80x64xf32, #tpu.memory_space<vmem>> -> memref<1x80x64xf32, #tpu.memory_space<vmem>>
    %dma_start3A_43 = tpu.memref_squeeze %dma_start3A_42 : memref<1x80x64xf32, #tpu.memory_space<vmem>> -> memref<80x64xf32, #tpu.memory_space<vmem>>
    %dma_start3A_44 = arith.constant 0 : i32
    %dma_start3A_45 = tpu.memref_slice %arg9[%dma_start3A_38, %dma_start3A_44] : memref<125x80xi32, #tpu.memory_space<vmem>> -> memref<1x80xi32, #tpu.memory_space<vmem>>
    %dma_start3A_46 = tpu.memref_squeeze %dma_start3A_45 : memref<1x80xi32, #tpu.memory_space<vmem>> -> memref<80xi32, #tpu.memory_space<vmem>>
    %dma_start3A_47 = arith.constant 0 : i32
    %dma_start3A_48 = arith.constant 0 : i32
    %dma_start3A_49 = tpu.memref_slice %arg3[%dma_start3A_47, %dma_start3A_48] : memref<10000x64xf32, #tpu.memory_space<hbm>> -> memref<10000x64xf32, #tpu.memory_space<hbm>>
    tpu.enqueue_indirect_dma source(%dma_start3A_49 : memref<10000x64xf32, #tpu.memory_space<hbm>>) target(%dma_start3A_43 : memref<80x64xf32, #tpu.memory_space<vmem>>) offsets(%dma_start3A_46 : memref<80xi32, #tpu.memory_space<vmem>>) semaphore(%arg13 : memref<!tpu.dma_semaphore, #tpu.memory_space<semaphore_mem>>)
    %dma_start3A_50 = arith.constant 2 : i32
    %dma_start3A_51 = arith.constant 2 : i32
    %dma_start3A_52 = arith.constant 0 : i32
    %dma_start3A_53 = arith.constant 0 : i32
    %dma_start3A_54 = tpu.memref_slice %arg10[%dma_start3A_51, %dma_start3A_52, %dma_start3A_53] : memref<4x80x64xf32, #tpu.memory_space<vmem>> -> memref<1x80x64xf32, #tpu.memory_space<vmem>>
    %dma_start3A_55 = tpu.memref_squeeze %dma_start3A_54 : memref<1x80x64xf32, #tpu.memory_space<vmem>> -> memref<80x64xf32, #tpu.memory_space<vmem>>
    %dma_start3A_56 = arith.constant 0 : i32
    %dma_start3A_57 = tpu.memref_slice %arg8[%dma_start3A_50, %dma_start3A_56] : memref<125x80xi32, #tpu.memory_space<vmem>> -> memref<1x80xi32, #tpu.memory_space<vmem>>
    %dma_start3A_58 = tpu.memref_squeeze %dma_start3A_57 : memref<1x80xi32, #tpu.memory_space<vmem>> -> memref<80xi32, #tpu.memory_space<vmem>>
    %dma_start3A_59 = arith.constant 0 : i32
    %dma_start3A_60 = arith.constant 0 : i32
    %dma_start3A_61 = tpu.memref_slice %arg2[%dma_start3A_59, %dma_start3A_60] : memref<10000x64xf32, #tpu.memory_space<hbm>> -> memref<10000x64xf32, #tpu.memory_space<hbm>>
    tpu.enqueue_indirect_dma source(%dma_start3A_61 : memref<10000x64xf32, #tpu.memory_space<hbm>>) target(%dma_start3A_55 : memref<80x64xf32, #tpu.memory_space<vmem>>) offsets(%dma_start3A_58 : memref<80xi32, #tpu.memory_space<vmem>>) semaphore(%arg14 : memref<!tpu.dma_semaphore, #tpu.memory_space<semaphore_mem>>)
    %dma_start3A_62 = arith.constant 2 : i32
    %dma_start3A_63 = arith.constant 2 : i32
    %dma_start3A_64 = arith.constant 0 : i32
    %dma_start3A_65 = arith.constant 0 : i32
    %dma_start3A_66 = tpu.memref_slice %arg11[%dma_start3A_63, %dma_start3A_64, %dma_start3A_65] : memref<4x80x64xf32, #tpu.memory_space<vmem>> -> memref<1x80x64xf32, #tpu.memory_space<vmem>>
    %dma_start3A_67 = tpu.memref_squeeze %dma_start3A_66 : memref<1x80x64xf32, #tpu.memory_space<vmem>> -> memref<80x64xf32, #tpu.memory_space<vmem>>
    %dma_start3A_68 = arith.constant 0 : i32
    %dma_start3A_69 = tpu.memref_slice %arg9[%dma_start3A_62, %dma_start3A_68] : memref<125x80xi32, #tpu.memory_space<vmem>> -> memref<1x80xi32, #tpu.memory_space<vmem>>
    %dma_start3A_70 = tpu.memref_squeeze %dma_start3A_69 : memref<1x80xi32, #tpu.memory_space<vmem>> -> memref<80xi32, #tpu.memory_space<vmem>>
    %dma_start3A_71 = arith.constant 0 : i32
    %dma_start3A_72 = arith.constant 0 : i32
    %dma_start3A_73 = tpu.memref_slice %arg3[%dma_start3A_71, %dma_start3A_72] : memref<10000x64xf32, #tpu.memory_space<hbm>> -> memref<10000x64xf32, #tpu.memory_space<hbm>>
    tpu.enqueue_indirect_dma source(%dma_start3A_73 : memref<10000x64xf32, #tpu.memory_space<hbm>>) target(%dma_start3A_67 : memref<80x64xf32, #tpu.memory_space<vmem>>) offsets(%dma_start3A_70 : memref<80xi32, #tpu.memory_space<vmem>>) semaphore(%arg14 : memref<!tpu.dma_semaphore, #tpu.memory_space<semaphore_mem>>)
    %dma_start3A_74 = arith.constant 3 : i32
    %dma_start3A_75 = arith.constant 3 : i32
    %dma_start3A_76 = arith.constant 0 : i32
    %dma_start3A_77 = arith.constant 0 : i32
    %dma_start3A_78 = tpu.memref_slice %arg10[%dma_start3A_75, %dma_start3A_76, %dma_start3A_77] : memref<4x80x64xf32, #tpu.memory_space<vmem>> -> memref<1x80x64xf32, #tpu.memory_space<vmem>>
    %dma_start3A_79 = tpu.memref_squeeze %dma_start3A_78 : memref<1x80x64xf32, #tpu.memory_space<vmem>> -> memref<80x64xf32, #tpu.memory_space<vmem>>
    %dma_start3A_80 = arith.constant 0 : i32
    %dma_start3A_81 = tpu.memref_slice %arg8[%dma_start3A_74, %dma_start3A_80] : memref<125x80xi32, #tpu.memory_space<vmem>> -> memref<1x80xi32, #tpu.memory_space<vmem>>
    %dma_start3A_82 = tpu.memref_squeeze %dma_start3A_81 : memref<1x80xi32, #tpu.memory_space<vmem>> -> memref<80xi32, #tpu.memory_space<vmem>>
    %dma_start3A_83 = arith.constant 0 : i32
    %dma_start3A_84 = arith.constant 0 : i32
    %dma_start3A_85 = tpu.memref_slice %arg2[%dma_start3A_83, %dma_start3A_84] : memref<10000x64xf32, #tpu.memory_space<hbm>> -> memref<10000x64xf32, #tpu.memory_space<hbm>>
    tpu.enqueue_indirect_dma source(%dma_start3A_85 : memref<10000x64xf32, #tpu.memory_space<hbm>>) target(%dma_start3A_79 : memref<80x64xf32, #tpu.memory_space<vmem>>) offsets(%dma_start3A_82 : memref<80xi32, #tpu.memory_space<vmem>>) semaphore(%arg15 : memref<!tpu.dma_semaphore, #tpu.memory_space<semaphore_mem>>)
    %dma_start3A_86 = arith.constant 3 : i32
    %dma_start3A_87 = arith.constant 3 : i32
    %dma_start3A_88 = arith.constant 0 : i32
    %dma_start3A_89 = arith.constant 0 : i32
    %dma_start3A_90 = tpu.memref_slice %arg11[%dma_start3A_87, %dma_start3A_88, %dma_start3A_89] : memref<4x80x64xf32, #tpu.memory_space<vmem>> -> memref<1x80x64xf32, #tpu.memory_space<vmem>>
    %dma_start3A_91 = tpu.memref_squeeze %dma_start3A_90 : memref<1x80x64xf32, #tpu.memory_space<vmem>> -> memref<80x64xf32, #tpu.memory_space<vmem>>
    %dma_start3A_92 = arith.constant 0 : i32
    %dma_start3A_93 = tpu.memref_slice %arg9[%dma_start3A_86, %dma_start3A_92] : memref<125x80xi32, #tpu.memory_space<vmem>> -> memref<1x80xi32, #tpu.memory_space<vmem>>
    %dma_start3A_94 = tpu.memref_squeeze %dma_start3A_93 : memref<1x80xi32, #tpu.memory_space<vmem>> -> memref<80xi32, #tpu.memory_space<vmem>>
    %dma_start3A_95 = arith.constant 0 : i32
    %dma_start3A_96 = arith.constant 0 : i32
    %dma_start3A_97 = tpu.memref_slice %arg3[%dma_start3A_95, %dma_start3A_96] : memref<10000x64xf32, #tpu.memory_space<hbm>> -> memref<10000x64xf32, #tpu.memory_space<hbm>>
    tpu.enqueue_indirect_dma source(%dma_start3A_97 : memref<10000x64xf32, #tpu.memory_space<hbm>>) target(%dma_start3A_91 : memref<80x64xf32, #tpu.memory_space<vmem>>) offsets(%dma_start3A_94 : memref<80xi32, #tpu.memory_space<vmem>>) semaphore(%arg15 : memref<!tpu.dma_semaphore, #tpu.memory_space<semaphore_mem>>)
    %scan3A = arith.constant 0 : i32
    %scan3A_98 = arith.constant 32 : i32
    %scan3A_99 = arith.addi %scan3A, %scan3A_98 : i32
    %scan3A_100 = arith.constant 1 : i32
    scf.for %scan3A_221 = %scan3A to %scan3A_99 step %scan3A_100  : i32 {
      %mul3A_222 = arith.constant 4 : i32
      %mul3A_223 = arith.muli %scan3A_221, %mul3A_222 : i32
      %add3A_224 = arith.constant 0 : i32
      %add3A_225 = arith.addi %add3A_224, %mul3A_223 : i32
      %add3A_226 = arith.constant 0 : i32
      %add3A_227 = arith.addi %add3A_225, %add3A_226 : i32
      %lt3A = arith.constant 125 : i32
      %lt3A_228 = arith.cmpi slt, %add3A_227, %lt3A : i32
      %convert_element_type3A = arith.extui %lt3A_228 : i1 to i32
      %cond3A = arith.constant 0 : i32
      %cond3A_229 = arith.cmpi ne, %convert_element_type3A, %cond3A : i32
      scf.if %cond3A_229 {
        %dma_wait3A_251 = arith.constant 0 : i32
        %dma_wait3A_252 = arith.constant 0 : i32
        %dma_wait3A_253 = arith.constant 0 : i32
        %dma_wait3A_254 = tpu.memref_slice %arg10[%dma_wait3A_251, %dma_wait3A_252, %dma_wait3A_253] : memref<4x80x64xf32, #tpu.memory_space<vmem>> -> memref<1x80x64xf32, #tpu.memory_space<vmem>>
        %dma_wait3A_255 = tpu.memref_squeeze %dma_wait3A_254 : memref<1x80x64xf32, #tpu.memory_space<vmem>> -> memref<80x64xf32, #tpu.memory_space<vmem>>
        %dma_wait3A_256 = arith.constant 0 : i32
        %dma_wait3A_257 = tpu.memref_slice %arg8[%add3A_227, %dma_wait3A_256] : memref<125x80xi32, #tpu.memory_space<vmem>> -> memref<1x80xi32, #tpu.memory_space<vmem>>
        %dma_wait3A_258 = tpu.memref_squeeze %dma_wait3A_257 : memref<1x80xi32, #tpu.memory_space<vmem>> -> memref<80xi32, #tpu.memory_space<vmem>>
        %dma_wait3A_259 = arith.constant 0 : i32
        %dma_wait3A_260 = arith.constant 0 : i32
        %dma_wait3A_261 = tpu.memref_slice %arg2[%dma_wait3A_259, %dma_wait3A_260] : memref<10000x64xf32, #tpu.memory_space<hbm>> -> memref<10000x64xf32, #tpu.memory_space<hbm>>
        tpu.wait_indirect_dma semaphore(%arg12 : memref<!tpu.dma_semaphore, #tpu.memory_space<semaphore_mem>>) src(%dma_wait3A_261 : memref<10000x64xf32, #tpu.memory_space<hbm>>) dst(%dma_wait3A_255 : memref<80x64xf32, #tpu.memory_space<vmem>>)
        %dma_wait3A_262 = arith.constant 0 : i32
        %dma_wait3A_263 = arith.constant 0 : i32
        %dma_wait3A_264 = arith.constant 0 : i32
        %dma_wait3A_265 = tpu.memref_slice %arg11[%dma_wait3A_262, %dma_wait3A_263, %dma_wait3A_264] : memref<4x80x64xf32, #tpu.memory_space<vmem>> -> memref<1x80x64xf32, #tpu.memory_space<vmem>>
        %dma_wait3A_266 = tpu.memref_squeeze %dma_wait3A_265 : memref<1x80x64xf32, #tpu.memory_space<vmem>> -> memref<80x64xf32, #tpu.memory_space<vmem>>
        %dma_wait3A_267 = arith.constant 0 : i32
        %dma_wait3A_268 = tpu.memref_slice %arg9[%add3A_227, %dma_wait3A_267] : memref<125x80xi32, #tpu.memory_space<vmem>> -> memref<1x80xi32, #tpu.memory_space<vmem>>
        %dma_wait3A_269 = tpu.memref_squeeze %dma_wait3A_268 : memref<1x80xi32, #tpu.memory_space<vmem>> -> memref<80xi32, #tpu.memory_space<vmem>>
        %dma_wait3A_270 = arith.constant 0 : i32
        %dma_wait3A_271 = arith.constant 0 : i32
        %dma_wait3A_272 = tpu.memref_slice %arg3[%dma_wait3A_270, %dma_wait3A_271] : memref<10000x64xf32, #tpu.memory_space<hbm>> -> memref<10000x64xf32, #tpu.memory_space<hbm>>
        tpu.wait_indirect_dma semaphore(%arg12 : memref<!tpu.dma_semaphore, #tpu.memory_space<semaphore_mem>>) src(%dma_wait3A_272 : memref<10000x64xf32, #tpu.memory_space<hbm>>) dst(%dma_wait3A_266 : memref<80x64xf32, #tpu.memory_space<vmem>>)
        %mul3A_273 = arith.constant 80 : i32
        %mul3A_274 = arith.muli %add3A_227, %mul3A_273 : i32
        %add3A_275 = arith.addi %mul3A_2, %mul3A_274 : i32
        %dma_start3A_276 = arith.constant 0 : i32
        %dma_start3A_277 = arith.constant 0 : i32
        %dma_start3A_278 = arith.constant 0 : i32
        %dma_start3A_279 = tpu.memref_slice %arg10[%dma_start3A_276, %dma_start3A_277, %dma_start3A_278] : memref<4x80x64xf32, #tpu.memory_space<vmem>> -> memref<1x80x64xf32, #tpu.memory_space<vmem>>
        %dma_start3A_280 = tpu.memref_squeeze %dma_start3A_279 : memref<1x80x64xf32, #tpu.memory_space<vmem>> -> memref<80x64xf32, #tpu.memory_space<vmem>>
        %dma_start3A_281 = arith.constant 0 : i32
        %dma_start3A_282 = tpu.memref_slice %arg6[%add3A_275, %dma_start3A_281] : memref<320000x64xf32, #tpu.memory_space<hbm>> -> memref<80x64xf32, #tpu.memory_space<hbm>>
        %dma_start3A_283 = arith.constant 0 : i32
        %dma_start3A_284 = tpu.memref_slice %arg6[%add3A_275, %dma_start3A_283] : memref<320000x64xf32, #tpu.memory_space<hbm>> -> memref<80x64xf32, #tpu.memory_space<hbm>>
        %dma_start3A_285 = arith.constant 0 : i32
        %dma_start3A_286 = arith.constant 0 : i32
        %dma_start3A_287 = tpu.memref_slice %arg10[%dma_start3A_276, %dma_start3A_285, %dma_start3A_286] : memref<4x80x64xf32, #tpu.memory_space<vmem>> -> memref<1x80x64xf32, #tpu.memory_space<vmem>>
        %dma_start3A_288 = tpu.memref_squeeze %dma_start3A_287 : memref<1x80x64xf32, #tpu.memory_space<vmem>> -> memref<80x64xf32, #tpu.memory_space<vmem>>
        tpu.enqueue_dma source(%dma_start3A_288 : memref<80x64xf32, #tpu.memory_space<vmem>>) target(%dma_start3A_284 : memref<80x64xf32, #tpu.memory_space<hbm>>) target_semaphore(%arg16 : memref<!tpu.dma_semaphore, #tpu.memory_space<semaphore_mem>>)
        %mul3A_289 = arith.constant 80 : i32
        %mul3A_290 = arith.muli %add3A_227, %mul3A_289 : i32
        %add3A_291 = arith.addi %mul3A_2, %mul3A_290 : i32
        %dma_start3A_292 = arith.constant 0 : i32
        %dma_start3A_293 = arith.constant 0 : i32
        %dma_start3A_294 = arith.constant 0 : i32
        %dma_start3A_295 = tpu.memref_slice %arg11[%dma_start3A_292, %dma_start3A_293, %dma_start3A_294] : memref<4x80x64xf32, #tpu.memory_space<vmem>> -> memref<1x80x64xf32, #tpu.memory_space<vmem>>
        %dma_start3A_296 = tpu.memref_squeeze %dma_start3A_295 : memref<1x80x64xf32, #tpu.memory_space<vmem>> -> memref<80x64xf32, #tpu.memory_space<vmem>>
        %dma_start3A_297 = arith.constant 0 : i32
        %dma_start3A_298 = tpu.memref_slice %arg7[%add3A_291, %dma_start3A_297] : memref<320000x64xf32, #tpu.memory_space<hbm>> -> memref<80x64xf32, #tpu.memory_space<hbm>>
        %dma_start3A_299 = arith.constant 0 : i32
        %dma_start3A_300 = tpu.memref_slice %arg7[%add3A_291, %dma_start3A_299] : memref<320000x64xf32, #tpu.memory_space<hbm>> -> memref<80x64xf32, #tpu.memory_space<hbm>>
        %dma_start3A_301 = arith.constant 0 : i32
        %dma_start3A_302 = arith.constant 0 : i32
        %dma_start3A_303 = tpu.memref_slice %arg11[%dma_start3A_292, %dma_start3A_301, %dma_start3A_302] : memref<4x80x64xf32, #tpu.memory_space<vmem>> -> memref<1x80x64xf32, #tpu.memory_space<vmem>>
        %dma_start3A_304 = tpu.memref_squeeze %dma_start3A_303 : memref<1x80x64xf32, #tpu.memory_space<vmem>> -> memref<80x64xf32, #tpu.memory_space<vmem>>
        tpu.enqueue_dma source(%dma_start3A_304 : memref<80x64xf32, #tpu.memory_space<vmem>>) target(%dma_start3A_300 : memref<80x64xf32, #tpu.memory_space<hbm>>) target_semaphore(%arg16 : memref<!tpu.dma_semaphore, #tpu.memory_space<semaphore_mem>>)
        %add3A_305 = arith.constant 4 : i32
        %add3A_306 = arith.addi %add3A_227, %add3A_305 : i32
        %lt3A_307 = arith.constant 125 : i32
        %lt3A_308 = arith.cmpi slt, %add3A_306, %lt3A_307 : i32
        %convert_element_type3A_309 = arith.extui %lt3A_308 : i1 to i32
        %cond3A_310 = arith.constant 0 : i32
        %cond3A_311 = arith.cmpi ne, %convert_element_type3A_309, %cond3A_310 : i32
        scf.if %cond3A_311 {
          %mul3A_312 = arith.constant 80 : i32
          %mul3A_313 = arith.muli %add3A_227, %mul3A_312 : i32
          %add3A_314 = arith.addi %mul3A_2, %mul3A_313 : i32
          %dma_wait3A_315 = arith.constant 0 : i32
          %dma_wait3A_316 = arith.constant 0 : i32
          %dma_wait3A_317 = arith.constant 0 : i32
          %dma_wait3A_318 = tpu.memref_slice %arg10[%dma_wait3A_315, %dma_wait3A_316, %dma_wait3A_317] : memref<4x80x64xf32, #tpu.memory_space<vmem>> -> memref<1x80x64xf32, #tpu.memory_space<vmem>>
          %dma_wait3A_319 = tpu.memref_squeeze %dma_wait3A_318 : memref<1x80x64xf32, #tpu.memory_space<vmem>> -> memref<80x64xf32, #tpu.memory_space<vmem>>
          %dma_wait3A_320 = arith.constant 0 : i32
          %dma_wait3A_321 = tpu.memref_slice %arg6[%add3A_314, %dma_wait3A_320] : memref<320000x64xf32, #tpu.memory_space<hbm>> -> memref<80x64xf32, #tpu.memory_space<hbm>>
          %dma_wait3A_322 = arith.constant 0 : i32
          %dma_wait3A_323 = tpu.memref_slice %arg6[%add3A_314, %dma_wait3A_322] : memref<320000x64xf32, #tpu.memory_space<hbm>> -> memref<80x64xf32, #tpu.memory_space<hbm>>
          %dma_wait3A_324 = arith.constant 0 : i32
          %dma_wait3A_325 = arith.constant 0 : i32
          %dma_wait3A_326 = tpu.memref_slice %arg10[%dma_wait3A_315, %dma_wait3A_324, %dma_wait3A_325] : memref<4x80x64xf32, #tpu.memory_space<vmem>> -> memref<1x80x64xf32, #tpu.memory_space<vmem>>
          %dma_wait3A_327 = tpu.memref_squeeze %dma_wait3A_326 : memref<1x80x64xf32, #tpu.memory_space<vmem>> -> memref<80x64xf32, #tpu.memory_space<vmem>>
          tpu.wait_dma2 semaphore(%arg16 : memref<!tpu.dma_semaphore, #tpu.memory_space<semaphore_mem>>) src(%dma_wait3A_327 : memref<80x64xf32, #tpu.memory_space<vmem>>) dst(%dma_wait3A_323 : memref<80x64xf32, #tpu.memory_space<hbm>>)
          %mul3A_328 = arith.constant 80 : i32
          %mul3A_329 = arith.muli %add3A_227, %mul3A_328 : i32
          %add3A_330 = arith.addi %mul3A_2, %mul3A_329 : i32
          %dma_wait3A_331 = arith.constant 0 : i32
          %dma_wait3A_332 = arith.constant 0 : i32
          %dma_wait3A_333 = arith.constant 0 : i32
          %dma_wait3A_334 = tpu.memref_slice %arg11[%dma_wait3A_331, %dma_wait3A_332, %dma_wait3A_333] : memref<4x80x64xf32, #tpu.memory_space<vmem>> -> memref<1x80x64xf32, #tpu.memory_space<vmem>>
          %dma_wait3A_335 = tpu.memref_squeeze %dma_wait3A_334 : memref<1x80x64xf32, #tpu.memory_space<vmem>> -> memref<80x64xf32, #tpu.memory_space<vmem>>
          %dma_wait3A_336 = arith.constant 0 : i32
          %dma_wait3A_337 = tpu.memref_slice %arg7[%add3A_330, %dma_wait3A_336] : memref<320000x64xf32, #tpu.memory_space<hbm>> -> memref<80x64xf32, #tpu.memory_space<hbm>>
          %dma_wait3A_338 = arith.constant 0 : i32
          %dma_wait3A_339 = tpu.memref_slice %arg7[%add3A_330, %dma_wait3A_338] : memref<320000x64xf32, #tpu.memory_space<hbm>> -> memref<80x64xf32, #tpu.memory_space<hbm>>
          %dma_wait3A_340 = arith.constant 0 : i32
          %dma_wait3A_341 = arith.constant 0 : i32
          %dma_wait3A_342 = tpu.memref_slice %arg11[%dma_wait3A_331, %dma_wait3A_340, %dma_wait3A_341] : memref<4x80x64xf32, #tpu.memory_space<vmem>> -> memref<1x80x64xf32, #tpu.memory_space<vmem>>
          %dma_wait3A_343 = tpu.memref_squeeze %dma_wait3A_342 : memref<1x80x64xf32, #tpu.memory_space<vmem>> -> memref<80x64xf32, #tpu.memory_space<vmem>>
          tpu.wait_dma2 semaphore(%arg16 : memref<!tpu.dma_semaphore, #tpu.memory_space<semaphore_mem>>) src(%dma_wait3A_343 : memref<80x64xf32, #tpu.memory_space<vmem>>) dst(%dma_wait3A_339 : memref<80x64xf32, #tpu.memory_space<hbm>>)
          %add3A_344 = arith.constant 4 : i32
          %add3A_345 = arith.addi %add3A_227, %add3A_344 : i32
          %dma_start3A_346 = arith.constant 0 : i32
          %dma_start3A_347 = arith.constant 0 : i32
          %dma_start3A_348 = arith.constant 0 : i32
          %dma_start3A_349 = tpu.memref_slice %arg10[%dma_start3A_346, %dma_start3A_347, %dma_start3A_348] : memref<4x80x64xf32, #tpu.memory_space<vmem>> -> memref<1x80x64xf32, #tpu.memory_space<vmem>>
          %dma_start3A_350 = tpu.memref_squeeze %dma_start3A_349 : memref<1x80x64xf32, #tpu.memory_space<vmem>> -> memref<80x64xf32, #tpu.memory_space<vmem>>
          %dma_start3A_351 = arith.constant 0 : i32
          %dma_start3A_352 = tpu.memref_slice %arg8[%add3A_345, %dma_start3A_351] : memref<125x80xi32, #tpu.memory_space<vmem>> -> memref<1x80xi32, #tpu.memory_space<vmem>>
          %dma_start3A_353 = tpu.memref_squeeze %dma_start3A_352 : memref<1x80xi32, #tpu.memory_space<vmem>> -> memref<80xi32, #tpu.memory_space<vmem>>
          %dma_start3A_354 = arith.constant 0 : i32
          %dma_start3A_355 = arith.constant 0 : i32
          %dma_start3A_356 = tpu.memref_slice %arg2[%dma_start3A_354, %dma_start3A_355] : memref<10000x64xf32, #tpu.memory_space<hbm>> -> memref<10000x64xf32, #tpu.memory_space<hbm>>
          tpu.enqueue_indirect_dma source(%dma_start3A_356 : memref<10000x64xf32, #tpu.memory_space<hbm>>) target(%dma_start3A_350 : memref<80x64xf32, #tpu.memory_space<vmem>>) offsets(%dma_start3A_353 : memref<80xi32, #tpu.memory_space<vmem>>) semaphore(%arg12 : memref<!tpu.dma_semaphore, #tpu.memory_space<semaphore_mem>>)
          %dma_start3A_357 = arith.constant 0 : i32
          %dma_start3A_358 = arith.constant 0 : i32
          %dma_start3A_359 = arith.constant 0 : i32
          %dma_start3A_360 = tpu.memref_slice %arg11[%dma_start3A_357, %dma_start3A_358, %dma_start3A_359] : memref<4x80x64xf32, #tpu.memory_space<vmem>> -> memref<1x80x64xf32, #tpu.memory_space<vmem>>
          %dma_start3A_361 = tpu.memref_squeeze %dma_start3A_360 : memref<1x80x64xf32, #tpu.memory_space<vmem>> -> memref<80x64xf32, #tpu.memory_space<vmem>>
          %dma_start3A_362 = arith.constant 0 : i32
          %dma_start3A_363 = tpu.memref_slice %arg9[%add3A_345, %dma_start3A_362] : memref<125x80xi32, #tpu.memory_space<vmem>> -> memref<1x80xi32, #tpu.memory_space<vmem>>
          %dma_start3A_364 = tpu.memref_squeeze %dma_start3A_363 : memref<1x80xi32, #tpu.memory_space<vmem>> -> memref<80xi32, #tpu.memory_space<vmem>>
          %dma_start3A_365 = arith.constant 0 : i32
          %dma_start3A_366 = arith.constant 0 : i32
          %dma_start3A_367 = tpu.memref_slice %arg3[%dma_start3A_365, %dma_start3A_366] : memref<10000x64xf32, #tpu.memory_space<hbm>> -> memref<10000x64xf32, #tpu.memory_space<hbm>>
          tpu.enqueue_indirect_dma source(%dma_start3A_367 : memref<10000x64xf32, #tpu.memory_space<hbm>>) target(%dma_start3A_361 : memref<80x64xf32, #tpu.memory_space<vmem>>) offsets(%dma_start3A_364 : memref<80xi32, #tpu.memory_space<vmem>>) semaphore(%arg12 : memref<!tpu.dma_semaphore, #tpu.memory_space<semaphore_mem>>)
        } else {
        }
      } else {
      }
      %add3A_230 = arith.constant 1 : i32
      %add3A_231 = arith.addi %add3A_225, %add3A_230 : i32
      %lt3A_232 = arith.constant 125 : i32
      %lt3A_233 = arith.cmpi slt, %add3A_231, %lt3A_232 : i32
      %convert_element_type3A_234 = arith.extui %lt3A_233 : i1 to i32
      %cond3A_235 = arith.constant 0 : i32
      %cond3A_236 = arith.cmpi ne, %convert_element_type3A_234, %cond3A_235 : i32
      scf.if %cond3A_236 {
        %dma_wait3A_251 = arith.constant 1 : i32
        %dma_wait3A_252 = arith.constant 0 : i32
        %dma_wait3A_253 = arith.constant 0 : i32
        %dma_wait3A_254 = tpu.memref_slice %arg10[%dma_wait3A_251, %dma_wait3A_252, %dma_wait3A_253] : memref<4x80x64xf32, #tpu.memory_space<vmem>> -> memref<1x80x64xf32, #tpu.memory_space<vmem>>
        %dma_wait3A_255 = tpu.memref_squeeze %dma_wait3A_254 : memref<1x80x64xf32, #tpu.memory_space<vmem>> -> memref<80x64xf32, #tpu.memory_space<vmem>>
        %dma_wait3A_256 = arith.constant 0 : i32
        %dma_wait3A_257 = tpu.memref_slice %arg8[%add3A_231, %dma_wait3A_256] : memref<125x80xi32, #tpu.memory_space<vmem>> -> memref<1x80xi32, #tpu.memory_space<vmem>>
        %dma_wait3A_258 = tpu.memref_squeeze %dma_wait3A_257 : memref<1x80xi32, #tpu.memory_space<vmem>> -> memref<80xi32, #tpu.memory_space<vmem>>
        %dma_wait3A_259 = arith.constant 0 : i32
        %dma_wait3A_260 = arith.constant 0 : i32
        %dma_wait3A_261 = tpu.memref_slice %arg2[%dma_wait3A_259, %dma_wait3A_260] : memref<10000x64xf32, #tpu.memory_space<hbm>> -> memref<10000x64xf32, #tpu.memory_space<hbm>>
        tpu.wait_indirect_dma semaphore(%arg13 : memref<!tpu.dma_semaphore, #tpu.memory_space<semaphore_mem>>) src(%dma_wait3A_261 : memref<10000x64xf32, #tpu.memory_space<hbm>>) dst(%dma_wait3A_255 : memref<80x64xf32, #tpu.memory_space<vmem>>)
        %dma_wait3A_262 = arith.constant 1 : i32
        %dma_wait3A_263 = arith.constant 0 : i32
        %dma_wait3A_264 = arith.constant 0 : i32
        %dma_wait3A_265 = tpu.memref_slice %arg11[%dma_wait3A_262, %dma_wait3A_263, %dma_wait3A_264] : memref<4x80x64xf32, #tpu.memory_space<vmem>> -> memref<1x80x64xf32, #tpu.memory_space<vmem>>
        %dma_wait3A_266 = tpu.memref_squeeze %dma_wait3A_265 : memref<1x80x64xf32, #tpu.memory_space<vmem>> -> memref<80x64xf32, #tpu.memory_space<vmem>>
        %dma_wait3A_267 = arith.constant 0 : i32
        %dma_wait3A_268 = tpu.memref_slice %arg9[%add3A_231, %dma_wait3A_267] : memref<125x80xi32, #tpu.memory_space<vmem>> -> memref<1x80xi32, #tpu.memory_space<vmem>>
        %dma_wait3A_269 = tpu.memref_squeeze %dma_wait3A_268 : memref<1x80xi32, #tpu.memory_space<vmem>> -> memref<80xi32, #tpu.memory_space<vmem>>
        %dma_wait3A_270 = arith.constant 0 : i32
        %dma_wait3A_271 = arith.constant 0 : i32
        %dma_wait3A_272 = tpu.memref_slice %arg3[%dma_wait3A_270, %dma_wait3A_271] : memref<10000x64xf32, #tpu.memory_space<hbm>> -> memref<10000x64xf32, #tpu.memory_space<hbm>>
        tpu.wait_indirect_dma semaphore(%arg13 : memref<!tpu.dma_semaphore, #tpu.memory_space<semaphore_mem>>) src(%dma_wait3A_272 : memref<10000x64xf32, #tpu.memory_space<hbm>>) dst(%dma_wait3A_266 : memref<80x64xf32, #tpu.memory_space<vmem>>)
        %mul3A_273 = arith.constant 80 : i32
        %mul3A_274 = arith.muli %add3A_231, %mul3A_273 : i32
        %add3A_275 = arith.addi %mul3A_2, %mul3A_274 : i32
        %dma_start3A_276 = arith.constant 1 : i32
        %dma_start3A_277 = arith.constant 0 : i32
        %dma_start3A_278 = arith.constant 0 : i32
        %dma_start3A_279 = tpu.memref_slice %arg10[%dma_start3A_276, %dma_start3A_277, %dma_start3A_278] : memref<4x80x64xf32, #tpu.memory_space<vmem>> -> memref<1x80x64xf32, #tpu.memory_space<vmem>>
        %dma_start3A_280 = tpu.memref_squeeze %dma_start3A_279 : memref<1x80x64xf32, #tpu.memory_space<vmem>> -> memref<80x64xf32, #tpu.memory_space<vmem>>
        %dma_start3A_281 = arith.constant 0 : i32
        %dma_start3A_282 = tpu.memref_slice %arg6[%add3A_275, %dma_start3A_281] : memref<320000x64xf32, #tpu.memory_space<hbm>> -> memref<80x64xf32, #tpu.memory_space<hbm>>
        %dma_start3A_283 = arith.constant 0 : i32
        %dma_start3A_284 = tpu.memref_slice %arg6[%add3A_275, %dma_start3A_283] : memref<320000x64xf32, #tpu.memory_space<hbm>> -> memref<80x64xf32, #tpu.memory_space<hbm>>
        %dma_start3A_285 = arith.constant 0 : i32
        %dma_start3A_286 = arith.constant 0 : i32
        %dma_start3A_287 = tpu.memref_slice %arg10[%dma_start3A_276, %dma_start3A_285, %dma_start3A_286] : memref<4x80x64xf32, #tpu.memory_space<vmem>> -> memref<1x80x64xf32, #tpu.memory_space<vmem>>
        %dma_start3A_288 = tpu.memref_squeeze %dma_start3A_287 : memref<1x80x64xf32, #tpu.memory_space<vmem>> -> memref<80x64xf32, #tpu.memory_space<vmem>>
        tpu.enqueue_dma source(%dma_start3A_288 : memref<80x64xf32, #tpu.memory_space<vmem>>) target(%dma_start3A_284 : memref<80x64xf32, #tpu.memory_space<hbm>>) target_semaphore(%arg17 : memref<!tpu.dma_semaphore, #tpu.memory_space<semaphore_mem>>)
        %mul3A_289 = arith.constant 80 : i32
        %mul3A_290 = arith.muli %add3A_231, %mul3A_289 : i32
        %add3A_291 = arith.addi %mul3A_2, %mul3A_290 : i32
        %dma_start3A_292 = arith.constant 1 : i32
        %dma_start3A_293 = arith.constant 0 : i32
        %dma_start3A_294 = arith.constant 0 : i32
        %dma_start3A_295 = tpu.memref_slice %arg11[%dma_start3A_292, %dma_start3A_293, %dma_start3A_294] : memref<4x80x64xf32, #tpu.memory_space<vmem>> -> memref<1x80x64xf32, #tpu.memory_space<vmem>>
        %dma_start3A_296 = tpu.memref_squeeze %dma_start3A_295 : memref<1x80x64xf32, #tpu.memory_space<vmem>> -> memref<80x64xf32, #tpu.memory_space<vmem>>
        %dma_start3A_297 = arith.constant 0 : i32
        %dma_start3A_298 = tpu.memref_slice %arg7[%add3A_291, %dma_start3A_297] : memref<320000x64xf32, #tpu.memory_space<hbm>> -> memref<80x64xf32, #tpu.memory_space<hbm>>
        %dma_start3A_299 = arith.constant 0 : i32
        %dma_start3A_300 = tpu.memref_slice %arg7[%add3A_291, %dma_start3A_299] : memref<320000x64xf32, #tpu.memory_space<hbm>> -> memref<80x64xf32, #tpu.memory_space<hbm>>
        %dma_start3A_301 = arith.constant 0 : i32
        %dma_start3A_302 = arith.constant 0 : i32
        %dma_start3A_303 = tpu.memref_slice %arg11[%dma_start3A_292, %dma_start3A_301, %dma_start3A_302] : memref<4x80x64xf32, #tpu.memory_space<vmem>> -> memref<1x80x64xf32, #tpu.memory_space<vmem>>
        %dma_start3A_304 = tpu.memref_squeeze %dma_start3A_303 : memref<1x80x64xf32, #tpu.memory_space<vmem>> -> memref<80x64xf32, #tpu.memory_space<vmem>>
        tpu.enqueue_dma source(%dma_start3A_304 : memref<80x64xf32, #tpu.memory_space<vmem>>) target(%dma_start3A_300 : memref<80x64xf32, #tpu.memory_space<hbm>>) target_semaphore(%arg17 : memref<!tpu.dma_semaphore, #tpu.memory_space<semaphore_mem>>)
        %add3A_305 = arith.constant 4 : i32
        %add3A_306 = arith.addi %add3A_231, %add3A_305 : i32
        %lt3A_307 = arith.constant 125 : i32
        %lt3A_308 = arith.cmpi slt, %add3A_306, %lt3A_307 : i32
        %convert_element_type3A_309 = arith.extui %lt3A_308 : i1 to i32
        %cond3A_310 = arith.constant 0 : i32
        %cond3A_311 = arith.cmpi ne, %convert_element_type3A_309, %cond3A_310 : i32
        scf.if %cond3A_311 {
          %mul3A_312 = arith.constant 80 : i32
          %mul3A_313 = arith.muli %add3A_231, %mul3A_312 : i32
          %add3A_314 = arith.addi %mul3A_2, %mul3A_313 : i32
          %dma_wait3A_315 = arith.constant 1 : i32
          %dma_wait3A_316 = arith.constant 0 : i32
          %dma_wait3A_317 = arith.constant 0 : i32
          %dma_wait3A_318 = tpu.memref_slice %arg10[%dma_wait3A_315, %dma_wait3A_316, %dma_wait3A_317] : memref<4x80x64xf32, #tpu.memory_space<vmem>> -> memref<1x80x64xf32, #tpu.memory_space<vmem>>
          %dma_wait3A_319 = tpu.memref_squeeze %dma_wait3A_318 : memref<1x80x64xf32, #tpu.memory_space<vmem>> -> memref<80x64xf32, #tpu.memory_space<vmem>>
          %dma_wait3A_320 = arith.constant 0 : i32
          %dma_wait3A_321 = tpu.memref_slice %arg6[%add3A_314, %dma_wait3A_320] : memref<320000x64xf32, #tpu.memory_space<hbm>> -> memref<80x64xf32, #tpu.memory_space<hbm>>
          %dma_wait3A_322 = arith.constant 0 : i32
          %dma_wait3A_323 = tpu.memref_slice %arg6[%add3A_314, %dma_wait3A_322] : memref<320000x64xf32, #tpu.memory_space<hbm>> -> memref<80x64xf32, #tpu.memory_space<hbm>>
          %dma_wait3A_324 = arith.constant 0 : i32
          %dma_wait3A_325 = arith.constant 0 : i32
          %dma_wait3A_326 = tpu.memref_slice %arg10[%dma_wait3A_315, %dma_wait3A_324, %dma_wait3A_325] : memref<4x80x64xf32, #tpu.memory_space<vmem>> -> memref<1x80x64xf32, #tpu.memory_space<vmem>>
          %dma_wait3A_327 = tpu.memref_squeeze %dma_wait3A_326 : memref<1x80x64xf32, #tpu.memory_space<vmem>> -> memref<80x64xf32, #tpu.memory_space<vmem>>
          tpu.wait_dma2 semaphore(%arg17 : memref<!tpu.dma_semaphore, #tpu.memory_space<semaphore_mem>>) src(%dma_wait3A_327 : memref<80x64xf32, #tpu.memory_space<vmem>>) dst(%dma_wait3A_323 : memref<80x64xf32, #tpu.memory_space<hbm>>)
          %mul3A_328 = arith.constant 80 : i32
          %mul3A_329 = arith.muli %add3A_231, %mul3A_328 : i32
          %add3A_330 = arith.addi %mul3A_2, %mul3A_329 : i32
          %dma_wait3A_331 = arith.constant 1 : i32
          %dma_wait3A_332 = arith.constant 0 : i32
          %dma_wait3A_333 = arith.constant 0 : i32
          %dma_wait3A_334 = tpu.memref_slice %arg11[%dma_wait3A_331, %dma_wait3A_332, %dma_wait3A_333] : memref<4x80x64xf32, #tpu.memory_space<vmem>> -> memref<1x80x64xf32, #tpu.memory_space<vmem>>
          %dma_wait3A_335 = tpu.memref_squeeze %dma_wait3A_334 : memref<1x80x64xf32, #tpu.memory_space<vmem>> -> memref<80x64xf32, #tpu.memory_space<vmem>>
          %dma_wait3A_336 = arith.constant 0 : i32
          %dma_wait3A_337 = tpu.memref_slice %arg7[%add3A_330, %dma_wait3A_336] : memref<320000x64xf32, #tpu.memory_space<hbm>> -> memref<80x64xf32, #tpu.memory_space<hbm>>
          %dma_wait3A_338 = arith.constant 0 : i32
          %dma_wait3A_339 = tpu.memref_slice %arg7[%add3A_330, %dma_wait3A_338] : memref<320000x64xf32, #tpu.memory_space<hbm>> -> memref<80x64xf32, #tpu.memory_space<hbm>>
          %dma_wait3A_340 = arith.constant 0 : i32
          %dma_wait3A_341 = arith.constant 0 : i32
          %dma_wait3A_342 = tpu.memref_slice %arg11[%dma_wait3A_331, %dma_wait3A_340, %dma_wait3A_341] : memref<4x80x64xf32, #tpu.memory_space<vmem>> -> memref<1x80x64xf32, #tpu.memory_space<vmem>>
          %dma_wait3A_343 = tpu.memref_squeeze %dma_wait3A_342 : memref<1x80x64xf32, #tpu.memory_space<vmem>> -> memref<80x64xf32, #tpu.memory_space<vmem>>
          tpu.wait_dma2 semaphore(%arg17 : memref<!tpu.dma_semaphore, #tpu.memory_space<semaphore_mem>>) src(%dma_wait3A_343 : memref<80x64xf32, #tpu.memory_space<vmem>>) dst(%dma_wait3A_339 : memref<80x64xf32, #tpu.memory_space<hbm>>)
          %add3A_344 = arith.constant 4 : i32
          %add3A_345 = arith.addi %add3A_231, %add3A_344 : i32
          %dma_start3A_346 = arith.constant 1 : i32
          %dma_start3A_347 = arith.constant 0 : i32
          %dma_start3A_348 = arith.constant 0 : i32
          %dma_start3A_349 = tpu.memref_slice %arg10[%dma_start3A_346, %dma_start3A_347, %dma_start3A_348] : memref<4x80x64xf32, #tpu.memory_space<vmem>> -> memref<1x80x64xf32, #tpu.memory_space<vmem>>
          %dma_start3A_350 = tpu.memref_squeeze %dma_start3A_349 : memref<1x80x64xf32, #tpu.memory_space<vmem>> -> memref<80x64xf32, #tpu.memory_space<vmem>>
          %dma_start3A_351 = arith.constant 0 : i32
          %dma_start3A_352 = tpu.memref_slice %arg8[%add3A_345, %dma_start3A_351] : memref<125x80xi32, #tpu.memory_space<vmem>> -> memref<1x80xi32, #tpu.memory_space<vmem>>
          %dma_start3A_353 = tpu.memref_squeeze %dma_start3A_352 : memref<1x80xi32, #tpu.memory_space<vmem>> -> memref<80xi32, #tpu.memory_space<vmem>>
          %dma_start3A_354 = arith.constant 0 : i32
          %dma_start3A_355 = arith.constant 0 : i32
          %dma_start3A_356 = tpu.memref_slice %arg2[%dma_start3A_354, %dma_start3A_355] : memref<10000x64xf32, #tpu.memory_space<hbm>> -> memref<10000x64xf32, #tpu.memory_space<hbm>>
          tpu.enqueue_indirect_dma source(%dma_start3A_356 : memref<10000x64xf32, #tpu.memory_space<hbm>>) target(%dma_start3A_350 : memref<80x64xf32, #tpu.memory_space<vmem>>) offsets(%dma_start3A_353 : memref<80xi32, #tpu.memory_space<vmem>>) semaphore(%arg13 : memref<!tpu.dma_semaphore, #tpu.memory_space<semaphore_mem>>)
          %dma_start3A_357 = arith.constant 1 : i32
          %dma_start3A_358 = arith.constant 0 : i32
          %dma_start3A_359 = arith.constant 0 : i32
          %dma_start3A_360 = tpu.memref_slice %arg11[%dma_start3A_357, %dma_start3A_358, %dma_start3A_359] : memref<4x80x64xf32, #tpu.memory_space<vmem>> -> memref<1x80x64xf32, #tpu.memory_space<vmem>>
          %dma_start3A_361 = tpu.memref_squeeze %dma_start3A_360 : memref<1x80x64xf32, #tpu.memory_space<vmem>> -> memref<80x64xf32, #tpu.memory_space<vmem>>
          %dma_start3A_362 = arith.constant 0 : i32
          %dma_start3A_363 = tpu.memref_slice %arg9[%add3A_345, %dma_start3A_362] : memref<125x80xi32, #tpu.memory_space<vmem>> -> memref<1x80xi32, #tpu.memory_space<vmem>>
          %dma_start3A_364 = tpu.memref_squeeze %dma_start3A_363 : memref<1x80xi32, #tpu.memory_space<vmem>> -> memref<80xi32, #tpu.memory_space<vmem>>
          %dma_start3A_365 = arith.constant 0 : i32
          %dma_start3A_366 = arith.constant 0 : i32
          %dma_start3A_367 = tpu.memref_slice %arg3[%dma_start3A_365, %dma_start3A_366] : memref<10000x64xf32, #tpu.memory_space<hbm>> -> memref<10000x64xf32, #tpu.memory_space<hbm>>
          tpu.enqueue_indirect_dma source(%dma_start3A_367 : memref<10000x64xf32, #tpu.memory_space<hbm>>) target(%dma_start3A_361 : memref<80x64xf32, #tpu.memory_space<vmem>>) offsets(%dma_start3A_364 : memref<80xi32, #tpu.memory_space<vmem>>) semaphore(%arg13 : memref<!tpu.dma_semaphore, #tpu.memory_space<semaphore_mem>>)
        } else {
        }
      } else {
      }
      %add3A_237 = arith.constant 2 : i32
      %add3A_238 = arith.addi %add3A_225, %add3A_237 : i32
      %lt3A_239 = arith.constant 125 : i32
      %lt3A_240 = arith.cmpi slt, %add3A_238, %lt3A_239 : i32
      %convert_element_type3A_241 = arith.extui %lt3A_240 : i1 to i32
      %cond3A_242 = arith.constant 0 : i32
      %cond3A_243 = arith.cmpi ne, %convert_element_type3A_241, %cond3A_242 : i32
      scf.if %cond3A_243 {
        %dma_wait3A_251 = arith.constant 2 : i32
        %dma_wait3A_252 = arith.constant 0 : i32
        %dma_wait3A_253 = arith.constant 0 : i32
        %dma_wait3A_254 = tpu.memref_slice %arg10[%dma_wait3A_251, %dma_wait3A_252, %dma_wait3A_253] : memref<4x80x64xf32, #tpu.memory_space<vmem>> -> memref<1x80x64xf32, #tpu.memory_space<vmem>>
        %dma_wait3A_255 = tpu.memref_squeeze %dma_wait3A_254 : memref<1x80x64xf32, #tpu.memory_space<vmem>> -> memref<80x64xf32, #tpu.memory_space<vmem>>
        %dma_wait3A_256 = arith.constant 0 : i32
        %dma_wait3A_257 = tpu.memref_slice %arg8[%add3A_238, %dma_wait3A_256] : memref<125x80xi32, #tpu.memory_space<vmem>> -> memref<1x80xi32, #tpu.memory_space<vmem>>
        %dma_wait3A_258 = tpu.memref_squeeze %dma_wait3A_257 : memref<1x80xi32, #tpu.memory_space<vmem>> -> memref<80xi32, #tpu.memory_space<vmem>>
        %dma_wait3A_259 = arith.constant 0 : i32
        %dma_wait3A_260 = arith.constant 0 : i32
        %dma_wait3A_261 = tpu.memref_slice %arg2[%dma_wait3A_259, %dma_wait3A_260] : memref<10000x64xf32, #tpu.memory_space<hbm>> -> memref<10000x64xf32, #tpu.memory_space<hbm>>
        tpu.wait_indirect_dma semaphore(%arg14 : memref<!tpu.dma_semaphore, #tpu.memory_space<semaphore_mem>>) src(%dma_wait3A_261 : memref<10000x64xf32, #tpu.memory_space<hbm>>) dst(%dma_wait3A_255 : memref<80x64xf32, #tpu.memory_space<vmem>>)
        %dma_wait3A_262 = arith.constant 2 : i32
        %dma_wait3A_263 = arith.constant 0 : i32
        %dma_wait3A_264 = arith.constant 0 : i32
        %dma_wait3A_265 = tpu.memref_slice %arg11[%dma_wait3A_262, %dma_wait3A_263, %dma_wait3A_264] : memref<4x80x64xf32, #tpu.memory_space<vmem>> -> memref<1x80x64xf32, #tpu.memory_space<vmem>>
        %dma_wait3A_266 = tpu.memref_squeeze %dma_wait3A_265 : memref<1x80x64xf32, #tpu.memory_space<vmem>> -> memref<80x64xf32, #tpu.memory_space<vmem>>
        %dma_wait3A_267 = arith.constant 0 : i32
        %dma_wait3A_268 = tpu.memref_slice %arg9[%add3A_238, %dma_wait3A_267] : memref<125x80xi32, #tpu.memory_space<vmem>> -> memref<1x80xi32, #tpu.memory_space<vmem>>
        %dma_wait3A_269 = tpu.memref_squeeze %dma_wait3A_268 : memref<1x80xi32, #tpu.memory_space<vmem>> -> memref<80xi32, #tpu.memory_space<vmem>>
        %dma_wait3A_270 = arith.constant 0 : i32
        %dma_wait3A_271 = arith.constant 0 : i32
        %dma_wait3A_272 = tpu.memref_slice %arg3[%dma_wait3A_270, %dma_wait3A_271] : memref<10000x64xf32, #tpu.memory_space<hbm>> -> memref<10000x64xf32, #tpu.memory_space<hbm>>
        tpu.wait_indirect_dma semaphore(%arg14 : memref<!tpu.dma_semaphore, #tpu.memory_space<semaphore_mem>>) src(%dma_wait3A_272 : memref<10000x64xf32, #tpu.memory_space<hbm>>) dst(%dma_wait3A_266 : memref<80x64xf32, #tpu.memory_space<vmem>>)
        %mul3A_273 = arith.constant 80 : i32
        %mul3A_274 = arith.muli %add3A_238, %mul3A_273 : i32
        %add3A_275 = arith.addi %mul3A_2, %mul3A_274 : i32
        %dma_start3A_276 = arith.constant 2 : i32
        %dma_start3A_277 = arith.constant 0 : i32
        %dma_start3A_278 = arith.constant 0 : i32
        %dma_start3A_279 = tpu.memref_slice %arg10[%dma_start3A_276, %dma_start3A_277, %dma_start3A_278] : memref<4x80x64xf32, #tpu.memory_space<vmem>> -> memref<1x80x64xf32, #tpu.memory_space<vmem>>
        %dma_start3A_280 = tpu.memref_squeeze %dma_start3A_279 : memref<1x80x64xf32, #tpu.memory_space<vmem>> -> memref<80x64xf32, #tpu.memory_space<vmem>>
        %dma_start3A_281 = arith.constant 0 : i32
        %dma_start3A_282 = tpu.memref_slice %arg6[%add3A_275, %dma_start3A_281] : memref<320000x64xf32, #tpu.memory_space<hbm>> -> memref<80x64xf32, #tpu.memory_space<hbm>>
        %dma_start3A_283 = arith.constant 0 : i32
        %dma_start3A_284 = tpu.memref_slice %arg6[%add3A_275, %dma_start3A_283] : memref<320000x64xf32, #tpu.memory_space<hbm>> -> memref<80x64xf32, #tpu.memory_space<hbm>>
        %dma_start3A_285 = arith.constant 0 : i32
        %dma_start3A_286 = arith.constant 0 : i32
        %dma_start3A_287 = tpu.memref_slice %arg10[%dma_start3A_276, %dma_start3A_285, %dma_start3A_286] : memref<4x80x64xf32, #tpu.memory_space<vmem>> -> memref<1x80x64xf32, #tpu.memory_space<vmem>>
        %dma_start3A_288 = tpu.memref_squeeze %dma_start3A_287 : memref<1x80x64xf32, #tpu.memory_space<vmem>> -> memref<80x64xf32, #tpu.memory_space<vmem>>
        tpu.enqueue_dma source(%dma_start3A_288 : memref<80x64xf32, #tpu.memory_space<vmem>>) target(%dma_start3A_284 : memref<80x64xf32, #tpu.memory_space<hbm>>) target_semaphore(%arg18 : memref<!tpu.dma_semaphore, #tpu.memory_space<semaphore_mem>>)
        %mul3A_289 = arith.constant 80 : i32
        %mul3A_290 = arith.muli %add3A_238, %mul3A_289 : i32
        %add3A_291 = arith.addi %mul3A_2, %mul3A_290 : i32
        %dma_start3A_292 = arith.constant 2 : i32
        %dma_start3A_293 = arith.constant 0 : i32
        %dma_start3A_294 = arith.constant 0 : i32
        %dma_start3A_295 = tpu.memref_slice %arg11[%dma_start3A_292, %dma_start3A_293, %dma_start3A_294] : memref<4x80x64xf32, #tpu.memory_space<vmem>> -> memref<1x80x64xf32, #tpu.memory_space<vmem>>
        %dma_start3A_296 = tpu.memref_squeeze %dma_start3A_295 : memref<1x80x64xf32, #tpu.memory_space<vmem>> -> memref<80x64xf32, #tpu.memory_space<vmem>>
        %dma_start3A_297 = arith.constant 0 : i32
        %dma_start3A_298 = tpu.memref_slice %arg7[%add3A_291, %dma_start3A_297] : memref<320000x64xf32, #tpu.memory_space<hbm>> -> memref<80x64xf32, #tpu.memory_space<hbm>>
        %dma_start3A_299 = arith.constant 0 : i32
        %dma_start3A_300 = tpu.memref_slice %arg7[%add3A_291, %dma_start3A_299] : memref<320000x64xf32, #tpu.memory_space<hbm>> -> memref<80x64xf32, #tpu.memory_space<hbm>>
        %dma_start3A_301 = arith.constant 0 : i32
        %dma_start3A_302 = arith.constant 0 : i32
        %dma_start3A_303 = tpu.memref_slice %arg11[%dma_start3A_292, %dma_start3A_301, %dma_start3A_302] : memref<4x80x64xf32, #tpu.memory_space<vmem>> -> memref<1x80x64xf32, #tpu.memory_space<vmem>>
        %dma_start3A_304 = tpu.memref_squeeze %dma_start3A_303 : memref<1x80x64xf32, #tpu.memory_space<vmem>> -> memref<80x64xf32, #tpu.memory_space<vmem>>
        tpu.enqueue_dma source(%dma_start3A_304 : memref<80x64xf32, #tpu.memory_space<vmem>>) target(%dma_start3A_300 : memref<80x64xf32, #tpu.memory_space<hbm>>) target_semaphore(%arg18 : memref<!tpu.dma_semaphore, #tpu.memory_space<semaphore_mem>>)
        %add3A_305 = arith.constant 4 : i32
        %add3A_306 = arith.addi %add3A_238, %add3A_305 : i32
        %lt3A_307 = arith.constant 125 : i32
        %lt3A_308 = arith.cmpi slt, %add3A_306, %lt3A_307 : i32
        %convert_element_type3A_309 = arith.extui %lt3A_308 : i1 to i32
        %cond3A_310 = arith.constant 0 : i32
        %cond3A_311 = arith.cmpi ne, %convert_element_type3A_309, %cond3A_310 : i32
        scf.if %cond3A_311 {
          %mul3A_312 = arith.constant 80 : i32
          %mul3A_313 = arith.muli %add3A_238, %mul3A_312 : i32
          %add3A_314 = arith.addi %mul3A_2, %mul3A_313 : i32
          %dma_wait3A_315 = arith.constant 2 : i32
          %dma_wait3A_316 = arith.constant 0 : i32
          %dma_wait3A_317 = arith.constant 0 : i32
          %dma_wait3A_318 = tpu.memref_slice %arg10[%dma_wait3A_315, %dma_wait3A_316, %dma_wait3A_317] : memref<4x80x64xf32, #tpu.memory_space<vmem>> -> memref<1x80x64xf32, #tpu.memory_space<vmem>>
          %dma_wait3A_319 = tpu.memref_squeeze %dma_wait3A_318 : memref<1x80x64xf32, #tpu.memory_space<vmem>> -> memref<80x64xf32, #tpu.memory_space<vmem>>
          %dma_wait3A_320 = arith.constant 0 : i32
          %dma_wait3A_321 = tpu.memref_slice %arg6[%add3A_314, %dma_wait3A_320] : memref<320000x64xf32, #tpu.memory_space<hbm>> -> memref<80x64xf32, #tpu.memory_space<hbm>>
          %dma_wait3A_322 = arith.constant 0 : i32
          %dma_wait3A_323 = tpu.memref_slice %arg6[%add3A_314, %dma_wait3A_322] : memref<320000x64xf32, #tpu.memory_space<hbm>> -> memref<80x64xf32, #tpu.memory_space<hbm>>
          %dma_wait3A_324 = arith.constant 0 : i32
          %dma_wait3A_325 = arith.constant 0 : i32
          %dma_wait3A_326 = tpu.memref_slice %arg10[%dma_wait3A_315, %dma_wait3A_324, %dma_wait3A_325] : memref<4x80x64xf32, #tpu.memory_space<vmem>> -> memref<1x80x64xf32, #tpu.memory_space<vmem>>
          %dma_wait3A_327 = tpu.memref_squeeze %dma_wait3A_326 : memref<1x80x64xf32, #tpu.memory_space<vmem>> -> memref<80x64xf32, #tpu.memory_space<vmem>>
          tpu.wait_dma2 semaphore(%arg18 : memref<!tpu.dma_semaphore, #tpu.memory_space<semaphore_mem>>) src(%dma_wait3A_327 : memref<80x64xf32, #tpu.memory_space<vmem>>) dst(%dma_wait3A_323 : memref<80x64xf32, #tpu.memory_space<hbm>>)
          %mul3A_328 = arith.constant 80 : i32
          %mul3A_329 = arith.muli %add3A_238, %mul3A_328 : i32
          %add3A_330 = arith.addi %mul3A_2, %mul3A_329 : i32
          %dma_wait3A_331 = arith.constant 2 : i32
          %dma_wait3A_332 = arith.constant 0 : i32
          %dma_wait3A_333 = arith.constant 0 : i32
          %dma_wait3A_334 = tpu.memref_slice %arg11[%dma_wait3A_331, %dma_wait3A_332, %dma_wait3A_333] : memref<4x80x64xf32, #tpu.memory_space<vmem>> -> memref<1x80x64xf32, #tpu.memory_space<vmem>>
          %dma_wait3A_335 = tpu.memref_squeeze %dma_wait3A_334 : memref<1x80x64xf32, #tpu.memory_space<vmem>> -> memref<80x64xf32, #tpu.memory_space<vmem>>
          %dma_wait3A_336 = arith.constant 0 : i32
          %dma_wait3A_337 = tpu.memref_slice %arg7[%add3A_330, %dma_wait3A_336] : memref<320000x64xf32, #tpu.memory_space<hbm>> -> memref<80x64xf32, #tpu.memory_space<hbm>>
          %dma_wait3A_338 = arith.constant 0 : i32
          %dma_wait3A_339 = tpu.memref_slice %arg7[%add3A_330, %dma_wait3A_338] : memref<320000x64xf32, #tpu.memory_space<hbm>> -> memref<80x64xf32, #tpu.memory_space<hbm>>
          %dma_wait3A_340 = arith.constant 0 : i32
          %dma_wait3A_341 = arith.constant 0 : i32
          %dma_wait3A_342 = tpu.memref_slice %arg11[%dma_wait3A_331, %dma_wait3A_340, %dma_wait3A_341] : memref<4x80x64xf32, #tpu.memory_space<vmem>> -> memref<1x80x64xf32, #tpu.memory_space<vmem>>
          %dma_wait3A_343 = tpu.memref_squeeze %dma_wait3A_342 : memref<1x80x64xf32, #tpu.memory_space<vmem>> -> memref<80x64xf32, #tpu.memory_space<vmem>>
          tpu.wait_dma2 semaphore(%arg18 : memref<!tpu.dma_semaphore, #tpu.memory_space<semaphore_mem>>) src(%dma_wait3A_343 : memref<80x64xf32, #tpu.memory_space<vmem>>) dst(%dma_wait3A_339 : memref<80x64xf32, #tpu.memory_space<hbm>>)
          %add3A_344 = arith.constant 4 : i32
          %add3A_345 = arith.addi %add3A_238, %add3A_344 : i32
          %dma_start3A_346 = arith.constant 2 : i32
          %dma_start3A_347 = arith.constant 0 : i32
          %dma_start3A_348 = arith.constant 0 : i32
          %dma_start3A_349 = tpu.memref_slice %arg10[%dma_start3A_346, %dma_start3A_347, %dma_start3A_348] : memref<4x80x64xf32, #tpu.memory_space<vmem>> -> memref<1x80x64xf32, #tpu.memory_space<vmem>>
          %dma_start3A_350 = tpu.memref_squeeze %dma_start3A_349 : memref<1x80x64xf32, #tpu.memory_space<vmem>> -> memref<80x64xf32, #tpu.memory_space<vmem>>
          %dma_start3A_351 = arith.constant 0 : i32
          %dma_start3A_352 = tpu.memref_slice %arg8[%add3A_345, %dma_start3A_351] : memref<125x80xi32, #tpu.memory_space<vmem>> -> memref<1x80xi32, #tpu.memory_space<vmem>>
          %dma_start3A_353 = tpu.memref_squeeze %dma_start3A_352 : memref<1x80xi32, #tpu.memory_space<vmem>> -> memref<80xi32, #tpu.memory_space<vmem>>
          %dma_start3A_354 = arith.constant 0 : i32
          %dma_start3A_355 = arith.constant 0 : i32
          %dma_start3A_356 = tpu.memref_slice %arg2[%dma_start3A_354, %dma_start3A_355] : memref<10000x64xf32, #tpu.memory_space<hbm>> -> memref<10000x64xf32, #tpu.memory_space<hbm>>
          tpu.enqueue_indirect_dma source(%dma_start3A_356 : memref<10000x64xf32, #tpu.memory_space<hbm>>) target(%dma_start3A_350 : memref<80x64xf32, #tpu.memory_space<vmem>>) offsets(%dma_start3A_353 : memref<80xi32, #tpu.memory_space<vmem>>) semaphore(%arg14 : memref<!tpu.dma_semaphore, #tpu.memory_space<semaphore_mem>>)
          %dma_start3A_357 = arith.constant 2 : i32
          %dma_start3A_358 = arith.constant 0 : i32
          %dma_start3A_359 = arith.constant 0 : i32
          %dma_start3A_360 = tpu.memref_slice %arg11[%dma_start3A_357, %dma_start3A_358, %dma_start3A_359] : memref<4x80x64xf32, #tpu.memory_space<vmem>> -> memref<1x80x64xf32, #tpu.memory_space<vmem>>
          %dma_start3A_361 = tpu.memref_squeeze %dma_start3A_360 : memref<1x80x64xf32, #tpu.memory_space<vmem>> -> memref<80x64xf32, #tpu.memory_space<vmem>>
          %dma_start3A_362 = arith.constant 0 : i32
          %dma_start3A_363 = tpu.memref_slice %arg9[%add3A_345, %dma_start3A_362] : memref<125x80xi32, #tpu.memory_space<vmem>> -> memref<1x80xi32, #tpu.memory_space<vmem>>
          %dma_start3A_364 = tpu.memref_squeeze %dma_start3A_363 : memref<1x80xi32, #tpu.memory_space<vmem>> -> memref<80xi32, #tpu.memory_space<vmem>>
          %dma_start3A_365 = arith.constant 0 : i32
          %dma_start3A_366 = arith.constant 0 : i32
          %dma_start3A_367 = tpu.memref_slice %arg3[%dma_start3A_365, %dma_start3A_366] : memref<10000x64xf32, #tpu.memory_space<hbm>> -> memref<10000x64xf32, #tpu.memory_space<hbm>>
          tpu.enqueue_indirect_dma source(%dma_start3A_367 : memref<10000x64xf32, #tpu.memory_space<hbm>>) target(%dma_start3A_361 : memref<80x64xf32, #tpu.memory_space<vmem>>) offsets(%dma_start3A_364 : memref<80xi32, #tpu.memory_space<vmem>>) semaphore(%arg14 : memref<!tpu.dma_semaphore, #tpu.memory_space<semaphore_mem>>)
        } else {
        }
      } else {
      }
      %add3A_244 = arith.constant 3 : i32
      %add3A_245 = arith.addi %add3A_225, %add3A_244 : i32
      %lt3A_246 = arith.constant 125 : i32
      %lt3A_247 = arith.cmpi slt, %add3A_245, %lt3A_246 : i32
      %convert_element_type3A_248 = arith.extui %lt3A_247 : i1 to i32
      %cond3A_249 = arith.constant 0 : i32
      %cond3A_250 = arith.cmpi ne, %convert_element_type3A_248, %cond3A_249 : i32
      scf.if %cond3A_250 {
        %dma_wait3A_251 = arith.constant 3 : i32
        %dma_wait3A_252 = arith.constant 0 : i32
        %dma_wait3A_253 = arith.constant 0 : i32
        %dma_wait3A_254 = tpu.memref_slice %arg10[%dma_wait3A_251, %dma_wait3A_252, %dma_wait3A_253] : memref<4x80x64xf32, #tpu.memory_space<vmem>> -> memref<1x80x64xf32, #tpu.memory_space<vmem>>
        %dma_wait3A_255 = tpu.memref_squeeze %dma_wait3A_254 : memref<1x80x64xf32, #tpu.memory_space<vmem>> -> memref<80x64xf32, #tpu.memory_space<vmem>>
        %dma_wait3A_256 = arith.constant 0 : i32
        %dma_wait3A_257 = tpu.memref_slice %arg8[%add3A_245, %dma_wait3A_256] : memref<125x80xi32, #tpu.memory_space<vmem>> -> memref<1x80xi32, #tpu.memory_space<vmem>>
        %dma_wait3A_258 = tpu.memref_squeeze %dma_wait3A_257 : memref<1x80xi32, #tpu.memory_space<vmem>> -> memref<80xi32, #tpu.memory_space<vmem>>
        %dma_wait3A_259 = arith.constant 0 : i32
        %dma_wait3A_260 = arith.constant 0 : i32
        %dma_wait3A_261 = tpu.memref_slice %arg2[%dma_wait3A_259, %dma_wait3A_260] : memref<10000x64xf32, #tpu.memory_space<hbm>> -> memref<10000x64xf32, #tpu.memory_space<hbm>>
        tpu.wait_indirect_dma semaphore(%arg15 : memref<!tpu.dma_semaphore, #tpu.memory_space<semaphore_mem>>) src(%dma_wait3A_261 : memref<10000x64xf32, #tpu.memory_space<hbm>>) dst(%dma_wait3A_255 : memref<80x64xf32, #tpu.memory_space<vmem>>)
        %dma_wait3A_262 = arith.constant 3 : i32
        %dma_wait3A_263 = arith.constant 0 : i32
        %dma_wait3A_264 = arith.constant 0 : i32
        %dma_wait3A_265 = tpu.memref_slice %arg11[%dma_wait3A_262, %dma_wait3A_263, %dma_wait3A_264] : memref<4x80x64xf32, #tpu.memory_space<vmem>> -> memref<1x80x64xf32, #tpu.memory_space<vmem>>
        %dma_wait3A_266 = tpu.memref_squeeze %dma_wait3A_265 : memref<1x80x64xf32, #tpu.memory_space<vmem>> -> memref<80x64xf32, #tpu.memory_space<vmem>>
        %dma_wait3A_267 = arith.constant 0 : i32
        %dma_wait3A_268 = tpu.memref_slice %arg9[%add3A_245, %dma_wait3A_267] : memref<125x80xi32, #tpu.memory_space<vmem>> -> memref<1x80xi32, #tpu.memory_space<vmem>>
        %dma_wait3A_269 = tpu.memref_squeeze %dma_wait3A_268 : memref<1x80xi32, #tpu.memory_space<vmem>> -> memref<80xi32, #tpu.memory_space<vmem>>
        %dma_wait3A_270 = arith.constant 0 : i32
        %dma_wait3A_271 = arith.constant 0 : i32
        %dma_wait3A_272 = tpu.memref_slice %arg3[%dma_wait3A_270, %dma_wait3A_271] : memref<10000x64xf32, #tpu.memory_space<hbm>> -> memref<10000x64xf32, #tpu.memory_space<hbm>>
        tpu.wait_indirect_dma semaphore(%arg15 : memref<!tpu.dma_semaphore, #tpu.memory_space<semaphore_mem>>) src(%dma_wait3A_272 : memref<10000x64xf32, #tpu.memory_space<hbm>>) dst(%dma_wait3A_266 : memref<80x64xf32, #tpu.memory_space<vmem>>)
        %mul3A_273 = arith.constant 80 : i32
        %mul3A_274 = arith.muli %add3A_245, %mul3A_273 : i32
        %add3A_275 = arith.addi %mul3A_2, %mul3A_274 : i32
        %dma_start3A_276 = arith.constant 3 : i32
        %dma_start3A_277 = arith.constant 0 : i32
        %dma_start3A_278 = arith.constant 0 : i32
        %dma_start3A_279 = tpu.memref_slice %arg10[%dma_start3A_276, %dma_start3A_277, %dma_start3A_278] : memref<4x80x64xf32, #tpu.memory_space<vmem>> -> memref<1x80x64xf32, #tpu.memory_space<vmem>>
        %dma_start3A_280 = tpu.memref_squeeze %dma_start3A_279 : memref<1x80x64xf32, #tpu.memory_space<vmem>> -> memref<80x64xf32, #tpu.memory_space<vmem>>
        %dma_start3A_281 = arith.constant 0 : i32
        %dma_start3A_282 = tpu.memref_slice %arg6[%add3A_275, %dma_start3A_281] : memref<320000x64xf32, #tpu.memory_space<hbm>> -> memref<80x64xf32, #tpu.memory_space<hbm>>
        %dma_start3A_283 = arith.constant 0 : i32
        %dma_start3A_284 = tpu.memref_slice %arg6[%add3A_275, %dma_start3A_283] : memref<320000x64xf32, #tpu.memory_space<hbm>> -> memref<80x64xf32, #tpu.memory_space<hbm>>
        %dma_start3A_285 = arith.constant 0 : i32
        %dma_start3A_286 = arith.constant 0 : i32
        %dma_start3A_287 = tpu.memref_slice %arg10[%dma_start3A_276, %dma_start3A_285, %dma_start3A_286] : memref<4x80x64xf32, #tpu.memory_space<vmem>> -> memref<1x80x64xf32, #tpu.memory_space<vmem>>
        %dma_start3A_288 = tpu.memref_squeeze %dma_start3A_287 : memref<1x80x64xf32, #tpu.memory_space<vmem>> -> memref<80x64xf32, #tpu.memory_space<vmem>>
        tpu.enqueue_dma source(%dma_start3A_288 : memref<80x64xf32, #tpu.memory_space<vmem>>) target(%dma_start3A_284 : memref<80x64xf32, #tpu.memory_space<hbm>>) target_semaphore(%arg19 : memref<!tpu.dma_semaphore, #tpu.memory_space<semaphore_mem>>)
        %mul3A_289 = arith.constant 80 : i32
        %mul3A_290 = arith.muli %add3A_245, %mul3A_289 : i32
        %add3A_291 = arith.addi %mul3A_2, %mul3A_290 : i32
        %dma_start3A_292 = arith.constant 3 : i32
        %dma_start3A_293 = arith.constant 0 : i32
        %dma_start3A_294 = arith.constant 0 : i32
        %dma_start3A_295 = tpu.memref_slice %arg11[%dma_start3A_292, %dma_start3A_293, %dma_start3A_294] : memref<4x80x64xf32, #tpu.memory_space<vmem>> -> memref<1x80x64xf32, #tpu.memory_space<vmem>>
        %dma_start3A_296 = tpu.memref_squeeze %dma_start3A_295 : memref<1x80x64xf32, #tpu.memory_space<vmem>> -> memref<80x64xf32, #tpu.memory_space<vmem>>
        %dma_start3A_297 = arith.constant 0 : i32
        %dma_start3A_298 = tpu.memref_slice %arg7[%add3A_291, %dma_start3A_297] : memref<320000x64xf32, #tpu.memory_space<hbm>> -> memref<80x64xf32, #tpu.memory_space<hbm>>
        %dma_start3A_299 = arith.constant 0 : i32
        %dma_start3A_300 = tpu.memref_slice %arg7[%add3A_291, %dma_start3A_299] : memref<320000x64xf32, #tpu.memory_space<hbm>> -> memref<80x64xf32, #tpu.memory_space<hbm>>
        %dma_start3A_301 = arith.constant 0 : i32
        %dma_start3A_302 = arith.constant 0 : i32
        %dma_start3A_303 = tpu.memref_slice %arg11[%dma_start3A_292, %dma_start3A_301, %dma_start3A_302] : memref<4x80x64xf32, #tpu.memory_space<vmem>> -> memref<1x80x64xf32, #tpu.memory_space<vmem>>
        %dma_start3A_304 = tpu.memref_squeeze %dma_start3A_303 : memref<1x80x64xf32, #tpu.memory_space<vmem>> -> memref<80x64xf32, #tpu.memory_space<vmem>>
        tpu.enqueue_dma source(%dma_start3A_304 : memref<80x64xf32, #tpu.memory_space<vmem>>) target(%dma_start3A_300 : memref<80x64xf32, #tpu.memory_space<hbm>>) target_semaphore(%arg19 : memref<!tpu.dma_semaphore, #tpu.memory_space<semaphore_mem>>)
        %add3A_305 = arith.constant 4 : i32
        %add3A_306 = arith.addi %add3A_245, %add3A_305 : i32
        %lt3A_307 = arith.constant 125 : i32
        %lt3A_308 = arith.cmpi slt, %add3A_306, %lt3A_307 : i32
        %convert_element_type3A_309 = arith.extui %lt3A_308 : i1 to i32
        %cond3A_310 = arith.constant 0 : i32
        %cond3A_311 = arith.cmpi ne, %convert_element_type3A_309, %cond3A_310 : i32
        scf.if %cond3A_311 {
          %mul3A_312 = arith.constant 80 : i32
          %mul3A_313 = arith.muli %add3A_245, %mul3A_312 : i32
          %add3A_314 = arith.addi %mul3A_2, %mul3A_313 : i32
          %dma_wait3A_315 = arith.constant 3 : i32
          %dma_wait3A_316 = arith.constant 0 : i32
          %dma_wait3A_317 = arith.constant 0 : i32
          %dma_wait3A_318 = tpu.memref_slice %arg10[%dma_wait3A_315, %dma_wait3A_316, %dma_wait3A_317] : memref<4x80x64xf32, #tpu.memory_space<vmem>> -> memref<1x80x64xf32, #tpu.memory_space<vmem>>
          %dma_wait3A_319 = tpu.memref_squeeze %dma_wait3A_318 : memref<1x80x64xf32, #tpu.memory_space<vmem>> -> memref<80x64xf32, #tpu.memory_space<vmem>>
          %dma_wait3A_320 = arith.constant 0 : i32
          %dma_wait3A_321 = tpu.memref_slice %arg6[%add3A_314, %dma_wait3A_320] : memref<320000x64xf32, #tpu.memory_space<hbm>> -> memref<80x64xf32, #tpu.memory_space<hbm>>
          %dma_wait3A_322 = arith.constant 0 : i32
          %dma_wait3A_323 = tpu.memref_slice %arg6[%add3A_314, %dma_wait3A_322] : memref<320000x64xf32, #tpu.memory_space<hbm>> -> memref<80x64xf32, #tpu.memory_space<hbm>>
          %dma_wait3A_324 = arith.constant 0 : i32
          %dma_wait3A_325 = arith.constant 0 : i32
          %dma_wait3A_326 = tpu.memref_slice %arg10[%dma_wait3A_315, %dma_wait3A_324, %dma_wait3A_325] : memref<4x80x64xf32, #tpu.memory_space<vmem>> -> memref<1x80x64xf32, #tpu.memory_space<vmem>>
          %dma_wait3A_327 = tpu.memref_squeeze %dma_wait3A_326 : memref<1x80x64xf32, #tpu.memory_space<vmem>> -> memref<80x64xf32, #tpu.memory_space<vmem>>
          tpu.wait_dma2 semaphore(%arg19 : memref<!tpu.dma_semaphore, #tpu.memory_space<semaphore_mem>>) src(%dma_wait3A_327 : memref<80x64xf32, #tpu.memory_space<vmem>>) dst(%dma_wait3A_323 : memref<80x64xf32, #tpu.memory_space<hbm>>)
          %mul3A_328 = arith.constant 80 : i32
          %mul3A_329 = arith.muli %add3A_245, %mul3A_328 : i32
          %add3A_330 = arith.addi %mul3A_2, %mul3A_329 : i32
          %dma_wait3A_331 = arith.constant 3 : i32
          %dma_wait3A_332 = arith.constant 0 : i32
          %dma_wait3A_333 = arith.constant 0 : i32
          %dma_wait3A_334 = tpu.memref_slice %arg11[%dma_wait3A_331, %dma_wait3A_332, %dma_wait3A_333] : memref<4x80x64xf32, #tpu.memory_space<vmem>> -> memref<1x80x64xf32, #tpu.memory_space<vmem>>
          %dma_wait3A_335 = tpu.memref_squeeze %dma_wait3A_334 : memref<1x80x64xf32, #tpu.memory_space<vmem>> -> memref<80x64xf32, #tpu.memory_space<vmem>>
          %dma_wait3A_336 = arith.constant 0 : i32
          %dma_wait3A_337 = tpu.memref_slice %arg7[%add3A_330, %dma_wait3A_336] : memref<320000x64xf32, #tpu.memory_space<hbm>> -> memref<80x64xf32, #tpu.memory_space<hbm>>
          %dma_wait3A_338 = arith.constant 0 : i32
          %dma_wait3A_339 = tpu.memref_slice %arg7[%add3A_330, %dma_wait3A_338] : memref<320000x64xf32, #tpu.memory_space<hbm>> -> memref<80x64xf32, #tpu.memory_space<hbm>>
          %dma_wait3A_340 = arith.constant 0 : i32
          %dma_wait3A_341 = arith.constant 0 : i32
          %dma_wait3A_342 = tpu.memref_slice %arg11[%dma_wait3A_331, %dma_wait3A_340, %dma_wait3A_341] : memref<4x80x64xf32, #tpu.memory_space<vmem>> -> memref<1x80x64xf32, #tpu.memory_space<vmem>>
          %dma_wait3A_343 = tpu.memref_squeeze %dma_wait3A_342 : memref<1x80x64xf32, #tpu.memory_space<vmem>> -> memref<80x64xf32, #tpu.memory_space<vmem>>
          tpu.wait_dma2 semaphore(%arg19 : memref<!tpu.dma_semaphore, #tpu.memory_space<semaphore_mem>>) src(%dma_wait3A_343 : memref<80x64xf32, #tpu.memory_space<vmem>>) dst(%dma_wait3A_339 : memref<80x64xf32, #tpu.memory_space<hbm>>)
          %add3A_344 = arith.constant 4 : i32
          %add3A_345 = arith.addi %add3A_245, %add3A_344 : i32
          %dma_start3A_346 = arith.constant 3 : i32
          %dma_start3A_347 = arith.constant 0 : i32
          %dma_start3A_348 = arith.constant 0 : i32
          %dma_start3A_349 = tpu.memref_slice %arg10[%dma_start3A_346, %dma_start3A_347, %dma_start3A_348] : memref<4x80x64xf32, #tpu.memory_space<vmem>> -> memref<1x80x64xf32, #tpu.memory_space<vmem>>
          %dma_start3A_350 = tpu.memref_squeeze %dma_start3A_349 : memref<1x80x64xf32, #tpu.memory_space<vmem>> -> memref<80x64xf32, #tpu.memory_space<vmem>>
          %dma_start3A_351 = arith.constant 0 : i32
          %dma_start3A_352 = tpu.memref_slice %arg8[%add3A_345, %dma_start3A_351] : memref<125x80xi32, #tpu.memory_space<vmem>> -> memref<1x80xi32, #tpu.memory_space<vmem>>
          %dma_start3A_353 = tpu.memref_squeeze %dma_start3A_352 : memref<1x80xi32, #tpu.memory_space<vmem>> -> memref<80xi32, #tpu.memory_space<vmem>>
          %dma_start3A_354 = arith.constant 0 : i32
          %dma_start3A_355 = arith.constant 0 : i32
          %dma_start3A_356 = tpu.memref_slice %arg2[%dma_start3A_354, %dma_start3A_355] : memref<10000x64xf32, #tpu.memory_space<hbm>> -> memref<10000x64xf32, #tpu.memory_space<hbm>>
          tpu.enqueue_indirect_dma source(%dma_start3A_356 : memref<10000x64xf32, #tpu.memory_space<hbm>>) target(%dma_start3A_350 : memref<80x64xf32, #tpu.memory_space<vmem>>) offsets(%dma_start3A_353 : memref<80xi32, #tpu.memory_space<vmem>>) semaphore(%arg15 : memref<!tpu.dma_semaphore, #tpu.memory_space<semaphore_mem>>)
          %dma_start3A_357 = arith.constant 3 : i32
          %dma_start3A_358 = arith.constant 0 : i32
          %dma_start3A_359 = arith.constant 0 : i32
          %dma_start3A_360 = tpu.memref_slice %arg11[%dma_start3A_357, %dma_start3A_358, %dma_start3A_359] : memref<4x80x64xf32, #tpu.memory_space<vmem>> -> memref<1x80x64xf32, #tpu.memory_space<vmem>>
          %dma_start3A_361 = tpu.memref_squeeze %dma_start3A_360 : memref<1x80x64xf32, #tpu.memory_space<vmem>> -> memref<80x64xf32, #tpu.memory_space<vmem>>
          %dma_start3A_362 = arith.constant 0 : i32
          %dma_start3A_363 = tpu.memref_slice %arg9[%add3A_345, %dma_start3A_362] : memref<125x80xi32, #tpu.memory_space<vmem>> -> memref<1x80xi32, #tpu.memory_space<vmem>>
          %dma_start3A_364 = tpu.memref_squeeze %dma_start3A_363 : memref<1x80xi32, #tpu.memory_space<vmem>> -> memref<80xi32, #tpu.memory_space<vmem>>
          %dma_start3A_365 = arith.constant 0 : i32
          %dma_start3A_366 = arith.constant 0 : i32
          %dma_start3A_367 = tpu.memref_slice %arg3[%dma_start3A_365, %dma_start3A_366] : memref<10000x64xf32, #tpu.memory_space<hbm>> -> memref<10000x64xf32, #tpu.memory_space<hbm>>
          tpu.enqueue_indirect_dma source(%dma_start3A_367 : memref<10000x64xf32, #tpu.memory_space<hbm>>) target(%dma_start3A_361 : memref<80x64xf32, #tpu.memory_space<vmem>>) offsets(%dma_start3A_364 : memref<80xi32, #tpu.memory_space<vmem>>) semaphore(%arg15 : memref<!tpu.dma_semaphore, #tpu.memory_space<semaphore_mem>>)
        } else {
        }
      } else {
      }
    }
    %scan3A_101 = arith.constant 32 : i32
    %add3A_102 = arith.constant 0 : i32
    %add3A_103 = arith.addi %mul3A_2, %add3A_102 : i32
    %dma_wait3A = arith.constant 0 : i32
    %dma_wait3A_104 = arith.constant 0 : i32
    %dma_wait3A_105 = arith.constant 0 : i32
    %dma_wait3A_106 = tpu.memref_slice %arg10[%dma_wait3A, %dma_wait3A_104, %dma_wait3A_105] : memref<4x80x64xf32, #tpu.memory_space<vmem>> -> memref<1x80x64xf32, #tpu.memory_space<vmem>>
    %dma_wait3A_107 = tpu.memref_squeeze %dma_wait3A_106 : memref<1x80x64xf32, #tpu.memory_space<vmem>> -> memref<80x64xf32, #tpu.memory_space<vmem>>
    %dma_wait3A_108 = arith.constant 0 : i32
    %dma_wait3A_109 = tpu.memref_slice %arg6[%add3A_103, %dma_wait3A_108] : memref<320000x64xf32, #tpu.memory_space<hbm>> -> memref<80x64xf32, #tpu.memory_space<hbm>>
    %dma_wait3A_110 = arith.constant 0 : i32
    %dma_wait3A_111 = tpu.memref_slice %arg6[%add3A_103, %dma_wait3A_110] : memref<320000x64xf32, #tpu.memory_space<hbm>> -> memref<80x64xf32, #tpu.memory_space<hbm>>
    %dma_wait3A_112 = arith.constant 0 : i32
    %dma_wait3A_113 = arith.constant 0 : i32
    %dma_wait3A_114 = tpu.memref_slice %arg10[%dma_wait3A, %dma_wait3A_112, %dma_wait3A_113] : memref<4x80x64xf32, #tpu.memory_space<vmem>> -> memref<1x80x64xf32, #tpu.memory_space<vmem>>
    %dma_wait3A_115 = tpu.memref_squeeze %dma_wait3A_114 : memref<1x80x64xf32, #tpu.memory_space<vmem>> -> memref<80x64xf32, #tpu.memory_space<vmem>>
    tpu.wait_dma2 semaphore(%arg16 : memref<!tpu.dma_semaphore, #tpu.memory_space<semaphore_mem>>) src(%dma_wait3A_115 : memref<80x64xf32, #tpu.memory_space<vmem>>) dst(%dma_wait3A_111 : memref<80x64xf32, #tpu.memory_space<hbm>>)
    %add3A_116 = arith.constant 0 : i32
    %add3A_117 = arith.addi %mul3A_2, %add3A_116 : i32
    %dma_wait3A_118 = arith.constant 0 : i32
    %dma_wait3A_119 = arith.constant 0 : i32
    %dma_wait3A_120 = arith.constant 0 : i32
    %dma_wait3A_121 = tpu.memref_slice %arg11[%dma_wait3A_118, %dma_wait3A_119, %dma_wait3A_120] : memref<4x80x64xf32, #tpu.memory_space<vmem>> -> memref<1x80x64xf32, #tpu.memory_space<vmem>>
    %dma_wait3A_122 = tpu.memref_squeeze %dma_wait3A_121 : memref<1x80x64xf32, #tpu.memory_space<vmem>> -> memref<80x64xf32, #tpu.memory_space<vmem>>
    %dma_wait3A_123 = arith.constant 0 : i32
    %dma_wait3A_124 = tpu.memref_slice %arg7[%add3A_117, %dma_wait3A_123] : memref<320000x64xf32, #tpu.memory_space<hbm>> -> memref<80x64xf32, #tpu.memory_space<hbm>>
    %dma_wait3A_125 = arith.constant 0 : i32
    %dma_wait3A_126 = tpu.memref_slice %arg7[%add3A_117, %dma_wait3A_125] : memref<320000x64xf32, #tpu.memory_space<hbm>> -> memref<80x64xf32, #tpu.memory_space<hbm>>
    %dma_wait3A_127 = arith.constant 0 : i32
    %dma_wait3A_128 = arith.constant 0 : i32
    %dma_wait3A_129 = tpu.memref_slice %arg11[%dma_wait3A_118, %dma_wait3A_127, %dma_wait3A_128] : memref<4x80x64xf32, #tpu.memory_space<vmem>> -> memref<1x80x64xf32, #tpu.memory_space<vmem>>
    %dma_wait3A_130 = tpu.memref_squeeze %dma_wait3A_129 : memref<1x80x64xf32, #tpu.memory_space<vmem>> -> memref<80x64xf32, #tpu.memory_space<vmem>>
    tpu.wait_dma2 semaphore(%arg16 : memref<!tpu.dma_semaphore, #tpu.memory_space<semaphore_mem>>) src(%dma_wait3A_130 : memref<80x64xf32, #tpu.memory_space<vmem>>) dst(%dma_wait3A_126 : memref<80x64xf32, #tpu.memory_space<hbm>>)
    %add3A_131 = arith.constant 0 : i32
    %add3A_132 = arith.addi %mul3A_2, %add3A_131 : i32
    %dma_wait3A_133 = arith.constant 1 : i32
    %dma_wait3A_134 = arith.constant 0 : i32
    %dma_wait3A_135 = arith.constant 0 : i32
    %dma_wait3A_136 = tpu.memref_slice %arg10[%dma_wait3A_133, %dma_wait3A_134, %dma_wait3A_135] : memref<4x80x64xf32, #tpu.memory_space<vmem>> -> memref<1x80x64xf32, #tpu.memory_space<vmem>>
    %dma_wait3A_137 = tpu.memref_squeeze %dma_wait3A_136 : memref<1x80x64xf32, #tpu.memory_space<vmem>> -> memref<80x64xf32, #tpu.memory_space<vmem>>
    %dma_wait3A_138 = arith.constant 0 : i32
    %dma_wait3A_139 = tpu.memref_slice %arg6[%add3A_132, %dma_wait3A_138] : memref<320000x64xf32, #tpu.memory_space<hbm>> -> memref<80x64xf32, #tpu.memory_space<hbm>>
    %dma_wait3A_140 = arith.constant 0 : i32
    %dma_wait3A_141 = tpu.memref_slice %arg6[%add3A_132, %dma_wait3A_140] : memref<320000x64xf32, #tpu.memory_space<hbm>> -> memref<80x64xf32, #tpu.memory_space<hbm>>
    %dma_wait3A_142 = arith.constant 0 : i32
    %dma_wait3A_143 = arith.constant 0 : i32
    %dma_wait3A_144 = tpu.memref_slice %arg10[%dma_wait3A_133, %dma_wait3A_142, %dma_wait3A_143] : memref<4x80x64xf32, #tpu.memory_space<vmem>> -> memref<1x80x64xf32, #tpu.memory_space<vmem>>
    %dma_wait3A_145 = tpu.memref_squeeze %dma_wait3A_144 : memref<1x80x64xf32, #tpu.memory_space<vmem>> -> memref<80x64xf32, #tpu.memory_space<vmem>>
    tpu.wait_dma2 semaphore(%arg17 : memref<!tpu.dma_semaphore, #tpu.memory_space<semaphore_mem>>) src(%dma_wait3A_145 : memref<80x64xf32, #tpu.memory_space<vmem>>) dst(%dma_wait3A_141 : memref<80x64xf32, #tpu.memory_space<hbm>>)
    %add3A_146 = arith.constant 0 : i32
    %add3A_147 = arith.addi %mul3A_2, %add3A_146 : i32
    %dma_wait3A_148 = arith.constant 1 : i32
    %dma_wait3A_149 = arith.constant 0 : i32
    %dma_wait3A_150 = arith.constant 0 : i32
    %dma_wait3A_151 = tpu.memref_slice %arg11[%dma_wait3A_148, %dma_wait3A_149, %dma_wait3A_150] : memref<4x80x64xf32, #tpu.memory_space<vmem>> -> memref<1x80x64xf32, #tpu.memory_space<vmem>>
    %dma_wait3A_152 = tpu.memref_squeeze %dma_wait3A_151 : memref<1x80x64xf32, #tpu.memory_space<vmem>> -> memref<80x64xf32, #tpu.memory_space<vmem>>
    %dma_wait3A_153 = arith.constant 0 : i32
    %dma_wait3A_154 = tpu.memref_slice %arg7[%add3A_147, %dma_wait3A_153] : memref<320000x64xf32, #tpu.memory_space<hbm>> -> memref<80x64xf32, #tpu.memory_space<hbm>>
    %dma_wait3A_155 = arith.constant 0 : i32
    %dma_wait3A_156 = tpu.memref_slice %arg7[%add3A_147, %dma_wait3A_155] : memref<320000x64xf32, #tpu.memory_space<hbm>> -> memref<80x64xf32, #tpu.memory_space<hbm>>
    %dma_wait3A_157 = arith.constant 0 : i32
    %dma_wait3A_158 = arith.constant 0 : i32
    %dma_wait3A_159 = tpu.memref_slice %arg11[%dma_wait3A_148, %dma_wait3A_157, %dma_wait3A_158] : memref<4x80x64xf32, #tpu.memory_space<vmem>> -> memref<1x80x64xf32, #tpu.memory_space<vmem>>
    %dma_wait3A_160 = tpu.memref_squeeze %dma_wait3A_159 : memref<1x80x64xf32, #tpu.memory_space<vmem>> -> memref<80x64xf32, #tpu.memory_space<vmem>>
    tpu.wait_dma2 semaphore(%arg17 : memref<!tpu.dma_semaphore, #tpu.memory_space<semaphore_mem>>) src(%dma_wait3A_160 : memref<80x64xf32, #tpu.memory_space<vmem>>) dst(%dma_wait3A_156 : memref<80x64xf32, #tpu.memory_space<hbm>>)
    %add3A_161 = arith.constant 0 : i32
    %add3A_162 = arith.addi %mul3A_2, %add3A_161 : i32
    %dma_wait3A_163 = arith.constant 2 : i32
    %dma_wait3A_164 = arith.constant 0 : i32
    %dma_wait3A_165 = arith.constant 0 : i32
    %dma_wait3A_166 = tpu.memref_slice %arg10[%dma_wait3A_163, %dma_wait3A_164, %dma_wait3A_165] : memref<4x80x64xf32, #tpu.memory_space<vmem>> -> memref<1x80x64xf32, #tpu.memory_space<vmem>>
    %dma_wait3A_167 = tpu.memref_squeeze %dma_wait3A_166 : memref<1x80x64xf32, #tpu.memory_space<vmem>> -> memref<80x64xf32, #tpu.memory_space<vmem>>
    %dma_wait3A_168 = arith.constant 0 : i32
    %dma_wait3A_169 = tpu.memref_slice %arg6[%add3A_162, %dma_wait3A_168] : memref<320000x64xf32, #tpu.memory_space<hbm>> -> memref<80x64xf32, #tpu.memory_space<hbm>>
    %dma_wait3A_170 = arith.constant 0 : i32
    %dma_wait3A_171 = tpu.memref_slice %arg6[%add3A_162, %dma_wait3A_170] : memref<320000x64xf32, #tpu.memory_space<hbm>> -> memref<80x64xf32, #tpu.memory_space<hbm>>
    %dma_wait3A_172 = arith.constant 0 : i32
    %dma_wait3A_173 = arith.constant 0 : i32
    %dma_wait3A_174 = tpu.memref_slice %arg10[%dma_wait3A_163, %dma_wait3A_172, %dma_wait3A_173] : memref<4x80x64xf32, #tpu.memory_space<vmem>> -> memref<1x80x64xf32, #tpu.memory_space<vmem>>
    %dma_wait3A_175 = tpu.memref_squeeze %dma_wait3A_174 : memref<1x80x64xf32, #tpu.memory_space<vmem>> -> memref<80x64xf32, #tpu.memory_space<vmem>>
    tpu.wait_dma2 semaphore(%arg18 : memref<!tpu.dma_semaphore, #tpu.memory_space<semaphore_mem>>) src(%dma_wait3A_175 : memref<80x64xf32, #tpu.memory_space<vmem>>) dst(%dma_wait3A_171 : memref<80x64xf32, #tpu.memory_space<hbm>>)
    %add3A_176 = arith.constant 0 : i32
    %add3A_177 = arith.addi %mul3A_2, %add3A_176 : i32
    %dma_wait3A_178 = arith.constant 2 : i32
    %dma_wait3A_179 = arith.constant 0 : i32
    %dma_wait3A_180 = arith.constant 0 : i32
    %dma_wait3A_181 = tpu.memref_slice %arg11[%dma_wait3A_178, %dma_wait3A_179, %dma_wait3A_180] : memref<4x80x64xf32, #tpu.memory_space<vmem>> -> memref<1x80x64xf32, #tpu.memory_space<vmem>>
    %dma_wait3A_182 = tpu.memref_squeeze %dma_wait3A_181 : memref<1x80x64xf32, #tpu.memory_space<vmem>> -> memref<80x64xf32, #tpu.memory_space<vmem>>
    %dma_wait3A_183 = arith.constant 0 : i32
    %dma_wait3A_184 = tpu.memref_slice %arg7[%add3A_177, %dma_wait3A_183] : memref<320000x64xf32, #tpu.memory_space<hbm>> -> memref<80x64xf32, #tpu.memory_space<hbm>>
    %dma_wait3A_185 = arith.constant 0 : i32
    %dma_wait3A_186 = tpu.memref_slice %arg7[%add3A_177, %dma_wait3A_185] : memref<320000x64xf32, #tpu.memory_space<hbm>> -> memref<80x64xf32, #tpu.memory_space<hbm>>
    %dma_wait3A_187 = arith.constant 0 : i32
    %dma_wait3A_188 = arith.constant 0 : i32
    %dma_wait3A_189 = tpu.memref_slice %arg11[%dma_wait3A_178, %dma_wait3A_187, %dma_wait3A_188] : memref<4x80x64xf32, #tpu.memory_space<vmem>> -> memref<1x80x64xf32, #tpu.memory_space<vmem>>
    %dma_wait3A_190 = tpu.memref_squeeze %dma_wait3A_189 : memref<1x80x64xf32, #tpu.memory_space<vmem>> -> memref<80x64xf32, #tpu.memory_space<vmem>>
    tpu.wait_dma2 semaphore(%arg18 : memref<!tpu.dma_semaphore, #tpu.memory_space<semaphore_mem>>) src(%dma_wait3A_190 : memref<80x64xf32, #tpu.memory_space<vmem>>) dst(%dma_wait3A_186 : memref<80x64xf32, #tpu.memory_space<hbm>>)
    %add3A_191 = arith.constant 0 : i32
    %add3A_192 = arith.addi %mul3A_2, %add3A_191 : i32
    %dma_wait3A_193 = arith.constant 3 : i32
    %dma_wait3A_194 = arith.constant 0 : i32
    %dma_wait3A_195 = arith.constant 0 : i32
    %dma_wait3A_196 = tpu.memref_slice %arg10[%dma_wait3A_193, %dma_wait3A_194, %dma_wait3A_195] : memref<4x80x64xf32, #tpu.memory_space<vmem>> -> memref<1x80x64xf32, #tpu.memory_space<vmem>>
    %dma_wait3A_197 = tpu.memref_squeeze %dma_wait3A_196 : memref<1x80x64xf32, #tpu.memory_space<vmem>> -> memref<80x64xf32, #tpu.memory_space<vmem>>
    %dma_wait3A_198 = arith.constant 0 : i32
    %dma_wait3A_199 = tpu.memref_slice %arg6[%add3A_192, %dma_wait3A_198] : memref<320000x64xf32, #tpu.memory_space<hbm>> -> memref<80x64xf32, #tpu.memory_space<hbm>>
    %dma_wait3A_200 = arith.constant 0 : i32
    %dma_wait3A_201 = tpu.memref_slice %arg6[%add3A_192, %dma_wait3A_200] : memref<320000x64xf32, #tpu.memory_space<hbm>> -> memref<80x64xf32, #tpu.memory_space<hbm>>
    %dma_wait3A_202 = arith.constant 0 : i32
    %dma_wait3A_203 = arith.constant 0 : i32
    %dma_wait3A_204 = tpu.memref_slice %arg10[%dma_wait3A_193, %dma_wait3A_202, %dma_wait3A_203] : memref<4x80x64xf32, #tpu.memory_space<vmem>> -> memref<1x80x64xf32, #tpu.memory_space<vmem>>
    %dma_wait3A_205 = tpu.memref_squeeze %dma_wait3A_204 : memref<1x80x64xf32, #tpu.memory_space<vmem>> -> memref<80x64xf32, #tpu.memory_space<vmem>>
    tpu.wait_dma2 semaphore(%arg19 : memref<!tpu.dma_semaphore, #tpu.memory_space<semaphore_mem>>) src(%dma_wait3A_205 : memref<80x64xf32, #tpu.memory_space<vmem>>) dst(%dma_wait3A_201 : memref<80x64xf32, #tpu.memory_space<hbm>>)
    %add3A_206 = arith.constant 0 : i32
    %add3A_207 = arith.addi %mul3A_2, %add3A_206 : i32
    %dma_wait3A_208 = arith.constant 3 : i32
    %dma_wait3A_209 = arith.constant 0 : i32
    %dma_wait3A_210 = arith.constant 0 : i32
    %dma_wait3A_211 = tpu.memref_slice %arg11[%dma_wait3A_208, %dma_wait3A_209, %dma_wait3A_210] : memref<4x80x64xf32, #tpu.memory_space<vmem>> -> memref<1x80x64xf32, #tpu.memory_space<vmem>>
    %dma_wait3A_212 = tpu.memref_squeeze %dma_wait3A_211 : memref<1x80x64xf32, #tpu.memory_space<vmem>> -> memref<80x64xf32, #tpu.memory_space<vmem>>
    %dma_wait3A_213 = arith.constant 0 : i32
    %dma_wait3A_214 = tpu.memref_slice %arg7[%add3A_207, %dma_wait3A_213] : memref<320000x64xf32, #tpu.memory_space<hbm>> -> memref<80x64xf32, #tpu.memory_space<hbm>>
    %dma_wait3A_215 = arith.constant 0 : i32
    %dma_wait3A_216 = tpu.memref_slice %arg7[%add3A_207, %dma_wait3A_215] : memref<320000x64xf32, #tpu.memory_space<hbm>> -> memref<80x64xf32, #tpu.memory_space<hbm>>
    %dma_wait3A_217 = arith.constant 0 : i32
    %dma_wait3A_218 = arith.constant 0 : i32
    %dma_wait3A_219 = tpu.memref_slice %arg11[%dma_wait3A_208, %dma_wait3A_217, %dma_wait3A_218] : memref<4x80x64xf32, #tpu.memory_space<vmem>> -> memref<1x80x64xf32, #tpu.memory_space<vmem>>
    %dma_wait3A_220 = tpu.memref_squeeze %dma_wait3A_219 : memref<1x80x64xf32, #tpu.memory_space<vmem>> -> memref<80x64xf32, #tpu.memory_space<vmem>>
    tpu.wait_dma2 semaphore(%arg19 : memref<!tpu.dma_semaphore, #tpu.memory_space<semaphore_mem>>) src(%dma_wait3A_220 : memref<80x64xf32, #tpu.memory_space<vmem>>) dst(%dma_wait3A_216 : memref<80x64xf32, #tpu.memory_space<hbm>>)
    return
  }
}

#map = affine_map<(d0, d1) -> (0, 0)>
#map1 = affine_map<(d0, d1) -> (0, 0, 0)>
#map2 = affine_map<(d0, d1) -> (0, 0, 0, 0)>
module attributes {stable_mosaic.version = 14 : i64} {
  func.func @kfn(%arg0: i32, %arg1: i32, %arg2: memref<10000x64xf32, #tpu.memory_space<hbm>>, %arg3: memref<10000x64xf32, #tpu.memory_space<hbm>>, %arg4: memref<32x100x100xi32, #tpu.memory_space<hbm>>, %arg5: memref<32x100x100xi32, #tpu.memory_space<hbm>>, %arg6: memref<2x2x10240x64xf32, #tpu.memory_space<hbm>>, %arg7: memref<100x100xi32, #tpu.memory_space<vmem>>, %arg8: memref<100x100xi32, #tpu.memory_space<vmem>>, %arg9: memref<4x100x64xf32, #tpu.memory_space<vmem>>, %arg10: memref<128x64xf32, #tpu.memory_space<vmem>>, %arg11: memref<10240x64xf32, #tpu.memory_space<vmem_shared>>, %arg12: memref<!tpu.dma_semaphore, #tpu.memory_space<semaphore_mem>>, %arg13: memref<!tpu.dma_semaphore, #tpu.memory_space<semaphore_mem>>, %arg14: memref<!tpu.dma_semaphore, #tpu.memory_space<semaphore_mem>>, %arg15: memref<!tpu.dma_semaphore, #tpu.memory_space<semaphore_mem>>, %arg16: memref<!tpu.dma_semaphore, #tpu.memory_space<semaphore_mem>>, %arg17: memref<!tpu.dma_semaphore, #tpu.memory_space<semaphore_mem>>, %arg18: memref<!tpu.dma_semaphore, #tpu.memory_space<semaphore_mem>>, %arg19: memref<!tpu.dma_semaphore, #tpu.memory_space<semaphore_mem>>) attributes {dimension_semantics = [#tpu.dimension_semantics<core_parallel>, #tpu.dimension_semantics<subcore_parallel>], iteration_bounds = array<i64: 2, 16>, scalar_prefetch = 0 : i64, scratch_operands = 13 : i64, tpu.core_type = #tpu.core_type<sc_vector_subcore>, window_params = [{transform_indices = #map}, {transform_indices = #map}, {transform_indices = #map1}, {transform_indices = #map1}, {transform_indices = #map2}]} {
    %mul3A = arith.constant 16 : i32
    %mul3A_0 = arith.muli %arg0, %mul3A : i32
    %add3A = arith.addi %mul3A_0, %arg1 : i32
    %broadcast_in_dim3A = arith.constant 0.000000e+00 : f32
    %broadcast_in_dim3A_1 = vector.broadcast %broadcast_in_dim3A : f32 to vector<16xf32>
    %scan3A = arith.constant 0 : i32
    %scan3A_2 = arith.constant 128 : i32
    %scan3A_3 = arith.addi %scan3A, %scan3A_2 : i32
    %scan3A_4 = arith.constant 1 : i32
    scf.for %scan3A_232 = %scan3A to %scan3A_3 step %scan3A_4  : i32 {
      %mul3A_233 = arith.constant 1 : i32
      %mul3A_234 = arith.muli %scan3A_232, %mul3A_233 : i32
      %add3A_235 = arith.constant 0 : i32
      %add3A_236 = arith.addi %add3A_235, %mul3A_234 : i32
      %swap3A = arith.index_cast %add3A_236 : i32 to index
      %swap3A_237 = arith.constant 0 : index
      %swap3A_238 = tpu.vector_load %arg10[%swap3A, %swap3A_237] {strides = array<i32>} : memref<128x64xf32, #tpu.memory_space<vmem>>, vector<1x16xf32>,
      %swap3A_239 = vector.shape_cast %swap3A_238 : vector<1x16xf32> to vector<16xf32>
      %swap3A_240 = vector.shape_cast %broadcast_in_dim3A_1 : vector<16xf32> to vector<1x16xf32>
      tpu.vector_store %arg10[%swap3A, %swap3A_237], %swap3A_240 {strides = array<i32>} : memref<128x64xf32, #tpu.memory_space<vmem>>, vector<1x16xf32>,
      %swap3A_241 = arith.index_cast %add3A_236 : i32 to index
      %swap3A_242 = arith.constant 16 : index
      %swap3A_243 = tpu.vector_load %arg10[%swap3A_241, %swap3A_242] {strides = array<i32>} : memref<128x64xf32, #tpu.memory_space<vmem>>, vector<1x16xf32>,
      %swap3A_244 = vector.shape_cast %swap3A_243 : vector<1x16xf32> to vector<16xf32>
      %swap3A_245 = vector.shape_cast %broadcast_in_dim3A_1 : vector<16xf32> to vector<1x16xf32>
      tpu.vector_store %arg10[%swap3A_241, %swap3A_242], %swap3A_245 {strides = array<i32>} : memref<128x64xf32, #tpu.memory_space<vmem>>, vector<1x16xf32>,
      %swap3A_246 = arith.index_cast %add3A_236 : i32 to index
      %swap3A_247 = arith.constant 32 : index
      %swap3A_248 = tpu.vector_load %arg10[%swap3A_246, %swap3A_247] {strides = array<i32>} : memref<128x64xf32, #tpu.memory_space<vmem>>, vector<1x16xf32>,
      %swap3A_249 = vector.shape_cast %swap3A_248 : vector<1x16xf32> to vector<16xf32>
      %swap3A_250 = vector.shape_cast %broadcast_in_dim3A_1 : vector<16xf32> to vector<1x16xf32>
      tpu.vector_store %arg10[%swap3A_246, %swap3A_247], %swap3A_250 {strides = array<i32>} : memref<128x64xf32, #tpu.memory_space<vmem>>, vector<1x16xf32>,
      %swap3A_251 = arith.index_cast %add3A_236 : i32 to index
      %swap3A_252 = arith.constant 48 : index
      %swap3A_253 = tpu.vector_load %arg10[%swap3A_251, %swap3A_252] {strides = array<i32>} : memref<128x64xf32, #tpu.memory_space<vmem>>, vector<1x16xf32>,
      %swap3A_254 = vector.shape_cast %swap3A_253 : vector<1x16xf32> to vector<16xf32>
      %swap3A_255 = vector.shape_cast %broadcast_in_dim3A_1 : vector<16xf32> to vector<1x16xf32>
      tpu.vector_store %arg10[%swap3A_251, %swap3A_252], %swap3A_255 {strides = array<i32>} : memref<128x64xf32, #tpu.memory_space<vmem>>, vector<1x16xf32>,
    }
    %scan3A_5 = arith.constant 128 : i32
    %mul3A_6 = arith.constant 640 : i32
    %mul3A_7 = arith.muli %arg1, %mul3A_6 : i32
    "tpu.region"() ({
      %run_scoped3A_232 = tpu.sem_alloc : memref<!tpu.dma_semaphore, #tpu.memory_space<semaphore_mem>>
      %dma_start3A_233 = arith.constant 0 : i32
      %dma_start3A_234 = arith.constant 0 : i32
      %dma_start3A_235 = tpu.memref_slice %arg4[%add3A, %dma_start3A_233, %dma_start3A_234] : memref<32x100x100xi32, #tpu.memory_space<hbm>> -> memref<1x100x100xi32, #tpu.memory_space<hbm>>
      %dma_start3A_236 = tpu.memref_squeeze %dma_start3A_235 : memref<1x100x100xi32, #tpu.memory_space<hbm>> -> memref<100x100xi32, #tpu.memory_space<hbm>>
      %dma_start3A_237 = arith.constant 0 : i32
      %dma_start3A_238 = arith.constant 0 : i32
      %dma_start3A_239 = tpu.memref_slice %arg4[%add3A, %dma_start3A_237, %dma_start3A_238] : memref<32x100x100xi32, #tpu.memory_space<hbm>> -> memref<1x100x100xi32, #tpu.memory_space<hbm>>
      %dma_start3A_240 = tpu.memref_squeeze %dma_start3A_239 : memref<1x100x100xi32, #tpu.memory_space<hbm>> -> memref<100x100xi32, #tpu.memory_space<hbm>>
      tpu.enqueue_dma source(%dma_start3A_240 : memref<100x100xi32, #tpu.memory_space<hbm>>) target(%arg7 : memref<100x100xi32, #tpu.memory_space<vmem>>) target_semaphore(%run_scoped3A_232 : memref<!tpu.dma_semaphore, #tpu.memory_space<semaphore_mem>>)
      %dma_wait3A_241 = arith.constant 0 : i32
      %dma_wait3A_242 = arith.constant 0 : i32
      %dma_wait3A_243 = tpu.memref_slice %arg4[%add3A, %dma_wait3A_241, %dma_wait3A_242] : memref<32x100x100xi32, #tpu.memory_space<hbm>> -> memref<1x100x100xi32, #tpu.memory_space<hbm>>
      %dma_wait3A_244 = tpu.memref_squeeze %dma_wait3A_243 : memref<1x100x100xi32, #tpu.memory_space<hbm>> -> memref<100x100xi32, #tpu.memory_space<hbm>>
      %dma_wait3A_245 = arith.constant 0 : i32
      %dma_wait3A_246 = arith.constant 0 : i32
      %dma_wait3A_247 = tpu.memref_slice %arg4[%add3A, %dma_wait3A_245, %dma_wait3A_246] : memref<32x100x100xi32, #tpu.memory_space<hbm>> -> memref<1x100x100xi32, #tpu.memory_space<hbm>>
      %dma_wait3A_248 = tpu.memref_squeeze %dma_wait3A_247 : memref<1x100x100xi32, #tpu.memory_space<hbm>> -> memref<100x100xi32, #tpu.memory_space<hbm>>
      tpu.wait_dma2 semaphore(%run_scoped3A_232 : memref<!tpu.dma_semaphore, #tpu.memory_space<semaphore_mem>>) src(%dma_wait3A_248 : memref<100x100xi32, #tpu.memory_space<hbm>>) dst(%arg7 : memref<100x100xi32, #tpu.memory_space<vmem>>)
      tpu.yield
    }) : () -> ()
    "tpu.region"() ({
      %run_scoped3A_232 = tpu.sem_alloc : memref<!tpu.dma_semaphore, #tpu.memory_space<semaphore_mem>>
      %dma_start3A_233 = arith.constant 0 : i32
      %dma_start3A_234 = arith.constant 0 : i32
      %dma_start3A_235 = tpu.memref_slice %arg5[%add3A, %dma_start3A_233, %dma_start3A_234] : memref<32x100x100xi32, #tpu.memory_space<hbm>> -> memref<1x100x100xi32, #tpu.memory_space<hbm>>
      %dma_start3A_236 = tpu.memref_squeeze %dma_start3A_235 : memref<1x100x100xi32, #tpu.memory_space<hbm>> -> memref<100x100xi32, #tpu.memory_space<hbm>>
      %dma_start3A_237 = arith.constant 0 : i32
      %dma_start3A_238 = arith.constant 0 : i32
      %dma_start3A_239 = tpu.memref_slice %arg5[%add3A, %dma_start3A_237, %dma_start3A_238] : memref<32x100x100xi32, #tpu.memory_space<hbm>> -> memref<1x100x100xi32, #tpu.memory_space<hbm>>
      %dma_start3A_240 = tpu.memref_squeeze %dma_start3A_239 : memref<1x100x100xi32, #tpu.memory_space<hbm>> -> memref<100x100xi32, #tpu.memory_space<hbm>>
      tpu.enqueue_dma source(%dma_start3A_240 : memref<100x100xi32, #tpu.memory_space<hbm>>) target(%arg8 : memref<100x100xi32, #tpu.memory_space<vmem>>) target_semaphore(%run_scoped3A_232 : memref<!tpu.dma_semaphore, #tpu.memory_space<semaphore_mem>>)
      %dma_wait3A_241 = arith.constant 0 : i32
      %dma_wait3A_242 = arith.constant 0 : i32
      %dma_wait3A_243 = tpu.memref_slice %arg5[%add3A, %dma_wait3A_241, %dma_wait3A_242] : memref<32x100x100xi32, #tpu.memory_space<hbm>> -> memref<1x100x100xi32, #tpu.memory_space<hbm>>
      %dma_wait3A_244 = tpu.memref_squeeze %dma_wait3A_243 : memref<1x100x100xi32, #tpu.memory_space<hbm>> -> memref<100x100xi32, #tpu.memory_space<hbm>>
      %dma_wait3A_245 = arith.constant 0 : i32
      %dma_wait3A_246 = arith.constant 0 : i32
      %dma_wait3A_247 = tpu.memref_slice %arg5[%add3A, %dma_wait3A_245, %dma_wait3A_246] : memref<32x100x100xi32, #tpu.memory_space<hbm>> -> memref<1x100x100xi32, #tpu.memory_space<hbm>>
      %dma_wait3A_248 = tpu.memref_squeeze %dma_wait3A_247 : memref<1x100x100xi32, #tpu.memory_space<hbm>> -> memref<100x100xi32, #tpu.memory_space<hbm>>
      tpu.wait_dma2 semaphore(%run_scoped3A_232 : memref<!tpu.dma_semaphore, #tpu.memory_space<semaphore_mem>>) src(%dma_wait3A_248 : memref<100x100xi32, #tpu.memory_space<hbm>>) dst(%arg8 : memref<100x100xi32, #tpu.memory_space<vmem>>)
      tpu.yield
    }) : () -> ()
    %add3A_8 = arith.constant 0 : i32
    %add3A_9 = arith.addi %mul3A_7, %add3A_8 : i32
    "tpu.region"() ({
      %run_scoped3A_232 = tpu.sem_alloc : memref<!tpu.dma_semaphore, #tpu.memory_space<semaphore_mem>>
      %dma_start3A_233 = arith.constant 0 : i32
      %dma_start3A_234 = tpu.memref_slice %arg11[%add3A_9, %dma_start3A_233] : memref<10240x64xf32, #tpu.memory_space<vmem_shared>> -> memref<128x64xf32, #tpu.memory_space<vmem_shared>>
      %dma_start3A_235 = arith.constant 0 : i32
      %dma_start3A_236 = tpu.memref_slice %arg11[%add3A_9, %dma_start3A_235] : memref<10240x64xf32, #tpu.memory_space<vmem_shared>> -> memref<128x64xf32, #tpu.memory_space<vmem_shared>>
      tpu.enqueue_dma source(%arg10 : memref<128x64xf32, #tpu.memory_space<vmem>>) target(%dma_start3A_236 : memref<128x64xf32, #tpu.memory_space<vmem_shared>>) target_semaphore(%run_scoped3A_232 : memref<!tpu.dma_semaphore, #tpu.memory_space<semaphore_mem>>)
      %dma_wait3A_237 = arith.constant 0 : i32
      %dma_wait3A_238 = tpu.memref_slice %arg11[%add3A_9, %dma_wait3A_237] : memref<10240x64xf32, #tpu.memory_space<vmem_shared>> -> memref<128x64xf32, #tpu.memory_space<vmem_shared>>
      %dma_wait3A_239 = arith.constant 0 : i32
      %dma_wait3A_240 = tpu.memref_slice %arg11[%add3A_9, %dma_wait3A_239] : memref<10240x64xf32, #tpu.memory_space<vmem_shared>> -> memref<128x64xf32, #tpu.memory_space<vmem_shared>>
      tpu.wait_dma2 semaphore(%run_scoped3A_232 : memref<!tpu.dma_semaphore, #tpu.memory_space<semaphore_mem>>) src(%arg10 : memref<128x64xf32, #tpu.memory_space<vmem>>) dst(%dma_wait3A_240 : memref<128x64xf32, #tpu.memory_space<vmem_shared>>)
      tpu.yield
    }) : () -> ()
    %add3A_10 = arith.constant 128 : i32
    %add3A_11 = arith.addi %mul3A_7, %add3A_10 : i32
    "tpu.region"() ({
      %run_scoped3A_232 = tpu.sem_alloc : memref<!tpu.dma_semaphore, #tpu.memory_space<semaphore_mem>>
      %dma_start3A_233 = arith.constant 0 : i32
      %dma_start3A_234 = tpu.memref_slice %arg11[%add3A_11, %dma_start3A_233] : memref<10240x64xf32, #tpu.memory_space<vmem_shared>> -> memref<128x64xf32, #tpu.memory_space<vmem_shared>>
      %dma_start3A_235 = arith.constant 0 : i32
      %dma_start3A_236 = tpu.memref_slice %arg11[%add3A_11, %dma_start3A_235] : memref<10240x64xf32, #tpu.memory_space<vmem_shared>> -> memref<128x64xf32, #tpu.memory_space<vmem_shared>>
      tpu.enqueue_dma source(%arg10 : memref<128x64xf32, #tpu.memory_space<vmem>>) target(%dma_start3A_236 : memref<128x64xf32, #tpu.memory_space<vmem_shared>>) target_semaphore(%run_scoped3A_232 : memref<!tpu.dma_semaphore, #tpu.memory_space<semaphore_mem>>)
      %dma_wait3A_237 = arith.constant 0 : i32
      %dma_wait3A_238 = tpu.memref_slice %arg11[%add3A_11, %dma_wait3A_237] : memref<10240x64xf32, #tpu.memory_space<vmem_shared>> -> memref<128x64xf32, #tpu.memory_space<vmem_shared>>
      %dma_wait3A_239 = arith.constant 0 : i32
      %dma_wait3A_240 = tpu.memref_slice %arg11[%add3A_11, %dma_wait3A_239] : memref<10240x64xf32, #tpu.memory_space<vmem_shared>> -> memref<128x64xf32, #tpu.memory_space<vmem_shared>>
      tpu.wait_dma2 semaphore(%run_scoped3A_232 : memref<!tpu.dma_semaphore, #tpu.memory_space<semaphore_mem>>) src(%arg10 : memref<128x64xf32, #tpu.memory_space<vmem>>) dst(%dma_wait3A_240 : memref<128x64xf32, #tpu.memory_space<vmem_shared>>)
      tpu.yield
    }) : () -> ()
    %add3A_12 = arith.constant 256 : i32
    %add3A_13 = arith.addi %mul3A_7, %add3A_12 : i32
    "tpu.region"() ({
      %run_scoped3A_232 = tpu.sem_alloc : memref<!tpu.dma_semaphore, #tpu.memory_space<semaphore_mem>>
      %dma_start3A_233 = arith.constant 0 : i32
      %dma_start3A_234 = tpu.memref_slice %arg11[%add3A_13, %dma_start3A_233] : memref<10240x64xf32, #tpu.memory_space<vmem_shared>> -> memref<128x64xf32, #tpu.memory_space<vmem_shared>>
      %dma_start3A_235 = arith.constant 0 : i32
      %dma_start3A_236 = tpu.memref_slice %arg11[%add3A_13, %dma_start3A_235] : memref<10240x64xf32, #tpu.memory_space<vmem_shared>> -> memref<128x64xf32, #tpu.memory_space<vmem_shared>>
      tpu.enqueue_dma source(%arg10 : memref<128x64xf32, #tpu.memory_space<vmem>>) target(%dma_start3A_236 : memref<128x64xf32, #tpu.memory_space<vmem_shared>>) target_semaphore(%run_scoped3A_232 : memref<!tpu.dma_semaphore, #tpu.memory_space<semaphore_mem>>)
      %dma_wait3A_237 = arith.constant 0 : i32
      %dma_wait3A_238 = tpu.memref_slice %arg11[%add3A_13, %dma_wait3A_237] : memref<10240x64xf32, #tpu.memory_space<vmem_shared>> -> memref<128x64xf32, #tpu.memory_space<vmem_shared>>
      %dma_wait3A_239 = arith.constant 0 : i32
      %dma_wait3A_240 = tpu.memref_slice %arg11[%add3A_13, %dma_wait3A_239] : memref<10240x64xf32, #tpu.memory_space<vmem_shared>> -> memref<128x64xf32, #tpu.memory_space<vmem_shared>>
      tpu.wait_dma2 semaphore(%run_scoped3A_232 : memref<!tpu.dma_semaphore, #tpu.memory_space<semaphore_mem>>) src(%arg10 : memref<128x64xf32, #tpu.memory_space<vmem>>) dst(%dma_wait3A_240 : memref<128x64xf32, #tpu.memory_space<vmem_shared>>)
      tpu.yield
    }) : () -> ()
    %add3A_14 = arith.constant 384 : i32
    %add3A_15 = arith.addi %mul3A_7, %add3A_14 : i32
    "tpu.region"() ({
      %run_scoped3A_232 = tpu.sem_alloc : memref<!tpu.dma_semaphore, #tpu.memory_space<semaphore_mem>>
      %dma_start3A_233 = arith.constant 0 : i32
      %dma_start3A_234 = tpu.memref_slice %arg11[%add3A_15, %dma_start3A_233] : memref<10240x64xf32, #tpu.memory_space<vmem_shared>> -> memref<128x64xf32, #tpu.memory_space<vmem_shared>>
      %dma_start3A_235 = arith.constant 0 : i32
      %dma_start3A_236 = tpu.memref_slice %arg11[%add3A_15, %dma_start3A_235] : memref<10240x64xf32, #tpu.memory_space<vmem_shared>> -> memref<128x64xf32, #tpu.memory_space<vmem_shared>>
      tpu.enqueue_dma source(%arg10 : memref<128x64xf32, #tpu.memory_space<vmem>>) target(%dma_start3A_236 : memref<128x64xf32, #tpu.memory_space<vmem_shared>>) target_semaphore(%run_scoped3A_232 : memref<!tpu.dma_semaphore, #tpu.memory_space<semaphore_mem>>)
      %dma_wait3A_237 = arith.constant 0 : i32
      %dma_wait3A_238 = tpu.memref_slice %arg11[%add3A_15, %dma_wait3A_237] : memref<10240x64xf32, #tpu.memory_space<vmem_shared>> -> memref<128x64xf32, #tpu.memory_space<vmem_shared>>
      %dma_wait3A_239 = arith.constant 0 : i32
      %dma_wait3A_240 = tpu.memref_slice %arg11[%add3A_15, %dma_wait3A_239] : memref<10240x64xf32, #tpu.memory_space<vmem_shared>> -> memref<128x64xf32, #tpu.memory_space<vmem_shared>>
      tpu.wait_dma2 semaphore(%run_scoped3A_232 : memref<!tpu.dma_semaphore, #tpu.memory_space<semaphore_mem>>) src(%arg10 : memref<128x64xf32, #tpu.memory_space<vmem>>) dst(%dma_wait3A_240 : memref<128x64xf32, #tpu.memory_space<vmem_shared>>)
      tpu.yield
    }) : () -> ()
    %add3A_16 = arith.constant 512 : i32
    %add3A_17 = arith.addi %mul3A_7, %add3A_16 : i32
    "tpu.region"() ({
      %run_scoped3A_232 = tpu.sem_alloc : memref<!tpu.dma_semaphore, #tpu.memory_space<semaphore_mem>>
      %dma_start3A_233 = arith.constant 0 : i32
      %dma_start3A_234 = tpu.memref_slice %arg11[%add3A_17, %dma_start3A_233] : memref<10240x64xf32, #tpu.memory_space<vmem_shared>> -> memref<128x64xf32, #tpu.memory_space<vmem_shared>>
      %dma_start3A_235 = arith.constant 0 : i32
      %dma_start3A_236 = tpu.memref_slice %arg11[%add3A_17, %dma_start3A_235] : memref<10240x64xf32, #tpu.memory_space<vmem_shared>> -> memref<128x64xf32, #tpu.memory_space<vmem_shared>>
      tpu.enqueue_dma source(%arg10 : memref<128x64xf32, #tpu.memory_space<vmem>>) target(%dma_start3A_236 : memref<128x64xf32, #tpu.memory_space<vmem_shared>>) target_semaphore(%run_scoped3A_232 : memref<!tpu.dma_semaphore, #tpu.memory_space<semaphore_mem>>)
      %dma_wait3A_237 = arith.constant 0 : i32
      %dma_wait3A_238 = tpu.memref_slice %arg11[%add3A_17, %dma_wait3A_237] : memref<10240x64xf32, #tpu.memory_space<vmem_shared>> -> memref<128x64xf32, #tpu.memory_space<vmem_shared>>
      %dma_wait3A_239 = arith.constant 0 : i32
      %dma_wait3A_240 = tpu.memref_slice %arg11[%add3A_17, %dma_wait3A_239] : memref<10240x64xf32, #tpu.memory_space<vmem_shared>> -> memref<128x64xf32, #tpu.memory_space<vmem_shared>>
      tpu.wait_dma2 semaphore(%run_scoped3A_232 : memref<!tpu.dma_semaphore, #tpu.memory_space<semaphore_mem>>) src(%arg10 : memref<128x64xf32, #tpu.memory_space<vmem>>) dst(%dma_wait3A_240 : memref<128x64xf32, #tpu.memory_space<vmem_shared>>)
      tpu.yield
    }) : () -> ()
    %barrier3A = arith.constant 0 : index
    tpu.barrier barrier_id(%barrier3A)
    %dma_start3A = arith.constant 0 : i32
    %dma_start3A_18 = arith.constant 0 : i32
    %dma_start3A_19 = arith.constant 0 : i32
    %dma_start3A_20 = arith.constant 0 : i32
    %dma_start3A_21 = tpu.memref_slice %arg9[%dma_start3A_18, %dma_start3A_19, %dma_start3A_20] : memref<4x100x64xf32, #tpu.memory_space<vmem>> -> memref<1x100x64xf32, #tpu.memory_space<vmem>>
    %dma_start3A_22 = tpu.memref_squeeze %dma_start3A_21 : memref<1x100x64xf32, #tpu.memory_space<vmem>> -> memref<100x64xf32, #tpu.memory_space<vmem>>
    %dma_start3A_23 = arith.constant 0 : i32
    %dma_start3A_24 = tpu.memref_slice %arg7[%dma_start3A, %dma_start3A_23] : memref<100x100xi32, #tpu.memory_space<vmem>> -> memref<1x100xi32, #tpu.memory_space<vmem>>
    %dma_start3A_25 = tpu.memref_squeeze %dma_start3A_24 : memref<1x100xi32, #tpu.memory_space<vmem>> -> memref<100xi32, #tpu.memory_space<vmem>>
    %dma_start3A_26 = arith.constant 0 : i32
    %dma_start3A_27 = arith.constant 0 : i32
    %dma_start3A_28 = tpu.memref_slice %arg2[%dma_start3A_26, %dma_start3A_27] : memref<10000x64xf32, #tpu.memory_space<hbm>> -> memref<10000x64xf32, #tpu.memory_space<hbm>>
    tpu.enqueue_indirect_dma source(%dma_start3A_28 : memref<10000x64xf32, #tpu.memory_space<hbm>>) target(%dma_start3A_22 : memref<100x64xf32, #tpu.memory_space<vmem>>) offsets(%dma_start3A_25 : memref<100xi32, #tpu.memory_space<vmem>>) semaphore(%arg12 : memref<!tpu.dma_semaphore, #tpu.memory_space<semaphore_mem>>)
    %dma_start3A_29 = arith.constant 1 : i32
    %dma_start3A_30 = arith.constant 1 : i32
    %dma_start3A_31 = arith.constant 0 : i32
    %dma_start3A_32 = arith.constant 0 : i32
    %dma_start3A_33 = tpu.memref_slice %arg9[%dma_start3A_30, %dma_start3A_31, %dma_start3A_32] : memref<4x100x64xf32, #tpu.memory_space<vmem>> -> memref<1x100x64xf32, #tpu.memory_space<vmem>>
    %dma_start3A_34 = tpu.memref_squeeze %dma_start3A_33 : memref<1x100x64xf32, #tpu.memory_space<vmem>> -> memref<100x64xf32, #tpu.memory_space<vmem>>
    %dma_start3A_35 = arith.constant 0 : i32
    %dma_start3A_36 = tpu.memref_slice %arg7[%dma_start3A_29, %dma_start3A_35] : memref<100x100xi32, #tpu.memory_space<vmem>> -> memref<1x100xi32, #tpu.memory_space<vmem>>
    %dma_start3A_37 = tpu.memref_squeeze %dma_start3A_36 : memref<1x100xi32, #tpu.memory_space<vmem>> -> memref<100xi32, #tpu.memory_space<vmem>>
    %dma_start3A_38 = arith.constant 0 : i32
    %dma_start3A_39 = arith.constant 0 : i32
    %dma_start3A_40 = tpu.memref_slice %arg2[%dma_start3A_38, %dma_start3A_39] : memref<10000x64xf32, #tpu.memory_space<hbm>> -> memref<10000x64xf32, #tpu.memory_space<hbm>>
    tpu.enqueue_indirect_dma source(%dma_start3A_40 : memref<10000x64xf32, #tpu.memory_space<hbm>>) target(%dma_start3A_34 : memref<100x64xf32, #tpu.memory_space<vmem>>) offsets(%dma_start3A_37 : memref<100xi32, #tpu.memory_space<vmem>>) semaphore(%arg13 : memref<!tpu.dma_semaphore, #tpu.memory_space<semaphore_mem>>)
    %dma_start3A_41 = arith.constant 2 : i32
    %dma_start3A_42 = arith.constant 2 : i32
    %dma_start3A_43 = arith.constant 0 : i32
    %dma_start3A_44 = arith.constant 0 : i32
    %dma_start3A_45 = tpu.memref_slice %arg9[%dma_start3A_42, %dma_start3A_43, %dma_start3A_44] : memref<4x100x64xf32, #tpu.memory_space<vmem>> -> memref<1x100x64xf32, #tpu.memory_space<vmem>>
    %dma_start3A_46 = tpu.memref_squeeze %dma_start3A_45 : memref<1x100x64xf32, #tpu.memory_space<vmem>> -> memref<100x64xf32, #tpu.memory_space<vmem>>
    %dma_start3A_47 = arith.constant 0 : i32
    %dma_start3A_48 = tpu.memref_slice %arg7[%dma_start3A_41, %dma_start3A_47] : memref<100x100xi32, #tpu.memory_space<vmem>> -> memref<1x100xi32, #tpu.memory_space<vmem>>
    %dma_start3A_49 = tpu.memref_squeeze %dma_start3A_48 : memref<1x100xi32, #tpu.memory_space<vmem>> -> memref<100xi32, #tpu.memory_space<vmem>>
    %dma_start3A_50 = arith.constant 0 : i32
    %dma_start3A_51 = arith.constant 0 : i32
    %dma_start3A_52 = tpu.memref_slice %arg2[%dma_start3A_50, %dma_start3A_51] : memref<10000x64xf32, #tpu.memory_space<hbm>> -> memref<10000x64xf32, #tpu.memory_space<hbm>>
    tpu.enqueue_indirect_dma source(%dma_start3A_52 : memref<10000x64xf32, #tpu.memory_space<hbm>>) target(%dma_start3A_46 : memref<100x64xf32, #tpu.memory_space<vmem>>) offsets(%dma_start3A_49 : memref<100xi32, #tpu.memory_space<vmem>>) semaphore(%arg14 : memref<!tpu.dma_semaphore, #tpu.memory_space<semaphore_mem>>)
    %dma_start3A_53 = arith.constant 3 : i32
    %dma_start3A_54 = arith.constant 3 : i32
    %dma_start3A_55 = arith.constant 0 : i32
    %dma_start3A_56 = arith.constant 0 : i32
    %dma_start3A_57 = tpu.memref_slice %arg9[%dma_start3A_54, %dma_start3A_55, %dma_start3A_56] : memref<4x100x64xf32, #tpu.memory_space<vmem>> -> memref<1x100x64xf32, #tpu.memory_space<vmem>>
    %dma_start3A_58 = tpu.memref_squeeze %dma_start3A_57 : memref<1x100x64xf32, #tpu.memory_space<vmem>> -> memref<100x64xf32, #tpu.memory_space<vmem>>
    %dma_start3A_59 = arith.constant 0 : i32
    %dma_start3A_60 = tpu.memref_slice %arg7[%dma_start3A_53, %dma_start3A_59] : memref<100x100xi32, #tpu.memory_space<vmem>> -> memref<1x100xi32, #tpu.memory_space<vmem>>
    %dma_start3A_61 = tpu.memref_squeeze %dma_start3A_60 : memref<1x100xi32, #tpu.memory_space<vmem>> -> memref<100xi32, #tpu.memory_space<vmem>>
    %dma_start3A_62 = arith.constant 0 : i32
    %dma_start3A_63 = arith.constant 0 : i32
    %dma_start3A_64 = tpu.memref_slice %arg2[%dma_start3A_62, %dma_start3A_63] : memref<10000x64xf32, #tpu.memory_space<hbm>> -> memref<10000x64xf32, #tpu.memory_space<hbm>>
    tpu.enqueue_indirect_dma source(%dma_start3A_64 : memref<10000x64xf32, #tpu.memory_space<hbm>>) target(%dma_start3A_58 : memref<100x64xf32, #tpu.memory_space<vmem>>) offsets(%dma_start3A_61 : memref<100xi32, #tpu.memory_space<vmem>>) semaphore(%arg15 : memref<!tpu.dma_semaphore, #tpu.memory_space<semaphore_mem>>)
    %scan3A_65 = arith.constant 0 : i32
    %scan3A_66 = arith.constant 25 : i32
    %scan3A_67 = arith.addi %scan3A_65, %scan3A_66 : i32
    %scan3A_68 = arith.constant 1 : i32
    scf.for %scan3A_232 = %scan3A_65 to %scan3A_67 step %scan3A_68  : i32 {
      %mul3A_233 = arith.constant 4 : i32
      %mul3A_234 = arith.muli %scan3A_232, %mul3A_233 : i32
      %add3A_235 = arith.constant 0 : i32
      %add3A_236 = arith.addi %add3A_235, %mul3A_234 : i32
      %add3A_237 = arith.constant 0 : i32
      %add3A_238 = arith.addi %add3A_236, %add3A_237 : i32
      %dma_wait3A_239 = arith.constant 0 : i32
      %dma_wait3A_240 = arith.constant 0 : i32
      %dma_wait3A_241 = arith.constant 0 : i32
      %dma_wait3A_242 = tpu.memref_slice %arg9[%dma_wait3A_239, %dma_wait3A_240, %dma_wait3A_241] : memref<4x100x64xf32, #tpu.memory_space<vmem>> -> memref<1x100x64xf32, #tpu.memory_space<vmem>>
      %dma_wait3A_243 = tpu.memref_squeeze %dma_wait3A_242 : memref<1x100x64xf32, #tpu.memory_space<vmem>> -> memref<100x64xf32, #tpu.memory_space<vmem>>
      %dma_wait3A_244 = arith.constant 0 : i32
      %dma_wait3A_245 = tpu.memref_slice %arg7[%add3A_238, %dma_wait3A_244] : memref<100x100xi32, #tpu.memory_space<vmem>> -> memref<1x100xi32, #tpu.memory_space<vmem>>
      %dma_wait3A_246 = tpu.memref_squeeze %dma_wait3A_245 : memref<1x100xi32, #tpu.memory_space<vmem>> -> memref<100xi32, #tpu.memory_space<vmem>>
      %dma_wait3A_247 = arith.constant 0 : i32
      %dma_wait3A_248 = arith.constant 0 : i32
      %dma_wait3A_249 = tpu.memref_slice %arg2[%dma_wait3A_247, %dma_wait3A_248] : memref<10000x64xf32, #tpu.memory_space<hbm>> -> memref<10000x64xf32, #tpu.memory_space<hbm>>
      tpu.wait_indirect_dma semaphore(%arg12 : memref<!tpu.dma_semaphore, #tpu.memory_space<semaphore_mem>>) src(%dma_wait3A_249 : memref<10000x64xf32, #tpu.memory_space<hbm>>) dst(%dma_wait3A_243 : memref<100x64xf32, #tpu.memory_space<vmem>>)
      %dma_start3A_250 = arith.constant 0 : i32
      %dma_start3A_251 = arith.constant 0 : i32
      %dma_start3A_252 = arith.constant 0 : i32
      %dma_start3A_253 = tpu.memref_slice %arg9[%dma_start3A_250, %dma_start3A_251, %dma_start3A_252] : memref<4x100x64xf32, #tpu.memory_space<vmem>> -> memref<1x100x64xf32, #tpu.memory_space<vmem>>
      %dma_start3A_254 = tpu.memref_squeeze %dma_start3A_253 : memref<1x100x64xf32, #tpu.memory_space<vmem>> -> memref<100x64xf32, #tpu.memory_space<vmem>>
      %dma_start3A_255 = arith.constant 0 : i32
      %dma_start3A_256 = tpu.memref_slice %arg8[%add3A_238, %dma_start3A_255] : memref<100x100xi32, #tpu.memory_space<vmem>> -> memref<1x100xi32, #tpu.memory_space<vmem>>
      %dma_start3A_257 = tpu.memref_squeeze %dma_start3A_256 : memref<1x100xi32, #tpu.memory_space<vmem>> -> memref<100xi32, #tpu.memory_space<vmem>>
      %dma_start3A_258 = arith.constant 0 : i32
      %dma_start3A_259 = arith.constant 0 : i32
      %dma_start3A_260 = tpu.memref_slice %arg11[%dma_start3A_258, %dma_start3A_259] : memref<10240x64xf32, #tpu.memory_space<vmem_shared>> -> memref<10240x64xf32, #tpu.memory_space<vmem_shared>>
      tpu.enqueue_indirect_dma source(%dma_start3A_254 : memref<100x64xf32, #tpu.memory_space<vmem>>) target(%dma_start3A_260 : memref<10240x64xf32, #tpu.memory_space<vmem_shared>>) offsets(%dma_start3A_257 : memref<100xi32, #tpu.memory_space<vmem>>) semaphore(%arg16 : memref<!tpu.dma_semaphore, #tpu.memory_space<semaphore_mem>>) {add = true}
      %add3A_261 = arith.constant 4 : i32
      %add3A_262 = arith.addi %add3A_238, %add3A_261 : i32
      %lt3A = arith.constant 100 : i32
      %lt3A_263 = arith.cmpi slt, %add3A_262, %lt3A : i32
      %convert_element_type3A = arith.extui %lt3A_263 : i1 to i32
      %cond3A = arith.constant 0 : i32
      %cond3A_264 = arith.cmpi ne, %convert_element_type3A, %cond3A : i32
      scf.if %cond3A_264 {
        %dma_wait3A_358 = arith.constant 0 : i32
        %dma_wait3A_359 = arith.constant 0 : i32
        %dma_wait3A_360 = arith.constant 0 : i32
        %dma_wait3A_361 = tpu.memref_slice %arg9[%dma_wait3A_358, %dma_wait3A_359, %dma_wait3A_360] : memref<4x100x64xf32, #tpu.memory_space<vmem>> -> memref<1x100x64xf32, #tpu.memory_space<vmem>>
        %dma_wait3A_362 = tpu.memref_squeeze %dma_wait3A_361 : memref<1x100x64xf32, #tpu.memory_space<vmem>> -> memref<100x64xf32, #tpu.memory_space<vmem>>
        %dma_wait3A_363 = arith.constant 0 : i32
        %dma_wait3A_364 = tpu.memref_slice %arg8[%add3A_238, %dma_wait3A_363] : memref<100x100xi32, #tpu.memory_space<vmem>> -> memref<1x100xi32, #tpu.memory_space<vmem>>
        %dma_wait3A_365 = tpu.memref_squeeze %dma_wait3A_364 : memref<1x100xi32, #tpu.memory_space<vmem>> -> memref<100xi32, #tpu.memory_space<vmem>>
        %dma_wait3A_366 = arith.constant 0 : i32
        %dma_wait3A_367 = arith.constant 0 : i32
        %dma_wait3A_368 = tpu.memref_slice %arg11[%dma_wait3A_366, %dma_wait3A_367] : memref<10240x64xf32, #tpu.memory_space<vmem_shared>> -> memref<10240x64xf32, #tpu.memory_space<vmem_shared>>
        tpu.wait_indirect_dma semaphore(%arg16 : memref<!tpu.dma_semaphore, #tpu.memory_space<semaphore_mem>>) src(%dma_wait3A_362 : memref<100x64xf32, #tpu.memory_space<vmem>>) dst(%dma_wait3A_368 : memref<10240x64xf32, #tpu.memory_space<vmem_shared>>)
        %add3A_369 = arith.constant 4 : i32
        %add3A_370 = arith.addi %add3A_238, %add3A_369 : i32
        %dma_start3A_371 = arith.constant 0 : i32
        %dma_start3A_372 = arith.constant 0 : i32
        %dma_start3A_373 = arith.constant 0 : i32
        %dma_start3A_374 = tpu.memref_slice %arg9[%dma_start3A_371, %dma_start3A_372, %dma_start3A_373] : memref<4x100x64xf32, #tpu.memory_space<vmem>> -> memref<1x100x64xf32, #tpu.memory_space<vmem>>
        %dma_start3A_375 = tpu.memref_squeeze %dma_start3A_374 : memref<1x100x64xf32, #tpu.memory_space<vmem>> -> memref<100x64xf32, #tpu.memory_space<vmem>>
        %dma_start3A_376 = arith.constant 0 : i32
        %dma_start3A_377 = tpu.memref_slice %arg7[%add3A_370, %dma_start3A_376] : memref<100x100xi32, #tpu.memory_space<vmem>> -> memref<1x100xi32, #tpu.memory_space<vmem>>
        %dma_start3A_378 = tpu.memref_squeeze %dma_start3A_377 : memref<1x100xi32, #tpu.memory_space<vmem>> -> memref<100xi32, #tpu.memory_space<vmem>>
        %dma_start3A_379 = arith.constant 0 : i32
        %dma_start3A_380 = arith.constant 0 : i32
        %dma_start3A_381 = tpu.memref_slice %arg2[%dma_start3A_379, %dma_start3A_380] : memref<10000x64xf32, #tpu.memory_space<hbm>> -> memref<10000x64xf32, #tpu.memory_space<hbm>>
        tpu.enqueue_indirect_dma source(%dma_start3A_381 : memref<10000x64xf32, #tpu.memory_space<hbm>>) target(%dma_start3A_375 : memref<100x64xf32, #tpu.memory_space<vmem>>) offsets(%dma_start3A_378 : memref<100xi32, #tpu.memory_space<vmem>>) semaphore(%arg12 : memref<!tpu.dma_semaphore, #tpu.memory_space<semaphore_mem>>)
      } else {
      }
      %add3A_265 = arith.constant 1 : i32
      %add3A_266 = arith.addi %add3A_236, %add3A_265 : i32
      %dma_wait3A_267 = arith.constant 1 : i32
      %dma_wait3A_268 = arith.constant 0 : i32
      %dma_wait3A_269 = arith.constant 0 : i32
      %dma_wait3A_270 = tpu.memref_slice %arg9[%dma_wait3A_267, %dma_wait3A_268, %dma_wait3A_269] : memref<4x100x64xf32, #tpu.memory_space<vmem>> -> memref<1x100x64xf32, #tpu.memory_space<vmem>>
      %dma_wait3A_271 = tpu.memref_squeeze %dma_wait3A_270 : memref<1x100x64xf32, #tpu.memory_space<vmem>> -> memref<100x64xf32, #tpu.memory_space<vmem>>
      %dma_wait3A_272 = arith.constant 0 : i32
      %dma_wait3A_273 = tpu.memref_slice %arg7[%add3A_266, %dma_wait3A_272] : memref<100x100xi32, #tpu.memory_space<vmem>> -> memref<1x100xi32, #tpu.memory_space<vmem>>
      %dma_wait3A_274 = tpu.memref_squeeze %dma_wait3A_273 : memref<1x100xi32, #tpu.memory_space<vmem>> -> memref<100xi32, #tpu.memory_space<vmem>>
      %dma_wait3A_275 = arith.constant 0 : i32
      %dma_wait3A_276 = arith.constant 0 : i32
      %dma_wait3A_277 = tpu.memref_slice %arg2[%dma_wait3A_275, %dma_wait3A_276] : memref<10000x64xf32, #tpu.memory_space<hbm>> -> memref<10000x64xf32, #tpu.memory_space<hbm>>
      tpu.wait_indirect_dma semaphore(%arg13 : memref<!tpu.dma_semaphore, #tpu.memory_space<semaphore_mem>>) src(%dma_wait3A_277 : memref<10000x64xf32, #tpu.memory_space<hbm>>) dst(%dma_wait3A_271 : memref<100x64xf32, #tpu.memory_space<vmem>>)
      %dma_start3A_278 = arith.constant 1 : i32
      %dma_start3A_279 = arith.constant 0 : i32
      %dma_start3A_280 = arith.constant 0 : i32
      %dma_start3A_281 = tpu.memref_slice %arg9[%dma_start3A_278, %dma_start3A_279, %dma_start3A_280] : memref<4x100x64xf32, #tpu.memory_space<vmem>> -> memref<1x100x64xf32, #tpu.memory_space<vmem>>
      %dma_start3A_282 = tpu.memref_squeeze %dma_start3A_281 : memref<1x100x64xf32, #tpu.memory_space<vmem>> -> memref<100x64xf32, #tpu.memory_space<vmem>>
      %dma_start3A_283 = arith.constant 0 : i32
      %dma_start3A_284 = tpu.memref_slice %arg8[%add3A_266, %dma_start3A_283] : memref<100x100xi32, #tpu.memory_space<vmem>> -> memref<1x100xi32, #tpu.memory_space<vmem>>
      %dma_start3A_285 = tpu.memref_squeeze %dma_start3A_284 : memref<1x100xi32, #tpu.memory_space<vmem>> -> memref<100xi32, #tpu.memory_space<vmem>>
      %dma_start3A_286 = arith.constant 0 : i32
      %dma_start3A_287 = arith.constant 0 : i32
      %dma_start3A_288 = tpu.memref_slice %arg11[%dma_start3A_286, %dma_start3A_287] : memref<10240x64xf32, #tpu.memory_space<vmem_shared>> -> memref<10240x64xf32, #tpu.memory_space<vmem_shared>>
      tpu.enqueue_indirect_dma source(%dma_start3A_282 : memref<100x64xf32, #tpu.memory_space<vmem>>) target(%dma_start3A_288 : memref<10240x64xf32, #tpu.memory_space<vmem_shared>>) offsets(%dma_start3A_285 : memref<100xi32, #tpu.memory_space<vmem>>) semaphore(%arg17 : memref<!tpu.dma_semaphore, #tpu.memory_space<semaphore_mem>>) {add = true}
      %add3A_289 = arith.constant 4 : i32
      %add3A_290 = arith.addi %add3A_266, %add3A_289 : i32
      %lt3A_291 = arith.constant 100 : i32
      %lt3A_292 = arith.cmpi slt, %add3A_290, %lt3A_291 : i32
      %convert_element_type3A_293 = arith.extui %lt3A_292 : i1 to i32
      %cond3A_294 = arith.constant 0 : i32
      %cond3A_295 = arith.cmpi ne, %convert_element_type3A_293, %cond3A_294 : i32
      scf.if %cond3A_295 {
        %dma_wait3A_358 = arith.constant 1 : i32
        %dma_wait3A_359 = arith.constant 0 : i32
        %dma_wait3A_360 = arith.constant 0 : i32
        %dma_wait3A_361 = tpu.memref_slice %arg9[%dma_wait3A_358, %dma_wait3A_359, %dma_wait3A_360] : memref<4x100x64xf32, #tpu.memory_space<vmem>> -> memref<1x100x64xf32, #tpu.memory_space<vmem>>
        %dma_wait3A_362 = tpu.memref_squeeze %dma_wait3A_361 : memref<1x100x64xf32, #tpu.memory_space<vmem>> -> memref<100x64xf32, #tpu.memory_space<vmem>>
        %dma_wait3A_363 = arith.constant 0 : i32
        %dma_wait3A_364 = tpu.memref_slice %arg8[%add3A_266, %dma_wait3A_363] : memref<100x100xi32, #tpu.memory_space<vmem>> -> memref<1x100xi32, #tpu.memory_space<vmem>>
        %dma_wait3A_365 = tpu.memref_squeeze %dma_wait3A_364 : memref<1x100xi32, #tpu.memory_space<vmem>> -> memref<100xi32, #tpu.memory_space<vmem>>
        %dma_wait3A_366 = arith.constant 0 : i32
        %dma_wait3A_367 = arith.constant 0 : i32
        %dma_wait3A_368 = tpu.memref_slice %arg11[%dma_wait3A_366, %dma_wait3A_367] : memref<10240x64xf32, #tpu.memory_space<vmem_shared>> -> memref<10240x64xf32, #tpu.memory_space<vmem_shared>>
        tpu.wait_indirect_dma semaphore(%arg17 : memref<!tpu.dma_semaphore, #tpu.memory_space<semaphore_mem>>) src(%dma_wait3A_362 : memref<100x64xf32, #tpu.memory_space<vmem>>) dst(%dma_wait3A_368 : memref<10240x64xf32, #tpu.memory_space<vmem_shared>>)
        %add3A_369 = arith.constant 4 : i32
        %add3A_370 = arith.addi %add3A_266, %add3A_369 : i32
        %dma_start3A_371 = arith.constant 1 : i32
        %dma_start3A_372 = arith.constant 0 : i32
        %dma_start3A_373 = arith.constant 0 : i32
        %dma_start3A_374 = tpu.memref_slice %arg9[%dma_start3A_371, %dma_start3A_372, %dma_start3A_373] : memref<4x100x64xf32, #tpu.memory_space<vmem>> -> memref<1x100x64xf32, #tpu.memory_space<vmem>>
        %dma_start3A_375 = tpu.memref_squeeze %dma_start3A_374 : memref<1x100x64xf32, #tpu.memory_space<vmem>> -> memref<100x64xf32, #tpu.memory_space<vmem>>
        %dma_start3A_376 = arith.constant 0 : i32
        %dma_start3A_377 = tpu.memref_slice %arg7[%add3A_370, %dma_start3A_376] : memref<100x100xi32, #tpu.memory_space<vmem>> -> memref<1x100xi32, #tpu.memory_space<vmem>>
        %dma_start3A_378 = tpu.memref_squeeze %dma_start3A_377 : memref<1x100xi32, #tpu.memory_space<vmem>> -> memref<100xi32, #tpu.memory_space<vmem>>
        %dma_start3A_379 = arith.constant 0 : i32
        %dma_start3A_380 = arith.constant 0 : i32
        %dma_start3A_381 = tpu.memref_slice %arg2[%dma_start3A_379, %dma_start3A_380] : memref<10000x64xf32, #tpu.memory_space<hbm>> -> memref<10000x64xf32, #tpu.memory_space<hbm>>
        tpu.enqueue_indirect_dma source(%dma_start3A_381 : memref<10000x64xf32, #tpu.memory_space<hbm>>) target(%dma_start3A_375 : memref<100x64xf32, #tpu.memory_space<vmem>>) offsets(%dma_start3A_378 : memref<100xi32, #tpu.memory_space<vmem>>) semaphore(%arg13 : memref<!tpu.dma_semaphore, #tpu.memory_space<semaphore_mem>>)
      } else {
      }
      %add3A_296 = arith.constant 2 : i32
      %add3A_297 = arith.addi %add3A_236, %add3A_296 : i32
      %dma_wait3A_298 = arith.constant 2 : i32
      %dma_wait3A_299 = arith.constant 0 : i32
      %dma_wait3A_300 = arith.constant 0 : i32
      %dma_wait3A_301 = tpu.memref_slice %arg9[%dma_wait3A_298, %dma_wait3A_299, %dma_wait3A_300] : memref<4x100x64xf32, #tpu.memory_space<vmem>> -> memref<1x100x64xf32, #tpu.memory_space<vmem>>
      %dma_wait3A_302 = tpu.memref_squeeze %dma_wait3A_301 : memref<1x100x64xf32, #tpu.memory_space<vmem>> -> memref<100x64xf32, #tpu.memory_space<vmem>>
      %dma_wait3A_303 = arith.constant 0 : i32
      %dma_wait3A_304 = tpu.memref_slice %arg7[%add3A_297, %dma_wait3A_303] : memref<100x100xi32, #tpu.memory_space<vmem>> -> memref<1x100xi32, #tpu.memory_space<vmem>>
      %dma_wait3A_305 = tpu.memref_squeeze %dma_wait3A_304 : memref<1x100xi32, #tpu.memory_space<vmem>> -> memref<100xi32, #tpu.memory_space<vmem>>
      %dma_wait3A_306 = arith.constant 0 : i32
      %dma_wait3A_307 = arith.constant 0 : i32
      %dma_wait3A_308 = tpu.memref_slice %arg2[%dma_wait3A_306, %dma_wait3A_307] : memref<10000x64xf32, #tpu.memory_space<hbm>> -> memref<10000x64xf32, #tpu.memory_space<hbm>>
      tpu.wait_indirect_dma semaphore(%arg14 : memref<!tpu.dma_semaphore, #tpu.memory_space<semaphore_mem>>) src(%dma_wait3A_308 : memref<10000x64xf32, #tpu.memory_space<hbm>>) dst(%dma_wait3A_302 : memref<100x64xf32, #tpu.memory_space<vmem>>)
      %dma_start3A_309 = arith.constant 2 : i32
      %dma_start3A_310 = arith.constant 0 : i32
      %dma_start3A_311 = arith.constant 0 : i32
      %dma_start3A_312 = tpu.memref_slice %arg9[%dma_start3A_309, %dma_start3A_310, %dma_start3A_311] : memref<4x100x64xf32, #tpu.memory_space<vmem>> -> memref<1x100x64xf32, #tpu.memory_space<vmem>>
      %dma_start3A_313 = tpu.memref_squeeze %dma_start3A_312 : memref<1x100x64xf32, #tpu.memory_space<vmem>> -> memref<100x64xf32, #tpu.memory_space<vmem>>
      %dma_start3A_314 = arith.constant 0 : i32
      %dma_start3A_315 = tpu.memref_slice %arg8[%add3A_297, %dma_start3A_314] : memref<100x100xi32, #tpu.memory_space<vmem>> -> memref<1x100xi32, #tpu.memory_space<vmem>>
      %dma_start3A_316 = tpu.memref_squeeze %dma_start3A_315 : memref<1x100xi32, #tpu.memory_space<vmem>> -> memref<100xi32, #tpu.memory_space<vmem>>
      %dma_start3A_317 = arith.constant 0 : i32
      %dma_start3A_318 = arith.constant 0 : i32
      %dma_start3A_319 = tpu.memref_slice %arg11[%dma_start3A_317, %dma_start3A_318] : memref<10240x64xf32, #tpu.memory_space<vmem_shared>> -> memref<10240x64xf32, #tpu.memory_space<vmem_shared>>
      tpu.enqueue_indirect_dma source(%dma_start3A_313 : memref<100x64xf32, #tpu.memory_space<vmem>>) target(%dma_start3A_319 : memref<10240x64xf32, #tpu.memory_space<vmem_shared>>) offsets(%dma_start3A_316 : memref<100xi32, #tpu.memory_space<vmem>>) semaphore(%arg18 : memref<!tpu.dma_semaphore, #tpu.memory_space<semaphore_mem>>) {add = true}
      %add3A_320 = arith.constant 4 : i32
      %add3A_321 = arith.addi %add3A_297, %add3A_320 : i32
      %lt3A_322 = arith.constant 100 : i32
      %lt3A_323 = arith.cmpi slt, %add3A_321, %lt3A_322 : i32
      %convert_element_type3A_324 = arith.extui %lt3A_323 : i1 to i32
      %cond3A_325 = arith.constant 0 : i32
      %cond3A_326 = arith.cmpi ne, %convert_element_type3A_324, %cond3A_325 : i32
      scf.if %cond3A_326 {
        %dma_wait3A_358 = arith.constant 2 : i32
        %dma_wait3A_359 = arith.constant 0 : i32
        %dma_wait3A_360 = arith.constant 0 : i32
        %dma_wait3A_361 = tpu.memref_slice %arg9[%dma_wait3A_358, %dma_wait3A_359, %dma_wait3A_360] : memref<4x100x64xf32, #tpu.memory_space<vmem>> -> memref<1x100x64xf32, #tpu.memory_space<vmem>>
        %dma_wait3A_362 = tpu.memref_squeeze %dma_wait3A_361 : memref<1x100x64xf32, #tpu.memory_space<vmem>> -> memref<100x64xf32, #tpu.memory_space<vmem>>
        %dma_wait3A_363 = arith.constant 0 : i32
        %dma_wait3A_364 = tpu.memref_slice %arg8[%add3A_297, %dma_wait3A_363] : memref<100x100xi32, #tpu.memory_space<vmem>> -> memref<1x100xi32, #tpu.memory_space<vmem>>
        %dma_wait3A_365 = tpu.memref_squeeze %dma_wait3A_364 : memref<1x100xi32, #tpu.memory_space<vmem>> -> memref<100xi32, #tpu.memory_space<vmem>>
        %dma_wait3A_366 = arith.constant 0 : i32
        %dma_wait3A_367 = arith.constant 0 : i32
        %dma_wait3A_368 = tpu.memref_slice %arg11[%dma_wait3A_366, %dma_wait3A_367] : memref<10240x64xf32, #tpu.memory_space<vmem_shared>> -> memref<10240x64xf32, #tpu.memory_space<vmem_shared>>
        tpu.wait_indirect_dma semaphore(%arg18 : memref<!tpu.dma_semaphore, #tpu.memory_space<semaphore_mem>>) src(%dma_wait3A_362 : memref<100x64xf32, #tpu.memory_space<vmem>>) dst(%dma_wait3A_368 : memref<10240x64xf32, #tpu.memory_space<vmem_shared>>)
        %add3A_369 = arith.constant 4 : i32
        %add3A_370 = arith.addi %add3A_297, %add3A_369 : i32
        %dma_start3A_371 = arith.constant 2 : i32
        %dma_start3A_372 = arith.constant 0 : i32
        %dma_start3A_373 = arith.constant 0 : i32
        %dma_start3A_374 = tpu.memref_slice %arg9[%dma_start3A_371, %dma_start3A_372, %dma_start3A_373] : memref<4x100x64xf32, #tpu.memory_space<vmem>> -> memref<1x100x64xf32, #tpu.memory_space<vmem>>
        %dma_start3A_375 = tpu.memref_squeeze %dma_start3A_374 : memref<1x100x64xf32, #tpu.memory_space<vmem>> -> memref<100x64xf32, #tpu.memory_space<vmem>>
        %dma_start3A_376 = arith.constant 0 : i32
        %dma_start3A_377 = tpu.memref_slice %arg7[%add3A_370, %dma_start3A_376] : memref<100x100xi32, #tpu.memory_space<vmem>> -> memref<1x100xi32, #tpu.memory_space<vmem>>
        %dma_start3A_378 = tpu.memref_squeeze %dma_start3A_377 : memref<1x100xi32, #tpu.memory_space<vmem>> -> memref<100xi32, #tpu.memory_space<vmem>>
        %dma_start3A_379 = arith.constant 0 : i32
        %dma_start3A_380 = arith.constant 0 : i32
        %dma_start3A_381 = tpu.memref_slice %arg2[%dma_start3A_379, %dma_start3A_380] : memref<10000x64xf32, #tpu.memory_space<hbm>> -> memref<10000x64xf32, #tpu.memory_space<hbm>>
        tpu.enqueue_indirect_dma source(%dma_start3A_381 : memref<10000x64xf32, #tpu.memory_space<hbm>>) target(%dma_start3A_375 : memref<100x64xf32, #tpu.memory_space<vmem>>) offsets(%dma_start3A_378 : memref<100xi32, #tpu.memory_space<vmem>>) semaphore(%arg14 : memref<!tpu.dma_semaphore, #tpu.memory_space<semaphore_mem>>)
      } else {
      }
      %add3A_327 = arith.constant 3 : i32
      %add3A_328 = arith.addi %add3A_236, %add3A_327 : i32
      %dma_wait3A_329 = arith.constant 3 : i32
      %dma_wait3A_330 = arith.constant 0 : i32
      %dma_wait3A_331 = arith.constant 0 : i32
      %dma_wait3A_332 = tpu.memref_slice %arg9[%dma_wait3A_329, %dma_wait3A_330, %dma_wait3A_331] : memref<4x100x64xf32, #tpu.memory_space<vmem>> -> memref<1x100x64xf32, #tpu.memory_space<vmem>>
      %dma_wait3A_333 = tpu.memref_squeeze %dma_wait3A_332 : memref<1x100x64xf32, #tpu.memory_space<vmem>> -> memref<100x64xf32, #tpu.memory_space<vmem>>
      %dma_wait3A_334 = arith.constant 0 : i32
      %dma_wait3A_335 = tpu.memref_slice %arg7[%add3A_328, %dma_wait3A_334] : memref<100x100xi32, #tpu.memory_space<vmem>> -> memref<1x100xi32, #tpu.memory_space<vmem>>
      %dma_wait3A_336 = tpu.memref_squeeze %dma_wait3A_335 : memref<1x100xi32, #tpu.memory_space<vmem>> -> memref<100xi32, #tpu.memory_space<vmem>>
      %dma_wait3A_337 = arith.constant 0 : i32
      %dma_wait3A_338 = arith.constant 0 : i32
      %dma_wait3A_339 = tpu.memref_slice %arg2[%dma_wait3A_337, %dma_wait3A_338] : memref<10000x64xf32, #tpu.memory_space<hbm>> -> memref<10000x64xf32, #tpu.memory_space<hbm>>
      tpu.wait_indirect_dma semaphore(%arg15 : memref<!tpu.dma_semaphore, #tpu.memory_space<semaphore_mem>>) src(%dma_wait3A_339 : memref<10000x64xf32, #tpu.memory_space<hbm>>) dst(%dma_wait3A_333 : memref<100x64xf32, #tpu.memory_space<vmem>>)
      %dma_start3A_340 = arith.constant 3 : i32
      %dma_start3A_341 = arith.constant 0 : i32
      %dma_start3A_342 = arith.constant 0 : i32
      %dma_start3A_343 = tpu.memref_slice %arg9[%dma_start3A_340, %dma_start3A_341, %dma_start3A_342] : memref<4x100x64xf32, #tpu.memory_space<vmem>> -> memref<1x100x64xf32, #tpu.memory_space<vmem>>
      %dma_start3A_344 = tpu.memref_squeeze %dma_start3A_343 : memref<1x100x64xf32, #tpu.memory_space<vmem>> -> memref<100x64xf32, #tpu.memory_space<vmem>>
      %dma_start3A_345 = arith.constant 0 : i32
      %dma_start3A_346 = tpu.memref_slice %arg8[%add3A_328, %dma_start3A_345] : memref<100x100xi32, #tpu.memory_space<vmem>> -> memref<1x100xi32, #tpu.memory_space<vmem>>
      %dma_start3A_347 = tpu.memref_squeeze %dma_start3A_346 : memref<1x100xi32, #tpu.memory_space<vmem>> -> memref<100xi32, #tpu.memory_space<vmem>>
      %dma_start3A_348 = arith.constant 0 : i32
      %dma_start3A_349 = arith.constant 0 : i32
      %dma_start3A_350 = tpu.memref_slice %arg11[%dma_start3A_348, %dma_start3A_349] : memref<10240x64xf32, #tpu.memory_space<vmem_shared>> -> memref<10240x64xf32, #tpu.memory_space<vmem_shared>>
      tpu.enqueue_indirect_dma source(%dma_start3A_344 : memref<100x64xf32, #tpu.memory_space<vmem>>) target(%dma_start3A_350 : memref<10240x64xf32, #tpu.memory_space<vmem_shared>>) offsets(%dma_start3A_347 : memref<100xi32, #tpu.memory_space<vmem>>) semaphore(%arg19 : memref<!tpu.dma_semaphore, #tpu.memory_space<semaphore_mem>>) {add = true}
      %add3A_351 = arith.constant 4 : i32
      %add3A_352 = arith.addi %add3A_328, %add3A_351 : i32
      %lt3A_353 = arith.constant 100 : i32
      %lt3A_354 = arith.cmpi slt, %add3A_352, %lt3A_353 : i32
      %convert_element_type3A_355 = arith.extui %lt3A_354 : i1 to i32
      %cond3A_356 = arith.constant 0 : i32
      %cond3A_357 = arith.cmpi ne, %convert_element_type3A_355, %cond3A_356 : i32
      scf.if %cond3A_357 {
        %dma_wait3A_358 = arith.constant 3 : i32
        %dma_wait3A_359 = arith.constant 0 : i32
        %dma_wait3A_360 = arith.constant 0 : i32
        %dma_wait3A_361 = tpu.memref_slice %arg9[%dma_wait3A_358, %dma_wait3A_359, %dma_wait3A_360] : memref<4x100x64xf32, #tpu.memory_space<vmem>> -> memref<1x100x64xf32, #tpu.memory_space<vmem>>
        %dma_wait3A_362 = tpu.memref_squeeze %dma_wait3A_361 : memref<1x100x64xf32, #tpu.memory_space<vmem>> -> memref<100x64xf32, #tpu.memory_space<vmem>>
        %dma_wait3A_363 = arith.constant 0 : i32
        %dma_wait3A_364 = tpu.memref_slice %arg8[%add3A_328, %dma_wait3A_363] : memref<100x100xi32, #tpu.memory_space<vmem>> -> memref<1x100xi32, #tpu.memory_space<vmem>>
        %dma_wait3A_365 = tpu.memref_squeeze %dma_wait3A_364 : memref<1x100xi32, #tpu.memory_space<vmem>> -> memref<100xi32, #tpu.memory_space<vmem>>
        %dma_wait3A_366 = arith.constant 0 : i32
        %dma_wait3A_367 = arith.constant 0 : i32
        %dma_wait3A_368 = tpu.memref_slice %arg11[%dma_wait3A_366, %dma_wait3A_367] : memref<10240x64xf32, #tpu.memory_space<vmem_shared>> -> memref<10240x64xf32, #tpu.memory_space<vmem_shared>>
        tpu.wait_indirect_dma semaphore(%arg19 : memref<!tpu.dma_semaphore, #tpu.memory_space<semaphore_mem>>) src(%dma_wait3A_362 : memref<100x64xf32, #tpu.memory_space<vmem>>) dst(%dma_wait3A_368 : memref<10240x64xf32, #tpu.memory_space<vmem_shared>>)
        %add3A_369 = arith.constant 4 : i32
        %add3A_370 = arith.addi %add3A_328, %add3A_369 : i32
        %dma_start3A_371 = arith.constant 3 : i32
        %dma_start3A_372 = arith.constant 0 : i32
        %dma_start3A_373 = arith.constant 0 : i32
        %dma_start3A_374 = tpu.memref_slice %arg9[%dma_start3A_371, %dma_start3A_372, %dma_start3A_373] : memref<4x100x64xf32, #tpu.memory_space<vmem>> -> memref<1x100x64xf32, #tpu.memory_space<vmem>>
        %dma_start3A_375 = tpu.memref_squeeze %dma_start3A_374 : memref<1x100x64xf32, #tpu.memory_space<vmem>> -> memref<100x64xf32, #tpu.memory_space<vmem>>
        %dma_start3A_376 = arith.constant 0 : i32
        %dma_start3A_377 = tpu.memref_slice %arg7[%add3A_370, %dma_start3A_376] : memref<100x100xi32, #tpu.memory_space<vmem>> -> memref<1x100xi32, #tpu.memory_space<vmem>>
        %dma_start3A_378 = tpu.memref_squeeze %dma_start3A_377 : memref<1x100xi32, #tpu.memory_space<vmem>> -> memref<100xi32, #tpu.memory_space<vmem>>
        %dma_start3A_379 = arith.constant 0 : i32
        %dma_start3A_380 = arith.constant 0 : i32
        %dma_start3A_381 = tpu.memref_slice %arg2[%dma_start3A_379, %dma_start3A_380] : memref<10000x64xf32, #tpu.memory_space<hbm>> -> memref<10000x64xf32, #tpu.memory_space<hbm>>
        tpu.enqueue_indirect_dma source(%dma_start3A_381 : memref<10000x64xf32, #tpu.memory_space<hbm>>) target(%dma_start3A_375 : memref<100x64xf32, #tpu.memory_space<vmem>>) offsets(%dma_start3A_378 : memref<100xi32, #tpu.memory_space<vmem>>) semaphore(%arg15 : memref<!tpu.dma_semaphore, #tpu.memory_space<semaphore_mem>>)
      } else {
      }
    }
    %scan3A_69 = arith.constant 25 : i32
    %dma_wait3A = arith.constant 0 : i32
    %dma_wait3A_70 = arith.constant 0 : i32
    %dma_wait3A_71 = arith.constant 0 : i32
    %dma_wait3A_72 = arith.constant 0 : i32
    %dma_wait3A_73 = tpu.memref_slice %arg9[%dma_wait3A, %dma_wait3A_71, %dma_wait3A_72] : memref<4x100x64xf32, #tpu.memory_space<vmem>> -> memref<1x100x64xf32, #tpu.memory_space<vmem>>
    %dma_wait3A_74 = tpu.memref_squeeze %dma_wait3A_73 : memref<1x100x64xf32, #tpu.memory_space<vmem>> -> memref<100x64xf32, #tpu.memory_space<vmem>>
    %dma_wait3A_75 = arith.constant 0 : i32
    %dma_wait3A_76 = tpu.memref_slice %arg8[%dma_wait3A_70, %dma_wait3A_75] : memref<100x100xi32, #tpu.memory_space<vmem>> -> memref<1x100xi32, #tpu.memory_space<vmem>>
    %dma_wait3A_77 = tpu.memref_squeeze %dma_wait3A_76 : memref<1x100xi32, #tpu.memory_space<vmem>> -> memref<100xi32, #tpu.memory_space<vmem>>
    %dma_wait3A_78 = arith.constant 0 : i32
    %dma_wait3A_79 = arith.constant 0 : i32
    %dma_wait3A_80 = tpu.memref_slice %arg11[%dma_wait3A_78, %dma_wait3A_79] : memref<10240x64xf32, #tpu.memory_space<vmem_shared>> -> memref<10240x64xf32, #tpu.memory_space<vmem_shared>>
    tpu.wait_indirect_dma semaphore(%arg16 : memref<!tpu.dma_semaphore, #tpu.memory_space<semaphore_mem>>) src(%dma_wait3A_74 : memref<100x64xf32, #tpu.memory_space<vmem>>) dst(%dma_wait3A_80 : memref<10240x64xf32, #tpu.memory_space<vmem_shared>>)
    %dma_wait3A_81 = arith.constant 1 : i32
    %dma_wait3A_82 = arith.constant 0 : i32
    %dma_wait3A_83 = arith.constant 0 : i32
    %dma_wait3A_84 = arith.constant 0 : i32
    %dma_wait3A_85 = tpu.memref_slice %arg9[%dma_wait3A_81, %dma_wait3A_83, %dma_wait3A_84] : memref<4x100x64xf32, #tpu.memory_space<vmem>> -> memref<1x100x64xf32, #tpu.memory_space<vmem>>
    %dma_wait3A_86 = tpu.memref_squeeze %dma_wait3A_85 : memref<1x100x64xf32, #tpu.memory_space<vmem>> -> memref<100x64xf32, #tpu.memory_space<vmem>>
    %dma_wait3A_87 = arith.constant 0 : i32
    %dma_wait3A_88 = tpu.memref_slice %arg8[%dma_wait3A_82, %dma_wait3A_87] : memref<100x100xi32, #tpu.memory_space<vmem>> -> memref<1x100xi32, #tpu.memory_space<vmem>>
    %dma_wait3A_89 = tpu.memref_squeeze %dma_wait3A_88 : memref<1x100xi32, #tpu.memory_space<vmem>> -> memref<100xi32, #tpu.memory_space<vmem>>
    %dma_wait3A_90 = arith.constant 0 : i32
    %dma_wait3A_91 = arith.constant 0 : i32
    %dma_wait3A_92 = tpu.memref_slice %arg11[%dma_wait3A_90, %dma_wait3A_91] : memref<10240x64xf32, #tpu.memory_space<vmem_shared>> -> memref<10240x64xf32, #tpu.memory_space<vmem_shared>>
    tpu.wait_indirect_dma semaphore(%arg17 : memref<!tpu.dma_semaphore, #tpu.memory_space<semaphore_mem>>) src(%dma_wait3A_86 : memref<100x64xf32, #tpu.memory_space<vmem>>) dst(%dma_wait3A_92 : memref<10240x64xf32, #tpu.memory_space<vmem_shared>>)
    %dma_wait3A_93 = arith.constant 2 : i32
    %dma_wait3A_94 = arith.constant 0 : i32
    %dma_wait3A_95 = arith.constant 0 : i32
    %dma_wait3A_96 = arith.constant 0 : i32
    %dma_wait3A_97 = tpu.memref_slice %arg9[%dma_wait3A_93, %dma_wait3A_95, %dma_wait3A_96] : memref<4x100x64xf32, #tpu.memory_space<vmem>> -> memref<1x100x64xf32, #tpu.memory_space<vmem>>
    %dma_wait3A_98 = tpu.memref_squeeze %dma_wait3A_97 : memref<1x100x64xf32, #tpu.memory_space<vmem>> -> memref<100x64xf32, #tpu.memory_space<vmem>>
    %dma_wait3A_99 = arith.constant 0 : i32
    %dma_wait3A_100 = tpu.memref_slice %arg8[%dma_wait3A_94, %dma_wait3A_99] : memref<100x100xi32, #tpu.memory_space<vmem>> -> memref<1x100xi32, #tpu.memory_space<vmem>>
    %dma_wait3A_101 = tpu.memref_squeeze %dma_wait3A_100 : memref<1x100xi32, #tpu.memory_space<vmem>> -> memref<100xi32, #tpu.memory_space<vmem>>
    %dma_wait3A_102 = arith.constant 0 : i32
    %dma_wait3A_103 = arith.constant 0 : i32
    %dma_wait3A_104 = tpu.memref_slice %arg11[%dma_wait3A_102, %dma_wait3A_103] : memref<10240x64xf32, #tpu.memory_space<vmem_shared>> -> memref<10240x64xf32, #tpu.memory_space<vmem_shared>>
    tpu.wait_indirect_dma semaphore(%arg18 : memref<!tpu.dma_semaphore, #tpu.memory_space<semaphore_mem>>) src(%dma_wait3A_98 : memref<100x64xf32, #tpu.memory_space<vmem>>) dst(%dma_wait3A_104 : memref<10240x64xf32, #tpu.memory_space<vmem_shared>>)
    %dma_wait3A_105 = arith.constant 3 : i32
    %dma_wait3A_106 = arith.constant 0 : i32
    %dma_wait3A_107 = arith.constant 0 : i32
    %dma_wait3A_108 = arith.constant 0 : i32
    %dma_wait3A_109 = tpu.memref_slice %arg9[%dma_wait3A_105, %dma_wait3A_107, %dma_wait3A_108] : memref<4x100x64xf32, #tpu.memory_space<vmem>> -> memref<1x100x64xf32, #tpu.memory_space<vmem>>
    %dma_wait3A_110 = tpu.memref_squeeze %dma_wait3A_109 : memref<1x100x64xf32, #tpu.memory_space<vmem>> -> memref<100x64xf32, #tpu.memory_space<vmem>>
    %dma_wait3A_111 = arith.constant 0 : i32
    %dma_wait3A_112 = tpu.memref_slice %arg8[%dma_wait3A_106, %dma_wait3A_111] : memref<100x100xi32, #tpu.memory_space<vmem>> -> memref<1x100xi32, #tpu.memory_space<vmem>>
    %dma_wait3A_113 = tpu.memref_squeeze %dma_wait3A_112 : memref<1x100xi32, #tpu.memory_space<vmem>> -> memref<100xi32, #tpu.memory_space<vmem>>
    %dma_wait3A_114 = arith.constant 0 : i32
    %dma_wait3A_115 = arith.constant 0 : i32
    %dma_wait3A_116 = tpu.memref_slice %arg11[%dma_wait3A_114, %dma_wait3A_115] : memref<10240x64xf32, #tpu.memory_space<vmem_shared>> -> memref<10240x64xf32, #tpu.memory_space<vmem_shared>>
    tpu.wait_indirect_dma semaphore(%arg19 : memref<!tpu.dma_semaphore, #tpu.memory_space<semaphore_mem>>) src(%dma_wait3A_110 : memref<100x64xf32, #tpu.memory_space<vmem>>) dst(%dma_wait3A_116 : memref<10240x64xf32, #tpu.memory_space<vmem_shared>>)
    %barrier3A_117 = arith.constant 0 : index
    tpu.barrier barrier_id(%barrier3A_117)
    %run_scoped3A = arith.constant 0 : i32
    "tpu.region"() ({
      %run_scoped3A_232 = tpu.sem_alloc : memref<!tpu.dma_semaphore, #tpu.memory_space<semaphore_mem>>
      %dma_start3A_233 = arith.constant 0 : i32
      %dma_start3A_234 = tpu.memref_slice %arg6[%run_scoped3A, %arg0, %mul3A_7, %dma_start3A_233] : memref<2x2x10240x64xf32, #tpu.memory_space<hbm>> -> memref<1x1x640x64xf32, #tpu.memory_space<hbm>>
      %dma_start3A_235 = tpu.memref_squeeze %dma_start3A_234 : memref<1x1x640x64xf32, #tpu.memory_space<hbm>> -> memref<640x64xf32, #tpu.memory_space<hbm>>
      %dma_start3A_236 = arith.constant 0 : i32
      %dma_start3A_237 = tpu.memref_slice %arg11[%mul3A_7, %dma_start3A_236] : memref<10240x64xf32, #tpu.memory_space<vmem_shared>> -> memref<640x64xf32, #tpu.memory_space<vmem_shared>>
      tpu.enqueue_dma source(%dma_start3A_237 : memref<640x64xf32, #tpu.memory_space<vmem_shared>>) target(%dma_start3A_235 : memref<640x64xf32, #tpu.memory_space<hbm>>) target_semaphore(%run_scoped3A_232 : memref<!tpu.dma_semaphore, #tpu.memory_space<semaphore_mem>>)
      %dma_wait3A_238 = arith.constant 0 : i32
      %dma_wait3A_239 = tpu.memref_slice %arg6[%run_scoped3A, %arg0, %mul3A_7, %dma_wait3A_238] : memref<2x2x10240x64xf32, #tpu.memory_space<hbm>> -> memref<1x1x640x64xf32, #tpu.memory_space<hbm>>
      %dma_wait3A_240 = tpu.memref_squeeze %dma_wait3A_239 : memref<1x1x640x64xf32, #tpu.memory_space<hbm>> -> memref<640x64xf32, #tpu.memory_space<hbm>>
      %dma_wait3A_241 = arith.constant 0 : i32
      %dma_wait3A_242 = tpu.memref_slice %arg11[%mul3A_7, %dma_wait3A_241] : memref<10240x64xf32, #tpu.memory_space<vmem_shared>> -> memref<640x64xf32, #tpu.memory_space<vmem_shared>>
      tpu.wait_dma2 semaphore(%run_scoped3A_232 : memref<!tpu.dma_semaphore, #tpu.memory_space<semaphore_mem>>) src(%dma_wait3A_242 : memref<640x64xf32, #tpu.memory_space<vmem_shared>>) dst(%dma_wait3A_240 : memref<640x64xf32, #tpu.memory_space<hbm>>)
      tpu.yield
    }) : () -> ()
    %add3A_118 = arith.constant 0 : i32
    %add3A_119 = arith.addi %mul3A_7, %add3A_118 : i32
    "tpu.region"() ({
      %run_scoped3A_232 = tpu.sem_alloc : memref<!tpu.dma_semaphore, #tpu.memory_space<semaphore_mem>>
      %dma_start3A_233 = arith.constant 0 : i32
      %dma_start3A_234 = tpu.memref_slice %arg11[%add3A_119, %dma_start3A_233] : memref<10240x64xf32, #tpu.memory_space<vmem_shared>> -> memref<128x64xf32, #tpu.memory_space<vmem_shared>>
      %dma_start3A_235 = arith.constant 0 : i32
      %dma_start3A_236 = tpu.memref_slice %arg11[%add3A_119, %dma_start3A_235] : memref<10240x64xf32, #tpu.memory_space<vmem_shared>> -> memref<128x64xf32, #tpu.memory_space<vmem_shared>>
      tpu.enqueue_dma source(%arg10 : memref<128x64xf32, #tpu.memory_space<vmem>>) target(%dma_start3A_236 : memref<128x64xf32, #tpu.memory_space<vmem_shared>>) target_semaphore(%run_scoped3A_232 : memref<!tpu.dma_semaphore, #tpu.memory_space<semaphore_mem>>)
      %dma_wait3A_237 = arith.constant 0 : i32
      %dma_wait3A_238 = tpu.memref_slice %arg11[%add3A_119, %dma_wait3A_237] : memref<10240x64xf32, #tpu.memory_space<vmem_shared>> -> memref<128x64xf32, #tpu.memory_space<vmem_shared>>
      %dma_wait3A_239 = arith.constant 0 : i32
      %dma_wait3A_240 = tpu.memref_slice %arg11[%add3A_119, %dma_wait3A_239] : memref<10240x64xf32, #tpu.memory_space<vmem_shared>> -> memref<128x64xf32, #tpu.memory_space<vmem_shared>>
      tpu.wait_dma2 semaphore(%run_scoped3A_232 : memref<!tpu.dma_semaphore, #tpu.memory_space<semaphore_mem>>) src(%arg10 : memref<128x64xf32, #tpu.memory_space<vmem>>) dst(%dma_wait3A_240 : memref<128x64xf32, #tpu.memory_space<vmem_shared>>)
      tpu.yield
    }) : () -> ()
    %add3A_120 = arith.constant 128 : i32
    %add3A_121 = arith.addi %mul3A_7, %add3A_120 : i32
    "tpu.region"() ({
      %run_scoped3A_232 = tpu.sem_alloc : memref<!tpu.dma_semaphore, #tpu.memory_space<semaphore_mem>>
      %dma_start3A_233 = arith.constant 0 : i32
      %dma_start3A_234 = tpu.memref_slice %arg11[%add3A_121, %dma_start3A_233] : memref<10240x64xf32, #tpu.memory_space<vmem_shared>> -> memref<128x64xf32, #tpu.memory_space<vmem_shared>>
      %dma_start3A_235 = arith.constant 0 : i32
      %dma_start3A_236 = tpu.memref_slice %arg11[%add3A_121, %dma_start3A_235] : memref<10240x64xf32, #tpu.memory_space<vmem_shared>> -> memref<128x64xf32, #tpu.memory_space<vmem_shared>>
      tpu.enqueue_dma source(%arg10 : memref<128x64xf32, #tpu.memory_space<vmem>>) target(%dma_start3A_236 : memref<128x64xf32, #tpu.memory_space<vmem_shared>>) target_semaphore(%run_scoped3A_232 : memref<!tpu.dma_semaphore, #tpu.memory_space<semaphore_mem>>)
      %dma_wait3A_237 = arith.constant 0 : i32
      %dma_wait3A_238 = tpu.memref_slice %arg11[%add3A_121, %dma_wait3A_237] : memref<10240x64xf32, #tpu.memory_space<vmem_shared>> -> memref<128x64xf32, #tpu.memory_space<vmem_shared>>
      %dma_wait3A_239 = arith.constant 0 : i32
      %dma_wait3A_240 = tpu.memref_slice %arg11[%add3A_121, %dma_wait3A_239] : memref<10240x64xf32, #tpu.memory_space<vmem_shared>> -> memref<128x64xf32, #tpu.memory_space<vmem_shared>>
      tpu.wait_dma2 semaphore(%run_scoped3A_232 : memref<!tpu.dma_semaphore, #tpu.memory_space<semaphore_mem>>) src(%arg10 : memref<128x64xf32, #tpu.memory_space<vmem>>) dst(%dma_wait3A_240 : memref<128x64xf32, #tpu.memory_space<vmem_shared>>)
      tpu.yield
    }) : () -> ()
    %add3A_122 = arith.constant 256 : i32
    %add3A_123 = arith.addi %mul3A_7, %add3A_122 : i32
    "tpu.region"() ({
      %run_scoped3A_232 = tpu.sem_alloc : memref<!tpu.dma_semaphore, #tpu.memory_space<semaphore_mem>>
      %dma_start3A_233 = arith.constant 0 : i32
      %dma_start3A_234 = tpu.memref_slice %arg11[%add3A_123, %dma_start3A_233] : memref<10240x64xf32, #tpu.memory_space<vmem_shared>> -> memref<128x64xf32, #tpu.memory_space<vmem_shared>>
      %dma_start3A_235 = arith.constant 0 : i32
      %dma_start3A_236 = tpu.memref_slice %arg11[%add3A_123, %dma_start3A_235] : memref<10240x64xf32, #tpu.memory_space<vmem_shared>> -> memref<128x64xf32, #tpu.memory_space<vmem_shared>>
      tpu.enqueue_dma source(%arg10 : memref<128x64xf32, #tpu.memory_space<vmem>>) target(%dma_start3A_236 : memref<128x64xf32, #tpu.memory_space<vmem_shared>>) target_semaphore(%run_scoped3A_232 : memref<!tpu.dma_semaphore, #tpu.memory_space<semaphore_mem>>)
      %dma_wait3A_237 = arith.constant 0 : i32
      %dma_wait3A_238 = tpu.memref_slice %arg11[%add3A_123, %dma_wait3A_237] : memref<10240x64xf32, #tpu.memory_space<vmem_shared>> -> memref<128x64xf32, #tpu.memory_space<vmem_shared>>
      %dma_wait3A_239 = arith.constant 0 : i32
      %dma_wait3A_240 = tpu.memref_slice %arg11[%add3A_123, %dma_wait3A_239] : memref<10240x64xf32, #tpu.memory_space<vmem_shared>> -> memref<128x64xf32, #tpu.memory_space<vmem_shared>>
      tpu.wait_dma2 semaphore(%run_scoped3A_232 : memref<!tpu.dma_semaphore, #tpu.memory_space<semaphore_mem>>) src(%arg10 : memref<128x64xf32, #tpu.memory_space<vmem>>) dst(%dma_wait3A_240 : memref<128x64xf32, #tpu.memory_space<vmem_shared>>)
      tpu.yield
    }) : () -> ()
    %add3A_124 = arith.constant 384 : i32
    %add3A_125 = arith.addi %mul3A_7, %add3A_124 : i32
    "tpu.region"() ({
      %run_scoped3A_232 = tpu.sem_alloc : memref<!tpu.dma_semaphore, #tpu.memory_space<semaphore_mem>>
      %dma_start3A_233 = arith.constant 0 : i32
      %dma_start3A_234 = tpu.memref_slice %arg11[%add3A_125, %dma_start3A_233] : memref<10240x64xf32, #tpu.memory_space<vmem_shared>> -> memref<128x64xf32, #tpu.memory_space<vmem_shared>>
      %dma_start3A_235 = arith.constant 0 : i32
      %dma_start3A_236 = tpu.memref_slice %arg11[%add3A_125, %dma_start3A_235] : memref<10240x64xf32, #tpu.memory_space<vmem_shared>> -> memref<128x64xf32, #tpu.memory_space<vmem_shared>>
      tpu.enqueue_dma source(%arg10 : memref<128x64xf32, #tpu.memory_space<vmem>>) target(%dma_start3A_236 : memref<128x64xf32, #tpu.memory_space<vmem_shared>>) target_semaphore(%run_scoped3A_232 : memref<!tpu.dma_semaphore, #tpu.memory_space<semaphore_mem>>)
      %dma_wait3A_237 = arith.constant 0 : i32
      %dma_wait3A_238 = tpu.memref_slice %arg11[%add3A_125, %dma_wait3A_237] : memref<10240x64xf32, #tpu.memory_space<vmem_shared>> -> memref<128x64xf32, #tpu.memory_space<vmem_shared>>
      %dma_wait3A_239 = arith.constant 0 : i32
      %dma_wait3A_240 = tpu.memref_slice %arg11[%add3A_125, %dma_wait3A_239] : memref<10240x64xf32, #tpu.memory_space<vmem_shared>> -> memref<128x64xf32, #tpu.memory_space<vmem_shared>>
      tpu.wait_dma2 semaphore(%run_scoped3A_232 : memref<!tpu.dma_semaphore, #tpu.memory_space<semaphore_mem>>) src(%arg10 : memref<128x64xf32, #tpu.memory_space<vmem>>) dst(%dma_wait3A_240 : memref<128x64xf32, #tpu.memory_space<vmem_shared>>)
      tpu.yield
    }) : () -> ()
    %add3A_126 = arith.constant 512 : i32
    %add3A_127 = arith.addi %mul3A_7, %add3A_126 : i32
    "tpu.region"() ({
      %run_scoped3A_232 = tpu.sem_alloc : memref<!tpu.dma_semaphore, #tpu.memory_space<semaphore_mem>>
      %dma_start3A_233 = arith.constant 0 : i32
      %dma_start3A_234 = tpu.memref_slice %arg11[%add3A_127, %dma_start3A_233] : memref<10240x64xf32, #tpu.memory_space<vmem_shared>> -> memref<128x64xf32, #tpu.memory_space<vmem_shared>>
      %dma_start3A_235 = arith.constant 0 : i32
      %dma_start3A_236 = tpu.memref_slice %arg11[%add3A_127, %dma_start3A_235] : memref<10240x64xf32, #tpu.memory_space<vmem_shared>> -> memref<128x64xf32, #tpu.memory_space<vmem_shared>>
      tpu.enqueue_dma source(%arg10 : memref<128x64xf32, #tpu.memory_space<vmem>>) target(%dma_start3A_236 : memref<128x64xf32, #tpu.memory_space<vmem_shared>>) target_semaphore(%run_scoped3A_232 : memref<!tpu.dma_semaphore, #tpu.memory_space<semaphore_mem>>)
      %dma_wait3A_237 = arith.constant 0 : i32
      %dma_wait3A_238 = tpu.memref_slice %arg11[%add3A_127, %dma_wait3A_237] : memref<10240x64xf32, #tpu.memory_space<vmem_shared>> -> memref<128x64xf32, #tpu.memory_space<vmem_shared>>
      %dma_wait3A_239 = arith.constant 0 : i32
      %dma_wait3A_240 = tpu.memref_slice %arg11[%add3A_127, %dma_wait3A_239] : memref<10240x64xf32, #tpu.memory_space<vmem_shared>> -> memref<128x64xf32, #tpu.memory_space<vmem_shared>>
      tpu.wait_dma2 semaphore(%run_scoped3A_232 : memref<!tpu.dma_semaphore, #tpu.memory_space<semaphore_mem>>) src(%arg10 : memref<128x64xf32, #tpu.memory_space<vmem>>) dst(%dma_wait3A_240 : memref<128x64xf32, #tpu.memory_space<vmem_shared>>)
      tpu.yield
    }) : () -> ()
    %barrier3A_128 = arith.constant 0 : index
    tpu.barrier barrier_id(%barrier3A_128)
    %dma_start3A_129 = arith.constant 0 : i32
    %dma_start3A_130 = arith.constant 0 : i32
    %dma_start3A_131 = arith.constant 0 : i32
    %dma_start3A_132 = arith.constant 0 : i32
    %dma_start3A_133 = tpu.memref_slice %arg9[%dma_start3A_130, %dma_start3A_131, %dma_start3A_132] : memref<4x100x64xf32, #tpu.memory_space<vmem>> -> memref<1x100x64xf32, #tpu.memory_space<vmem>>
    %dma_start3A_134 = tpu.memref_squeeze %dma_start3A_133 : memref<1x100x64xf32, #tpu.memory_space<vmem>> -> memref<100x64xf32, #tpu.memory_space<vmem>>
    %dma_start3A_135 = arith.constant 0 : i32
    %dma_start3A_136 = tpu.memref_slice %arg7[%dma_start3A_129, %dma_start3A_135] : memref<100x100xi32, #tpu.memory_space<vmem>> -> memref<1x100xi32, #tpu.memory_space<vmem>>
    %dma_start3A_137 = tpu.memref_squeeze %dma_start3A_136 : memref<1x100xi32, #tpu.memory_space<vmem>> -> memref<100xi32, #tpu.memory_space<vmem>>
    %dma_start3A_138 = arith.constant 0 : i32
    %dma_start3A_139 = arith.constant 0 : i32
    %dma_start3A_140 = tpu.memref_slice %arg3[%dma_start3A_138, %dma_start3A_139] : memref<10000x64xf32, #tpu.memory_space<hbm>> -> memref<10000x64xf32, #tpu.memory_space<hbm>>
    tpu.enqueue_indirect_dma source(%dma_start3A_140 : memref<10000x64xf32, #tpu.memory_space<hbm>>) target(%dma_start3A_134 : memref<100x64xf32, #tpu.memory_space<vmem>>) offsets(%dma_start3A_137 : memref<100xi32, #tpu.memory_space<vmem>>) semaphore(%arg12 : memref<!tpu.dma_semaphore, #tpu.memory_space<semaphore_mem>>)
    %dma_start3A_141 = arith.constant 1 : i32
    %dma_start3A_142 = arith.constant 1 : i32
    %dma_start3A_143 = arith.constant 0 : i32
    %dma_start3A_144 = arith.constant 0 : i32
    %dma_start3A_145 = tpu.memref_slice %arg9[%dma_start3A_142, %dma_start3A_143, %dma_start3A_144] : memref<4x100x64xf32, #tpu.memory_space<vmem>> -> memref<1x100x64xf32, #tpu.memory_space<vmem>>
    %dma_start3A_146 = tpu.memref_squeeze %dma_start3A_145 : memref<1x100x64xf32, #tpu.memory_space<vmem>> -> memref<100x64xf32, #tpu.memory_space<vmem>>
    %dma_start3A_147 = arith.constant 0 : i32
    %dma_start3A_148 = tpu.memref_slice %arg7[%dma_start3A_141, %dma_start3A_147] : memref<100x100xi32, #tpu.memory_space<vmem>> -> memref<1x100xi32, #tpu.memory_space<vmem>>
    %dma_start3A_149 = tpu.memref_squeeze %dma_start3A_148 : memref<1x100xi32, #tpu.memory_space<vmem>> -> memref<100xi32, #tpu.memory_space<vmem>>
    %dma_start3A_150 = arith.constant 0 : i32
    %dma_start3A_151 = arith.constant 0 : i32
    %dma_start3A_152 = tpu.memref_slice %arg3[%dma_start3A_150, %dma_start3A_151] : memref<10000x64xf32, #tpu.memory_space<hbm>> -> memref<10000x64xf32, #tpu.memory_space<hbm>>
    tpu.enqueue_indirect_dma source(%dma_start3A_152 : memref<10000x64xf32, #tpu.memory_space<hbm>>) target(%dma_start3A_146 : memref<100x64xf32, #tpu.memory_space<vmem>>) offsets(%dma_start3A_149 : memref<100xi32, #tpu.memory_space<vmem>>) semaphore(%arg13 : memref<!tpu.dma_semaphore, #tpu.memory_space<semaphore_mem>>)
    %dma_start3A_153 = arith.constant 2 : i32
    %dma_start3A_154 = arith.constant 2 : i32
    %dma_start3A_155 = arith.constant 0 : i32
    %dma_start3A_156 = arith.constant 0 : i32
    %dma_start3A_157 = tpu.memref_slice %arg9[%dma_start3A_154, %dma_start3A_155, %dma_start3A_156] : memref<4x100x64xf32, #tpu.memory_space<vmem>> -> memref<1x100x64xf32, #tpu.memory_space<vmem>>
    %dma_start3A_158 = tpu.memref_squeeze %dma_start3A_157 : memref<1x100x64xf32, #tpu.memory_space<vmem>> -> memref<100x64xf32, #tpu.memory_space<vmem>>
    %dma_start3A_159 = arith.constant 0 : i32
    %dma_start3A_160 = tpu.memref_slice %arg7[%dma_start3A_153, %dma_start3A_159] : memref<100x100xi32, #tpu.memory_space<vmem>> -> memref<1x100xi32, #tpu.memory_space<vmem>>
    %dma_start3A_161 = tpu.memref_squeeze %dma_start3A_160 : memref<1x100xi32, #tpu.memory_space<vmem>> -> memref<100xi32, #tpu.memory_space<vmem>>
    %dma_start3A_162 = arith.constant 0 : i32
    %dma_start3A_163 = arith.constant 0 : i32
    %dma_start3A_164 = tpu.memref_slice %arg3[%dma_start3A_162, %dma_start3A_163] : memref<10000x64xf32, #tpu.memory_space<hbm>> -> memref<10000x64xf32, #tpu.memory_space<hbm>>
    tpu.enqueue_indirect_dma source(%dma_start3A_164 : memref<10000x64xf32, #tpu.memory_space<hbm>>) target(%dma_start3A_158 : memref<100x64xf32, #tpu.memory_space<vmem>>) offsets(%dma_start3A_161 : memref<100xi32, #tpu.memory_space<vmem>>) semaphore(%arg14 : memref<!tpu.dma_semaphore, #tpu.memory_space<semaphore_mem>>)
    %dma_start3A_165 = arith.constant 3 : i32
    %dma_start3A_166 = arith.constant 3 : i32
    %dma_start3A_167 = arith.constant 0 : i32
    %dma_start3A_168 = arith.constant 0 : i32
    %dma_start3A_169 = tpu.memref_slice %arg9[%dma_start3A_166, %dma_start3A_167, %dma_start3A_168] : memref<4x100x64xf32, #tpu.memory_space<vmem>> -> memref<1x100x64xf32, #tpu.memory_space<vmem>>
    %dma_start3A_170 = tpu.memref_squeeze %dma_start3A_169 : memref<1x100x64xf32, #tpu.memory_space<vmem>> -> memref<100x64xf32, #tpu.memory_space<vmem>>
    %dma_start3A_171 = arith.constant 0 : i32
    %dma_start3A_172 = tpu.memref_slice %arg7[%dma_start3A_165, %dma_start3A_171] : memref<100x100xi32, #tpu.memory_space<vmem>> -> memref<1x100xi32, #tpu.memory_space<vmem>>
    %dma_start3A_173 = tpu.memref_squeeze %dma_start3A_172 : memref<1x100xi32, #tpu.memory_space<vmem>> -> memref<100xi32, #tpu.memory_space<vmem>>
    %dma_start3A_174 = arith.constant 0 : i32
    %dma_start3A_175 = arith.constant 0 : i32
    %dma_start3A_176 = tpu.memref_slice %arg3[%dma_start3A_174, %dma_start3A_175] : memref<10000x64xf32, #tpu.memory_space<hbm>> -> memref<10000x64xf32, #tpu.memory_space<hbm>>
    tpu.enqueue_indirect_dma source(%dma_start3A_176 : memref<10000x64xf32, #tpu.memory_space<hbm>>) target(%dma_start3A_170 : memref<100x64xf32, #tpu.memory_space<vmem>>) offsets(%dma_start3A_173 : memref<100xi32, #tpu.memory_space<vmem>>) semaphore(%arg15 : memref<!tpu.dma_semaphore, #tpu.memory_space<semaphore_mem>>)
    %scan3A_177 = arith.constant 0 : i32
    %scan3A_178 = arith.constant 25 : i32
    %scan3A_179 = arith.addi %scan3A_177, %scan3A_178 : i32
    %scan3A_180 = arith.constant 1 : i32
    scf.for %scan3A_232 = %scan3A_177 to %scan3A_179 step %scan3A_180  : i32 {
      %mul3A_233 = arith.constant 4 : i32
      %mul3A_234 = arith.muli %scan3A_232, %mul3A_233 : i32
      %add3A_235 = arith.constant 0 : i32
      %add3A_236 = arith.addi %add3A_235, %mul3A_234 : i32
      %add3A_237 = arith.constant 0 : i32
      %add3A_238 = arith.addi %add3A_236, %add3A_237 : i32
      %dma_wait3A_239 = arith.constant 0 : i32
      %dma_wait3A_240 = arith.constant 0 : i32
      %dma_wait3A_241 = arith.constant 0 : i32
      %dma_wait3A_242 = tpu.memref_slice %arg9[%dma_wait3A_239, %dma_wait3A_240, %dma_wait3A_241] : memref<4x100x64xf32, #tpu.memory_space<vmem>> -> memref<1x100x64xf32, #tpu.memory_space<vmem>>
      %dma_wait3A_243 = tpu.memref_squeeze %dma_wait3A_242 : memref<1x100x64xf32, #tpu.memory_space<vmem>> -> memref<100x64xf32, #tpu.memory_space<vmem>>
      %dma_wait3A_244 = arith.constant 0 : i32
      %dma_wait3A_245 = tpu.memref_slice %arg7[%add3A_238, %dma_wait3A_244] : memref<100x100xi32, #tpu.memory_space<vmem>> -> memref<1x100xi32, #tpu.memory_space<vmem>>
      %dma_wait3A_246 = tpu.memref_squeeze %dma_wait3A_245 : memref<1x100xi32, #tpu.memory_space<vmem>> -> memref<100xi32, #tpu.memory_space<vmem>>
      %dma_wait3A_247 = arith.constant 0 : i32
      %dma_wait3A_248 = arith.constant 0 : i32
      %dma_wait3A_249 = tpu.memref_slice %arg3[%dma_wait3A_247, %dma_wait3A_248] : memref<10000x64xf32, #tpu.memory_space<hbm>> -> memref<10000x64xf32, #tpu.memory_space<hbm>>
      tpu.wait_indirect_dma semaphore(%arg12 : memref<!tpu.dma_semaphore, #tpu.memory_space<semaphore_mem>>) src(%dma_wait3A_249 : memref<10000x64xf32, #tpu.memory_space<hbm>>) dst(%dma_wait3A_243 : memref<100x64xf32, #tpu.memory_space<vmem>>)
      %dma_start3A_250 = arith.constant 0 : i32
      %dma_start3A_251 = arith.constant 0 : i32
      %dma_start3A_252 = arith.constant 0 : i32
      %dma_start3A_253 = tpu.memref_slice %arg9[%dma_start3A_250, %dma_start3A_251, %dma_start3A_252] : memref<4x100x64xf32, #tpu.memory_space<vmem>> -> memref<1x100x64xf32, #tpu.memory_space<vmem>>
      %dma_start3A_254 = tpu.memref_squeeze %dma_start3A_253 : memref<1x100x64xf32, #tpu.memory_space<vmem>> -> memref<100x64xf32, #tpu.memory_space<vmem>>
      %dma_start3A_255 = arith.constant 0 : i32
      %dma_start3A_256 = tpu.memref_slice %arg8[%add3A_238, %dma_start3A_255] : memref<100x100xi32, #tpu.memory_space<vmem>> -> memref<1x100xi32, #tpu.memory_space<vmem>>
      %dma_start3A_257 = tpu.memref_squeeze %dma_start3A_256 : memref<1x100xi32, #tpu.memory_space<vmem>> -> memref<100xi32, #tpu.memory_space<vmem>>
      %dma_start3A_258 = arith.constant 0 : i32
      %dma_start3A_259 = arith.constant 0 : i32
      %dma_start3A_260 = tpu.memref_slice %arg11[%dma_start3A_258, %dma_start3A_259] : memref<10240x64xf32, #tpu.memory_space<vmem_shared>> -> memref<10240x64xf32, #tpu.memory_space<vmem_shared>>
      tpu.enqueue_indirect_dma source(%dma_start3A_254 : memref<100x64xf32, #tpu.memory_space<vmem>>) target(%dma_start3A_260 : memref<10240x64xf32, #tpu.memory_space<vmem_shared>>) offsets(%dma_start3A_257 : memref<100xi32, #tpu.memory_space<vmem>>) semaphore(%arg16 : memref<!tpu.dma_semaphore, #tpu.memory_space<semaphore_mem>>) {add = true}
      %add3A_261 = arith.constant 4 : i32
      %add3A_262 = arith.addi %add3A_238, %add3A_261 : i32
      %lt3A = arith.constant 100 : i32
      %lt3A_263 = arith.cmpi slt, %add3A_262, %lt3A : i32
      %convert_element_type3A = arith.extui %lt3A_263 : i1 to i32
      %cond3A = arith.constant 0 : i32
      %cond3A_264 = arith.cmpi ne, %convert_element_type3A, %cond3A : i32
      scf.if %cond3A_264 {
        %dma_wait3A_358 = arith.constant 0 : i32
        %dma_wait3A_359 = arith.constant 0 : i32
        %dma_wait3A_360 = arith.constant 0 : i32
        %dma_wait3A_361 = tpu.memref_slice %arg9[%dma_wait3A_358, %dma_wait3A_359, %dma_wait3A_360] : memref<4x100x64xf32, #tpu.memory_space<vmem>> -> memref<1x100x64xf32, #tpu.memory_space<vmem>>
        %dma_wait3A_362 = tpu.memref_squeeze %dma_wait3A_361 : memref<1x100x64xf32, #tpu.memory_space<vmem>> -> memref<100x64xf32, #tpu.memory_space<vmem>>
        %dma_wait3A_363 = arith.constant 0 : i32
        %dma_wait3A_364 = tpu.memref_slice %arg8[%add3A_238, %dma_wait3A_363] : memref<100x100xi32, #tpu.memory_space<vmem>> -> memref<1x100xi32, #tpu.memory_space<vmem>>
        %dma_wait3A_365 = tpu.memref_squeeze %dma_wait3A_364 : memref<1x100xi32, #tpu.memory_space<vmem>> -> memref<100xi32, #tpu.memory_space<vmem>>
        %dma_wait3A_366 = arith.constant 0 : i32
        %dma_wait3A_367 = arith.constant 0 : i32
        %dma_wait3A_368 = tpu.memref_slice %arg11[%dma_wait3A_366, %dma_wait3A_367] : memref<10240x64xf32, #tpu.memory_space<vmem_shared>> -> memref<10240x64xf32, #tpu.memory_space<vmem_shared>>
        tpu.wait_indirect_dma semaphore(%arg16 : memref<!tpu.dma_semaphore, #tpu.memory_space<semaphore_mem>>) src(%dma_wait3A_362 : memref<100x64xf32, #tpu.memory_space<vmem>>) dst(%dma_wait3A_368 : memref<10240x64xf32, #tpu.memory_space<vmem_shared>>)
        %add3A_369 = arith.constant 4 : i32
        %add3A_370 = arith.addi %add3A_238, %add3A_369 : i32
        %dma_start3A_371 = arith.constant 0 : i32
        %dma_start3A_372 = arith.constant 0 : i32
        %dma_start3A_373 = arith.constant 0 : i32
        %dma_start3A_374 = tpu.memref_slice %arg9[%dma_start3A_371, %dma_start3A_372, %dma_start3A_373] : memref<4x100x64xf32, #tpu.memory_space<vmem>> -> memref<1x100x64xf32, #tpu.memory_space<vmem>>
        %dma_start3A_375 = tpu.memref_squeeze %dma_start3A_374 : memref<1x100x64xf32, #tpu.memory_space<vmem>> -> memref<100x64xf32, #tpu.memory_space<vmem>>
        %dma_start3A_376 = arith.constant 0 : i32
        %dma_start3A_377 = tpu.memref_slice %arg7[%add3A_370, %dma_start3A_376] : memref<100x100xi32, #tpu.memory_space<vmem>> -> memref<1x100xi32, #tpu.memory_space<vmem>>
        %dma_start3A_378 = tpu.memref_squeeze %dma_start3A_377 : memref<1x100xi32, #tpu.memory_space<vmem>> -> memref<100xi32, #tpu.memory_space<vmem>>
        %dma_start3A_379 = arith.constant 0 : i32
        %dma_start3A_380 = arith.constant 0 : i32
        %dma_start3A_381 = tpu.memref_slice %arg3[%dma_start3A_379, %dma_start3A_380] : memref<10000x64xf32, #tpu.memory_space<hbm>> -> memref<10000x64xf32, #tpu.memory_space<hbm>>
        tpu.enqueue_indirect_dma source(%dma_start3A_381 : memref<10000x64xf32, #tpu.memory_space<hbm>>) target(%dma_start3A_375 : memref<100x64xf32, #tpu.memory_space<vmem>>) offsets(%dma_start3A_378 : memref<100xi32, #tpu.memory_space<vmem>>) semaphore(%arg12 : memref<!tpu.dma_semaphore, #tpu.memory_space<semaphore_mem>>)
      } else {
      }
      %add3A_265 = arith.constant 1 : i32
      %add3A_266 = arith.addi %add3A_236, %add3A_265 : i32
      %dma_wait3A_267 = arith.constant 1 : i32
      %dma_wait3A_268 = arith.constant 0 : i32
      %dma_wait3A_269 = arith.constant 0 : i32
      %dma_wait3A_270 = tpu.memref_slice %arg9[%dma_wait3A_267, %dma_wait3A_268, %dma_wait3A_269] : memref<4x100x64xf32, #tpu.memory_space<vmem>> -> memref<1x100x64xf32, #tpu.memory_space<vmem>>
      %dma_wait3A_271 = tpu.memref_squeeze %dma_wait3A_270 : memref<1x100x64xf32, #tpu.memory_space<vmem>> -> memref<100x64xf32, #tpu.memory_space<vmem>>
      %dma_wait3A_272 = arith.constant 0 : i32
      %dma_wait3A_273 = tpu.memref_slice %arg7[%add3A_266, %dma_wait3A_272] : memref<100x100xi32, #tpu.memory_space<vmem>> -> memref<1x100xi32, #tpu.memory_space<vmem>>
      %dma_wait3A_274 = tpu.memref_squeeze %dma_wait3A_273 : memref<1x100xi32, #tpu.memory_space<vmem>> -> memref<100xi32, #tpu.memory_space<vmem>>
      %dma_wait3A_275 = arith.constant 0 : i32
      %dma_wait3A_276 = arith.constant 0 : i32
      %dma_wait3A_277 = tpu.memref_slice %arg3[%dma_wait3A_275, %dma_wait3A_276] : memref<10000x64xf32, #tpu.memory_space<hbm>> -> memref<10000x64xf32, #tpu.memory_space<hbm>>
      tpu.wait_indirect_dma semaphore(%arg13 : memref<!tpu.dma_semaphore, #tpu.memory_space<semaphore_mem>>) src(%dma_wait3A_277 : memref<10000x64xf32, #tpu.memory_space<hbm>>) dst(%dma_wait3A_271 : memref<100x64xf32, #tpu.memory_space<vmem>>)
      %dma_start3A_278 = arith.constant 1 : i32
      %dma_start3A_279 = arith.constant 0 : i32
      %dma_start3A_280 = arith.constant 0 : i32
      %dma_start3A_281 = tpu.memref_slice %arg9[%dma_start3A_278, %dma_start3A_279, %dma_start3A_280] : memref<4x100x64xf32, #tpu.memory_space<vmem>> -> memref<1x100x64xf32, #tpu.memory_space<vmem>>
      %dma_start3A_282 = tpu.memref_squeeze %dma_start3A_281 : memref<1x100x64xf32, #tpu.memory_space<vmem>> -> memref<100x64xf32, #tpu.memory_space<vmem>>
      %dma_start3A_283 = arith.constant 0 : i32
      %dma_start3A_284 = tpu.memref_slice %arg8[%add3A_266, %dma_start3A_283] : memref<100x100xi32, #tpu.memory_space<vmem>> -> memref<1x100xi32, #tpu.memory_space<vmem>>
      %dma_start3A_285 = tpu.memref_squeeze %dma_start3A_284 : memref<1x100xi32, #tpu.memory_space<vmem>> -> memref<100xi32, #tpu.memory_space<vmem>>
      %dma_start3A_286 = arith.constant 0 : i32
      %dma_start3A_287 = arith.constant 0 : i32
      %dma_start3A_288 = tpu.memref_slice %arg11[%dma_start3A_286, %dma_start3A_287] : memref<10240x64xf32, #tpu.memory_space<vmem_shared>> -> memref<10240x64xf32, #tpu.memory_space<vmem_shared>>
      tpu.enqueue_indirect_dma source(%dma_start3A_282 : memref<100x64xf32, #tpu.memory_space<vmem>>) target(%dma_start3A_288 : memref<10240x64xf32, #tpu.memory_space<vmem_shared>>) offsets(%dma_start3A_285 : memref<100xi32, #tpu.memory_space<vmem>>) semaphore(%arg17 : memref<!tpu.dma_semaphore, #tpu.memory_space<semaphore_mem>>) {add = true}
      %add3A_289 = arith.constant 4 : i32
      %add3A_290 = arith.addi %add3A_266, %add3A_289 : i32
      %lt3A_291 = arith.constant 100 : i32
      %lt3A_292 = arith.cmpi slt, %add3A_290, %lt3A_291 : i32
      %convert_element_type3A_293 = arith.extui %lt3A_292 : i1 to i32
      %cond3A_294 = arith.constant 0 : i32
      %cond3A_295 = arith.cmpi ne, %convert_element_type3A_293, %cond3A_294 : i32
      scf.if %cond3A_295 {
        %dma_wait3A_358 = arith.constant 1 : i32
        %dma_wait3A_359 = arith.constant 0 : i32
        %dma_wait3A_360 = arith.constant 0 : i32
        %dma_wait3A_361 = tpu.memref_slice %arg9[%dma_wait3A_358, %dma_wait3A_359, %dma_wait3A_360] : memref<4x100x64xf32, #tpu.memory_space<vmem>> -> memref<1x100x64xf32, #tpu.memory_space<vmem>>
        %dma_wait3A_362 = tpu.memref_squeeze %dma_wait3A_361 : memref<1x100x64xf32, #tpu.memory_space<vmem>> -> memref<100x64xf32, #tpu.memory_space<vmem>>
        %dma_wait3A_363 = arith.constant 0 : i32
        %dma_wait3A_364 = tpu.memref_slice %arg8[%add3A_266, %dma_wait3A_363] : memref<100x100xi32, #tpu.memory_space<vmem>> -> memref<1x100xi32, #tpu.memory_space<vmem>>
        %dma_wait3A_365 = tpu.memref_squeeze %dma_wait3A_364 : memref<1x100xi32, #tpu.memory_space<vmem>> -> memref<100xi32, #tpu.memory_space<vmem>>
        %dma_wait3A_366 = arith.constant 0 : i32
        %dma_wait3A_367 = arith.constant 0 : i32
        %dma_wait3A_368 = tpu.memref_slice %arg11[%dma_wait3A_366, %dma_wait3A_367] : memref<10240x64xf32, #tpu.memory_space<vmem_shared>> -> memref<10240x64xf32, #tpu.memory_space<vmem_shared>>
        tpu.wait_indirect_dma semaphore(%arg17 : memref<!tpu.dma_semaphore, #tpu.memory_space<semaphore_mem>>) src(%dma_wait3A_362 : memref<100x64xf32, #tpu.memory_space<vmem>>) dst(%dma_wait3A_368 : memref<10240x64xf32, #tpu.memory_space<vmem_shared>>)
        %add3A_369 = arith.constant 4 : i32
        %add3A_370 = arith.addi %add3A_266, %add3A_369 : i32
        %dma_start3A_371 = arith.constant 1 : i32
        %dma_start3A_372 = arith.constant 0 : i32
        %dma_start3A_373 = arith.constant 0 : i32
        %dma_start3A_374 = tpu.memref_slice %arg9[%dma_start3A_371, %dma_start3A_372, %dma_start3A_373] : memref<4x100x64xf32, #tpu.memory_space<vmem>> -> memref<1x100x64xf32, #tpu.memory_space<vmem>>
        %dma_start3A_375 = tpu.memref_squeeze %dma_start3A_374 : memref<1x100x64xf32, #tpu.memory_space<vmem>> -> memref<100x64xf32, #tpu.memory_space<vmem>>
        %dma_start3A_376 = arith.constant 0 : i32
        %dma_start3A_377 = tpu.memref_slice %arg7[%add3A_370, %dma_start3A_376] : memref<100x100xi32, #tpu.memory_space<vmem>> -> memref<1x100xi32, #tpu.memory_space<vmem>>
        %dma_start3A_378 = tpu.memref_squeeze %dma_start3A_377 : memref<1x100xi32, #tpu.memory_space<vmem>> -> memref<100xi32, #tpu.memory_space<vmem>>
        %dma_start3A_379 = arith.constant 0 : i32
        %dma_start3A_380 = arith.constant 0 : i32
        %dma_start3A_381 = tpu.memref_slice %arg3[%dma_start3A_379, %dma_start3A_380] : memref<10000x64xf32, #tpu.memory_space<hbm>> -> memref<10000x64xf32, #tpu.memory_space<hbm>>
        tpu.enqueue_indirect_dma source(%dma_start3A_381 : memref<10000x64xf32, #tpu.memory_space<hbm>>) target(%dma_start3A_375 : memref<100x64xf32, #tpu.memory_space<vmem>>) offsets(%dma_start3A_378 : memref<100xi32, #tpu.memory_space<vmem>>) semaphore(%arg13 : memref<!tpu.dma_semaphore, #tpu.memory_space<semaphore_mem>>)
      } else {
      }
      %add3A_296 = arith.constant 2 : i32
      %add3A_297 = arith.addi %add3A_236, %add3A_296 : i32
      %dma_wait3A_298 = arith.constant 2 : i32
      %dma_wait3A_299 = arith.constant 0 : i32
      %dma_wait3A_300 = arith.constant 0 : i32
      %dma_wait3A_301 = tpu.memref_slice %arg9[%dma_wait3A_298, %dma_wait3A_299, %dma_wait3A_300] : memref<4x100x64xf32, #tpu.memory_space<vmem>> -> memref<1x100x64xf32, #tpu.memory_space<vmem>>
      %dma_wait3A_302 = tpu.memref_squeeze %dma_wait3A_301 : memref<1x100x64xf32, #tpu.memory_space<vmem>> -> memref<100x64xf32, #tpu.memory_space<vmem>>
      %dma_wait3A_303 = arith.constant 0 : i32
      %dma_wait3A_304 = tpu.memref_slice %arg7[%add3A_297, %dma_wait3A_303] : memref<100x100xi32, #tpu.memory_space<vmem>> -> memref<1x100xi32, #tpu.memory_space<vmem>>
      %dma_wait3A_305 = tpu.memref_squeeze %dma_wait3A_304 : memref<1x100xi32, #tpu.memory_space<vmem>> -> memref<100xi32, #tpu.memory_space<vmem>>
      %dma_wait3A_306 = arith.constant 0 : i32
      %dma_wait3A_307 = arith.constant 0 : i32
      %dma_wait3A_308 = tpu.memref_slice %arg3[%dma_wait3A_306, %dma_wait3A_307] : memref<10000x64xf32, #tpu.memory_space<hbm>> -> memref<10000x64xf32, #tpu.memory_space<hbm>>
      tpu.wait_indirect_dma semaphore(%arg14 : memref<!tpu.dma_semaphore, #tpu.memory_space<semaphore_mem>>) src(%dma_wait3A_308 : memref<10000x64xf32, #tpu.memory_space<hbm>>) dst(%dma_wait3A_302 : memref<100x64xf32, #tpu.memory_space<vmem>>)
      %dma_start3A_309 = arith.constant 2 : i32
      %dma_start3A_310 = arith.constant 0 : i32
      %dma_start3A_311 = arith.constant 0 : i32
      %dma_start3A_312 = tpu.memref_slice %arg9[%dma_start3A_309, %dma_start3A_310, %dma_start3A_311] : memref<4x100x64xf32, #tpu.memory_space<vmem>> -> memref<1x100x64xf32, #tpu.memory_space<vmem>>
      %dma_start3A_313 = tpu.memref_squeeze %dma_start3A_312 : memref<1x100x64xf32, #tpu.memory_space<vmem>> -> memref<100x64xf32, #tpu.memory_space<vmem>>
      %dma_start3A_314 = arith.constant 0 : i32
      %dma_start3A_315 = tpu.memref_slice %arg8[%add3A_297, %dma_start3A_314] : memref<100x100xi32, #tpu.memory_space<vmem>> -> memref<1x100xi32, #tpu.memory_space<vmem>>
      %dma_start3A_316 = tpu.memref_squeeze %dma_start3A_315 : memref<1x100xi32, #tpu.memory_space<vmem>> -> memref<100xi32, #tpu.memory_space<vmem>>
      %dma_start3A_317 = arith.constant 0 : i32
      %dma_start3A_318 = arith.constant 0 : i32
      %dma_start3A_319 = tpu.memref_slice %arg11[%dma_start3A_317, %dma_start3A_318] : memref<10240x64xf32, #tpu.memory_space<vmem_shared>> -> memref<10240x64xf32, #tpu.memory_space<vmem_shared>>
      tpu.enqueue_indirect_dma source(%dma_start3A_313 : memref<100x64xf32, #tpu.memory_space<vmem>>) target(%dma_start3A_319 : memref<10240x64xf32, #tpu.memory_space<vmem_shared>>) offsets(%dma_start3A_316 : memref<100xi32, #tpu.memory_space<vmem>>) semaphore(%arg18 : memref<!tpu.dma_semaphore, #tpu.memory_space<semaphore_mem>>) {add = true}
      %add3A_320 = arith.constant 4 : i32
      %add3A_321 = arith.addi %add3A_297, %add3A_320 : i32
      %lt3A_322 = arith.constant 100 : i32
      %lt3A_323 = arith.cmpi slt, %add3A_321, %lt3A_322 : i32
      %convert_element_type3A_324 = arith.extui %lt3A_323 : i1 to i32
      %cond3A_325 = arith.constant 0 : i32
      %cond3A_326 = arith.cmpi ne, %convert_element_type3A_324, %cond3A_325 : i32
      scf.if %cond3A_326 {
        %dma_wait3A_358 = arith.constant 2 : i32
        %dma_wait3A_359 = arith.constant 0 : i32
        %dma_wait3A_360 = arith.constant 0 : i32
        %dma_wait3A_361 = tpu.memref_slice %arg9[%dma_wait3A_358, %dma_wait3A_359, %dma_wait3A_360] : memref<4x100x64xf32, #tpu.memory_space<vmem>> -> memref<1x100x64xf32, #tpu.memory_space<vmem>>
        %dma_wait3A_362 = tpu.memref_squeeze %dma_wait3A_361 : memref<1x100x64xf32, #tpu.memory_space<vmem>> -> memref<100x64xf32, #tpu.memory_space<vmem>>
        %dma_wait3A_363 = arith.constant 0 : i32
        %dma_wait3A_364 = tpu.memref_slice %arg8[%add3A_297, %dma_wait3A_363] : memref<100x100xi32, #tpu.memory_space<vmem>> -> memref<1x100xi32, #tpu.memory_space<vmem>>
        %dma_wait3A_365 = tpu.memref_squeeze %dma_wait3A_364 : memref<1x100xi32, #tpu.memory_space<vmem>> -> memref<100xi32, #tpu.memory_space<vmem>>
        %dma_wait3A_366 = arith.constant 0 : i32
        %dma_wait3A_367 = arith.constant 0 : i32
        %dma_wait3A_368 = tpu.memref_slice %arg11[%dma_wait3A_366, %dma_wait3A_367] : memref<10240x64xf32, #tpu.memory_space<vmem_shared>> -> memref<10240x64xf32, #tpu.memory_space<vmem_shared>>
        tpu.wait_indirect_dma semaphore(%arg18 : memref<!tpu.dma_semaphore, #tpu.memory_space<semaphore_mem>>) src(%dma_wait3A_362 : memref<100x64xf32, #tpu.memory_space<vmem>>) dst(%dma_wait3A_368 : memref<10240x64xf32, #tpu.memory_space<vmem_shared>>)
        %add3A_369 = arith.constant 4 : i32
        %add3A_370 = arith.addi %add3A_297, %add3A_369 : i32
        %dma_start3A_371 = arith.constant 2 : i32
        %dma_start3A_372 = arith.constant 0 : i32
        %dma_start3A_373 = arith.constant 0 : i32
        %dma_start3A_374 = tpu.memref_slice %arg9[%dma_start3A_371, %dma_start3A_372, %dma_start3A_373] : memref<4x100x64xf32, #tpu.memory_space<vmem>> -> memref<1x100x64xf32, #tpu.memory_space<vmem>>
        %dma_start3A_375 = tpu.memref_squeeze %dma_start3A_374 : memref<1x100x64xf32, #tpu.memory_space<vmem>> -> memref<100x64xf32, #tpu.memory_space<vmem>>
        %dma_start3A_376 = arith.constant 0 : i32
        %dma_start3A_377 = tpu.memref_slice %arg7[%add3A_370, %dma_start3A_376] : memref<100x100xi32, #tpu.memory_space<vmem>> -> memref<1x100xi32, #tpu.memory_space<vmem>>
        %dma_start3A_378 = tpu.memref_squeeze %dma_start3A_377 : memref<1x100xi32, #tpu.memory_space<vmem>> -> memref<100xi32, #tpu.memory_space<vmem>>
        %dma_start3A_379 = arith.constant 0 : i32
        %dma_start3A_380 = arith.constant 0 : i32
        %dma_start3A_381 = tpu.memref_slice %arg3[%dma_start3A_379, %dma_start3A_380] : memref<10000x64xf32, #tpu.memory_space<hbm>> -> memref<10000x64xf32, #tpu.memory_space<hbm>>
        tpu.enqueue_indirect_dma source(%dma_start3A_381 : memref<10000x64xf32, #tpu.memory_space<hbm>>) target(%dma_start3A_375 : memref<100x64xf32, #tpu.memory_space<vmem>>) offsets(%dma_start3A_378 : memref<100xi32, #tpu.memory_space<vmem>>) semaphore(%arg14 : memref<!tpu.dma_semaphore, #tpu.memory_space<semaphore_mem>>)
      } else {
      }
      %add3A_327 = arith.constant 3 : i32
      %add3A_328 = arith.addi %add3A_236, %add3A_327 : i32
      %dma_wait3A_329 = arith.constant 3 : i32
      %dma_wait3A_330 = arith.constant 0 : i32
      %dma_wait3A_331 = arith.constant 0 : i32
      %dma_wait3A_332 = tpu.memref_slice %arg9[%dma_wait3A_329, %dma_wait3A_330, %dma_wait3A_331] : memref<4x100x64xf32, #tpu.memory_space<vmem>> -> memref<1x100x64xf32, #tpu.memory_space<vmem>>
      %dma_wait3A_333 = tpu.memref_squeeze %dma_wait3A_332 : memref<1x100x64xf32, #tpu.memory_space<vmem>> -> memref<100x64xf32, #tpu.memory_space<vmem>>
      %dma_wait3A_334 = arith.constant 0 : i32
      %dma_wait3A_335 = tpu.memref_slice %arg7[%add3A_328, %dma_wait3A_334] : memref<100x100xi32, #tpu.memory_space<vmem>> -> memref<1x100xi32, #tpu.memory_space<vmem>>
      %dma_wait3A_336 = tpu.memref_squeeze %dma_wait3A_335 : memref<1x100xi32, #tpu.memory_space<vmem>> -> memref<100xi32, #tpu.memory_space<vmem>>
      %dma_wait3A_337 = arith.constant 0 : i32
      %dma_wait3A_338 = arith.constant 0 : i32
      %dma_wait3A_339 = tpu.memref_slice %arg3[%dma_wait3A_337, %dma_wait3A_338] : memref<10000x64xf32, #tpu.memory_space<hbm>> -> memref<10000x64xf32, #tpu.memory_space<hbm>>
      tpu.wait_indirect_dma semaphore(%arg15 : memref<!tpu.dma_semaphore, #tpu.memory_space<semaphore_mem>>) src(%dma_wait3A_339 : memref<10000x64xf32, #tpu.memory_space<hbm>>) dst(%dma_wait3A_333 : memref<100x64xf32, #tpu.memory_space<vmem>>)
      %dma_start3A_340 = arith.constant 3 : i32
      %dma_start3A_341 = arith.constant 0 : i32
      %dma_start3A_342 = arith.constant 0 : i32
      %dma_start3A_343 = tpu.memref_slice %arg9[%dma_start3A_340, %dma_start3A_341, %dma_start3A_342] : memref<4x100x64xf32, #tpu.memory_space<vmem>> -> memref<1x100x64xf32, #tpu.memory_space<vmem>>
      %dma_start3A_344 = tpu.memref_squeeze %dma_start3A_343 : memref<1x100x64xf32, #tpu.memory_space<vmem>> -> memref<100x64xf32, #tpu.memory_space<vmem>>
      %dma_start3A_345 = arith.constant 0 : i32
      %dma_start3A_346 = tpu.memref_slice %arg8[%add3A_328, %dma_start3A_345] : memref<100x100xi32, #tpu.memory_space<vmem>> -> memref<1x100xi32, #tpu.memory_space<vmem>>
      %dma_start3A_347 = tpu.memref_squeeze %dma_start3A_346 : memref<1x100xi32, #tpu.memory_space<vmem>> -> memref<100xi32, #tpu.memory_space<vmem>>
      %dma_start3A_348 = arith.constant 0 : i32
      %dma_start3A_349 = arith.constant 0 : i32
      %dma_start3A_350 = tpu.memref_slice %arg11[%dma_start3A_348, %dma_start3A_349] : memref<10240x64xf32, #tpu.memory_space<vmem_shared>> -> memref<10240x64xf32, #tpu.memory_space<vmem_shared>>
      tpu.enqueue_indirect_dma source(%dma_start3A_344 : memref<100x64xf32, #tpu.memory_space<vmem>>) target(%dma_start3A_350 : memref<10240x64xf32, #tpu.memory_space<vmem_shared>>) offsets(%dma_start3A_347 : memref<100xi32, #tpu.memory_space<vmem>>) semaphore(%arg19 : memref<!tpu.dma_semaphore, #tpu.memory_space<semaphore_mem>>) {add = true}
      %add3A_351 = arith.constant 4 : i32
      %add3A_352 = arith.addi %add3A_328, %add3A_351 : i32
      %lt3A_353 = arith.constant 100 : i32
      %lt3A_354 = arith.cmpi slt, %add3A_352, %lt3A_353 : i32
      %convert_element_type3A_355 = arith.extui %lt3A_354 : i1 to i32
      %cond3A_356 = arith.constant 0 : i32
      %cond3A_357 = arith.cmpi ne, %convert_element_type3A_355, %cond3A_356 : i32
      scf.if %cond3A_357 {
        %dma_wait3A_358 = arith.constant 3 : i32
        %dma_wait3A_359 = arith.constant 0 : i32
        %dma_wait3A_360 = arith.constant 0 : i32
        %dma_wait3A_361 = tpu.memref_slice %arg9[%dma_wait3A_358, %dma_wait3A_359, %dma_wait3A_360] : memref<4x100x64xf32, #tpu.memory_space<vmem>> -> memref<1x100x64xf32, #tpu.memory_space<vmem>>
        %dma_wait3A_362 = tpu.memref_squeeze %dma_wait3A_361 : memref<1x100x64xf32, #tpu.memory_space<vmem>> -> memref<100x64xf32, #tpu.memory_space<vmem>>
        %dma_wait3A_363 = arith.constant 0 : i32
        %dma_wait3A_364 = tpu.memref_slice %arg8[%add3A_328, %dma_wait3A_363] : memref<100x100xi32, #tpu.memory_space<vmem>> -> memref<1x100xi32, #tpu.memory_space<vmem>>
        %dma_wait3A_365 = tpu.memref_squeeze %dma_wait3A_364 : memref<1x100xi32, #tpu.memory_space<vmem>> -> memref<100xi32, #tpu.memory_space<vmem>>
        %dma_wait3A_366 = arith.constant 0 : i32
        %dma_wait3A_367 = arith.constant 0 : i32
        %dma_wait3A_368 = tpu.memref_slice %arg11[%dma_wait3A_366, %dma_wait3A_367] : memref<10240x64xf32, #tpu.memory_space<vmem_shared>> -> memref<10240x64xf32, #tpu.memory_space<vmem_shared>>
        tpu.wait_indirect_dma semaphore(%arg19 : memref<!tpu.dma_semaphore, #tpu.memory_space<semaphore_mem>>) src(%dma_wait3A_362 : memref<100x64xf32, #tpu.memory_space<vmem>>) dst(%dma_wait3A_368 : memref<10240x64xf32, #tpu.memory_space<vmem_shared>>)
        %add3A_369 = arith.constant 4 : i32
        %add3A_370 = arith.addi %add3A_328, %add3A_369 : i32
        %dma_start3A_371 = arith.constant 3 : i32
        %dma_start3A_372 = arith.constant 0 : i32
        %dma_start3A_373 = arith.constant 0 : i32
        %dma_start3A_374 = tpu.memref_slice %arg9[%dma_start3A_371, %dma_start3A_372, %dma_start3A_373] : memref<4x100x64xf32, #tpu.memory_space<vmem>> -> memref<1x100x64xf32, #tpu.memory_space<vmem>>
        %dma_start3A_375 = tpu.memref_squeeze %dma_start3A_374 : memref<1x100x64xf32, #tpu.memory_space<vmem>> -> memref<100x64xf32, #tpu.memory_space<vmem>>
        %dma_start3A_376 = arith.constant 0 : i32
        %dma_start3A_377 = tpu.memref_slice %arg7[%add3A_370, %dma_start3A_376] : memref<100x100xi32, #tpu.memory_space<vmem>> -> memref<1x100xi32, #tpu.memory_space<vmem>>
        %dma_start3A_378 = tpu.memref_squeeze %dma_start3A_377 : memref<1x100xi32, #tpu.memory_space<vmem>> -> memref<100xi32, #tpu.memory_space<vmem>>
        %dma_start3A_379 = arith.constant 0 : i32
        %dma_start3A_380 = arith.constant 0 : i32
        %dma_start3A_381 = tpu.memref_slice %arg3[%dma_start3A_379, %dma_start3A_380] : memref<10000x64xf32, #tpu.memory_space<hbm>> -> memref<10000x64xf32, #tpu.memory_space<hbm>>
        tpu.enqueue_indirect_dma source(%dma_start3A_381 : memref<10000x64xf32, #tpu.memory_space<hbm>>) target(%dma_start3A_375 : memref<100x64xf32, #tpu.memory_space<vmem>>) offsets(%dma_start3A_378 : memref<100xi32, #tpu.memory_space<vmem>>) semaphore(%arg15 : memref<!tpu.dma_semaphore, #tpu.memory_space<semaphore_mem>>)
      } else {
      }
    }
    %scan3A_181 = arith.constant 25 : i32
    %dma_wait3A_182 = arith.constant 0 : i32
    %dma_wait3A_183 = arith.constant 0 : i32
    %dma_wait3A_184 = arith.constant 0 : i32
    %dma_wait3A_185 = arith.constant 0 : i32
    %dma_wait3A_186 = tpu.memref_slice %arg9[%dma_wait3A_182, %dma_wait3A_184, %dma_wait3A_185] : memref<4x100x64xf32, #tpu.memory_space<vmem>> -> memref<1x100x64xf32, #tpu.memory_space<vmem>>
    %dma_wait3A_187 = tpu.memref_squeeze %dma_wait3A_186 : memref<1x100x64xf32, #tpu.memory_space<vmem>> -> memref<100x64xf32, #tpu.memory_space<vmem>>
    %dma_wait3A_188 = arith.constant 0 : i32
    %dma_wait3A_189 = tpu.memref_slice %arg8[%dma_wait3A_183, %dma_wait3A_188] : memref<100x100xi32, #tpu.memory_space<vmem>> -> memref<1x100xi32, #tpu.memory_space<vmem>>
    %dma_wait3A_190 = tpu.memref_squeeze %dma_wait3A_189 : memref<1x100xi32, #tpu.memory_space<vmem>> -> memref<100xi32, #tpu.memory_space<vmem>>
    %dma_wait3A_191 = arith.constant 0 : i32
    %dma_wait3A_192 = arith.constant 0 : i32
    %dma_wait3A_193 = tpu.memref_slice %arg11[%dma_wait3A_191, %dma_wait3A_192] : memref<10240x64xf32, #tpu.memory_space<vmem_shared>> -> memref<10240x64xf32, #tpu.memory_space<vmem_shared>>
    tpu.wait_indirect_dma semaphore(%arg16 : memref<!tpu.dma_semaphore, #tpu.memory_space<semaphore_mem>>) src(%dma_wait3A_187 : memref<100x64xf32, #tpu.memory_space<vmem>>) dst(%dma_wait3A_193 : memref<10240x64xf32, #tpu.memory_space<vmem_shared>>)
    %dma_wait3A_194 = arith.constant 1 : i32
    %dma_wait3A_195 = arith.constant 0 : i32
    %dma_wait3A_196 = arith.constant 0 : i32
    %dma_wait3A_197 = arith.constant 0 : i32
    %dma_wait3A_198 = tpu.memref_slice %arg9[%dma_wait3A_194, %dma_wait3A_196, %dma_wait3A_197] : memref<4x100x64xf32, #tpu.memory_space<vmem>> -> memref<1x100x64xf32, #tpu.memory_space<vmem>>
    %dma_wait3A_199 = tpu.memref_squeeze %dma_wait3A_198 : memref<1x100x64xf32, #tpu.memory_space<vmem>> -> memref<100x64xf32, #tpu.memory_space<vmem>>
    %dma_wait3A_200 = arith.constant 0 : i32
    %dma_wait3A_201 = tpu.memref_slice %arg8[%dma_wait3A_195, %dma_wait3A_200] : memref<100x100xi32, #tpu.memory_space<vmem>> -> memref<1x100xi32, #tpu.memory_space<vmem>>
    %dma_wait3A_202 = tpu.memref_squeeze %dma_wait3A_201 : memref<1x100xi32, #tpu.memory_space<vmem>> -> memref<100xi32, #tpu.memory_space<vmem>>
    %dma_wait3A_203 = arith.constant 0 : i32
    %dma_wait3A_204 = arith.constant 0 : i32
    %dma_wait3A_205 = tpu.memref_slice %arg11[%dma_wait3A_203, %dma_wait3A_204] : memref<10240x64xf32, #tpu.memory_space<vmem_shared>> -> memref<10240x64xf32, #tpu.memory_space<vmem_shared>>
    tpu.wait_indirect_dma semaphore(%arg17 : memref<!tpu.dma_semaphore, #tpu.memory_space<semaphore_mem>>) src(%dma_wait3A_199 : memref<100x64xf32, #tpu.memory_space<vmem>>) dst(%dma_wait3A_205 : memref<10240x64xf32, #tpu.memory_space<vmem_shared>>)
    %dma_wait3A_206 = arith.constant 2 : i32
    %dma_wait3A_207 = arith.constant 0 : i32
    %dma_wait3A_208 = arith.constant 0 : i32
    %dma_wait3A_209 = arith.constant 0 : i32
    %dma_wait3A_210 = tpu.memref_slice %arg9[%dma_wait3A_206, %dma_wait3A_208, %dma_wait3A_209] : memref<4x100x64xf32, #tpu.memory_space<vmem>> -> memref<1x100x64xf32, #tpu.memory_space<vmem>>
    %dma_wait3A_211 = tpu.memref_squeeze %dma_wait3A_210 : memref<1x100x64xf32, #tpu.memory_space<vmem>> -> memref<100x64xf32, #tpu.memory_space<vmem>>
    %dma_wait3A_212 = arith.constant 0 : i32
    %dma_wait3A_213 = tpu.memref_slice %arg8[%dma_wait3A_207, %dma_wait3A_212] : memref<100x100xi32, #tpu.memory_space<vmem>> -> memref<1x100xi32, #tpu.memory_space<vmem>>
    %dma_wait3A_214 = tpu.memref_squeeze %dma_wait3A_213 : memref<1x100xi32, #tpu.memory_space<vmem>> -> memref<100xi32, #tpu.memory_space<vmem>>
    %dma_wait3A_215 = arith.constant 0 : i32
    %dma_wait3A_216 = arith.constant 0 : i32
    %dma_wait3A_217 = tpu.memref_slice %arg11[%dma_wait3A_215, %dma_wait3A_216] : memref<10240x64xf32, #tpu.memory_space<vmem_shared>> -> memref<10240x64xf32, #tpu.memory_space<vmem_shared>>
    tpu.wait_indirect_dma semaphore(%arg18 : memref<!tpu.dma_semaphore, #tpu.memory_space<semaphore_mem>>) src(%dma_wait3A_211 : memref<100x64xf32, #tpu.memory_space<vmem>>) dst(%dma_wait3A_217 : memref<10240x64xf32, #tpu.memory_space<vmem_shared>>)
    %dma_wait3A_218 = arith.constant 3 : i32
    %dma_wait3A_219 = arith.constant 0 : i32
    %dma_wait3A_220 = arith.constant 0 : i32
    %dma_wait3A_221 = arith.constant 0 : i32
    %dma_wait3A_222 = tpu.memref_slice %arg9[%dma_wait3A_218, %dma_wait3A_220, %dma_wait3A_221] : memref<4x100x64xf32, #tpu.memory_space<vmem>> -> memref<1x100x64xf32, #tpu.memory_space<vmem>>
    %dma_wait3A_223 = tpu.memref_squeeze %dma_wait3A_222 : memref<1x100x64xf32, #tpu.memory_space<vmem>> -> memref<100x64xf32, #tpu.memory_space<vmem>>
    %dma_wait3A_224 = arith.constant 0 : i32
    %dma_wait3A_225 = tpu.memref_slice %arg8[%dma_wait3A_219, %dma_wait3A_224] : memref<100x100xi32, #tpu.memory_space<vmem>> -> memref<1x100xi32, #tpu.memory_space<vmem>>
    %dma_wait3A_226 = tpu.memref_squeeze %dma_wait3A_225 : memref<1x100xi32, #tpu.memory_space<vmem>> -> memref<100xi32, #tpu.memory_space<vmem>>
    %dma_wait3A_227 = arith.constant 0 : i32
    %dma_wait3A_228 = arith.constant 0 : i32
    %dma_wait3A_229 = tpu.memref_slice %arg11[%dma_wait3A_227, %dma_wait3A_228] : memref<10240x64xf32, #tpu.memory_space<vmem_shared>> -> memref<10240x64xf32, #tpu.memory_space<vmem_shared>>
    tpu.wait_indirect_dma semaphore(%arg19 : memref<!tpu.dma_semaphore, #tpu.memory_space<semaphore_mem>>) src(%dma_wait3A_223 : memref<100x64xf32, #tpu.memory_space<vmem>>) dst(%dma_wait3A_229 : memref<10240x64xf32, #tpu.memory_space<vmem_shared>>)
    %barrier3A_230 = arith.constant 0 : index
    tpu.barrier barrier_id(%barrier3A_230)
    %run_scoped3A_231 = arith.constant 1 : i32
    "tpu.region"() ({
      %run_scoped3A_232 = tpu.sem_alloc : memref<!tpu.dma_semaphore, #tpu.memory_space<semaphore_mem>>
      %dma_start3A_233 = arith.constant 0 : i32
      %dma_start3A_234 = tpu.memref_slice %arg6[%run_scoped3A_231, %arg0, %mul3A_7, %dma_start3A_233] : memref<2x2x10240x64xf32, #tpu.memory_space<hbm>> -> memref<1x1x640x64xf32, #tpu.memory_space<hbm>>
      %dma_start3A_235 = tpu.memref_squeeze %dma_start3A_234 : memref<1x1x640x64xf32, #tpu.memory_space<hbm>> -> memref<640x64xf32, #tpu.memory_space<hbm>>
      %dma_start3A_236 = arith.constant 0 : i32
      %dma_start3A_237 = tpu.memref_slice %arg11[%mul3A_7, %dma_start3A_236] : memref<10240x64xf32, #tpu.memory_space<vmem_shared>> -> memref<640x64xf32, #tpu.memory_space<vmem_shared>>
      tpu.enqueue_dma source(%dma_start3A_237 : memref<640x64xf32, #tpu.memory_space<vmem_shared>>) target(%dma_start3A_235 : memref<640x64xf32, #tpu.memory_space<hbm>>) target_semaphore(%run_scoped3A_232 : memref<!tpu.dma_semaphore, #tpu.memory_space<semaphore_mem>>)
      %dma_wait3A_238 = arith.constant 0 : i32
      %dma_wait3A_239 = tpu.memref_slice %arg6[%run_scoped3A_231, %arg0, %mul3A_7, %dma_wait3A_238] : memref<2x2x10240x64xf32, #tpu.memory_space<hbm>> -> memref<1x1x640x64xf32, #tpu.memory_space<hbm>>
      %dma_wait3A_240 = tpu.memref_squeeze %dma_wait3A_239 : memref<1x1x640x64xf32, #tpu.memory_space<hbm>> -> memref<640x64xf32, #tpu.memory_space<hbm>>
      %dma_wait3A_241 = arith.constant 0 : i32
      %dma_wait3A_242 = tpu.memref_slice %arg11[%mul3A_7, %dma_wait3A_241] : memref<10240x64xf32, #tpu.memory_space<vmem_shared>> -> memref<640x64xf32, #tpu.memory_space<vmem_shared>>
      tpu.wait_dma2 semaphore(%run_scoped3A_232 : memref<!tpu.dma_semaphore, #tpu.memory_space<semaphore_mem>>) src(%dma_wait3A_242 : memref<640x64xf32, #tpu.memory_space<vmem_shared>>) dst(%dma_wait3A_240 : memref<640x64xf32, #tpu.memory_space<hbm>>)
      tpu.yield
    }) : () -> ()
    return
  }
}

#map = affine_map<(d0, d1) -> (0, 0, 0)>
module attributes {stable_mosaic.version = 14 : i64} {
  func.func @kfn(%arg0: i32, %arg1: i32, %arg2: memref<32x100x100xi32, #tpu.memory_space<hbm>>, %arg3: memref<2x10240x16xf32, #tpu.memory_space<hbm>>, %arg4: memref<100x100xi32, #tpu.memory_space<vmem>>, %arg5: memref<100x16xf32, #tpu.memory_space<vmem>>, %arg6: memref<128x16xf32, #tpu.memory_space<vmem>>, %arg7: memref<10240x16xf32, #tpu.memory_space<vmem_shared>>) attributes {dimension_semantics = [#tpu.dimension_semantics<core_parallel>, #tpu.dimension_semantics<subcore_parallel>], iteration_bounds = array<i64: 2, 16>, scalar_prefetch = 0 : i64, scratch_operands = 4 : i64, tpu.core_type = #tpu.core_type<sc_vector_subcore>, window_params = [{transform_indices = #map}, {transform_indices = #map}]} {
    %mul3A = arith.constant 16 : i32
    %mul3A_0 = arith.muli %arg0, %mul3A : i32
    %add3A = arith.addi %mul3A_0, %arg1 : i32
    %broadcast_in_dim3A = arith.constant 1.000000e+00 : f32
    %broadcast_in_dim3A_1 = vector.broadcast %broadcast_in_dim3A : f32 to vector<16xf32>
    %broadcast_in_dim3A_2 = arith.constant 0.000000e+00 : f32
    %broadcast_in_dim3A_3 = vector.broadcast %broadcast_in_dim3A_2 : f32 to vector<16xf32>
    %scan3A = arith.constant 0 : i32
    %scan3A_4 = arith.constant 100 : i32
    %scan3A_5 = arith.addi %scan3A, %scan3A_4 : i32
    %scan3A_6 = arith.constant 1 : i32
    scf.for %scan3A_31 = %scan3A to %scan3A_5 step %scan3A_6  : i32 {
      %mul3A_32 = arith.constant 1 : i32
      %mul3A_33 = arith.muli %scan3A_31, %mul3A_32 : i32
      %add3A_34 = arith.constant 0 : i32
      %add3A_35 = arith.addi %add3A_34, %mul3A_33 : i32
      %swap3A = arith.index_cast %add3A_35 : i32 to index
      %swap3A_36 = arith.constant 0 : index
      %swap3A_37 = tpu.vector_load %arg5[%swap3A, %swap3A_36] {strides = array<i32>} : memref<100x16xf32, #tpu.memory_space<vmem>>, vector<1x16xf32>,
      %swap3A_38 = vector.shape_cast %swap3A_37 : vector<1x16xf32> to vector<16xf32>
      %swap3A_39 = vector.shape_cast %broadcast_in_dim3A_1 : vector<16xf32> to vector<1x16xf32>
      tpu.vector_store %arg5[%swap3A, %swap3A_36], %swap3A_39 {strides = array<i32>} : memref<100x16xf32, #tpu.memory_space<vmem>>, vector<1x16xf32>,
    }
    %scan3A_7 = arith.constant 100 : i32
    %scan3A_8 = arith.constant 0 : i32
    %scan3A_9 = arith.constant 128 : i32
    %scan3A_10 = arith.addi %scan3A_8, %scan3A_9 : i32
    %scan3A_11 = arith.constant 1 : i32
    scf.for %scan3A_31 = %scan3A_8 to %scan3A_10 step %scan3A_11  : i32 {
      %mul3A_32 = arith.constant 1 : i32
      %mul3A_33 = arith.muli %scan3A_31, %mul3A_32 : i32
      %add3A_34 = arith.constant 0 : i32
      %add3A_35 = arith.addi %add3A_34, %mul3A_33 : i32
      %swap3A = arith.index_cast %add3A_35 : i32 to index
      %swap3A_36 = arith.constant 0 : index
      %swap3A_37 = tpu.vector_load %arg6[%swap3A, %swap3A_36] {strides = array<i32>} : memref<128x16xf32, #tpu.memory_space<vmem>>, vector<1x16xf32>,
      %swap3A_38 = vector.shape_cast %swap3A_37 : vector<1x16xf32> to vector<16xf32>
      %swap3A_39 = vector.shape_cast %broadcast_in_dim3A_3 : vector<16xf32> to vector<1x16xf32>
      tpu.vector_store %arg6[%swap3A, %swap3A_36], %swap3A_39 {strides = array<i32>} : memref<128x16xf32, #tpu.memory_space<vmem>>, vector<1x16xf32>,
    }
    %scan3A_12 = arith.constant 128 : i32
    %mul3A_13 = arith.constant 640 : i32
    %mul3A_14 = arith.muli %arg1, %mul3A_13 : i32
    %add3A_15 = arith.constant 0 : i32
    %add3A_16 = arith.addi %mul3A_14, %add3A_15 : i32
    "tpu.region"() ({
      %run_scoped3A = tpu.sem_alloc : memref<!tpu.dma_semaphore, #tpu.memory_space<semaphore_mem>>
      %dma_start3A = arith.constant 0 : i32
      %dma_start3A_31 = tpu.memref_slice %arg7[%add3A_16, %dma_start3A] : memref<10240x16xf32, #tpu.memory_space<vmem_shared>> -> memref<128x16xf32, #tpu.memory_space<vmem_shared>>
      %dma_start3A_32 = arith.constant 0 : i32
      %dma_start3A_33 = tpu.memref_slice %arg7[%add3A_16, %dma_start3A_32] : memref<10240x16xf32, #tpu.memory_space<vmem_shared>> -> memref<128x16xf32, #tpu.memory_space<vmem_shared>>
      tpu.enqueue_dma source(%arg6 : memref<128x16xf32, #tpu.memory_space<vmem>>) target(%dma_start3A_33 : memref<128x16xf32, #tpu.memory_space<vmem_shared>>) target_semaphore(%run_scoped3A : memref<!tpu.dma_semaphore, #tpu.memory_space<semaphore_mem>>)
      %dma_wait3A = arith.constant 0 : i32
      %dma_wait3A_34 = tpu.memref_slice %arg7[%add3A_16, %dma_wait3A] : memref<10240x16xf32, #tpu.memory_space<vmem_shared>> -> memref<128x16xf32, #tpu.memory_space<vmem_shared>>
      %dma_wait3A_35 = arith.constant 0 : i32
      %dma_wait3A_36 = tpu.memref_slice %arg7[%add3A_16, %dma_wait3A_35] : memref<10240x16xf32, #tpu.memory_space<vmem_shared>> -> memref<128x16xf32, #tpu.memory_space<vmem_shared>>
      tpu.wait_dma2 semaphore(%run_scoped3A : memref<!tpu.dma_semaphore, #tpu.memory_space<semaphore_mem>>) src(%arg6 : memref<128x16xf32, #tpu.memory_space<vmem>>) dst(%dma_wait3A_36 : memref<128x16xf32, #tpu.memory_space<vmem_shared>>)
      tpu.yield
    }) : () -> ()
    %add3A_17 = arith.constant 128 : i32
    %add3A_18 = arith.addi %mul3A_14, %add3A_17 : i32
    "tpu.region"() ({
      %run_scoped3A = tpu.sem_alloc : memref<!tpu.dma_semaphore, #tpu.memory_space<semaphore_mem>>
      %dma_start3A = arith.constant 0 : i32
      %dma_start3A_31 = tpu.memref_slice %arg7[%add3A_18, %dma_start3A] : memref<10240x16xf32, #tpu.memory_space<vmem_shared>> -> memref<128x16xf32, #tpu.memory_space<vmem_shared>>
      %dma_start3A_32 = arith.constant 0 : i32
      %dma_start3A_33 = tpu.memref_slice %arg7[%add3A_18, %dma_start3A_32] : memref<10240x16xf32, #tpu.memory_space<vmem_shared>> -> memref<128x16xf32, #tpu.memory_space<vmem_shared>>
      tpu.enqueue_dma source(%arg6 : memref<128x16xf32, #tpu.memory_space<vmem>>) target(%dma_start3A_33 : memref<128x16xf32, #tpu.memory_space<vmem_shared>>) target_semaphore(%run_scoped3A : memref<!tpu.dma_semaphore, #tpu.memory_space<semaphore_mem>>)
      %dma_wait3A = arith.constant 0 : i32
      %dma_wait3A_34 = tpu.memref_slice %arg7[%add3A_18, %dma_wait3A] : memref<10240x16xf32, #tpu.memory_space<vmem_shared>> -> memref<128x16xf32, #tpu.memory_space<vmem_shared>>
      %dma_wait3A_35 = arith.constant 0 : i32
      %dma_wait3A_36 = tpu.memref_slice %arg7[%add3A_18, %dma_wait3A_35] : memref<10240x16xf32, #tpu.memory_space<vmem_shared>> -> memref<128x16xf32, #tpu.memory_space<vmem_shared>>
      tpu.wait_dma2 semaphore(%run_scoped3A : memref<!tpu.dma_semaphore, #tpu.memory_space<semaphore_mem>>) src(%arg6 : memref<128x16xf32, #tpu.memory_space<vmem>>) dst(%dma_wait3A_36 : memref<128x16xf32, #tpu.memory_space<vmem_shared>>)
      tpu.yield
    }) : () -> ()
    %add3A_19 = arith.constant 256 : i32
    %add3A_20 = arith.addi %mul3A_14, %add3A_19 : i32
    "tpu.region"() ({
      %run_scoped3A = tpu.sem_alloc : memref<!tpu.dma_semaphore, #tpu.memory_space<semaphore_mem>>
      %dma_start3A = arith.constant 0 : i32
      %dma_start3A_31 = tpu.memref_slice %arg7[%add3A_20, %dma_start3A] : memref<10240x16xf32, #tpu.memory_space<vmem_shared>> -> memref<128x16xf32, #tpu.memory_space<vmem_shared>>
      %dma_start3A_32 = arith.constant 0 : i32
      %dma_start3A_33 = tpu.memref_slice %arg7[%add3A_20, %dma_start3A_32] : memref<10240x16xf32, #tpu.memory_space<vmem_shared>> -> memref<128x16xf32, #tpu.memory_space<vmem_shared>>
      tpu.enqueue_dma source(%arg6 : memref<128x16xf32, #tpu.memory_space<vmem>>) target(%dma_start3A_33 : memref<128x16xf32, #tpu.memory_space<vmem_shared>>) target_semaphore(%run_scoped3A : memref<!tpu.dma_semaphore, #tpu.memory_space<semaphore_mem>>)
      %dma_wait3A = arith.constant 0 : i32
      %dma_wait3A_34 = tpu.memref_slice %arg7[%add3A_20, %dma_wait3A] : memref<10240x16xf32, #tpu.memory_space<vmem_shared>> -> memref<128x16xf32, #tpu.memory_space<vmem_shared>>
      %dma_wait3A_35 = arith.constant 0 : i32
      %dma_wait3A_36 = tpu.memref_slice %arg7[%add3A_20, %dma_wait3A_35] : memref<10240x16xf32, #tpu.memory_space<vmem_shared>> -> memref<128x16xf32, #tpu.memory_space<vmem_shared>>
      tpu.wait_dma2 semaphore(%run_scoped3A : memref<!tpu.dma_semaphore, #tpu.memory_space<semaphore_mem>>) src(%arg6 : memref<128x16xf32, #tpu.memory_space<vmem>>) dst(%dma_wait3A_36 : memref<128x16xf32, #tpu.memory_space<vmem_shared>>)
      tpu.yield
    }) : () -> ()
    %add3A_21 = arith.constant 384 : i32
    %add3A_22 = arith.addi %mul3A_14, %add3A_21 : i32
    "tpu.region"() ({
      %run_scoped3A = tpu.sem_alloc : memref<!tpu.dma_semaphore, #tpu.memory_space<semaphore_mem>>
      %dma_start3A = arith.constant 0 : i32
      %dma_start3A_31 = tpu.memref_slice %arg7[%add3A_22, %dma_start3A] : memref<10240x16xf32, #tpu.memory_space<vmem_shared>> -> memref<128x16xf32, #tpu.memory_space<vmem_shared>>
      %dma_start3A_32 = arith.constant 0 : i32
      %dma_start3A_33 = tpu.memref_slice %arg7[%add3A_22, %dma_start3A_32] : memref<10240x16xf32, #tpu.memory_space<vmem_shared>> -> memref<128x16xf32, #tpu.memory_space<vmem_shared>>
      tpu.enqueue_dma source(%arg6 : memref<128x16xf32, #tpu.memory_space<vmem>>) target(%dma_start3A_33 : memref<128x16xf32, #tpu.memory_space<vmem_shared>>) target_semaphore(%run_scoped3A : memref<!tpu.dma_semaphore, #tpu.memory_space<semaphore_mem>>)
      %dma_wait3A = arith.constant 0 : i32
      %dma_wait3A_34 = tpu.memref_slice %arg7[%add3A_22, %dma_wait3A] : memref<10240x16xf32, #tpu.memory_space<vmem_shared>> -> memref<128x16xf32, #tpu.memory_space<vmem_shared>>
      %dma_wait3A_35 = arith.constant 0 : i32
      %dma_wait3A_36 = tpu.memref_slice %arg7[%add3A_22, %dma_wait3A_35] : memref<10240x16xf32, #tpu.memory_space<vmem_shared>> -> memref<128x16xf32, #tpu.memory_space<vmem_shared>>
      tpu.wait_dma2 semaphore(%run_scoped3A : memref<!tpu.dma_semaphore, #tpu.memory_space<semaphore_mem>>) src(%arg6 : memref<128x16xf32, #tpu.memory_space<vmem>>) dst(%dma_wait3A_36 : memref<128x16xf32, #tpu.memory_space<vmem_shared>>)
      tpu.yield
    }) : () -> ()
    %add3A_23 = arith.constant 512 : i32
    %add3A_24 = arith.addi %mul3A_14, %add3A_23 : i32
    "tpu.region"() ({
      %run_scoped3A = tpu.sem_alloc : memref<!tpu.dma_semaphore, #tpu.memory_space<semaphore_mem>>
      %dma_start3A = arith.constant 0 : i32
      %dma_start3A_31 = tpu.memref_slice %arg7[%add3A_24, %dma_start3A] : memref<10240x16xf32, #tpu.memory_space<vmem_shared>> -> memref<128x16xf32, #tpu.memory_space<vmem_shared>>
      %dma_start3A_32 = arith.constant 0 : i32
      %dma_start3A_33 = tpu.memref_slice %arg7[%add3A_24, %dma_start3A_32] : memref<10240x16xf32, #tpu.memory_space<vmem_shared>> -> memref<128x16xf32, #tpu.memory_space<vmem_shared>>
      tpu.enqueue_dma source(%arg6 : memref<128x16xf32, #tpu.memory_space<vmem>>) target(%dma_start3A_33 : memref<128x16xf32, #tpu.memory_space<vmem_shared>>) target_semaphore(%run_scoped3A : memref<!tpu.dma_semaphore, #tpu.memory_space<semaphore_mem>>)
      %dma_wait3A = arith.constant 0 : i32
      %dma_wait3A_34 = tpu.memref_slice %arg7[%add3A_24, %dma_wait3A] : memref<10240x16xf32, #tpu.memory_space<vmem_shared>> -> memref<128x16xf32, #tpu.memory_space<vmem_shared>>
      %dma_wait3A_35 = arith.constant 0 : i32
      %dma_wait3A_36 = tpu.memref_slice %arg7[%add3A_24, %dma_wait3A_35] : memref<10240x16xf32, #tpu.memory_space<vmem_shared>> -> memref<128x16xf32, #tpu.memory_space<vmem_shared>>
      tpu.wait_dma2 semaphore(%run_scoped3A : memref<!tpu.dma_semaphore, #tpu.memory_space<semaphore_mem>>) src(%arg6 : memref<128x16xf32, #tpu.memory_space<vmem>>) dst(%dma_wait3A_36 : memref<128x16xf32, #tpu.memory_space<vmem_shared>>)
      tpu.yield
    }) : () -> ()
    %barrier3A = arith.constant 0 : index
    tpu.barrier barrier_id(%barrier3A)
    "tpu.region"() ({
      %run_scoped3A = tpu.sem_alloc : memref<!tpu.dma_semaphore, #tpu.memory_space<semaphore_mem>>
      %dma_start3A = arith.constant 0 : i32
      %dma_start3A_31 = arith.constant 0 : i32
      %dma_start3A_32 = tpu.memref_slice %arg2[%add3A, %dma_start3A, %dma_start3A_31] : memref<32x100x100xi32, #tpu.memory_space<hbm>> -> memref<1x100x100xi32, #tpu.memory_space<hbm>>
      %dma_start3A_33 = tpu.memref_squeeze %dma_start3A_32 : memref<1x100x100xi32, #tpu.memory_space<hbm>> -> memref<100x100xi32, #tpu.memory_space<hbm>>
      %dma_start3A_34 = arith.constant 0 : i32
      %dma_start3A_35 = arith.constant 0 : i32
      %dma_start3A_36 = tpu.memref_slice %arg2[%add3A, %dma_start3A_34, %dma_start3A_35] : memref<32x100x100xi32, #tpu.memory_space<hbm>> -> memref<1x100x100xi32, #tpu.memory_space<hbm>>
      %dma_start3A_37 = tpu.memref_squeeze %dma_start3A_36 : memref<1x100x100xi32, #tpu.memory_space<hbm>> -> memref<100x100xi32, #tpu.memory_space<hbm>>
      tpu.enqueue_dma source(%dma_start3A_37 : memref<100x100xi32, #tpu.memory_space<hbm>>) target(%arg4 : memref<100x100xi32, #tpu.memory_space<vmem>>) target_semaphore(%run_scoped3A : memref<!tpu.dma_semaphore, #tpu.memory_space<semaphore_mem>>)
      %dma_wait3A = arith.constant 0 : i32
      %dma_wait3A_38 = arith.constant 0 : i32
      %dma_wait3A_39 = tpu.memref_slice %arg2[%add3A, %dma_wait3A, %dma_wait3A_38] : memref<32x100x100xi32, #tpu.memory_space<hbm>> -> memref<1x100x100xi32, #tpu.memory_space<hbm>>
      %dma_wait3A_40 = tpu.memref_squeeze %dma_wait3A_39 : memref<1x100x100xi32, #tpu.memory_space<hbm>> -> memref<100x100xi32, #tpu.memory_space<hbm>>
      %dma_wait3A_41 = arith.constant 0 : i32
      %dma_wait3A_42 = arith.constant 0 : i32
      %dma_wait3A_43 = tpu.memref_slice %arg2[%add3A, %dma_wait3A_41, %dma_wait3A_42] : memref<32x100x100xi32, #tpu.memory_space<hbm>> -> memref<1x100x100xi32, #tpu.memory_space<hbm>>
      %dma_wait3A_44 = tpu.memref_squeeze %dma_wait3A_43 : memref<1x100x100xi32, #tpu.memory_space<hbm>> -> memref<100x100xi32, #tpu.memory_space<hbm>>
      tpu.wait_dma2 semaphore(%run_scoped3A : memref<!tpu.dma_semaphore, #tpu.memory_space<semaphore_mem>>) src(%dma_wait3A_44 : memref<100x100xi32, #tpu.memory_space<hbm>>) dst(%arg4 : memref<100x100xi32, #tpu.memory_space<vmem>>)
      tpu.yield
    }) : () -> ()
    %scan3A_25 = arith.constant 0 : i32
    %scan3A_26 = arith.constant 100 : i32
    %scan3A_27 = arith.addi %scan3A_25, %scan3A_26 : i32
    %scan3A_28 = arith.constant 1 : i32
    scf.for %scan3A_31 = %scan3A_25 to %scan3A_27 step %scan3A_28  : i32 {
      %mul3A_32 = arith.constant 1 : i32
      %mul3A_33 = arith.muli %scan3A_31, %mul3A_32 : i32
      %add3A_34 = arith.constant 0 : i32
      %add3A_35 = arith.addi %add3A_34, %mul3A_33 : i32
      "tpu.region"() ({
        %run_scoped3A = tpu.sem_alloc : memref<!tpu.dma_semaphore, #tpu.memory_space<semaphore_mem>>
        %dma_start3A = arith.constant 0 : i32
        %dma_start3A_36 = tpu.memref_slice %arg4[%add3A_35, %dma_start3A] : memref<100x100xi32, #tpu.memory_space<vmem>> -> memref<1x100xi32, #tpu.memory_space<vmem>>
        %dma_start3A_37 = tpu.memref_squeeze %dma_start3A_36 : memref<1x100xi32, #tpu.memory_space<vmem>> -> memref<100xi32, #tpu.memory_space<vmem>>
        %dma_start3A_38 = arith.constant 0 : i32
        %dma_start3A_39 = arith.constant 0 : i32
        %dma_start3A_40 = tpu.memref_slice %arg7[%dma_start3A_38, %dma_start3A_39] : memref<10240x16xf32, #tpu.memory_space<vmem_shared>> -> memref<10240x16xf32, #tpu.memory_space<vmem_shared>>
        tpu.enqueue_indirect_dma source(%arg5 : memref<100x16xf32, #tpu.memory_space<vmem>>) target(%dma_start3A_40 : memref<10240x16xf32, #tpu.memory_space<vmem_shared>>) offsets(%dma_start3A_37 : memref<100xi32, #tpu.memory_space<vmem>>) semaphore(%run_scoped3A : memref<!tpu.dma_semaphore, #tpu.memory_space<semaphore_mem>>) {add = true}
        %dma_wait3A = arith.constant 0 : i32
        %dma_wait3A_41 = tpu.memref_slice %arg4[%add3A_35, %dma_wait3A] : memref<100x100xi32, #tpu.memory_space<vmem>> -> memref<1x100xi32, #tpu.memory_space<vmem>>
        %dma_wait3A_42 = tpu.memref_squeeze %dma_wait3A_41 : memref<1x100xi32, #tpu.memory_space<vmem>> -> memref<100xi32, #tpu.memory_space<vmem>>
        %dma_wait3A_43 = arith.constant 0 : i32
        %dma_wait3A_44 = arith.constant 0 : i32
        %dma_wait3A_45 = tpu.memref_slice %arg7[%dma_wait3A_43, %dma_wait3A_44] : memref<10240x16xf32, #tpu.memory_space<vmem_shared>> -> memref<10240x16xf32, #tpu.memory_space<vmem_shared>>
        tpu.wait_indirect_dma semaphore(%run_scoped3A : memref<!tpu.dma_semaphore, #tpu.memory_space<semaphore_mem>>) src(%arg5 : memref<100x16xf32, #tpu.memory_space<vmem>>) dst(%dma_wait3A_45 : memref<10240x16xf32, #tpu.memory_space<vmem_shared>>)
        tpu.yield
      }) : () -> ()
    }
    %scan3A_29 = arith.constant 100 : i32
    %barrier3A_30 = arith.constant 0 : index
    tpu.barrier barrier_id(%barrier3A_30)
    "tpu.region"() ({
      %run_scoped3A = tpu.sem_alloc : memref<!tpu.dma_semaphore, #tpu.memory_space<semaphore_mem>>
      %dma_start3A = arith.constant 0 : i32
      %dma_start3A_31 = tpu.memref_slice %arg3[%arg0, %mul3A_14, %dma_start3A] : memref<2x10240x16xf32, #tpu.memory_space<hbm>> -> memref<1x640x16xf32, #tpu.memory_space<hbm>>
      %dma_start3A_32 = tpu.memref_squeeze %dma_start3A_31 : memref<1x640x16xf32, #tpu.memory_space<hbm>> -> memref<640x16xf32, #tpu.memory_space<hbm>>
      %dma_start3A_33 = arith.constant 0 : i32
      %dma_start3A_34 = tpu.memref_slice %arg7[%mul3A_14, %dma_start3A_33] : memref<10240x16xf32, #tpu.memory_space<vmem_shared>> -> memref<640x16xf32, #tpu.memory_space<vmem_shared>>
      tpu.enqueue_dma source(%dma_start3A_34 : memref<640x16xf32, #tpu.memory_space<vmem_shared>>) target(%dma_start3A_32 : memref<640x16xf32, #tpu.memory_space<hbm>>) target_semaphore(%run_scoped3A : memref<!tpu.dma_semaphore, #tpu.memory_space<semaphore_mem>>)
      %dma_wait3A = arith.constant 0 : i32
      %dma_wait3A_35 = tpu.memref_slice %arg3[%arg0, %mul3A_14, %dma_wait3A] : memref<2x10240x16xf32, #tpu.memory_space<hbm>> -> memref<1x640x16xf32, #tpu.memory_space<hbm>>
      %dma_wait3A_36 = tpu.memref_squeeze %dma_wait3A_35 : memref<1x640x16xf32, #tpu.memory_space<hbm>> -> memref<640x16xf32, #tpu.memory_space<hbm>>
      %dma_wait3A_37 = arith.constant 0 : i32
      %dma_wait3A_38 = tpu.memref_slice %arg7[%mul3A_14, %dma_wait3A_37] : memref<10240x16xf32, #tpu.memory_space<vmem_shared>> -> memref<640x16xf32, #tpu.memory_space<vmem_shared>>
      tpu.wait_dma2 semaphore(%run_scoped3A : memref<!tpu.dma_semaphore, #tpu.memory_space<semaphore_mem>>) src(%dma_wait3A_38 : memref<640x16xf32, #tpu.memory_space<vmem_shared>>) dst(%dma_wait3A_36 : memref<640x16xf32, #tpu.memory_space<hbm>>)
      tpu.yield
    }) : () -> ()
    return
  }
}

#map = affine_map<(d0, d1) -> (0, 0)>
#map1 = affine_map<(d0, d1) -> (0, 0, 0)>
#map2 = affine_map<(d0, d1) -> (0, 0, 0, 0)>
module attributes {stable_mosaic.version = 14 : i64} {
  func.func @kfn(%arg0: i32, %arg1: i32, %arg2: memref<10000x64xf32, #tpu.memory_space<hbm>>, %arg3: memref<10000x64xf32, #tpu.memory_space<hbm>>, %arg4: memref<32x100x100xi32, #tpu.memory_space<hbm>>, %arg5: memref<32x100x100xi32, #tpu.memory_space<hbm>>, %arg6: memref<2x2x10240x64xf32, #tpu.memory_space<hbm>>, %arg7: memref<100x100xi32, #tpu.memory_space<vmem>>, %arg8: memref<100x100xi32, #tpu.memory_space<vmem>>, %arg9: memref<4x100x64xf32, #tpu.memory_space<vmem>>, %arg10: memref<128x64xf32, #tpu.memory_space<vmem>>, %arg11: memref<10240x64xf32, #tpu.memory_space<vmem_shared>>, %arg12: memref<!tpu.dma_semaphore, #tpu.memory_space<semaphore_mem>>, %arg13: memref<!tpu.dma_semaphore, #tpu.memory_space<semaphore_mem>>, %arg14: memref<!tpu.dma_semaphore, #tpu.memory_space<semaphore_mem>>, %arg15: memref<!tpu.dma_semaphore, #tpu.memory_space<semaphore_mem>>, %arg16: memref<!tpu.dma_semaphore, #tpu.memory_space<semaphore_mem>>, %arg17: memref<!tpu.dma_semaphore, #tpu.memory_space<semaphore_mem>>, %arg18: memref<!tpu.dma_semaphore, #tpu.memory_space<semaphore_mem>>, %arg19: memref<!tpu.dma_semaphore, #tpu.memory_space<semaphore_mem>>) attributes {dimension_semantics = [#tpu.dimension_semantics<core_parallel>, #tpu.dimension_semantics<subcore_parallel>], iteration_bounds = array<i64: 2, 16>, scalar_prefetch = 0 : i64, scratch_operands = 13 : i64, tpu.core_type = #tpu.core_type<sc_vector_subcore>, window_params = [{transform_indices = #map}, {transform_indices = #map}, {transform_indices = #map1}, {transform_indices = #map1}, {transform_indices = #map2}]} {
    %mul3A = arith.constant 16 : i32
    %mul3A_0 = arith.muli %arg0, %mul3A : i32
    %add3A = arith.addi %mul3A_0, %arg1 : i32
    %broadcast_in_dim3A = arith.constant 0.000000e+00 : f32
    %broadcast_in_dim3A_1 = vector.broadcast %broadcast_in_dim3A : f32 to vector<16xf32>
    %scan3A = arith.constant 0 : i32
    %scan3A_2 = arith.constant 128 : i32
    %scan3A_3 = arith.addi %scan3A, %scan3A_2 : i32
    %scan3A_4 = arith.constant 1 : i32
    scf.for %scan3A_232 = %scan3A to %scan3A_3 step %scan3A_4  : i32 {
      %mul3A_233 = arith.constant 1 : i32
      %mul3A_234 = arith.muli %scan3A_232, %mul3A_233 : i32
      %add3A_235 = arith.constant 0 : i32
      %add3A_236 = arith.addi %add3A_235, %mul3A_234 : i32
      %swap3A = arith.index_cast %add3A_236 : i32 to index
      %swap3A_237 = arith.constant 0 : index
      %swap3A_238 = tpu.vector_load %arg10[%swap3A, %swap3A_237] {strides = array<i32>} : memref<128x64xf32, #tpu.memory_space<vmem>>, vector<1x16xf32>,
      %swap3A_239 = vector.shape_cast %swap3A_238 : vector<1x16xf32> to vector<16xf32>
      %swap3A_240 = vector.shape_cast %broadcast_in_dim3A_1 : vector<16xf32> to vector<1x16xf32>
      tpu.vector_store %arg10[%swap3A, %swap3A_237], %swap3A_240 {strides = array<i32>} : memref<128x64xf32, #tpu.memory_space<vmem>>, vector<1x16xf32>,
      %swap3A_241 = arith.index_cast %add3A_236 : i32 to index
      %swap3A_242 = arith.constant 16 : index
      %swap3A_243 = tpu.vector_load %arg10[%swap3A_241, %swap3A_242] {strides = array<i32>} : memref<128x64xf32, #tpu.memory_space<vmem>>, vector<1x16xf32>,
      %swap3A_244 = vector.shape_cast %swap3A_243 : vector<1x16xf32> to vector<16xf32>
      %swap3A_245 = vector.shape_cast %broadcast_in_dim3A_1 : vector<16xf32> to vector<1x16xf32>
      tpu.vector_store %arg10[%swap3A_241, %swap3A_242], %swap3A_245 {strides = array<i32>} : memref<128x64xf32, #tpu.memory_space<vmem>>, vector<1x16xf32>,
      %swap3A_246 = arith.index_cast %add3A_236 : i32 to index
      %swap3A_247 = arith.constant 32 : index
      %swap3A_248 = tpu.vector_load %arg10[%swap3A_246, %swap3A_247] {strides = array<i32>} : memref<128x64xf32, #tpu.memory_space<vmem>>, vector<1x16xf32>,
      %swap3A_249 = vector.shape_cast %swap3A_248 : vector<1x16xf32> to vector<16xf32>
      %swap3A_250 = vector.shape_cast %broadcast_in_dim3A_1 : vector<16xf32> to vector<1x16xf32>
      tpu.vector_store %arg10[%swap3A_246, %swap3A_247], %swap3A_250 {strides = array<i32>} : memref<128x64xf32, #tpu.memory_space<vmem>>, vector<1x16xf32>,
      %swap3A_251 = arith.index_cast %add3A_236 : i32 to index
      %swap3A_252 = arith.constant 48 : index
      %swap3A_253 = tpu.vector_load %arg10[%swap3A_251, %swap3A_252] {strides = array<i32>} : memref<128x64xf32, #tpu.memory_space<vmem>>, vector<1x16xf32>,
      %swap3A_254 = vector.shape_cast %swap3A_253 : vector<1x16xf32> to vector<16xf32>
      %swap3A_255 = vector.shape_cast %broadcast_in_dim3A_1 : vector<16xf32> to vector<1x16xf32>
      tpu.vector_store %arg10[%swap3A_251, %swap3A_252], %swap3A_255 {strides = array<i32>} : memref<128x64xf32, #tpu.memory_space<vmem>>, vector<1x16xf32>,
    }
    %scan3A_5 = arith.constant 128 : i32
    %mul3A_6 = arith.constant 640 : i32
    %mul3A_7 = arith.muli %arg1, %mul3A_6 : i32
    "tpu.region"() ({
      %run_scoped3A_232 = tpu.sem_alloc : memref<!tpu.dma_semaphore, #tpu.memory_space<semaphore_mem>>
      %dma_start3A_233 = arith.constant 0 : i32
      %dma_start3A_234 = arith.constant 0 : i32
      %dma_start3A_235 = tpu.memref_slice %arg4[%add3A, %dma_start3A_233, %dma_start3A_234] : memref<32x100x100xi32, #tpu.memory_space<hbm>> -> memref<1x100x100xi32, #tpu.memory_space<hbm>>
      %dma_start3A_236 = tpu.memref_squeeze %dma_start3A_235 : memref<1x100x100xi32, #tpu.memory_space<hbm>> -> memref<100x100xi32, #tpu.memory_space<hbm>>
      %dma_start3A_237 = arith.constant 0 : i32
      %dma_start3A_238 = arith.constant 0 : i32
      %dma_start3A_239 = tpu.memref_slice %arg4[%add3A, %dma_start3A_237, %dma_start3A_238] : memref<32x100x100xi32, #tpu.memory_space<hbm>> -> memref<1x100x100xi32, #tpu.memory_space<hbm>>
      %dma_start3A_240 = tpu.memref_squeeze %dma_start3A_239 : memref<1x100x100xi32, #tpu.memory_space<hbm>> -> memref<100x100xi32, #tpu.memory_space<hbm>>
      tpu.enqueue_dma source(%dma_start3A_240 : memref<100x100xi32, #tpu.memory_space<hbm>>) target(%arg7 : memref<100x100xi32, #tpu.memory_space<vmem>>) target_semaphore(%run_scoped3A_232 : memref<!tpu.dma_semaphore, #tpu.memory_space<semaphore_mem>>)
      %dma_wait3A_241 = arith.constant 0 : i32
      %dma_wait3A_242 = arith.constant 0 : i32
      %dma_wait3A_243 = tpu.memref_slice %arg4[%add3A, %dma_wait3A_241, %dma_wait3A_242] : memref<32x100x100xi32, #tpu.memory_space<hbm>> -> memref<1x100x100xi32, #tpu.memory_space<hbm>>
      %dma_wait3A_244 = tpu.memref_squeeze %dma_wait3A_243 : memref<1x100x100xi32, #tpu.memory_space<hbm>> -> memref<100x100xi32, #tpu.memory_space<hbm>>
      %dma_wait3A_245 = arith.constant 0 : i32
      %dma_wait3A_246 = arith.constant 0 : i32
      %dma_wait3A_247 = tpu.memref_slice %arg4[%add3A, %dma_wait3A_245, %dma_wait3A_246] : memref<32x100x100xi32, #tpu.memory_space<hbm>> -> memref<1x100x100xi32, #tpu.memory_space<hbm>>
      %dma_wait3A_248 = tpu.memref_squeeze %dma_wait3A_247 : memref<1x100x100xi32, #tpu.memory_space<hbm>> -> memref<100x100xi32, #tpu.memory_space<hbm>>
      tpu.wait_dma2 semaphore(%run_scoped3A_232 : memref<!tpu.dma_semaphore, #tpu.memory_space<semaphore_mem>>) src(%dma_wait3A_248 : memref<100x100xi32, #tpu.memory_space<hbm>>) dst(%arg7 : memref<100x100xi32, #tpu.memory_space<vmem>>)
      tpu.yield
    }) : () -> ()
    "tpu.region"() ({
      %run_scoped3A_232 = tpu.sem_alloc : memref<!tpu.dma_semaphore, #tpu.memory_space<semaphore_mem>>
      %dma_start3A_233 = arith.constant 0 : i32
      %dma_start3A_234 = arith.constant 0 : i32
      %dma_start3A_235 = tpu.memref_slice %arg5[%add3A, %dma_start3A_233, %dma_start3A_234] : memref<32x100x100xi32, #tpu.memory_space<hbm>> -> memref<1x100x100xi32, #tpu.memory_space<hbm>>
      %dma_start3A_236 = tpu.memref_squeeze %dma_start3A_235 : memref<1x100x100xi32, #tpu.memory_space<hbm>> -> memref<100x100xi32, #tpu.memory_space<hbm>>
      %dma_start3A_237 = arith.constant 0 : i32
      %dma_start3A_238 = arith.constant 0 : i32
      %dma_start3A_239 = tpu.memref_slice %arg5[%add3A, %dma_start3A_237, %dma_start3A_238] : memref<32x100x100xi32, #tpu.memory_space<hbm>> -> memref<1x100x100xi32, #tpu.memory_space<hbm>>
      %dma_start3A_240 = tpu.memref_squeeze %dma_start3A_239 : memref<1x100x100xi32, #tpu.memory_space<hbm>> -> memref<100x100xi32, #tpu.memory_space<hbm>>
      tpu.enqueue_dma source(%dma_start3A_240 : memref<100x100xi32, #tpu.memory_space<hbm>>) target(%arg8 : memref<100x100xi32, #tpu.memory_space<vmem>>) target_semaphore(%run_scoped3A_232 : memref<!tpu.dma_semaphore, #tpu.memory_space<semaphore_mem>>)
      %dma_wait3A_241 = arith.constant 0 : i32
      %dma_wait3A_242 = arith.constant 0 : i32
      %dma_wait3A_243 = tpu.memref_slice %arg5[%add3A, %dma_wait3A_241, %dma_wait3A_242] : memref<32x100x100xi32, #tpu.memory_space<hbm>> -> memref<1x100x100xi32, #tpu.memory_space<hbm>>
      %dma_wait3A_244 = tpu.memref_squeeze %dma_wait3A_243 : memref<1x100x100xi32, #tpu.memory_space<hbm>> -> memref<100x100xi32, #tpu.memory_space<hbm>>
      %dma_wait3A_245 = arith.constant 0 : i32
      %dma_wait3A_246 = arith.constant 0 : i32
      %dma_wait3A_247 = tpu.memref_slice %arg5[%add3A, %dma_wait3A_245, %dma_wait3A_246] : memref<32x100x100xi32, #tpu.memory_space<hbm>> -> memref<1x100x100xi32, #tpu.memory_space<hbm>>
      %dma_wait3A_248 = tpu.memref_squeeze %dma_wait3A_247 : memref<1x100x100xi32, #tpu.memory_space<hbm>> -> memref<100x100xi32, #tpu.memory_space<hbm>>
      tpu.wait_dma2 semaphore(%run_scoped3A_232 : memref<!tpu.dma_semaphore, #tpu.memory_space<semaphore_mem>>) src(%dma_wait3A_248 : memref<100x100xi32, #tpu.memory_space<hbm>>) dst(%arg8 : memref<100x100xi32, #tpu.memory_space<vmem>>)
      tpu.yield
    }) : () -> ()
    %add3A_8 = arith.constant 0 : i32
    %add3A_9 = arith.addi %mul3A_7, %add3A_8 : i32
    "tpu.region"() ({
      %run_scoped3A_232 = tpu.sem_alloc : memref<!tpu.dma_semaphore, #tpu.memory_space<semaphore_mem>>
      %dma_start3A_233 = arith.constant 0 : i32
      %dma_start3A_234 = tpu.memref_slice %arg11[%add3A_9, %dma_start3A_233] : memref<10240x64xf32, #tpu.memory_space<vmem_shared>> -> memref<128x64xf32, #tpu.memory_space<vmem_shared>>
      %dma_start3A_235 = arith.constant 0 : i32
      %dma_start3A_236 = tpu.memref_slice %arg11[%add3A_9, %dma_start3A_235] : memref<10240x64xf32, #tpu.memory_space<vmem_shared>> -> memref<128x64xf32, #tpu.memory_space<vmem_shared>>
      tpu.enqueue_dma source(%arg10 : memref<128x64xf32, #tpu.memory_space<vmem>>) target(%dma_start3A_236 : memref<128x64xf32, #tpu.memory_space<vmem_shared>>) target_semaphore(%run_scoped3A_232 : memref<!tpu.dma_semaphore, #tpu.memory_space<semaphore_mem>>)
      %dma_wait3A_237 = arith.constant 0 : i32
      %dma_wait3A_238 = tpu.memref_slice %arg11[%add3A_9, %dma_wait3A_237] : memref<10240x64xf32, #tpu.memory_space<vmem_shared>> -> memref<128x64xf32, #tpu.memory_space<vmem_shared>>
      %dma_wait3A_239 = arith.constant 0 : i32
      %dma_wait3A_240 = tpu.memref_slice %arg11[%add3A_9, %dma_wait3A_239] : memref<10240x64xf32, #tpu.memory_space<vmem_shared>> -> memref<128x64xf32, #tpu.memory_space<vmem_shared>>
      tpu.wait_dma2 semaphore(%run_scoped3A_232 : memref<!tpu.dma_semaphore, #tpu.memory_space<semaphore_mem>>) src(%arg10 : memref<128x64xf32, #tpu.memory_space<vmem>>) dst(%dma_wait3A_240 : memref<128x64xf32, #tpu.memory_space<vmem_shared>>)
      tpu.yield
    }) : () -> ()
    %add3A_10 = arith.constant 128 : i32
    %add3A_11 = arith.addi %mul3A_7, %add3A_10 : i32
    "tpu.region"() ({
      %run_scoped3A_232 = tpu.sem_alloc : memref<!tpu.dma_semaphore, #tpu.memory_space<semaphore_mem>>
      %dma_start3A_233 = arith.constant 0 : i32
      %dma_start3A_234 = tpu.memref_slice %arg11[%add3A_11, %dma_start3A_233] : memref<10240x64xf32, #tpu.memory_space<vmem_shared>> -> memref<128x64xf32, #tpu.memory_space<vmem_shared>>
      %dma_start3A_235 = arith.constant 0 : i32
      %dma_start3A_236 = tpu.memref_slice %arg11[%add3A_11, %dma_start3A_235] : memref<10240x64xf32, #tpu.memory_space<vmem_shared>> -> memref<128x64xf32, #tpu.memory_space<vmem_shared>>
      tpu.enqueue_dma source(%arg10 : memref<128x64xf32, #tpu.memory_space<vmem>>) target(%dma_start3A_236 : memref<128x64xf32, #tpu.memory_space<vmem_shared>>) target_semaphore(%run_scoped3A_232 : memref<!tpu.dma_semaphore, #tpu.memory_space<semaphore_mem>>)
      %dma_wait3A_237 = arith.constant 0 : i32
      %dma_wait3A_238 = tpu.memref_slice %arg11[%add3A_11, %dma_wait3A_237] : memref<10240x64xf32, #tpu.memory_space<vmem_shared>> -> memref<128x64xf32, #tpu.memory_space<vmem_shared>>
      %dma_wait3A_239 = arith.constant 0 : i32
      %dma_wait3A_240 = tpu.memref_slice %arg11[%add3A_11, %dma_wait3A_239] : memref<10240x64xf32, #tpu.memory_space<vmem_shared>> -> memref<128x64xf32, #tpu.memory_space<vmem_shared>>
      tpu.wait_dma2 semaphore(%run_scoped3A_232 : memref<!tpu.dma_semaphore, #tpu.memory_space<semaphore_mem>>) src(%arg10 : memref<128x64xf32, #tpu.memory_space<vmem>>) dst(%dma_wait3A_240 : memref<128x64xf32, #tpu.memory_space<vmem_shared>>)
      tpu.yield
    }) : () -> ()
    %add3A_12 = arith.constant 256 : i32
    %add3A_13 = arith.addi %mul3A_7, %add3A_12 : i32
    "tpu.region"() ({
      %run_scoped3A_232 = tpu.sem_alloc : memref<!tpu.dma_semaphore, #tpu.memory_space<semaphore_mem>>
      %dma_start3A_233 = arith.constant 0 : i32
      %dma_start3A_234 = tpu.memref_slice %arg11[%add3A_13, %dma_start3A_233] : memref<10240x64xf32, #tpu.memory_space<vmem_shared>> -> memref<128x64xf32, #tpu.memory_space<vmem_shared>>
      %dma_start3A_235 = arith.constant 0 : i32
      %dma_start3A_236 = tpu.memref_slice %arg11[%add3A_13, %dma_start3A_235] : memref<10240x64xf32, #tpu.memory_space<vmem_shared>> -> memref<128x64xf32, #tpu.memory_space<vmem_shared>>
      tpu.enqueue_dma source(%arg10 : memref<128x64xf32, #tpu.memory_space<vmem>>) target(%dma_start3A_236 : memref<128x64xf32, #tpu.memory_space<vmem_shared>>) target_semaphore(%run_scoped3A_232 : memref<!tpu.dma_semaphore, #tpu.memory_space<semaphore_mem>>)
      %dma_wait3A_237 = arith.constant 0 : i32
      %dma_wait3A_238 = tpu.memref_slice %arg11[%add3A_13, %dma_wait3A_237] : memref<10240x64xf32, #tpu.memory_space<vmem_shared>> -> memref<128x64xf32, #tpu.memory_space<vmem_shared>>
      %dma_wait3A_239 = arith.constant 0 : i32
      %dma_wait3A_240 = tpu.memref_slice %arg11[%add3A_13, %dma_wait3A_239] : memref<10240x64xf32, #tpu.memory_space<vmem_shared>> -> memref<128x64xf32, #tpu.memory_space<vmem_shared>>
      tpu.wait_dma2 semaphore(%run_scoped3A_232 : memref<!tpu.dma_semaphore, #tpu.memory_space<semaphore_mem>>) src(%arg10 : memref<128x64xf32, #tpu.memory_space<vmem>>) dst(%dma_wait3A_240 : memref<128x64xf32, #tpu.memory_space<vmem_shared>>)
      tpu.yield
    }) : () -> ()
    %add3A_14 = arith.constant 384 : i32
    %add3A_15 = arith.addi %mul3A_7, %add3A_14 : i32
    "tpu.region"() ({
      %run_scoped3A_232 = tpu.sem_alloc : memref<!tpu.dma_semaphore, #tpu.memory_space<semaphore_mem>>
      %dma_start3A_233 = arith.constant 0 : i32
      %dma_start3A_234 = tpu.memref_slice %arg11[%add3A_15, %dma_start3A_233] : memref<10240x64xf32, #tpu.memory_space<vmem_shared>> -> memref<128x64xf32, #tpu.memory_space<vmem_shared>>
      %dma_start3A_235 = arith.constant 0 : i32
      %dma_start3A_236 = tpu.memref_slice %arg11[%add3A_15, %dma_start3A_235] : memref<10240x64xf32, #tpu.memory_space<vmem_shared>> -> memref<128x64xf32, #tpu.memory_space<vmem_shared>>
      tpu.enqueue_dma source(%arg10 : memref<128x64xf32, #tpu.memory_space<vmem>>) target(%dma_start3A_236 : memref<128x64xf32, #tpu.memory_space<vmem_shared>>) target_semaphore(%run_scoped3A_232 : memref<!tpu.dma_semaphore, #tpu.memory_space<semaphore_mem>>)
      %dma_wait3A_237 = arith.constant 0 : i32
      %dma_wait3A_238 = tpu.memref_slice %arg11[%add3A_15, %dma_wait3A_237] : memref<10240x64xf32, #tpu.memory_space<vmem_shared>> -> memref<128x64xf32, #tpu.memory_space<vmem_shared>>
      %dma_wait3A_239 = arith.constant 0 : i32
      %dma_wait3A_240 = tpu.memref_slice %arg11[%add3A_15, %dma_wait3A_239] : memref<10240x64xf32, #tpu.memory_space<vmem_shared>> -> memref<128x64xf32, #tpu.memory_space<vmem_shared>>
      tpu.wait_dma2 semaphore(%run_scoped3A_232 : memref<!tpu.dma_semaphore, #tpu.memory_space<semaphore_mem>>) src(%arg10 : memref<128x64xf32, #tpu.memory_space<vmem>>) dst(%dma_wait3A_240 : memref<128x64xf32, #tpu.memory_space<vmem_shared>>)
      tpu.yield
    }) : () -> ()
    %add3A_16 = arith.constant 512 : i32
    %add3A_17 = arith.addi %mul3A_7, %add3A_16 : i32
    "tpu.region"() ({
      %run_scoped3A_232 = tpu.sem_alloc : memref<!tpu.dma_semaphore, #tpu.memory_space<semaphore_mem>>
      %dma_start3A_233 = arith.constant 0 : i32
      %dma_start3A_234 = tpu.memref_slice %arg11[%add3A_17, %dma_start3A_233] : memref<10240x64xf32, #tpu.memory_space<vmem_shared>> -> memref<128x64xf32, #tpu.memory_space<vmem_shared>>
      %dma_start3A_235 = arith.constant 0 : i32
      %dma_start3A_236 = tpu.memref_slice %arg11[%add3A_17, %dma_start3A_235] : memref<10240x64xf32, #tpu.memory_space<vmem_shared>> -> memref<128x64xf32, #tpu.memory_space<vmem_shared>>
      tpu.enqueue_dma source(%arg10 : memref<128x64xf32, #tpu.memory_space<vmem>>) target(%dma_start3A_236 : memref<128x64xf32, #tpu.memory_space<vmem_shared>>) target_semaphore(%run_scoped3A_232 : memref<!tpu.dma_semaphore, #tpu.memory_space<semaphore_mem>>)
      %dma_wait3A_237 = arith.constant 0 : i32
      %dma_wait3A_238 = tpu.memref_slice %arg11[%add3A_17, %dma_wait3A_237] : memref<10240x64xf32, #tpu.memory_space<vmem_shared>> -> memref<128x64xf32, #tpu.memory_space<vmem_shared>>
      %dma_wait3A_239 = arith.constant 0 : i32
      %dma_wait3A_240 = tpu.memref_slice %arg11[%add3A_17, %dma_wait3A_239] : memref<10240x64xf32, #tpu.memory_space<vmem_shared>> -> memref<128x64xf32, #tpu.memory_space<vmem_shared>>
      tpu.wait_dma2 semaphore(%run_scoped3A_232 : memref<!tpu.dma_semaphore, #tpu.memory_space<semaphore_mem>>) src(%arg10 : memref<128x64xf32, #tpu.memory_space<vmem>>) dst(%dma_wait3A_240 : memref<128x64xf32, #tpu.memory_space<vmem_shared>>)
      tpu.yield
    }) : () -> ()
    %barrier3A = arith.constant 0 : index
    tpu.barrier barrier_id(%barrier3A)
    %dma_start3A = arith.constant 0 : i32
    %dma_start3A_18 = arith.constant 0 : i32
    %dma_start3A_19 = arith.constant 0 : i32
    %dma_start3A_20 = arith.constant 0 : i32
    %dma_start3A_21 = tpu.memref_slice %arg9[%dma_start3A_18, %dma_start3A_19, %dma_start3A_20] : memref<4x100x64xf32, #tpu.memory_space<vmem>> -> memref<1x100x64xf32, #tpu.memory_space<vmem>>
    %dma_start3A_22 = tpu.memref_squeeze %dma_start3A_21 : memref<1x100x64xf32, #tpu.memory_space<vmem>> -> memref<100x64xf32, #tpu.memory_space<vmem>>
    %dma_start3A_23 = arith.constant 0 : i32
    %dma_start3A_24 = tpu.memref_slice %arg7[%dma_start3A, %dma_start3A_23] : memref<100x100xi32, #tpu.memory_space<vmem>> -> memref<1x100xi32, #tpu.memory_space<vmem>>
    %dma_start3A_25 = tpu.memref_squeeze %dma_start3A_24 : memref<1x100xi32, #tpu.memory_space<vmem>> -> memref<100xi32, #tpu.memory_space<vmem>>
    %dma_start3A_26 = arith.constant 0 : i32
    %dma_start3A_27 = arith.constant 0 : i32
    %dma_start3A_28 = tpu.memref_slice %arg2[%dma_start3A_26, %dma_start3A_27] : memref<10000x64xf32, #tpu.memory_space<hbm>> -> memref<10000x64xf32, #tpu.memory_space<hbm>>
    tpu.enqueue_indirect_dma source(%dma_start3A_28 : memref<10000x64xf32, #tpu.memory_space<hbm>>) target(%dma_start3A_22 : memref<100x64xf32, #tpu.memory_space<vmem>>) offsets(%dma_start3A_25 : memref<100xi32, #tpu.memory_space<vmem>>) semaphore(%arg12 : memref<!tpu.dma_semaphore, #tpu.memory_space<semaphore_mem>>)
    %dma_start3A_29 = arith.constant 1 : i32
    %dma_start3A_30 = arith.constant 1 : i32
    %dma_start3A_31 = arith.constant 0 : i32
    %dma_start3A_32 = arith.constant 0 : i32
    %dma_start3A_33 = tpu.memref_slice %arg9[%dma_start3A_30, %dma_start3A_31, %dma_start3A_32] : memref<4x100x64xf32, #tpu.memory_space<vmem>> -> memref<1x100x64xf32, #tpu.memory_space<vmem>>
    %dma_start3A_34 = tpu.memref_squeeze %dma_start3A_33 : memref<1x100x64xf32, #tpu.memory_space<vmem>> -> memref<100x64xf32, #tpu.memory_space<vmem>>
    %dma_start3A_35 = arith.constant 0 : i32
    %dma_start3A_36 = tpu.memref_slice %arg7[%dma_start3A_29, %dma_start3A_35] : memref<100x100xi32, #tpu.memory_space<vmem>> -> memref<1x100xi32, #tpu.memory_space<vmem>>
    %dma_start3A_37 = tpu.memref_squeeze %dma_start3A_36 : memref<1x100xi32, #tpu.memory_space<vmem>> -> memref<100xi32, #tpu.memory_space<vmem>>
    %dma_start3A_38 = arith.constant 0 : i32
    %dma_start3A_39 = arith.constant 0 : i32
    %dma_start3A_40 = tpu.memref_slice %arg2[%dma_start3A_38, %dma_start3A_39] : memref<10000x64xf32, #tpu.memory_space<hbm>> -> memref<10000x64xf32, #tpu.memory_space<hbm>>
    tpu.enqueue_indirect_dma source(%dma_start3A_40 : memref<10000x64xf32, #tpu.memory_space<hbm>>) target(%dma_start3A_34 : memref<100x64xf32, #tpu.memory_space<vmem>>) offsets(%dma_start3A_37 : memref<100xi32, #tpu.memory_space<vmem>>) semaphore(%arg13 : memref<!tpu.dma_semaphore, #tpu.memory_space<semaphore_mem>>)
    %dma_start3A_41 = arith.constant 2 : i32
    %dma_start3A_42 = arith.constant 2 : i32
    %dma_start3A_43 = arith.constant 0 : i32
    %dma_start3A_44 = arith.constant 0 : i32
    %dma_start3A_45 = tpu.memref_slice %arg9[%dma_start3A_42, %dma_start3A_43, %dma_start3A_44] : memref<4x100x64xf32, #tpu.memory_space<vmem>> -> memref<1x100x64xf32, #tpu.memory_space<vmem>>
    %dma_start3A_46 = tpu.memref_squeeze %dma_start3A_45 : memref<1x100x64xf32, #tpu.memory_space<vmem>> -> memref<100x64xf32, #tpu.memory_space<vmem>>
    %dma_start3A_47 = arith.constant 0 : i32
    %dma_start3A_48 = tpu.memref_slice %arg7[%dma_start3A_41, %dma_start3A_47] : memref<100x100xi32, #tpu.memory_space<vmem>> -> memref<1x100xi32, #tpu.memory_space<vmem>>
    %dma_start3A_49 = tpu.memref_squeeze %dma_start3A_48 : memref<1x100xi32, #tpu.memory_space<vmem>> -> memref<100xi32, #tpu.memory_space<vmem>>
    %dma_start3A_50 = arith.constant 0 : i32
    %dma_start3A_51 = arith.constant 0 : i32
    %dma_start3A_52 = tpu.memref_slice %arg2[%dma_start3A_50, %dma_start3A_51] : memref<10000x64xf32, #tpu.memory_space<hbm>> -> memref<10000x64xf32, #tpu.memory_space<hbm>>
    tpu.enqueue_indirect_dma source(%dma_start3A_52 : memref<10000x64xf32, #tpu.memory_space<hbm>>) target(%dma_start3A_46 : memref<100x64xf32, #tpu.memory_space<vmem>>) offsets(%dma_start3A_49 : memref<100xi32, #tpu.memory_space<vmem>>) semaphore(%arg14 : memref<!tpu.dma_semaphore, #tpu.memory_space<semaphore_mem>>)
    %dma_start3A_53 = arith.constant 3 : i32
    %dma_start3A_54 = arith.constant 3 : i32
    %dma_start3A_55 = arith.constant 0 : i32
    %dma_start3A_56 = arith.constant 0 : i32
    %dma_start3A_57 = tpu.memref_slice %arg9[%dma_start3A_54, %dma_start3A_55, %dma_start3A_56] : memref<4x100x64xf32, #tpu.memory_space<vmem>> -> memref<1x100x64xf32, #tpu.memory_space<vmem>>
    %dma_start3A_58 = tpu.memref_squeeze %dma_start3A_57 : memref<1x100x64xf32, #tpu.memory_space<vmem>> -> memref<100x64xf32, #tpu.memory_space<vmem>>
    %dma_start3A_59 = arith.constant 0 : i32
    %dma_start3A_60 = tpu.memref_slice %arg7[%dma_start3A_53, %dma_start3A_59] : memref<100x100xi32, #tpu.memory_space<vmem>> -> memref<1x100xi32, #tpu.memory_space<vmem>>
    %dma_start3A_61 = tpu.memref_squeeze %dma_start3A_60 : memref<1x100xi32, #tpu.memory_space<vmem>> -> memref<100xi32, #tpu.memory_space<vmem>>
    %dma_start3A_62 = arith.constant 0 : i32
    %dma_start3A_63 = arith.constant 0 : i32
    %dma_start3A_64 = tpu.memref_slice %arg2[%dma_start3A_62, %dma_start3A_63] : memref<10000x64xf32, #tpu.memory_space<hbm>> -> memref<10000x64xf32, #tpu.memory_space<hbm>>
    tpu.enqueue_indirect_dma source(%dma_start3A_64 : memref<10000x64xf32, #tpu.memory_space<hbm>>) target(%dma_start3A_58 : memref<100x64xf32, #tpu.memory_space<vmem>>) offsets(%dma_start3A_61 : memref<100xi32, #tpu.memory_space<vmem>>) semaphore(%arg15 : memref<!tpu.dma_semaphore, #tpu.memory_space<semaphore_mem>>)
    %scan3A_65 = arith.constant 0 : i32
    %scan3A_66 = arith.constant 25 : i32
    %scan3A_67 = arith.addi %scan3A_65, %scan3A_66 : i32
    %scan3A_68 = arith.constant 1 : i32
    scf.for %scan3A_232 = %scan3A_65 to %scan3A_67 step %scan3A_68  : i32 {
      %mul3A_233 = arith.constant 4 : i32
      %mul3A_234 = arith.muli %scan3A_232, %mul3A_233 : i32
      %add3A_235 = arith.constant 0 : i32
      %add3A_236 = arith.addi %add3A_235, %mul3A_234 : i32
      %add3A_237 = arith.constant 0 : i32
      %add3A_238 = arith.addi %add3A_236, %add3A_237 : i32
      %dma_wait3A_239 = arith.constant 0 : i32
      %dma_wait3A_240 = arith.constant 0 : i32
      %dma_wait3A_241 = arith.constant 0 : i32
      %dma_wait3A_242 = tpu.memref_slice %arg9[%dma_wait3A_239, %dma_wait3A_240, %dma_wait3A_241] : memref<4x100x64xf32, #tpu.memory_space<vmem>> -> memref<1x100x64xf32, #tpu.memory_space<vmem>>
      %dma_wait3A_243 = tpu.memref_squeeze %dma_wait3A_242 : memref<1x100x64xf32, #tpu.memory_space<vmem>> -> memref<100x64xf32, #tpu.memory_space<vmem>>
      %dma_wait3A_244 = arith.constant 0 : i32
      %dma_wait3A_245 = tpu.memref_slice %arg7[%add3A_238, %dma_wait3A_244] : memref<100x100xi32, #tpu.memory_space<vmem>> -> memref<1x100xi32, #tpu.memory_space<vmem>>
      %dma_wait3A_246 = tpu.memref_squeeze %dma_wait3A_245 : memref<1x100xi32, #tpu.memory_space<vmem>> -> memref<100xi32, #tpu.memory_space<vmem>>
      %dma_wait3A_247 = arith.constant 0 : i32
      %dma_wait3A_248 = arith.constant 0 : i32
      %dma_wait3A_249 = tpu.memref_slice %arg2[%dma_wait3A_247, %dma_wait3A_248] : memref<10000x64xf32, #tpu.memory_space<hbm>> -> memref<10000x64xf32, #tpu.memory_space<hbm>>
      tpu.wait_indirect_dma semaphore(%arg12 : memref<!tpu.dma_semaphore, #tpu.memory_space<semaphore_mem>>) src(%dma_wait3A_249 : memref<10000x64xf32, #tpu.memory_space<hbm>>) dst(%dma_wait3A_243 : memref<100x64xf32, #tpu.memory_space<vmem>>)
      %dma_start3A_250 = arith.constant 0 : i32
      %dma_start3A_251 = arith.constant 0 : i32
      %dma_start3A_252 = arith.constant 0 : i32
      %dma_start3A_253 = tpu.memref_slice %arg9[%dma_start3A_250, %dma_start3A_251, %dma_start3A_252] : memref<4x100x64xf32, #tpu.memory_space<vmem>> -> memref<1x100x64xf32, #tpu.memory_space<vmem>>
      %dma_start3A_254 = tpu.memref_squeeze %dma_start3A_253 : memref<1x100x64xf32, #tpu.memory_space<vmem>> -> memref<100x64xf32, #tpu.memory_space<vmem>>
      %dma_start3A_255 = arith.constant 0 : i32
      %dma_start3A_256 = tpu.memref_slice %arg8[%add3A_238, %dma_start3A_255] : memref<100x100xi32, #tpu.memory_space<vmem>> -> memref<1x100xi32, #tpu.memory_space<vmem>>
      %dma_start3A_257 = tpu.memref_squeeze %dma_start3A_256 : memref<1x100xi32, #tpu.memory_space<vmem>> -> memref<100xi32, #tpu.memory_space<vmem>>
      %dma_start3A_258 = arith.constant 0 : i32
      %dma_start3A_259 = arith.constant 0 : i32
      %dma_start3A_260 = tpu.memref_slice %arg11[%dma_start3A_258, %dma_start3A_259] : memref<10240x64xf32, #tpu.memory_space<vmem_shared>> -> memref<10240x64xf32, #tpu.memory_space<vmem_shared>>
      tpu.enqueue_indirect_dma source(%dma_start3A_254 : memref<100x64xf32, #tpu.memory_space<vmem>>) target(%dma_start3A_260 : memref<10240x64xf32, #tpu.memory_space<vmem_shared>>) offsets(%dma_start3A_257 : memref<100xi32, #tpu.memory_space<vmem>>) semaphore(%arg16 : memref<!tpu.dma_semaphore, #tpu.memory_space<semaphore_mem>>) {add = true}
      %add3A_261 = arith.constant 4 : i32
      %add3A_262 = arith.addi %add3A_238, %add3A_261 : i32
      %lt3A = arith.constant 100 : i32
      %lt3A_263 = arith.cmpi slt, %add3A_262, %lt3A : i32
      %convert_element_type3A = arith.extui %lt3A_263 : i1 to i32
      %cond3A = arith.constant 0 : i32
      %cond3A_264 = arith.cmpi ne, %convert_element_type3A, %cond3A : i32
      scf.if %cond3A_264 {
        %dma_wait3A_358 = arith.constant 0 : i32
        %dma_wait3A_359 = arith.constant 0 : i32
        %dma_wait3A_360 = arith.constant 0 : i32
        %dma_wait3A_361 = tpu.memref_slice %arg9[%dma_wait3A_358, %dma_wait3A_359, %dma_wait3A_360] : memref<4x100x64xf32, #tpu.memory_space<vmem>> -> memref<1x100x64xf32, #tpu.memory_space<vmem>>
        %dma_wait3A_362 = tpu.memref_squeeze %dma_wait3A_361 : memref<1x100x64xf32, #tpu.memory_space<vmem>> -> memref<100x64xf32, #tpu.memory_space<vmem>>
        %dma_wait3A_363 = arith.constant 0 : i32
        %dma_wait3A_364 = tpu.memref_slice %arg8[%add3A_238, %dma_wait3A_363] : memref<100x100xi32, #tpu.memory_space<vmem>> -> memref<1x100xi32, #tpu.memory_space<vmem>>
        %dma_wait3A_365 = tpu.memref_squeeze %dma_wait3A_364 : memref<1x100xi32, #tpu.memory_space<vmem>> -> memref<100xi32, #tpu.memory_space<vmem>>
        %dma_wait3A_366 = arith.constant 0 : i32
        %dma_wait3A_367 = arith.constant 0 : i32
        %dma_wait3A_368 = tpu.memref_slice %arg11[%dma_wait3A_366, %dma_wait3A_367] : memref<10240x64xf32, #tpu.memory_space<vmem_shared>> -> memref<10240x64xf32, #tpu.memory_space<vmem_shared>>
        tpu.wait_indirect_dma semaphore(%arg16 : memref<!tpu.dma_semaphore, #tpu.memory_space<semaphore_mem>>) src(%dma_wait3A_362 : memref<100x64xf32, #tpu.memory_space<vmem>>) dst(%dma_wait3A_368 : memref<10240x64xf32, #tpu.memory_space<vmem_shared>>)
        %add3A_369 = arith.constant 4 : i32
        %add3A_370 = arith.addi %add3A_238, %add3A_369 : i32
        %dma_start3A_371 = arith.constant 0 : i32
        %dma_start3A_372 = arith.constant 0 : i32
        %dma_start3A_373 = arith.constant 0 : i32
        %dma_start3A_374 = tpu.memref_slice %arg9[%dma_start3A_371, %dma_start3A_372, %dma_start3A_373] : memref<4x100x64xf32, #tpu.memory_space<vmem>> -> memref<1x100x64xf32, #tpu.memory_space<vmem>>
        %dma_start3A_375 = tpu.memref_squeeze %dma_start3A_374 : memref<1x100x64xf32, #tpu.memory_space<vmem>> -> memref<100x64xf32, #tpu.memory_space<vmem>>
        %dma_start3A_376 = arith.constant 0 : i32
        %dma_start3A_377 = tpu.memref_slice %arg7[%add3A_370, %dma_start3A_376] : memref<100x100xi32, #tpu.memory_space<vmem>> -> memref<1x100xi32, #tpu.memory_space<vmem>>
        %dma_start3A_378 = tpu.memref_squeeze %dma_start3A_377 : memref<1x100xi32, #tpu.memory_space<vmem>> -> memref<100xi32, #tpu.memory_space<vmem>>
        %dma_start3A_379 = arith.constant 0 : i32
        %dma_start3A_380 = arith.constant 0 : i32
        %dma_start3A_381 = tpu.memref_slice %arg2[%dma_start3A_379, %dma_start3A_380] : memref<10000x64xf32, #tpu.memory_space<hbm>> -> memref<10000x64xf32, #tpu.memory_space<hbm>>
        tpu.enqueue_indirect_dma source(%dma_start3A_381 : memref<10000x64xf32, #tpu.memory_space<hbm>>) target(%dma_start3A_375 : memref<100x64xf32, #tpu.memory_space<vmem>>) offsets(%dma_start3A_378 : memref<100xi32, #tpu.memory_space<vmem>>) semaphore(%arg12 : memref<!tpu.dma_semaphore, #tpu.memory_space<semaphore_mem>>)
      } else {
      }
      %add3A_265 = arith.constant 1 : i32
      %add3A_266 = arith.addi %add3A_236, %add3A_265 : i32
      %dma_wait3A_267 = arith.constant 1 : i32
      %dma_wait3A_268 = arith.constant 0 : i32
      %dma_wait3A_269 = arith.constant 0 : i32
      %dma_wait3A_270 = tpu.memref_slice %arg9[%dma_wait3A_267, %dma_wait3A_268, %dma_wait3A_269] : memref<4x100x64xf32, #tpu.memory_space<vmem>> -> memref<1x100x64xf32, #tpu.memory_space<vmem>>
      %dma_wait3A_271 = tpu.memref_squeeze %dma_wait3A_270 : memref<1x100x64xf32, #tpu.memory_space<vmem>> -> memref<100x64xf32, #tpu.memory_space<vmem>>
      %dma_wait3A_272 = arith.constant 0 : i32
      %dma_wait3A_273 = tpu.memref_slice %arg7[%add3A_266, %dma_wait3A_272] : memref<100x100xi32, #tpu.memory_space<vmem>> -> memref<1x100xi32, #tpu.memory_space<vmem>>
      %dma_wait3A_274 = tpu.memref_squeeze %dma_wait3A_273 : memref<1x100xi32, #tpu.memory_space<vmem>> -> memref<100xi32, #tpu.memory_space<vmem>>
      %dma_wait3A_275 = arith.constant 0 : i32
      %dma_wait3A_276 = arith.constant 0 : i32
      %dma_wait3A_277 = tpu.memref_slice %arg2[%dma_wait3A_275, %dma_wait3A_276] : memref<10000x64xf32, #tpu.memory_space<hbm>> -> memref<10000x64xf32, #tpu.memory_space<hbm>>
      tpu.wait_indirect_dma semaphore(%arg13 : memref<!tpu.dma_semaphore, #tpu.memory_space<semaphore_mem>>) src(%dma_wait3A_277 : memref<10000x64xf32, #tpu.memory_space<hbm>>) dst(%dma_wait3A_271 : memref<100x64xf32, #tpu.memory_space<vmem>>)
      %dma_start3A_278 = arith.constant 1 : i32
      %dma_start3A_279 = arith.constant 0 : i32
      %dma_start3A_280 = arith.constant 0 : i32
      %dma_start3A_281 = tpu.memref_slice %arg9[%dma_start3A_278, %dma_start3A_279, %dma_start3A_280] : memref<4x100x64xf32, #tpu.memory_space<vmem>> -> memref<1x100x64xf32, #tpu.memory_space<vmem>>
      %dma_start3A_282 = tpu.memref_squeeze %dma_start3A_281 : memref<1x100x64xf32, #tpu.memory_space<vmem>> -> memref<100x64xf32, #tpu.memory_space<vmem>>
      %dma_start3A_283 = arith.constant 0 : i32
      %dma_start3A_284 = tpu.memref_slice %arg8[%add3A_266, %dma_start3A_283] : memref<100x100xi32, #tpu.memory_space<vmem>> -> memref<1x100xi32, #tpu.memory_space<vmem>>
      %dma_start3A_285 = tpu.memref_squeeze %dma_start3A_284 : memref<1x100xi32, #tpu.memory_space<vmem>> -> memref<100xi32, #tpu.memory_space<vmem>>
      %dma_start3A_286 = arith.constant 0 : i32
      %dma_start3A_287 = arith.constant 0 : i32
      %dma_start3A_288 = tpu.memref_slice %arg11[%dma_start3A_286, %dma_start3A_287] : memref<10240x64xf32, #tpu.memory_space<vmem_shared>> -> memref<10240x64xf32, #tpu.memory_space<vmem_shared>>
      tpu.enqueue_indirect_dma source(%dma_start3A_282 : memref<100x64xf32, #tpu.memory_space<vmem>>) target(%dma_start3A_288 : memref<10240x64xf32, #tpu.memory_space<vmem_shared>>) offsets(%dma_start3A_285 : memref<100xi32, #tpu.memory_space<vmem>>) semaphore(%arg17 : memref<!tpu.dma_semaphore, #tpu.memory_space<semaphore_mem>>) {add = true}
      %add3A_289 = arith.constant 4 : i32
      %add3A_290 = arith.addi %add3A_266, %add3A_289 : i32
      %lt3A_291 = arith.constant 100 : i32
      %lt3A_292 = arith.cmpi slt, %add3A_290, %lt3A_291 : i32
      %convert_element_type3A_293 = arith.extui %lt3A_292 : i1 to i32
      %cond3A_294 = arith.constant 0 : i32
      %cond3A_295 = arith.cmpi ne, %convert_element_type3A_293, %cond3A_294 : i32
      scf.if %cond3A_295 {
        %dma_wait3A_358 = arith.constant 1 : i32
        %dma_wait3A_359 = arith.constant 0 : i32
        %dma_wait3A_360 = arith.constant 0 : i32
        %dma_wait3A_361 = tpu.memref_slice %arg9[%dma_wait3A_358, %dma_wait3A_359, %dma_wait3A_360] : memref<4x100x64xf32, #tpu.memory_space<vmem>> -> memref<1x100x64xf32, #tpu.memory_space<vmem>>
        %dma_wait3A_362 = tpu.memref_squeeze %dma_wait3A_361 : memref<1x100x64xf32, #tpu.memory_space<vmem>> -> memref<100x64xf32, #tpu.memory_space<vmem>>
        %dma_wait3A_363 = arith.constant 0 : i32
        %dma_wait3A_364 = tpu.memref_slice %arg8[%add3A_266, %dma_wait3A_363] : memref<100x100xi32, #tpu.memory_space<vmem>> -> memref<1x100xi32, #tpu.memory_space<vmem>>
        %dma_wait3A_365 = tpu.memref_squeeze %dma_wait3A_364 : memref<1x100xi32, #tpu.memory_space<vmem>> -> memref<100xi32, #tpu.memory_space<vmem>>
        %dma_wait3A_366 = arith.constant 0 : i32
        %dma_wait3A_367 = arith.constant 0 : i32
        %dma_wait3A_368 = tpu.memref_slice %arg11[%dma_wait3A_366, %dma_wait3A_367] : memref<10240x64xf32, #tpu.memory_space<vmem_shared>> -> memref<10240x64xf32, #tpu.memory_space<vmem_shared>>
        tpu.wait_indirect_dma semaphore(%arg17 : memref<!tpu.dma_semaphore, #tpu.memory_space<semaphore_mem>>) src(%dma_wait3A_362 : memref<100x64xf32, #tpu.memory_space<vmem>>) dst(%dma_wait3A_368 : memref<10240x64xf32, #tpu.memory_space<vmem_shared>>)
        %add3A_369 = arith.constant 4 : i32
        %add3A_370 = arith.addi %add3A_266, %add3A_369 : i32
        %dma_start3A_371 = arith.constant 1 : i32
        %dma_start3A_372 = arith.constant 0 : i32
        %dma_start3A_373 = arith.constant 0 : i32
        %dma_start3A_374 = tpu.memref_slice %arg9[%dma_start3A_371, %dma_start3A_372, %dma_start3A_373] : memref<4x100x64xf32, #tpu.memory_space<vmem>> -> memref<1x100x64xf32, #tpu.memory_space<vmem>>
        %dma_start3A_375 = tpu.memref_squeeze %dma_start3A_374 : memref<1x100x64xf32, #tpu.memory_space<vmem>> -> memref<100x64xf32, #tpu.memory_space<vmem>>
        %dma_start3A_376 = arith.constant 0 : i32
        %dma_start3A_377 = tpu.memref_slice %arg7[%add3A_370, %dma_start3A_376] : memref<100x100xi32, #tpu.memory_space<vmem>> -> memref<1x100xi32, #tpu.memory_space<vmem>>
        %dma_start3A_378 = tpu.memref_squeeze %dma_start3A_377 : memref<1x100xi32, #tpu.memory_space<vmem>> -> memref<100xi32, #tpu.memory_space<vmem>>
        %dma_start3A_379 = arith.constant 0 : i32
        %dma_start3A_380 = arith.constant 0 : i32
        %dma_start3A_381 = tpu.memref_slice %arg2[%dma_start3A_379, %dma_start3A_380] : memref<10000x64xf32, #tpu.memory_space<hbm>> -> memref<10000x64xf32, #tpu.memory_space<hbm>>
        tpu.enqueue_indirect_dma source(%dma_start3A_381 : memref<10000x64xf32, #tpu.memory_space<hbm>>) target(%dma_start3A_375 : memref<100x64xf32, #tpu.memory_space<vmem>>) offsets(%dma_start3A_378 : memref<100xi32, #tpu.memory_space<vmem>>) semaphore(%arg13 : memref<!tpu.dma_semaphore, #tpu.memory_space<semaphore_mem>>)
      } else {
      }
      %add3A_296 = arith.constant 2 : i32
      %add3A_297 = arith.addi %add3A_236, %add3A_296 : i32
      %dma_wait3A_298 = arith.constant 2 : i32
      %dma_wait3A_299 = arith.constant 0 : i32
      %dma_wait3A_300 = arith.constant 0 : i32
      %dma_wait3A_301 = tpu.memref_slice %arg9[%dma_wait3A_298, %dma_wait3A_299, %dma_wait3A_300] : memref<4x100x64xf32, #tpu.memory_space<vmem>> -> memref<1x100x64xf32, #tpu.memory_space<vmem>>
      %dma_wait3A_302 = tpu.memref_squeeze %dma_wait3A_301 : memref<1x100x64xf32, #tpu.memory_space<vmem>> -> memref<100x64xf32, #tpu.memory_space<vmem>>
      %dma_wait3A_303 = arith.constant 0 : i32
      %dma_wait3A_304 = tpu.memref_slice %arg7[%add3A_297, %dma_wait3A_303] : memref<100x100xi32, #tpu.memory_space<vmem>> -> memref<1x100xi32, #tpu.memory_space<vmem>>
      %dma_wait3A_305 = tpu.memref_squeeze %dma_wait3A_304 : memref<1x100xi32, #tpu.memory_space<vmem>> -> memref<100xi32, #tpu.memory_space<vmem>>
      %dma_wait3A_306 = arith.constant 0 : i32
      %dma_wait3A_307 = arith.constant 0 : i32
      %dma_wait3A_308 = tpu.memref_slice %arg2[%dma_wait3A_306, %dma_wait3A_307] : memref<10000x64xf32, #tpu.memory_space<hbm>> -> memref<10000x64xf32, #tpu.memory_space<hbm>>
      tpu.wait_indirect_dma semaphore(%arg14 : memref<!tpu.dma_semaphore, #tpu.memory_space<semaphore_mem>>) src(%dma_wait3A_308 : memref<10000x64xf32, #tpu.memory_space<hbm>>) dst(%dma_wait3A_302 : memref<100x64xf32, #tpu.memory_space<vmem>>)
      %dma_start3A_309 = arith.constant 2 : i32
      %dma_start3A_310 = arith.constant 0 : i32
      %dma_start3A_311 = arith.constant 0 : i32
      %dma_start3A_312 = tpu.memref_slice %arg9[%dma_start3A_309, %dma_start3A_310, %dma_start3A_311] : memref<4x100x64xf32, #tpu.memory_space<vmem>> -> memref<1x100x64xf32, #tpu.memory_space<vmem>>
      %dma_start3A_313 = tpu.memref_squeeze %dma_start3A_312 : memref<1x100x64xf32, #tpu.memory_space<vmem>> -> memref<100x64xf32, #tpu.memory_space<vmem>>
      %dma_start3A_314 = arith.constant 0 : i32
      %dma_start3A_315 = tpu.memref_slice %arg8[%add3A_297, %dma_start3A_314] : memref<100x100xi32, #tpu.memory_space<vmem>> -> memref<1x100xi32, #tpu.memory_space<vmem>>
      %dma_start3A_316 = tpu.memref_squeeze %dma_start3A_315 : memref<1x100xi32, #tpu.memory_space<vmem>> -> memref<100xi32, #tpu.memory_space<vmem>>
      %dma_start3A_317 = arith.constant 0 : i32
      %dma_start3A_318 = arith.constant 0 : i32
      %dma_start3A_319 = tpu.memref_slice %arg11[%dma_start3A_317, %dma_start3A_318] : memref<10240x64xf32, #tpu.memory_space<vmem_shared>> -> memref<10240x64xf32, #tpu.memory_space<vmem_shared>>
      tpu.enqueue_indirect_dma source(%dma_start3A_313 : memref<100x64xf32, #tpu.memory_space<vmem>>) target(%dma_start3A_319 : memref<10240x64xf32, #tpu.memory_space<vmem_shared>>) offsets(%dma_start3A_316 : memref<100xi32, #tpu.memory_space<vmem>>) semaphore(%arg18 : memref<!tpu.dma_semaphore, #tpu.memory_space<semaphore_mem>>) {add = true}
      %add3A_320 = arith.constant 4 : i32
      %add3A_321 = arith.addi %add3A_297, %add3A_320 : i32
      %lt3A_322 = arith.constant 100 : i32
      %lt3A_323 = arith.cmpi slt, %add3A_321, %lt3A_322 : i32
      %convert_element_type3A_324 = arith.extui %lt3A_323 : i1 to i32
      %cond3A_325 = arith.constant 0 : i32
      %cond3A_326 = arith.cmpi ne, %convert_element_type3A_324, %cond3A_325 : i32
      scf.if %cond3A_326 {
        %dma_wait3A_358 = arith.constant 2 : i32
        %dma_wait3A_359 = arith.constant 0 : i32
        %dma_wait3A_360 = arith.constant 0 : i32
        %dma_wait3A_361 = tpu.memref_slice %arg9[%dma_wait3A_358, %dma_wait3A_359, %dma_wait3A_360] : memref<4x100x64xf32, #tpu.memory_space<vmem>> -> memref<1x100x64xf32, #tpu.memory_space<vmem>>
        %dma_wait3A_362 = tpu.memref_squeeze %dma_wait3A_361 : memref<1x100x64xf32, #tpu.memory_space<vmem>> -> memref<100x64xf32, #tpu.memory_space<vmem>>
        %dma_wait3A_363 = arith.constant 0 : i32
        %dma_wait3A_364 = tpu.memref_slice %arg8[%add3A_297, %dma_wait3A_363] : memref<100x100xi32, #tpu.memory_space<vmem>> -> memref<1x100xi32, #tpu.memory_space<vmem>>
        %dma_wait3A_365 = tpu.memref_squeeze %dma_wait3A_364 : memref<1x100xi32, #tpu.memory_space<vmem>> -> memref<100xi32, #tpu.memory_space<vmem>>
        %dma_wait3A_366 = arith.constant 0 : i32
        %dma_wait3A_367 = arith.constant 0 : i32
        %dma_wait3A_368 = tpu.memref_slice %arg11[%dma_wait3A_366, %dma_wait3A_367] : memref<10240x64xf32, #tpu.memory_space<vmem_shared>> -> memref<10240x64xf32, #tpu.memory_space<vmem_shared>>
        tpu.wait_indirect_dma semaphore(%arg18 : memref<!tpu.dma_semaphore, #tpu.memory_space<semaphore_mem>>) src(%dma_wait3A_362 : memref<100x64xf32, #tpu.memory_space<vmem>>) dst(%dma_wait3A_368 : memref<10240x64xf32, #tpu.memory_space<vmem_shared>>)
        %add3A_369 = arith.constant 4 : i32
        %add3A_370 = arith.addi %add3A_297, %add3A_369 : i32
        %dma_start3A_371 = arith.constant 2 : i32
        %dma_start3A_372 = arith.constant 0 : i32
        %dma_start3A_373 = arith.constant 0 : i32
        %dma_start3A_374 = tpu.memref_slice %arg9[%dma_start3A_371, %dma_start3A_372, %dma_start3A_373] : memref<4x100x64xf32, #tpu.memory_space<vmem>> -> memref<1x100x64xf32, #tpu.memory_space<vmem>>
        %dma_start3A_375 = tpu.memref_squeeze %dma_start3A_374 : memref<1x100x64xf32, #tpu.memory_space<vmem>> -> memref<100x64xf32, #tpu.memory_space<vmem>>
        %dma_start3A_376 = arith.constant 0 : i32
        %dma_start3A_377 = tpu.memref_slice %arg7[%add3A_370, %dma_start3A_376] : memref<100x100xi32, #tpu.memory_space<vmem>> -> memref<1x100xi32, #tpu.memory_space<vmem>>
        %dma_start3A_378 = tpu.memref_squeeze %dma_start3A_377 : memref<1x100xi32, #tpu.memory_space<vmem>> -> memref<100xi32, #tpu.memory_space<vmem>>
        %dma_start3A_379 = arith.constant 0 : i32
        %dma_start3A_380 = arith.constant 0 : i32
        %dma_start3A_381 = tpu.memref_slice %arg2[%dma_start3A_379, %dma_start3A_380] : memref<10000x64xf32, #tpu.memory_space<hbm>> -> memref<10000x64xf32, #tpu.memory_space<hbm>>
        tpu.enqueue_indirect_dma source(%dma_start3A_381 : memref<10000x64xf32, #tpu.memory_space<hbm>>) target(%dma_start3A_375 : memref<100x64xf32, #tpu.memory_space<vmem>>) offsets(%dma_start3A_378 : memref<100xi32, #tpu.memory_space<vmem>>) semaphore(%arg14 : memref<!tpu.dma_semaphore, #tpu.memory_space<semaphore_mem>>)
      } else {
      }
      %add3A_327 = arith.constant 3 : i32
      %add3A_328 = arith.addi %add3A_236, %add3A_327 : i32
      %dma_wait3A_329 = arith.constant 3 : i32
      %dma_wait3A_330 = arith.constant 0 : i32
      %dma_wait3A_331 = arith.constant 0 : i32
      %dma_wait3A_332 = tpu.memref_slice %arg9[%dma_wait3A_329, %dma_wait3A_330, %dma_wait3A_331] : memref<4x100x64xf32, #tpu.memory_space<vmem>> -> memref<1x100x64xf32, #tpu.memory_space<vmem>>
      %dma_wait3A_333 = tpu.memref_squeeze %dma_wait3A_332 : memref<1x100x64xf32, #tpu.memory_space<vmem>> -> memref<100x64xf32, #tpu.memory_space<vmem>>
      %dma_wait3A_334 = arith.constant 0 : i32
      %dma_wait3A_335 = tpu.memref_slice %arg7[%add3A_328, %dma_wait3A_334] : memref<100x100xi32, #tpu.memory_space<vmem>> -> memref<1x100xi32, #tpu.memory_space<vmem>>
      %dma_wait3A_336 = tpu.memref_squeeze %dma_wait3A_335 : memref<1x100xi32, #tpu.memory_space<vmem>> -> memref<100xi32, #tpu.memory_space<vmem>>
      %dma_wait3A_337 = arith.constant 0 : i32
      %dma_wait3A_338 = arith.constant 0 : i32
      %dma_wait3A_339 = tpu.memref_slice %arg2[%dma_wait3A_337, %dma_wait3A_338] : memref<10000x64xf32, #tpu.memory_space<hbm>> -> memref<10000x64xf32, #tpu.memory_space<hbm>>
      tpu.wait_indirect_dma semaphore(%arg15 : memref<!tpu.dma_semaphore, #tpu.memory_space<semaphore_mem>>) src(%dma_wait3A_339 : memref<10000x64xf32, #tpu.memory_space<hbm>>) dst(%dma_wait3A_333 : memref<100x64xf32, #tpu.memory_space<vmem>>)
      %dma_start3A_340 = arith.constant 3 : i32
      %dma_start3A_341 = arith.constant 0 : i32
      %dma_start3A_342 = arith.constant 0 : i32
      %dma_start3A_343 = tpu.memref_slice %arg9[%dma_start3A_340, %dma_start3A_341, %dma_start3A_342] : memref<4x100x64xf32, #tpu.memory_space<vmem>> -> memref<1x100x64xf32, #tpu.memory_space<vmem>>
      %dma_start3A_344 = tpu.memref_squeeze %dma_start3A_343 : memref<1x100x64xf32, #tpu.memory_space<vmem>> -> memref<100x64xf32, #tpu.memory_space<vmem>>
      %dma_start3A_345 = arith.constant 0 : i32
      %dma_start3A_346 = tpu.memref_slice %arg8[%add3A_328, %dma_start3A_345] : memref<100x100xi32, #tpu.memory_space<vmem>> -> memref<1x100xi32, #tpu.memory_space<vmem>>
      %dma_start3A_347 = tpu.memref_squeeze %dma_start3A_346 : memref<1x100xi32, #tpu.memory_space<vmem>> -> memref<100xi32, #tpu.memory_space<vmem>>
      %dma_start3A_348 = arith.constant 0 : i32
      %dma_start3A_349 = arith.constant 0 : i32
      %dma_start3A_350 = tpu.memref_slice %arg11[%dma_start3A_348, %dma_start3A_349] : memref<10240x64xf32, #tpu.memory_space<vmem_shared>> -> memref<10240x64xf32, #tpu.memory_space<vmem_shared>>
      tpu.enqueue_indirect_dma source(%dma_start3A_344 : memref<100x64xf32, #tpu.memory_space<vmem>>) target(%dma_start3A_350 : memref<10240x64xf32, #tpu.memory_space<vmem_shared>>) offsets(%dma_start3A_347 : memref<100xi32, #tpu.memory_space<vmem>>) semaphore(%arg19 : memref<!tpu.dma_semaphore, #tpu.memory_space<semaphore_mem>>) {add = true}
      %add3A_351 = arith.constant 4 : i32
      %add3A_352 = arith.addi %add3A_328, %add3A_351 : i32
      %lt3A_353 = arith.constant 100 : i32
      %lt3A_354 = arith.cmpi slt, %add3A_352, %lt3A_353 : i32
      %convert_element_type3A_355 = arith.extui %lt3A_354 : i1 to i32
      %cond3A_356 = arith.constant 0 : i32
      %cond3A_357 = arith.cmpi ne, %convert_element_type3A_355, %cond3A_356 : i32
      scf.if %cond3A_357 {
        %dma_wait3A_358 = arith.constant 3 : i32
        %dma_wait3A_359 = arith.constant 0 : i32
        %dma_wait3A_360 = arith.constant 0 : i32
        %dma_wait3A_361 = tpu.memref_slice %arg9[%dma_wait3A_358, %dma_wait3A_359, %dma_wait3A_360] : memref<4x100x64xf32, #tpu.memory_space<vmem>> -> memref<1x100x64xf32, #tpu.memory_space<vmem>>
        %dma_wait3A_362 = tpu.memref_squeeze %dma_wait3A_361 : memref<1x100x64xf32, #tpu.memory_space<vmem>> -> memref<100x64xf32, #tpu.memory_space<vmem>>
        %dma_wait3A_363 = arith.constant 0 : i32
        %dma_wait3A_364 = tpu.memref_slice %arg8[%add3A_328, %dma_wait3A_363] : memref<100x100xi32, #tpu.memory_space<vmem>> -> memref<1x100xi32, #tpu.memory_space<vmem>>
        %dma_wait3A_365 = tpu.memref_squeeze %dma_wait3A_364 : memref<1x100xi32, #tpu.memory_space<vmem>> -> memref<100xi32, #tpu.memory_space<vmem>>
        %dma_wait3A_366 = arith.constant 0 : i32
        %dma_wait3A_367 = arith.constant 0 : i32
        %dma_wait3A_368 = tpu.memref_slice %arg11[%dma_wait3A_366, %dma_wait3A_367] : memref<10240x64xf32, #tpu.memory_space<vmem_shared>> -> memref<10240x64xf32, #tpu.memory_space<vmem_shared>>
        tpu.wait_indirect_dma semaphore(%arg19 : memref<!tpu.dma_semaphore, #tpu.memory_space<semaphore_mem>>) src(%dma_wait3A_362 : memref<100x64xf32, #tpu.memory_space<vmem>>) dst(%dma_wait3A_368 : memref<10240x64xf32, #tpu.memory_space<vmem_shared>>)
        %add3A_369 = arith.constant 4 : i32
        %add3A_370 = arith.addi %add3A_328, %add3A_369 : i32
        %dma_start3A_371 = arith.constant 3 : i32
        %dma_start3A_372 = arith.constant 0 : i32
        %dma_start3A_373 = arith.constant 0 : i32
        %dma_start3A_374 = tpu.memref_slice %arg9[%dma_start3A_371, %dma_start3A_372, %dma_start3A_373] : memref<4x100x64xf32, #tpu.memory_space<vmem>> -> memref<1x100x64xf32, #tpu.memory_space<vmem>>
        %dma_start3A_375 = tpu.memref_squeeze %dma_start3A_374 : memref<1x100x64xf32, #tpu.memory_space<vmem>> -> memref<100x64xf32, #tpu.memory_space<vmem>>
        %dma_start3A_376 = arith.constant 0 : i32
        %dma_start3A_377 = tpu.memref_slice %arg7[%add3A_370, %dma_start3A_376] : memref<100x100xi32, #tpu.memory_space<vmem>> -> memref<1x100xi32, #tpu.memory_space<vmem>>
        %dma_start3A_378 = tpu.memref_squeeze %dma_start3A_377 : memref<1x100xi32, #tpu.memory_space<vmem>> -> memref<100xi32, #tpu.memory_space<vmem>>
        %dma_start3A_379 = arith.constant 0 : i32
        %dma_start3A_380 = arith.constant 0 : i32
        %dma_start3A_381 = tpu.memref_slice %arg2[%dma_start3A_379, %dma_start3A_380] : memref<10000x64xf32, #tpu.memory_space<hbm>> -> memref<10000x64xf32, #tpu.memory_space<hbm>>
        tpu.enqueue_indirect_dma source(%dma_start3A_381 : memref<10000x64xf32, #tpu.memory_space<hbm>>) target(%dma_start3A_375 : memref<100x64xf32, #tpu.memory_space<vmem>>) offsets(%dma_start3A_378 : memref<100xi32, #tpu.memory_space<vmem>>) semaphore(%arg15 : memref<!tpu.dma_semaphore, #tpu.memory_space<semaphore_mem>>)
      } else {
      }
    }
    %scan3A_69 = arith.constant 25 : i32
    %dma_wait3A = arith.constant 0 : i32
    %dma_wait3A_70 = arith.constant 0 : i32
    %dma_wait3A_71 = arith.constant 0 : i32
    %dma_wait3A_72 = arith.constant 0 : i32
    %dma_wait3A_73 = tpu.memref_slice %arg9[%dma_wait3A, %dma_wait3A_71, %dma_wait3A_72] : memref<4x100x64xf32, #tpu.memory_space<vmem>> -> memref<1x100x64xf32, #tpu.memory_space<vmem>>
    %dma_wait3A_74 = tpu.memref_squeeze %dma_wait3A_73 : memref<1x100x64xf32, #tpu.memory_space<vmem>> -> memref<100x64xf32, #tpu.memory_space<vmem>>
    %dma_wait3A_75 = arith.constant 0 : i32
    %dma_wait3A_76 = tpu.memref_slice %arg8[%dma_wait3A_70, %dma_wait3A_75] : memref<100x100xi32, #tpu.memory_space<vmem>> -> memref<1x100xi32, #tpu.memory_space<vmem>>
    %dma_wait3A_77 = tpu.memref_squeeze %dma_wait3A_76 : memref<1x100xi32, #tpu.memory_space<vmem>> -> memref<100xi32, #tpu.memory_space<vmem>>
    %dma_wait3A_78 = arith.constant 0 : i32
    %dma_wait3A_79 = arith.constant 0 : i32
    %dma_wait3A_80 = tpu.memref_slice %arg11[%dma_wait3A_78, %dma_wait3A_79] : memref<10240x64xf32, #tpu.memory_space<vmem_shared>> -> memref<10240x64xf32, #tpu.memory_space<vmem_shared>>
    tpu.wait_indirect_dma semaphore(%arg16 : memref<!tpu.dma_semaphore, #tpu.memory_space<semaphore_mem>>) src(%dma_wait3A_74 : memref<100x64xf32, #tpu.memory_space<vmem>>) dst(%dma_wait3A_80 : memref<10240x64xf32, #tpu.memory_space<vmem_shared>>)
    %dma_wait3A_81 = arith.constant 1 : i32
    %dma_wait3A_82 = arith.constant 0 : i32
    %dma_wait3A_83 = arith.constant 0 : i32
    %dma_wait3A_84 = arith.constant 0 : i32
    %dma_wait3A_85 = tpu.memref_slice %arg9[%dma_wait3A_81, %dma_wait3A_83, %dma_wait3A_84] : memref<4x100x64xf32, #tpu.memory_space<vmem>> -> memref<1x100x64xf32, #tpu.memory_space<vmem>>
    %dma_wait3A_86 = tpu.memref_squeeze %dma_wait3A_85 : memref<1x100x64xf32, #tpu.memory_space<vmem>> -> memref<100x64xf32, #tpu.memory_space<vmem>>
    %dma_wait3A_87 = arith.constant 0 : i32
    %dma_wait3A_88 = tpu.memref_slice %arg8[%dma_wait3A_82, %dma_wait3A_87] : memref<100x100xi32, #tpu.memory_space<vmem>> -> memref<1x100xi32, #tpu.memory_space<vmem>>
    %dma_wait3A_89 = tpu.memref_squeeze %dma_wait3A_88 : memref<1x100xi32, #tpu.memory_space<vmem>> -> memref<100xi32, #tpu.memory_space<vmem>>
    %dma_wait3A_90 = arith.constant 0 : i32
    %dma_wait3A_91 = arith.constant 0 : i32
    %dma_wait3A_92 = tpu.memref_slice %arg11[%dma_wait3A_90, %dma_wait3A_91] : memref<10240x64xf32, #tpu.memory_space<vmem_shared>> -> memref<10240x64xf32, #tpu.memory_space<vmem_shared>>
    tpu.wait_indirect_dma semaphore(%arg17 : memref<!tpu.dma_semaphore, #tpu.memory_space<semaphore_mem>>) src(%dma_wait3A_86 : memref<100x64xf32, #tpu.memory_space<vmem>>) dst(%dma_wait3A_92 : memref<10240x64xf32, #tpu.memory_space<vmem_shared>>)
    %dma_wait3A_93 = arith.constant 2 : i32
    %dma_wait3A_94 = arith.constant 0 : i32
    %dma_wait3A_95 = arith.constant 0 : i32
    %dma_wait3A_96 = arith.constant 0 : i32
    %dma_wait3A_97 = tpu.memref_slice %arg9[%dma_wait3A_93, %dma_wait3A_95, %dma_wait3A_96] : memref<4x100x64xf32, #tpu.memory_space<vmem>> -> memref<1x100x64xf32, #tpu.memory_space<vmem>>
    %dma_wait3A_98 = tpu.memref_squeeze %dma_wait3A_97 : memref<1x100x64xf32, #tpu.memory_space<vmem>> -> memref<100x64xf32, #tpu.memory_space<vmem>>
    %dma_wait3A_99 = arith.constant 0 : i32
    %dma_wait3A_100 = tpu.memref_slice %arg8[%dma_wait3A_94, %dma_wait3A_99] : memref<100x100xi32, #tpu.memory_space<vmem>> -> memref<1x100xi32, #tpu.memory_space<vmem>>
    %dma_wait3A_101 = tpu.memref_squeeze %dma_wait3A_100 : memref<1x100xi32, #tpu.memory_space<vmem>> -> memref<100xi32, #tpu.memory_space<vmem>>
    %dma_wait3A_102 = arith.constant 0 : i32
    %dma_wait3A_103 = arith.constant 0 : i32
    %dma_wait3A_104 = tpu.memref_slice %arg11[%dma_wait3A_102, %dma_wait3A_103] : memref<10240x64xf32, #tpu.memory_space<vmem_shared>> -> memref<10240x64xf32, #tpu.memory_space<vmem_shared>>
    tpu.wait_indirect_dma semaphore(%arg18 : memref<!tpu.dma_semaphore, #tpu.memory_space<semaphore_mem>>) src(%dma_wait3A_98 : memref<100x64xf32, #tpu.memory_space<vmem>>) dst(%dma_wait3A_104 : memref<10240x64xf32, #tpu.memory_space<vmem_shared>>)
    %dma_wait3A_105 = arith.constant 3 : i32
    %dma_wait3A_106 = arith.constant 0 : i32
    %dma_wait3A_107 = arith.constant 0 : i32
    %dma_wait3A_108 = arith.constant 0 : i32
    %dma_wait3A_109 = tpu.memref_slice %arg9[%dma_wait3A_105, %dma_wait3A_107, %dma_wait3A_108] : memref<4x100x64xf32, #tpu.memory_space<vmem>> -> memref<1x100x64xf32, #tpu.memory_space<vmem>>
    %dma_wait3A_110 = tpu.memref_squeeze %dma_wait3A_109 : memref<1x100x64xf32, #tpu.memory_space<vmem>> -> memref<100x64xf32, #tpu.memory_space<vmem>>
    %dma_wait3A_111 = arith.constant 0 : i32
    %dma_wait3A_112 = tpu.memref_slice %arg8[%dma_wait3A_106, %dma_wait3A_111] : memref<100x100xi32, #tpu.memory_space<vmem>> -> memref<1x100xi32, #tpu.memory_space<vmem>>
    %dma_wait3A_113 = tpu.memref_squeeze %dma_wait3A_112 : memref<1x100xi32, #tpu.memory_space<vmem>> -> memref<100xi32, #tpu.memory_space<vmem>>
    %dma_wait3A_114 = arith.constant 0 : i32
    %dma_wait3A_115 = arith.constant 0 : i32
    %dma_wait3A_116 = tpu.memref_slice %arg11[%dma_wait3A_114, %dma_wait3A_115] : memref<10240x64xf32, #tpu.memory_space<vmem_shared>> -> memref<10240x64xf32, #tpu.memory_space<vmem_shared>>
    tpu.wait_indirect_dma semaphore(%arg19 : memref<!tpu.dma_semaphore, #tpu.memory_space<semaphore_mem>>) src(%dma_wait3A_110 : memref<100x64xf32, #tpu.memory_space<vmem>>) dst(%dma_wait3A_116 : memref<10240x64xf32, #tpu.memory_space<vmem_shared>>)
    %barrier3A_117 = arith.constant 0 : index
    tpu.barrier barrier_id(%barrier3A_117)
    %run_scoped3A = arith.constant 0 : i32
    "tpu.region"() ({
      %run_scoped3A_232 = tpu.sem_alloc : memref<!tpu.dma_semaphore, #tpu.memory_space<semaphore_mem>>
      %dma_start3A_233 = arith.constant 0 : i32
      %dma_start3A_234 = tpu.memref_slice %arg6[%run_scoped3A, %arg0, %mul3A_7, %dma_start3A_233] : memref<2x2x10240x64xf32, #tpu.memory_space<hbm>> -> memref<1x1x640x64xf32, #tpu.memory_space<hbm>>
      %dma_start3A_235 = tpu.memref_squeeze %dma_start3A_234 : memref<1x1x640x64xf32, #tpu.memory_space<hbm>> -> memref<640x64xf32, #tpu.memory_space<hbm>>
      %dma_start3A_236 = arith.constant 0 : i32
      %dma_start3A_237 = tpu.memref_slice %arg11[%mul3A_7, %dma_start3A_236] : memref<10240x64xf32, #tpu.memory_space<vmem_shared>> -> memref<640x64xf32, #tpu.memory_space<vmem_shared>>
      tpu.enqueue_dma source(%dma_start3A_237 : memref<640x64xf32, #tpu.memory_space<vmem_shared>>) target(%dma_start3A_235 : memref<640x64xf32, #tpu.memory_space<hbm>>) target_semaphore(%run_scoped3A_232 : memref<!tpu.dma_semaphore, #tpu.memory_space<semaphore_mem>>)
      %dma_wait3A_238 = arith.constant 0 : i32
      %dma_wait3A_239 = tpu.memref_slice %arg6[%run_scoped3A, %arg0, %mul3A_7, %dma_wait3A_238] : memref<2x2x10240x64xf32, #tpu.memory_space<hbm>> -> memref<1x1x640x64xf32, #tpu.memory_space<hbm>>
      %dma_wait3A_240 = tpu.memref_squeeze %dma_wait3A_239 : memref<1x1x640x64xf32, #tpu.memory_space<hbm>> -> memref<640x64xf32, #tpu.memory_space<hbm>>
      %dma_wait3A_241 = arith.constant 0 : i32
      %dma_wait3A_242 = tpu.memref_slice %arg11[%mul3A_7, %dma_wait3A_241] : memref<10240x64xf32, #tpu.memory_space<vmem_shared>> -> memref<640x64xf32, #tpu.memory_space<vmem_shared>>
      tpu.wait_dma2 semaphore(%run_scoped3A_232 : memref<!tpu.dma_semaphore, #tpu.memory_space<semaphore_mem>>) src(%dma_wait3A_242 : memref<640x64xf32, #tpu.memory_space<vmem_shared>>) dst(%dma_wait3A_240 : memref<640x64xf32, #tpu.memory_space<hbm>>)
      tpu.yield
    }) : () -> ()
    %add3A_118 = arith.constant 0 : i32
    %add3A_119 = arith.addi %mul3A_7, %add3A_118 : i32
    "tpu.region"() ({
      %run_scoped3A_232 = tpu.sem_alloc : memref<!tpu.dma_semaphore, #tpu.memory_space<semaphore_mem>>
      %dma_start3A_233 = arith.constant 0 : i32
      %dma_start3A_234 = tpu.memref_slice %arg11[%add3A_119, %dma_start3A_233] : memref<10240x64xf32, #tpu.memory_space<vmem_shared>> -> memref<128x64xf32, #tpu.memory_space<vmem_shared>>
      %dma_start3A_235 = arith.constant 0 : i32
      %dma_start3A_236 = tpu.memref_slice %arg11[%add3A_119, %dma_start3A_235] : memref<10240x64xf32, #tpu.memory_space<vmem_shared>> -> memref<128x64xf32, #tpu.memory_space<vmem_shared>>
      tpu.enqueue_dma source(%arg10 : memref<128x64xf32, #tpu.memory_space<vmem>>) target(%dma_start3A_236 : memref<128x64xf32, #tpu.memory_space<vmem_shared>>) target_semaphore(%run_scoped3A_232 : memref<!tpu.dma_semaphore, #tpu.memory_space<semaphore_mem>>)
      %dma_wait3A_237 = arith.constant 0 : i32
      %dma_wait3A_238 = tpu.memref_slice %arg11[%add3A_119, %dma_wait3A_237] : memref<10240x64xf32, #tpu.memory_space<vmem_shared>> -> memref<128x64xf32, #tpu.memory_space<vmem_shared>>
      %dma_wait3A_239 = arith.constant 0 : i32
      %dma_wait3A_240 = tpu.memref_slice %arg11[%add3A_119, %dma_wait3A_239] : memref<10240x64xf32, #tpu.memory_space<vmem_shared>> -> memref<128x64xf32, #tpu.memory_space<vmem_shared>>
      tpu.wait_dma2 semaphore(%run_scoped3A_232 : memref<!tpu.dma_semaphore, #tpu.memory_space<semaphore_mem>>) src(%arg10 : memref<128x64xf32, #tpu.memory_space<vmem>>) dst(%dma_wait3A_240 : memref<128x64xf32, #tpu.memory_space<vmem_shared>>)
      tpu.yield
    }) : () -> ()
    %add3A_120 = arith.constant 128 : i32
    %add3A_121 = arith.addi %mul3A_7, %add3A_120 : i32
    "tpu.region"() ({
      %run_scoped3A_232 = tpu.sem_alloc : memref<!tpu.dma_semaphore, #tpu.memory_space<semaphore_mem>>
      %dma_start3A_233 = arith.constant 0 : i32
      %dma_start3A_234 = tpu.memref_slice %arg11[%add3A_121, %dma_start3A_233] : memref<10240x64xf32, #tpu.memory_space<vmem_shared>> -> memref<128x64xf32, #tpu.memory_space<vmem_shared>>
      %dma_start3A_235 = arith.constant 0 : i32
      %dma_start3A_236 = tpu.memref_slice %arg11[%add3A_121, %dma_start3A_235] : memref<10240x64xf32, #tpu.memory_space<vmem_shared>> -> memref<128x64xf32, #tpu.memory_space<vmem_shared>>
      tpu.enqueue_dma source(%arg10 : memref<128x64xf32, #tpu.memory_space<vmem>>) target(%dma_start3A_236 : memref<128x64xf32, #tpu.memory_space<vmem_shared>>) target_semaphore(%run_scoped3A_232 : memref<!tpu.dma_semaphore, #tpu.memory_space<semaphore_mem>>)
      %dma_wait3A_237 = arith.constant 0 : i32
      %dma_wait3A_238 = tpu.memref_slice %arg11[%add3A_121, %dma_wait3A_237] : memref<10240x64xf32, #tpu.memory_space<vmem_shared>> -> memref<128x64xf32, #tpu.memory_space<vmem_shared>>
      %dma_wait3A_239 = arith.constant 0 : i32
      %dma_wait3A_240 = tpu.memref_slice %arg11[%add3A_121, %dma_wait3A_239] : memref<10240x64xf32, #tpu.memory_space<vmem_shared>> -> memref<128x64xf32, #tpu.memory_space<vmem_shared>>
      tpu.wait_dma2 semaphore(%run_scoped3A_232 : memref<!tpu.dma_semaphore, #tpu.memory_space<semaphore_mem>>) src(%arg10 : memref<128x64xf32, #tpu.memory_space<vmem>>) dst(%dma_wait3A_240 : memref<128x64xf32, #tpu.memory_space<vmem_shared>>)
      tpu.yield
    }) : () -> ()
    %add3A_122 = arith.constant 256 : i32
    %add3A_123 = arith.addi %mul3A_7, %add3A_122 : i32
    "tpu.region"() ({
      %run_scoped3A_232 = tpu.sem_alloc : memref<!tpu.dma_semaphore, #tpu.memory_space<semaphore_mem>>
      %dma_start3A_233 = arith.constant 0 : i32
      %dma_start3A_234 = tpu.memref_slice %arg11[%add3A_123, %dma_start3A_233] : memref<10240x64xf32, #tpu.memory_space<vmem_shared>> -> memref<128x64xf32, #tpu.memory_space<vmem_shared>>
      %dma_start3A_235 = arith.constant 0 : i32
      %dma_start3A_236 = tpu.memref_slice %arg11[%add3A_123, %dma_start3A_235] : memref<10240x64xf32, #tpu.memory_space<vmem_shared>> -> memref<128x64xf32, #tpu.memory_space<vmem_shared>>
      tpu.enqueue_dma source(%arg10 : memref<128x64xf32, #tpu.memory_space<vmem>>) target(%dma_start3A_236 : memref<128x64xf32, #tpu.memory_space<vmem_shared>>) target_semaphore(%run_scoped3A_232 : memref<!tpu.dma_semaphore, #tpu.memory_space<semaphore_mem>>)
      %dma_wait3A_237 = arith.constant 0 : i32
      %dma_wait3A_238 = tpu.memref_slice %arg11[%add3A_123, %dma_wait3A_237] : memref<10240x64xf32, #tpu.memory_space<vmem_shared>> -> memref<128x64xf32, #tpu.memory_space<vmem_shared>>
      %dma_wait3A_239 = arith.constant 0 : i32
      %dma_wait3A_240 = tpu.memref_slice %arg11[%add3A_123, %dma_wait3A_239] : memref<10240x64xf32, #tpu.memory_space<vmem_shared>> -> memref<128x64xf32, #tpu.memory_space<vmem_shared>>
      tpu.wait_dma2 semaphore(%run_scoped3A_232 : memref<!tpu.dma_semaphore, #tpu.memory_space<semaphore_mem>>) src(%arg10 : memref<128x64xf32, #tpu.memory_space<vmem>>) dst(%dma_wait3A_240 : memref<128x64xf32, #tpu.memory_space<vmem_shared>>)
      tpu.yield
    }) : () -> ()
    %add3A_124 = arith.constant 384 : i32
    %add3A_125 = arith.addi %mul3A_7, %add3A_124 : i32
    "tpu.region"() ({
      %run_scoped3A_232 = tpu.sem_alloc : memref<!tpu.dma_semaphore, #tpu.memory_space<semaphore_mem>>
      %dma_start3A_233 = arith.constant 0 : i32
      %dma_start3A_234 = tpu.memref_slice %arg11[%add3A_125, %dma_start3A_233] : memref<10240x64xf32, #tpu.memory_space<vmem_shared>> -> memref<128x64xf32, #tpu.memory_space<vmem_shared>>
      %dma_start3A_235 = arith.constant 0 : i32
      %dma_start3A_236 = tpu.memref_slice %arg11[%add3A_125, %dma_start3A_235] : memref<10240x64xf32, #tpu.memory_space<vmem_shared>> -> memref<128x64xf32, #tpu.memory_space<vmem_shared>>
      tpu.enqueue_dma source(%arg10 : memref<128x64xf32, #tpu.memory_space<vmem>>) target(%dma_start3A_236 : memref<128x64xf32, #tpu.memory_space<vmem_shared>>) target_semaphore(%run_scoped3A_232 : memref<!tpu.dma_semaphore, #tpu.memory_space<semaphore_mem>>)
      %dma_wait3A_237 = arith.constant 0 : i32
      %dma_wait3A_238 = tpu.memref_slice %arg11[%add3A_125, %dma_wait3A_237] : memref<10240x64xf32, #tpu.memory_space<vmem_shared>> -> memref<128x64xf32, #tpu.memory_space<vmem_shared>>
      %dma_wait3A_239 = arith.constant 0 : i32
      %dma_wait3A_240 = tpu.memref_slice %arg11[%add3A_125, %dma_wait3A_239] : memref<10240x64xf32, #tpu.memory_space<vmem_shared>> -> memref<128x64xf32, #tpu.memory_space<vmem_shared>>
      tpu.wait_dma2 semaphore(%run_scoped3A_232 : memref<!tpu.dma_semaphore, #tpu.memory_space<semaphore_mem>>) src(%arg10 : memref<128x64xf32, #tpu.memory_space<vmem>>) dst(%dma_wait3A_240 : memref<128x64xf32, #tpu.memory_space<vmem_shared>>)
      tpu.yield
    }) : () -> ()
    %add3A_126 = arith.constant 512 : i32
    %add3A_127 = arith.addi %mul3A_7, %add3A_126 : i32
    "tpu.region"() ({
      %run_scoped3A_232 = tpu.sem_alloc : memref<!tpu.dma_semaphore, #tpu.memory_space<semaphore_mem>>
      %dma_start3A_233 = arith.constant 0 : i32
      %dma_start3A_234 = tpu.memref_slice %arg11[%add3A_127, %dma_start3A_233] : memref<10240x64xf32, #tpu.memory_space<vmem_shared>> -> memref<128x64xf32, #tpu.memory_space<vmem_shared>>
      %dma_start3A_235 = arith.constant 0 : i32
      %dma_start3A_236 = tpu.memref_slice %arg11[%add3A_127, %dma_start3A_235] : memref<10240x64xf32, #tpu.memory_space<vmem_shared>> -> memref<128x64xf32, #tpu.memory_space<vmem_shared>>
      tpu.enqueue_dma source(%arg10 : memref<128x64xf32, #tpu.memory_space<vmem>>) target(%dma_start3A_236 : memref<128x64xf32, #tpu.memory_space<vmem_shared>>) target_semaphore(%run_scoped3A_232 : memref<!tpu.dma_semaphore, #tpu.memory_space<semaphore_mem>>)
      %dma_wait3A_237 = arith.constant 0 : i32
      %dma_wait3A_238 = tpu.memref_slice %arg11[%add3A_127, %dma_wait3A_237] : memref<10240x64xf32, #tpu.memory_space<vmem_shared>> -> memref<128x64xf32, #tpu.memory_space<vmem_shared>>
      %dma_wait3A_239 = arith.constant 0 : i32
      %dma_wait3A_240 = tpu.memref_slice %arg11[%add3A_127, %dma_wait3A_239] : memref<10240x64xf32, #tpu.memory_space<vmem_shared>> -> memref<128x64xf32, #tpu.memory_space<vmem_shared>>
      tpu.wait_dma2 semaphore(%run_scoped3A_232 : memref<!tpu.dma_semaphore, #tpu.memory_space<semaphore_mem>>) src(%arg10 : memref<128x64xf32, #tpu.memory_space<vmem>>) dst(%dma_wait3A_240 : memref<128x64xf32, #tpu.memory_space<vmem_shared>>)
      tpu.yield
    }) : () -> ()
    %barrier3A_128 = arith.constant 0 : index
    tpu.barrier barrier_id(%barrier3A_128)
    %dma_start3A_129 = arith.constant 0 : i32
    %dma_start3A_130 = arith.constant 0 : i32
    %dma_start3A_131 = arith.constant 0 : i32
    %dma_start3A_132 = arith.constant 0 : i32
    %dma_start3A_133 = tpu.memref_slice %arg9[%dma_start3A_130, %dma_start3A_131, %dma_start3A_132] : memref<4x100x64xf32, #tpu.memory_space<vmem>> -> memref<1x100x64xf32, #tpu.memory_space<vmem>>
    %dma_start3A_134 = tpu.memref_squeeze %dma_start3A_133 : memref<1x100x64xf32, #tpu.memory_space<vmem>> -> memref<100x64xf32, #tpu.memory_space<vmem>>
    %dma_start3A_135 = arith.constant 0 : i32
    %dma_start3A_136 = tpu.memref_slice %arg7[%dma_start3A_129, %dma_start3A_135] : memref<100x100xi32, #tpu.memory_space<vmem>> -> memref<1x100xi32, #tpu.memory_space<vmem>>
    %dma_start3A_137 = tpu.memref_squeeze %dma_start3A_136 : memref<1x100xi32, #tpu.memory_space<vmem>> -> memref<100xi32, #tpu.memory_space<vmem>>
    %dma_start3A_138 = arith.constant 0 : i32
    %dma_start3A_139 = arith.constant 0 : i32
    %dma_start3A_140 = tpu.memref_slice %arg3[%dma_start3A_138, %dma_start3A_139] : memref<10000x64xf32, #tpu.memory_space<hbm>> -> memref<10000x64xf32, #tpu.memory_space<hbm>>
    tpu.enqueue_indirect_dma source(%dma_start3A_140 : memref<10000x64xf32, #tpu.memory_space<hbm>>) target(%dma_start3A_134 : memref<100x64xf32, #tpu.memory_space<vmem>>) offsets(%dma_start3A_137 : memref<100xi32, #tpu.memory_space<vmem>>) semaphore(%arg12 : memref<!tpu.dma_semaphore, #tpu.memory_space<semaphore_mem>>)
    %dma_start3A_141 = arith.constant 1 : i32
    %dma_start3A_142 = arith.constant 1 : i32
    %dma_start3A_143 = arith.constant 0 : i32
    %dma_start3A_144 = arith.constant 0 : i32
    %dma_start3A_145 = tpu.memref_slice %arg9[%dma_start3A_142, %dma_start3A_143, %dma_start3A_144] : memref<4x100x64xf32, #tpu.memory_space<vmem>> -> memref<1x100x64xf32, #tpu.memory_space<vmem>>
    %dma_start3A_146 = tpu.memref_squeeze %dma_start3A_145 : memref<1x100x64xf32, #tpu.memory_space<vmem>> -> memref<100x64xf32, #tpu.memory_space<vmem>>
    %dma_start3A_147 = arith.constant 0 : i32
    %dma_start3A_148 = tpu.memref_slice %arg7[%dma_start3A_141, %dma_start3A_147] : memref<100x100xi32, #tpu.memory_space<vmem>> -> memref<1x100xi32, #tpu.memory_space<vmem>>
    %dma_start3A_149 = tpu.memref_squeeze %dma_start3A_148 : memref<1x100xi32, #tpu.memory_space<vmem>> -> memref<100xi32, #tpu.memory_space<vmem>>
    %dma_start3A_150 = arith.constant 0 : i32
    %dma_start3A_151 = arith.constant 0 : i32
    %dma_start3A_152 = tpu.memref_slice %arg3[%dma_start3A_150, %dma_start3A_151] : memref<10000x64xf32, #tpu.memory_space<hbm>> -> memref<10000x64xf32, #tpu.memory_space<hbm>>
    tpu.enqueue_indirect_dma source(%dma_start3A_152 : memref<10000x64xf32, #tpu.memory_space<hbm>>) target(%dma_start3A_146 : memref<100x64xf32, #tpu.memory_space<vmem>>) offsets(%dma_start3A_149 : memref<100xi32, #tpu.memory_space<vmem>>) semaphore(%arg13 : memref<!tpu.dma_semaphore, #tpu.memory_space<semaphore_mem>>)
    %dma_start3A_153 = arith.constant 2 : i32
    %dma_start3A_154 = arith.constant 2 : i32
    %dma_start3A_155 = arith.constant 0 : i32
    %dma_start3A_156 = arith.constant 0 : i32
    %dma_start3A_157 = tpu.memref_slice %arg9[%dma_start3A_154, %dma_start3A_155, %dma_start3A_156] : memref<4x100x64xf32, #tpu.memory_space<vmem>> -> memref<1x100x64xf32, #tpu.memory_space<vmem>>
    %dma_start3A_158 = tpu.memref_squeeze %dma_start3A_157 : memref<1x100x64xf32, #tpu.memory_space<vmem>> -> memref<100x64xf32, #tpu.memory_space<vmem>>
    %dma_start3A_159 = arith.constant 0 : i32
    %dma_start3A_160 = tpu.memref_slice %arg7[%dma_start3A_153, %dma_start3A_159] : memref<100x100xi32, #tpu.memory_space<vmem>> -> memref<1x100xi32, #tpu.memory_space<vmem>>
    %dma_start3A_161 = tpu.memref_squeeze %dma_start3A_160 : memref<1x100xi32, #tpu.memory_space<vmem>> -> memref<100xi32, #tpu.memory_space<vmem>>
    %dma_start3A_162 = arith.constant 0 : i32
    %dma_start3A_163 = arith.constant 0 : i32
    %dma_start3A_164 = tpu.memref_slice %arg3[%dma_start3A_162, %dma_start3A_163] : memref<10000x64xf32, #tpu.memory_space<hbm>> -> memref<10000x64xf32, #tpu.memory_space<hbm>>
    tpu.enqueue_indirect_dma source(%dma_start3A_164 : memref<10000x64xf32, #tpu.memory_space<hbm>>) target(%dma_start3A_158 : memref<100x64xf32, #tpu.memory_space<vmem>>) offsets(%dma_start3A_161 : memref<100xi32, #tpu.memory_space<vmem>>) semaphore(%arg14 : memref<!tpu.dma_semaphore, #tpu.memory_space<semaphore_mem>>)
    %dma_start3A_165 = arith.constant 3 : i32
    %dma_start3A_166 = arith.constant 3 : i32
    %dma_start3A_167 = arith.constant 0 : i32
    %dma_start3A_168 = arith.constant 0 : i32
    %dma_start3A_169 = tpu.memref_slice %arg9[%dma_start3A_166, %dma_start3A_167, %dma_start3A_168] : memref<4x100x64xf32, #tpu.memory_space<vmem>> -> memref<1x100x64xf32, #tpu.memory_space<vmem>>
    %dma_start3A_170 = tpu.memref_squeeze %dma_start3A_169 : memref<1x100x64xf32, #tpu.memory_space<vmem>> -> memref<100x64xf32, #tpu.memory_space<vmem>>
    %dma_start3A_171 = arith.constant 0 : i32
    %dma_start3A_172 = tpu.memref_slice %arg7[%dma_start3A_165, %dma_start3A_171] : memref<100x100xi32, #tpu.memory_space<vmem>> -> memref<1x100xi32, #tpu.memory_space<vmem>>
    %dma_start3A_173 = tpu.memref_squeeze %dma_start3A_172 : memref<1x100xi32, #tpu.memory_space<vmem>> -> memref<100xi32, #tpu.memory_space<vmem>>
    %dma_start3A_174 = arith.constant 0 : i32
    %dma_start3A_175 = arith.constant 0 : i32
    %dma_start3A_176 = tpu.memref_slice %arg3[%dma_start3A_174, %dma_start3A_175] : memref<10000x64xf32, #tpu.memory_space<hbm>> -> memref<10000x64xf32, #tpu.memory_space<hbm>>
    tpu.enqueue_indirect_dma source(%dma_start3A_176 : memref<10000x64xf32, #tpu.memory_space<hbm>>) target(%dma_start3A_170 : memref<100x64xf32, #tpu.memory_space<vmem>>) offsets(%dma_start3A_173 : memref<100xi32, #tpu.memory_space<vmem>>) semaphore(%arg15 : memref<!tpu.dma_semaphore, #tpu.memory_space<semaphore_mem>>)
    %scan3A_177 = arith.constant 0 : i32
    %scan3A_178 = arith.constant 25 : i32
    %scan3A_179 = arith.addi %scan3A_177, %scan3A_178 : i32
    %scan3A_180 = arith.constant 1 : i32
    scf.for %scan3A_232 = %scan3A_177 to %scan3A_179 step %scan3A_180  : i32 {
      %mul3A_233 = arith.constant 4 : i32
      %mul3A_234 = arith.muli %scan3A_232, %mul3A_233 : i32
      %add3A_235 = arith.constant 0 : i32
      %add3A_236 = arith.addi %add3A_235, %mul3A_234 : i32
      %add3A_237 = arith.constant 0 : i32
      %add3A_238 = arith.addi %add3A_236, %add3A_237 : i32
      %dma_wait3A_239 = arith.constant 0 : i32
      %dma_wait3A_240 = arith.constant 0 : i32
      %dma_wait3A_241 = arith.constant 0 : i32
      %dma_wait3A_242 = tpu.memref_slice %arg9[%dma_wait3A_239, %dma_wait3A_240, %dma_wait3A_241] : memref<4x100x64xf32, #tpu.memory_space<vmem>> -> memref<1x100x64xf32, #tpu.memory_space<vmem>>
      %dma_wait3A_243 = tpu.memref_squeeze %dma_wait3A_242 : memref<1x100x64xf32, #tpu.memory_space<vmem>> -> memref<100x64xf32, #tpu.memory_space<vmem>>
      %dma_wait3A_244 = arith.constant 0 : i32
      %dma_wait3A_245 = tpu.memref_slice %arg7[%add3A_238, %dma_wait3A_244] : memref<100x100xi32, #tpu.memory_space<vmem>> -> memref<1x100xi32, #tpu.memory_space<vmem>>
      %dma_wait3A_246 = tpu.memref_squeeze %dma_wait3A_245 : memref<1x100xi32, #tpu.memory_space<vmem>> -> memref<100xi32, #tpu.memory_space<vmem>>
      %dma_wait3A_247 = arith.constant 0 : i32
      %dma_wait3A_248 = arith.constant 0 : i32
      %dma_wait3A_249 = tpu.memref_slice %arg3[%dma_wait3A_247, %dma_wait3A_248] : memref<10000x64xf32, #tpu.memory_space<hbm>> -> memref<10000x64xf32, #tpu.memory_space<hbm>>
      tpu.wait_indirect_dma semaphore(%arg12 : memref<!tpu.dma_semaphore, #tpu.memory_space<semaphore_mem>>) src(%dma_wait3A_249 : memref<10000x64xf32, #tpu.memory_space<hbm>>) dst(%dma_wait3A_243 : memref<100x64xf32, #tpu.memory_space<vmem>>)
      %dma_start3A_250 = arith.constant 0 : i32
      %dma_start3A_251 = arith.constant 0 : i32
      %dma_start3A_252 = arith.constant 0 : i32
      %dma_start3A_253 = tpu.memref_slice %arg9[%dma_start3A_250, %dma_start3A_251, %dma_start3A_252] : memref<4x100x64xf32, #tpu.memory_space<vmem>> -> memref<1x100x64xf32, #tpu.memory_space<vmem>>
      %dma_start3A_254 = tpu.memref_squeeze %dma_start3A_253 : memref<1x100x64xf32, #tpu.memory_space<vmem>> -> memref<100x64xf32, #tpu.memory_space<vmem>>
      %dma_start3A_255 = arith.constant 0 : i32
      %dma_start3A_256 = tpu.memref_slice %arg8[%add3A_238, %dma_start3A_255] : memref<100x100xi32, #tpu.memory_space<vmem>> -> memref<1x100xi32, #tpu.memory_space<vmem>>
      %dma_start3A_257 = tpu.memref_squeeze %dma_start3A_256 : memref<1x100xi32, #tpu.memory_space<vmem>> -> memref<100xi32, #tpu.memory_space<vmem>>
      %dma_start3A_258 = arith.constant 0 : i32
      %dma_start3A_259 = arith.constant 0 : i32
      %dma_start3A_260 = tpu.memref_slice %arg11[%dma_start3A_258, %dma_start3A_259] : memref<10240x64xf32, #tpu.memory_space<vmem_shared>> -> memref<10240x64xf32, #tpu.memory_space<vmem_shared>>
      tpu.enqueue_indirect_dma source(%dma_start3A_254 : memref<100x64xf32, #tpu.memory_space<vmem>>) target(%dma_start3A_260 : memref<10240x64xf32, #tpu.memory_space<vmem_shared>>) offsets(%dma_start3A_257 : memref<100xi32, #tpu.memory_space<vmem>>) semaphore(%arg16 : memref<!tpu.dma_semaphore, #tpu.memory_space<semaphore_mem>>) {add = true}
      %add3A_261 = arith.constant 4 : i32
      %add3A_262 = arith.addi %add3A_238, %add3A_261 : i32
      %lt3A = arith.constant 100 : i32
      %lt3A_263 = arith.cmpi slt, %add3A_262, %lt3A : i32
      %convert_element_type3A = arith.extui %lt3A_263 : i1 to i32
      %cond3A = arith.constant 0 : i32
      %cond3A_264 = arith.cmpi ne, %convert_element_type3A, %cond3A : i32
      scf.if %cond3A_264 {
        %dma_wait3A_358 = arith.constant 0 : i32
        %dma_wait3A_359 = arith.constant 0 : i32
        %dma_wait3A_360 = arith.constant 0 : i32
        %dma_wait3A_361 = tpu.memref_slice %arg9[%dma_wait3A_358, %dma_wait3A_359, %dma_wait3A_360] : memref<4x100x64xf32, #tpu.memory_space<vmem>> -> memref<1x100x64xf32, #tpu.memory_space<vmem>>
        %dma_wait3A_362 = tpu.memref_squeeze %dma_wait3A_361 : memref<1x100x64xf32, #tpu.memory_space<vmem>> -> memref<100x64xf32, #tpu.memory_space<vmem>>
        %dma_wait3A_363 = arith.constant 0 : i32
        %dma_wait3A_364 = tpu.memref_slice %arg8[%add3A_238, %dma_wait3A_363] : memref<100x100xi32, #tpu.memory_space<vmem>> -> memref<1x100xi32, #tpu.memory_space<vmem>>
        %dma_wait3A_365 = tpu.memref_squeeze %dma_wait3A_364 : memref<1x100xi32, #tpu.memory_space<vmem>> -> memref<100xi32, #tpu.memory_space<vmem>>
        %dma_wait3A_366 = arith.constant 0 : i32
        %dma_wait3A_367 = arith.constant 0 : i32
        %dma_wait3A_368 = tpu.memref_slice %arg11[%dma_wait3A_366, %dma_wait3A_367] : memref<10240x64xf32, #tpu.memory_space<vmem_shared>> -> memref<10240x64xf32, #tpu.memory_space<vmem_shared>>
        tpu.wait_indirect_dma semaphore(%arg16 : memref<!tpu.dma_semaphore, #tpu.memory_space<semaphore_mem>>) src(%dma_wait3A_362 : memref<100x64xf32, #tpu.memory_space<vmem>>) dst(%dma_wait3A_368 : memref<10240x64xf32, #tpu.memory_space<vmem_shared>>)
        %add3A_369 = arith.constant 4 : i32
        %add3A_370 = arith.addi %add3A_238, %add3A_369 : i32
        %dma_start3A_371 = arith.constant 0 : i32
        %dma_start3A_372 = arith.constant 0 : i32
        %dma_start3A_373 = arith.constant 0 : i32
        %dma_start3A_374 = tpu.memref_slice %arg9[%dma_start3A_371, %dma_start3A_372, %dma_start3A_373] : memref<4x100x64xf32, #tpu.memory_space<vmem>> -> memref<1x100x64xf32, #tpu.memory_space<vmem>>
        %dma_start3A_375 = tpu.memref_squeeze %dma_start3A_374 : memref<1x100x64xf32, #tpu.memory_space<vmem>> -> memref<100x64xf32, #tpu.memory_space<vmem>>
        %dma_start3A_376 = arith.constant 0 : i32
        %dma_start3A_377 = tpu.memref_slice %arg7[%add3A_370, %dma_start3A_376] : memref<100x100xi32, #tpu.memory_space<vmem>> -> memref<1x100xi32, #tpu.memory_space<vmem>>
        %dma_start3A_378 = tpu.memref_squeeze %dma_start3A_377 : memref<1x100xi32, #tpu.memory_space<vmem>> -> memref<100xi32, #tpu.memory_space<vmem>>
        %dma_start3A_379 = arith.constant 0 : i32
        %dma_start3A_380 = arith.constant 0 : i32
        %dma_start3A_381 = tpu.memref_slice %arg3[%dma_start3A_379, %dma_start3A_380] : memref<10000x64xf32, #tpu.memory_space<hbm>> -> memref<10000x64xf32, #tpu.memory_space<hbm>>
        tpu.enqueue_indirect_dma source(%dma_start3A_381 : memref<10000x64xf32, #tpu.memory_space<hbm>>) target(%dma_start3A_375 : memref<100x64xf32, #tpu.memory_space<vmem>>) offsets(%dma_start3A_378 : memref<100xi32, #tpu.memory_space<vmem>>) semaphore(%arg12 : memref<!tpu.dma_semaphore, #tpu.memory_space<semaphore_mem>>)
      } else {
      }
      %add3A_265 = arith.constant 1 : i32
      %add3A_266 = arith.addi %add3A_236, %add3A_265 : i32
      %dma_wait3A_267 = arith.constant 1 : i32
      %dma_wait3A_268 = arith.constant 0 : i32
      %dma_wait3A_269 = arith.constant 0 : i32
      %dma_wait3A_270 = tpu.memref_slice %arg9[%dma_wait3A_267, %dma_wait3A_268, %dma_wait3A_269] : memref<4x100x64xf32, #tpu.memory_space<vmem>> -> memref<1x100x64xf32, #tpu.memory_space<vmem>>
      %dma_wait3A_271 = tpu.memref_squeeze %dma_wait3A_270 : memref<1x100x64xf32, #tpu.memory_space<vmem>> -> memref<100x64xf32, #tpu.memory_space<vmem>>
      %dma_wait3A_272 = arith.constant 0 : i32
      %dma_wait3A_273 = tpu.memref_slice %arg7[%add3A_266, %dma_wait3A_272] : memref<100x100xi32, #tpu.memory_space<vmem>> -> memref<1x100xi32, #tpu.memory_space<vmem>>
      %dma_wait3A_274 = tpu.memref_squeeze %dma_wait3A_273 : memref<1x100xi32, #tpu.memory_space<vmem>> -> memref<100xi32, #tpu.memory_space<vmem>>
      %dma_wait3A_275 = arith.constant 0 : i32
      %dma_wait3A_276 = arith.constant 0 : i32
      %dma_wait3A_277 = tpu.memref_slice %arg3[%dma_wait3A_275, %dma_wait3A_276] : memref<10000x64xf32, #tpu.memory_space<hbm>> -> memref<10000x64xf32, #tpu.memory_space<hbm>>
      tpu.wait_indirect_dma semaphore(%arg13 : memref<!tpu.dma_semaphore, #tpu.memory_space<semaphore_mem>>) src(%dma_wait3A_277 : memref<10000x64xf32, #tpu.memory_space<hbm>>) dst(%dma_wait3A_271 : memref<100x64xf32, #tpu.memory_space<vmem>>)
      %dma_start3A_278 = arith.constant 1 : i32
      %dma_start3A_279 = arith.constant 0 : i32
      %dma_start3A_280 = arith.constant 0 : i32
      %dma_start3A_281 = tpu.memref_slice %arg9[%dma_start3A_278, %dma_start3A_279, %dma_start3A_280] : memref<4x100x64xf32, #tpu.memory_space<vmem>> -> memref<1x100x64xf32, #tpu.memory_space<vmem>>
      %dma_start3A_282 = tpu.memref_squeeze %dma_start3A_281 : memref<1x100x64xf32, #tpu.memory_space<vmem>> -> memref<100x64xf32, #tpu.memory_space<vmem>>
      %dma_start3A_283 = arith.constant 0 : i32
      %dma_start3A_284 = tpu.memref_slice %arg8[%add3A_266, %dma_start3A_283] : memref<100x100xi32, #tpu.memory_space<vmem>> -> memref<1x100xi32, #tpu.memory_space<vmem>>
      %dma_start3A_285 = tpu.memref_squeeze %dma_start3A_284 : memref<1x100xi32, #tpu.memory_space<vmem>> -> memref<100xi32, #tpu.memory_space<vmem>>
      %dma_start3A_286 = arith.constant 0 : i32
      %dma_start3A_287 = arith.constant 0 : i32
      %dma_start3A_288 = tpu.memref_slice %arg11[%dma_start3A_286, %dma_start3A_287] : memref<10240x64xf32, #tpu.memory_space<vmem_shared>> -> memref<10240x64xf32, #tpu.memory_space<vmem_shared>>
      tpu.enqueue_indirect_dma source(%dma_start3A_282 : memref<100x64xf32, #tpu.memory_space<vmem>>) target(%dma_start3A_288 : memref<10240x64xf32, #tpu.memory_space<vmem_shared>>) offsets(%dma_start3A_285 : memref<100xi32, #tpu.memory_space<vmem>>) semaphore(%arg17 : memref<!tpu.dma_semaphore, #tpu.memory_space<semaphore_mem>>) {add = true}
      %add3A_289 = arith.constant 4 : i32
      %add3A_290 = arith.addi %add3A_266, %add3A_289 : i32
      %lt3A_291 = arith.constant 100 : i32
      %lt3A_292 = arith.cmpi slt, %add3A_290, %lt3A_291 : i32
      %convert_element_type3A_293 = arith.extui %lt3A_292 : i1 to i32
      %cond3A_294 = arith.constant 0 : i32
      %cond3A_295 = arith.cmpi ne, %convert_element_type3A_293, %cond3A_294 : i32
      scf.if %cond3A_295 {
        %dma_wait3A_358 = arith.constant 1 : i32
        %dma_wait3A_359 = arith.constant 0 : i32
        %dma_wait3A_360 = arith.constant 0 : i32
        %dma_wait3A_361 = tpu.memref_slice %arg9[%dma_wait3A_358, %dma_wait3A_359, %dma_wait3A_360] : memref<4x100x64xf32, #tpu.memory_space<vmem>> -> memref<1x100x64xf32, #tpu.memory_space<vmem>>
        %dma_wait3A_362 = tpu.memref_squeeze %dma_wait3A_361 : memref<1x100x64xf32, #tpu.memory_space<vmem>> -> memref<100x64xf32, #tpu.memory_space<vmem>>
        %dma_wait3A_363 = arith.constant 0 : i32
        %dma_wait3A_364 = tpu.memref_slice %arg8[%add3A_266, %dma_wait3A_363] : memref<100x100xi32, #tpu.memory_space<vmem>> -> memref<1x100xi32, #tpu.memory_space<vmem>>
        %dma_wait3A_365 = tpu.memref_squeeze %dma_wait3A_364 : memref<1x100xi32, #tpu.memory_space<vmem>> -> memref<100xi32, #tpu.memory_space<vmem>>
        %dma_wait3A_366 = arith.constant 0 : i32
        %dma_wait3A_367 = arith.constant 0 : i32
        %dma_wait3A_368 = tpu.memref_slice %arg11[%dma_wait3A_366, %dma_wait3A_367] : memref<10240x64xf32, #tpu.memory_space<vmem_shared>> -> memref<10240x64xf32, #tpu.memory_space<vmem_shared>>
        tpu.wait_indirect_dma semaphore(%arg17 : memref<!tpu.dma_semaphore, #tpu.memory_space<semaphore_mem>>) src(%dma_wait3A_362 : memref<100x64xf32, #tpu.memory_space<vmem>>) dst(%dma_wait3A_368 : memref<10240x64xf32, #tpu.memory_space<vmem_shared>>)
        %add3A_369 = arith.constant 4 : i32
        %add3A_370 = arith.addi %add3A_266, %add3A_369 : i32
        %dma_start3A_371 = arith.constant 1 : i32
        %dma_start3A_372 = arith.constant 0 : i32
        %dma_start3A_373 = arith.constant 0 : i32
        %dma_start3A_374 = tpu.memref_slice %arg9[%dma_start3A_371, %dma_start3A_372, %dma_start3A_373] : memref<4x100x64xf32, #tpu.memory_space<vmem>> -> memref<1x100x64xf32, #tpu.memory_space<vmem>>
        %dma_start3A_375 = tpu.memref_squeeze %dma_start3A_374 : memref<1x100x64xf32, #tpu.memory_space<vmem>> -> memref<100x64xf32, #tpu.memory_space<vmem>>
        %dma_start3A_376 = arith.constant 0 : i32
        %dma_start3A_377 = tpu.memref_slice %arg7[%add3A_370, %dma_start3A_376] : memref<100x100xi32, #tpu.memory_space<vmem>> -> memref<1x100xi32, #tpu.memory_space<vmem>>
        %dma_start3A_378 = tpu.memref_squeeze %dma_start3A_377 : memref<1x100xi32, #tpu.memory_space<vmem>> -> memref<100xi32, #tpu.memory_space<vmem>>
        %dma_start3A_379 = arith.constant 0 : i32
        %dma_start3A_380 = arith.constant 0 : i32
        %dma_start3A_381 = tpu.memref_slice %arg3[%dma_start3A_379, %dma_start3A_380] : memref<10000x64xf32, #tpu.memory_space<hbm>> -> memref<10000x64xf32, #tpu.memory_space<hbm>>
        tpu.enqueue_indirect_dma source(%dma_start3A_381 : memref<10000x64xf32, #tpu.memory_space<hbm>>) target(%dma_start3A_375 : memref<100x64xf32, #tpu.memory_space<vmem>>) offsets(%dma_start3A_378 : memref<100xi32, #tpu.memory_space<vmem>>) semaphore(%arg13 : memref<!tpu.dma_semaphore, #tpu.memory_space<semaphore_mem>>)
      } else {
      }
      %add3A_296 = arith.constant 2 : i32
      %add3A_297 = arith.addi %add3A_236, %add3A_296 : i32
      %dma_wait3A_298 = arith.constant 2 : i32
      %dma_wait3A_299 = arith.constant 0 : i32
      %dma_wait3A_300 = arith.constant 0 : i32
      %dma_wait3A_301 = tpu.memref_slice %arg9[%dma_wait3A_298, %dma_wait3A_299, %dma_wait3A_300] : memref<4x100x64xf32, #tpu.memory_space<vmem>> -> memref<1x100x64xf32, #tpu.memory_space<vmem>>
      %dma_wait3A_302 = tpu.memref_squeeze %dma_wait3A_301 : memref<1x100x64xf32, #tpu.memory_space<vmem>> -> memref<100x64xf32, #tpu.memory_space<vmem>>
      %dma_wait3A_303 = arith.constant 0 : i32
      %dma_wait3A_304 = tpu.memref_slice %arg7[%add3A_297, %dma_wait3A_303] : memref<100x100xi32, #tpu.memory_space<vmem>> -> memref<1x100xi32, #tpu.memory_space<vmem>>
      %dma_wait3A_305 = tpu.memref_squeeze %dma_wait3A_304 : memref<1x100xi32, #tpu.memory_space<vmem>> -> memref<100xi32, #tpu.memory_space<vmem>>
      %dma_wait3A_306 = arith.constant 0 : i32
      %dma_wait3A_307 = arith.constant 0 : i32
      %dma_wait3A_308 = tpu.memref_slice %arg3[%dma_wait3A_306, %dma_wait3A_307] : memref<10000x64xf32, #tpu.memory_space<hbm>> -> memref<10000x64xf32, #tpu.memory_space<hbm>>
      tpu.wait_indirect_dma semaphore(%arg14 : memref<!tpu.dma_semaphore, #tpu.memory_space<semaphore_mem>>) src(%dma_wait3A_308 : memref<10000x64xf32, #tpu.memory_space<hbm>>) dst(%dma_wait3A_302 : memref<100x64xf32, #tpu.memory_space<vmem>>)
      %dma_start3A_309 = arith.constant 2 : i32
      %dma_start3A_310 = arith.constant 0 : i32
      %dma_start3A_311 = arith.constant 0 : i32
      %dma_start3A_312 = tpu.memref_slice %arg9[%dma_start3A_309, %dma_start3A_310, %dma_start3A_311] : memref<4x100x64xf32, #tpu.memory_space<vmem>> -> memref<1x100x64xf32, #tpu.memory_space<vmem>>
      %dma_start3A_313 = tpu.memref_squeeze %dma_start3A_312 : memref<1x100x64xf32, #tpu.memory_space<vmem>> -> memref<100x64xf32, #tpu.memory_space<vmem>>
      %dma_start3A_314 = arith.constant 0 : i32
      %dma_start3A_315 = tpu.memref_slice %arg8[%add3A_297, %dma_start3A_314] : memref<100x100xi32, #tpu.memory_space<vmem>> -> memref<1x100xi32, #tpu.memory_space<vmem>>
      %dma_start3A_316 = tpu.memref_squeeze %dma_start3A_315 : memref<1x100xi32, #tpu.memory_space<vmem>> -> memref<100xi32, #tpu.memory_space<vmem>>
      %dma_start3A_317 = arith.constant 0 : i32
      %dma_start3A_318 = arith.constant 0 : i32
      %dma_start3A_319 = tpu.memref_slice %arg11[%dma_start3A_317, %dma_start3A_318] : memref<10240x64xf32, #tpu.memory_space<vmem_shared>> -> memref<10240x64xf32, #tpu.memory_space<vmem_shared>>
      tpu.enqueue_indirect_dma source(%dma_start3A_313 : memref<100x64xf32, #tpu.memory_space<vmem>>) target(%dma_start3A_319 : memref<10240x64xf32, #tpu.memory_space<vmem_shared>>) offsets(%dma_start3A_316 : memref<100xi32, #tpu.memory_space<vmem>>) semaphore(%arg18 : memref<!tpu.dma_semaphore, #tpu.memory_space<semaphore_mem>>) {add = true}
      %add3A_320 = arith.constant 4 : i32
      %add3A_321 = arith.addi %add3A_297, %add3A_320 : i32
      %lt3A_322 = arith.constant 100 : i32
      %lt3A_323 = arith.cmpi slt, %add3A_321, %lt3A_322 : i32
      %convert_element_type3A_324 = arith.extui %lt3A_323 : i1 to i32
      %cond3A_325 = arith.constant 0 : i32
      %cond3A_326 = arith.cmpi ne, %convert_element_type3A_324, %cond3A_325 : i32
      scf.if %cond3A_326 {
        %dma_wait3A_358 = arith.constant 2 : i32
        %dma_wait3A_359 = arith.constant 0 : i32
        %dma_wait3A_360 = arith.constant 0 : i32
        %dma_wait3A_361 = tpu.memref_slice %arg9[%dma_wait3A_358, %dma_wait3A_359, %dma_wait3A_360] : memref<4x100x64xf32, #tpu.memory_space<vmem>> -> memref<1x100x64xf32, #tpu.memory_space<vmem>>
        %dma_wait3A_362 = tpu.memref_squeeze %dma_wait3A_361 : memref<1x100x64xf32, #tpu.memory_space<vmem>> -> memref<100x64xf32, #tpu.memory_space<vmem>>
        %dma_wait3A_363 = arith.constant 0 : i32
        %dma_wait3A_364 = tpu.memref_slice %arg8[%add3A_297, %dma_wait3A_363] : memref<100x100xi32, #tpu.memory_space<vmem>> -> memref<1x100xi32, #tpu.memory_space<vmem>>
        %dma_wait3A_365 = tpu.memref_squeeze %dma_wait3A_364 : memref<1x100xi32, #tpu.memory_space<vmem>> -> memref<100xi32, #tpu.memory_space<vmem>>
        %dma_wait3A_366 = arith.constant 0 : i32
        %dma_wait3A_367 = arith.constant 0 : i32
        %dma_wait3A_368 = tpu.memref_slice %arg11[%dma_wait3A_366, %dma_wait3A_367] : memref<10240x64xf32, #tpu.memory_space<vmem_shared>> -> memref<10240x64xf32, #tpu.memory_space<vmem_shared>>
        tpu.wait_indirect_dma semaphore(%arg18 : memref<!tpu.dma_semaphore, #tpu.memory_space<semaphore_mem>>) src(%dma_wait3A_362 : memref<100x64xf32, #tpu.memory_space<vmem>>) dst(%dma_wait3A_368 : memref<10240x64xf32, #tpu.memory_space<vmem_shared>>)
        %add3A_369 = arith.constant 4 : i32
        %add3A_370 = arith.addi %add3A_297, %add3A_369 : i32
        %dma_start3A_371 = arith.constant 2 : i32
        %dma_start3A_372 = arith.constant 0 : i32
        %dma_start3A_373 = arith.constant 0 : i32
        %dma_start3A_374 = tpu.memref_slice %arg9[%dma_start3A_371, %dma_start3A_372, %dma_start3A_373] : memref<4x100x64xf32, #tpu.memory_space<vmem>> -> memref<1x100x64xf32, #tpu.memory_space<vmem>>
        %dma_start3A_375 = tpu.memref_squeeze %dma_start3A_374 : memref<1x100x64xf32, #tpu.memory_space<vmem>> -> memref<100x64xf32, #tpu.memory_space<vmem>>
        %dma_start3A_376 = arith.constant 0 : i32
        %dma_start3A_377 = tpu.memref_slice %arg7[%add3A_370, %dma_start3A_376] : memref<100x100xi32, #tpu.memory_space<vmem>> -> memref<1x100xi32, #tpu.memory_space<vmem>>
        %dma_start3A_378 = tpu.memref_squeeze %dma_start3A_377 : memref<1x100xi32, #tpu.memory_space<vmem>> -> memref<100xi32, #tpu.memory_space<vmem>>
        %dma_start3A_379 = arith.constant 0 : i32
        %dma_start3A_380 = arith.constant 0 : i32
        %dma_start3A_381 = tpu.memref_slice %arg3[%dma_start3A_379, %dma_start3A_380] : memref<10000x64xf32, #tpu.memory_space<hbm>> -> memref<10000x64xf32, #tpu.memory_space<hbm>>
        tpu.enqueue_indirect_dma source(%dma_start3A_381 : memref<10000x64xf32, #tpu.memory_space<hbm>>) target(%dma_start3A_375 : memref<100x64xf32, #tpu.memory_space<vmem>>) offsets(%dma_start3A_378 : memref<100xi32, #tpu.memory_space<vmem>>) semaphore(%arg14 : memref<!tpu.dma_semaphore, #tpu.memory_space<semaphore_mem>>)
      } else {
      }
      %add3A_327 = arith.constant 3 : i32
      %add3A_328 = arith.addi %add3A_236, %add3A_327 : i32
      %dma_wait3A_329 = arith.constant 3 : i32
      %dma_wait3A_330 = arith.constant 0 : i32
      %dma_wait3A_331 = arith.constant 0 : i32
      %dma_wait3A_332 = tpu.memref_slice %arg9[%dma_wait3A_329, %dma_wait3A_330, %dma_wait3A_331] : memref<4x100x64xf32, #tpu.memory_space<vmem>> -> memref<1x100x64xf32, #tpu.memory_space<vmem>>
      %dma_wait3A_333 = tpu.memref_squeeze %dma_wait3A_332 : memref<1x100x64xf32, #tpu.memory_space<vmem>> -> memref<100x64xf32, #tpu.memory_space<vmem>>
      %dma_wait3A_334 = arith.constant 0 : i32
      %dma_wait3A_335 = tpu.memref_slice %arg7[%add3A_328, %dma_wait3A_334] : memref<100x100xi32, #tpu.memory_space<vmem>> -> memref<1x100xi32, #tpu.memory_space<vmem>>
      %dma_wait3A_336 = tpu.memref_squeeze %dma_wait3A_335 : memref<1x100xi32, #tpu.memory_space<vmem>> -> memref<100xi32, #tpu.memory_space<vmem>>
      %dma_wait3A_337 = arith.constant 0 : i32
      %dma_wait3A_338 = arith.constant 0 : i32
      %dma_wait3A_339 = tpu.memref_slice %arg3[%dma_wait3A_337, %dma_wait3A_338] : memref<10000x64xf32, #tpu.memory_space<hbm>> -> memref<10000x64xf32, #tpu.memory_space<hbm>>
      tpu.wait_indirect_dma semaphore(%arg15 : memref<!tpu.dma_semaphore, #tpu.memory_space<semaphore_mem>>) src(%dma_wait3A_339 : memref<10000x64xf32, #tpu.memory_space<hbm>>) dst(%dma_wait3A_333 : memref<100x64xf32, #tpu.memory_space<vmem>>)
      %dma_start3A_340 = arith.constant 3 : i32
      %dma_start3A_341 = arith.constant 0 : i32
      %dma_start3A_342 = arith.constant 0 : i32
      %dma_start3A_343 = tpu.memref_slice %arg9[%dma_start3A_340, %dma_start3A_341, %dma_start3A_342] : memref<4x100x64xf32, #tpu.memory_space<vmem>> -> memref<1x100x64xf32, #tpu.memory_space<vmem>>
      %dma_start3A_344 = tpu.memref_squeeze %dma_start3A_343 : memref<1x100x64xf32, #tpu.memory_space<vmem>> -> memref<100x64xf32, #tpu.memory_space<vmem>>
      %dma_start3A_345 = arith.constant 0 : i32
      %dma_start3A_346 = tpu.memref_slice %arg8[%add3A_328, %dma_start3A_345] : memref<100x100xi32, #tpu.memory_space<vmem>> -> memref<1x100xi32, #tpu.memory_space<vmem>>
      %dma_start3A_347 = tpu.memref_squeeze %dma_start3A_346 : memref<1x100xi32, #tpu.memory_space<vmem>> -> memref<100xi32, #tpu.memory_space<vmem>>
      %dma_start3A_348 = arith.constant 0 : i32
      %dma_start3A_349 = arith.constant 0 : i32
      %dma_start3A_350 = tpu.memref_slice %arg11[%dma_start3A_348, %dma_start3A_349] : memref<10240x64xf32, #tpu.memory_space<vmem_shared>> -> memref<10240x64xf32, #tpu.memory_space<vmem_shared>>
      tpu.enqueue_indirect_dma source(%dma_start3A_344 : memref<100x64xf32, #tpu.memory_space<vmem>>) target(%dma_start3A_350 : memref<10240x64xf32, #tpu.memory_space<vmem_shared>>) offsets(%dma_start3A_347 : memref<100xi32, #tpu.memory_space<vmem>>) semaphore(%arg19 : memref<!tpu.dma_semaphore, #tpu.memory_space<semaphore_mem>>) {add = true}
      %add3A_351 = arith.constant 4 : i32
      %add3A_352 = arith.addi %add3A_328, %add3A_351 : i32
      %lt3A_353 = arith.constant 100 : i32
      %lt3A_354 = arith.cmpi slt, %add3A_352, %lt3A_353 : i32
      %convert_element_type3A_355 = arith.extui %lt3A_354 : i1 to i32
      %cond3A_356 = arith.constant 0 : i32
      %cond3A_357 = arith.cmpi ne, %convert_element_type3A_355, %cond3A_356 : i32
      scf.if %cond3A_357 {
        %dma_wait3A_358 = arith.constant 3 : i32
        %dma_wait3A_359 = arith.constant 0 : i32
        %dma_wait3A_360 = arith.constant 0 : i32
        %dma_wait3A_361 = tpu.memref_slice %arg9[%dma_wait3A_358, %dma_wait3A_359, %dma_wait3A_360] : memref<4x100x64xf32, #tpu.memory_space<vmem>> -> memref<1x100x64xf32, #tpu.memory_space<vmem>>
        %dma_wait3A_362 = tpu.memref_squeeze %dma_wait3A_361 : memref<1x100x64xf32, #tpu.memory_space<vmem>> -> memref<100x64xf32, #tpu.memory_space<vmem>>
        %dma_wait3A_363 = arith.constant 0 : i32
        %dma_wait3A_364 = tpu.memref_slice %arg8[%add3A_328, %dma_wait3A_363] : memref<100x100xi32, #tpu.memory_space<vmem>> -> memref<1x100xi32, #tpu.memory_space<vmem>>
        %dma_wait3A_365 = tpu.memref_squeeze %dma_wait3A_364 : memref<1x100xi32, #tpu.memory_space<vmem>> -> memref<100xi32, #tpu.memory_space<vmem>>
        %dma_wait3A_366 = arith.constant 0 : i32
        %dma_wait3A_367 = arith.constant 0 : i32
        %dma_wait3A_368 = tpu.memref_slice %arg11[%dma_wait3A_366, %dma_wait3A_367] : memref<10240x64xf32, #tpu.memory_space<vmem_shared>> -> memref<10240x64xf32, #tpu.memory_space<vmem_shared>>
        tpu.wait_indirect_dma semaphore(%arg19 : memref<!tpu.dma_semaphore, #tpu.memory_space<semaphore_mem>>) src(%dma_wait3A_362 : memref<100x64xf32, #tpu.memory_space<vmem>>) dst(%dma_wait3A_368 : memref<10240x64xf32, #tpu.memory_space<vmem_shared>>)
        %add3A_369 = arith.constant 4 : i32
        %add3A_370 = arith.addi %add3A_328, %add3A_369 : i32
        %dma_start3A_371 = arith.constant 3 : i32
        %dma_start3A_372 = arith.constant 0 : i32
        %dma_start3A_373 = arith.constant 0 : i32
        %dma_start3A_374 = tpu.memref_slice %arg9[%dma_start3A_371, %dma_start3A_372, %dma_start3A_373] : memref<4x100x64xf32, #tpu.memory_space<vmem>> -> memref<1x100x64xf32, #tpu.memory_space<vmem>>
        %dma_start3A_375 = tpu.memref_squeeze %dma_start3A_374 : memref<1x100x64xf32, #tpu.memory_space<vmem>> -> memref<100x64xf32, #tpu.memory_space<vmem>>
        %dma_start3A_376 = arith.constant 0 : i32
        %dma_start3A_377 = tpu.memref_slice %arg7[%add3A_370, %dma_start3A_376] : memref<100x100xi32, #tpu.memory_space<vmem>> -> memref<1x100xi32, #tpu.memory_space<vmem>>
        %dma_start3A_378 = tpu.memref_squeeze %dma_start3A_377 : memref<1x100xi32, #tpu.memory_space<vmem>> -> memref<100xi32, #tpu.memory_space<vmem>>
        %dma_start3A_379 = arith.constant 0 : i32
        %dma_start3A_380 = arith.constant 0 : i32
        %dma_start3A_381 = tpu.memref_slice %arg3[%dma_start3A_379, %dma_start3A_380] : memref<10000x64xf32, #tpu.memory_space<hbm>> -> memref<10000x64xf32, #tpu.memory_space<hbm>>
        tpu.enqueue_indirect_dma source(%dma_start3A_381 : memref<10000x64xf32, #tpu.memory_space<hbm>>) target(%dma_start3A_375 : memref<100x64xf32, #tpu.memory_space<vmem>>) offsets(%dma_start3A_378 : memref<100xi32, #tpu.memory_space<vmem>>) semaphore(%arg15 : memref<!tpu.dma_semaphore, #tpu.memory_space<semaphore_mem>>)
      } else {
      }
    }
    %scan3A_181 = arith.constant 25 : i32
    %dma_wait3A_182 = arith.constant 0 : i32
    %dma_wait3A_183 = arith.constant 0 : i32
    %dma_wait3A_184 = arith.constant 0 : i32
    %dma_wait3A_185 = arith.constant 0 : i32
    %dma_wait3A_186 = tpu.memref_slice %arg9[%dma_wait3A_182, %dma_wait3A_184, %dma_wait3A_185] : memref<4x100x64xf32, #tpu.memory_space<vmem>> -> memref<1x100x64xf32, #tpu.memory_space<vmem>>
    %dma_wait3A_187 = tpu.memref_squeeze %dma_wait3A_186 : memref<1x100x64xf32, #tpu.memory_space<vmem>> -> memref<100x64xf32, #tpu.memory_space<vmem>>
    %dma_wait3A_188 = arith.constant 0 : i32
    %dma_wait3A_189 = tpu.memref_slice %arg8[%dma_wait3A_183, %dma_wait3A_188] : memref<100x100xi32, #tpu.memory_space<vmem>> -> memref<1x100xi32, #tpu.memory_space<vmem>>
    %dma_wait3A_190 = tpu.memref_squeeze %dma_wait3A_189 : memref<1x100xi32, #tpu.memory_space<vmem>> -> memref<100xi32, #tpu.memory_space<vmem>>
    %dma_wait3A_191 = arith.constant 0 : i32
    %dma_wait3A_192 = arith.constant 0 : i32
    %dma_wait3A_193 = tpu.memref_slice %arg11[%dma_wait3A_191, %dma_wait3A_192] : memref<10240x64xf32, #tpu.memory_space<vmem_shared>> -> memref<10240x64xf32, #tpu.memory_space<vmem_shared>>
    tpu.wait_indirect_dma semaphore(%arg16 : memref<!tpu.dma_semaphore, #tpu.memory_space<semaphore_mem>>) src(%dma_wait3A_187 : memref<100x64xf32, #tpu.memory_space<vmem>>) dst(%dma_wait3A_193 : memref<10240x64xf32, #tpu.memory_space<vmem_shared>>)
    %dma_wait3A_194 = arith.constant 1 : i32
    %dma_wait3A_195 = arith.constant 0 : i32
    %dma_wait3A_196 = arith.constant 0 : i32
    %dma_wait3A_197 = arith.constant 0 : i32
    %dma_wait3A_198 = tpu.memref_slice %arg9[%dma_wait3A_194, %dma_wait3A_196, %dma_wait3A_197] : memref<4x100x64xf32, #tpu.memory_space<vmem>> -> memref<1x100x64xf32, #tpu.memory_space<vmem>>
    %dma_wait3A_199 = tpu.memref_squeeze %dma_wait3A_198 : memref<1x100x64xf32, #tpu.memory_space<vmem>> -> memref<100x64xf32, #tpu.memory_space<vmem>>
    %dma_wait3A_200 = arith.constant 0 : i32
    %dma_wait3A_201 = tpu.memref_slice %arg8[%dma_wait3A_195, %dma_wait3A_200] : memref<100x100xi32, #tpu.memory_space<vmem>> -> memref<1x100xi32, #tpu.memory_space<vmem>>
    %dma_wait3A_202 = tpu.memref_squeeze %dma_wait3A_201 : memref<1x100xi32, #tpu.memory_space<vmem>> -> memref<100xi32, #tpu.memory_space<vmem>>
    %dma_wait3A_203 = arith.constant 0 : i32
    %dma_wait3A_204 = arith.constant 0 : i32
    %dma_wait3A_205 = tpu.memref_slice %arg11[%dma_wait3A_203, %dma_wait3A_204] : memref<10240x64xf32, #tpu.memory_space<vmem_shared>> -> memref<10240x64xf32, #tpu.memory_space<vmem_shared>>
    tpu.wait_indirect_dma semaphore(%arg17 : memref<!tpu.dma_semaphore, #tpu.memory_space<semaphore_mem>>) src(%dma_wait3A_199 : memref<100x64xf32, #tpu.memory_space<vmem>>) dst(%dma_wait3A_205 : memref<10240x64xf32, #tpu.memory_space<vmem_shared>>)
    %dma_wait3A_206 = arith.constant 2 : i32
    %dma_wait3A_207 = arith.constant 0 : i32
    %dma_wait3A_208 = arith.constant 0 : i32
    %dma_wait3A_209 = arith.constant 0 : i32
    %dma_wait3A_210 = tpu.memref_slice %arg9[%dma_wait3A_206, %dma_wait3A_208, %dma_wait3A_209] : memref<4x100x64xf32, #tpu.memory_space<vmem>> -> memref<1x100x64xf32, #tpu.memory_space<vmem>>
    %dma_wait3A_211 = tpu.memref_squeeze %dma_wait3A_210 : memref<1x100x64xf32, #tpu.memory_space<vmem>> -> memref<100x64xf32, #tpu.memory_space<vmem>>
    %dma_wait3A_212 = arith.constant 0 : i32
    %dma_wait3A_213 = tpu.memref_slice %arg8[%dma_wait3A_207, %dma_wait3A_212] : memref<100x100xi32, #tpu.memory_space<vmem>> -> memref<1x100xi32, #tpu.memory_space<vmem>>
    %dma_wait3A_214 = tpu.memref_squeeze %dma_wait3A_213 : memref<1x100xi32, #tpu.memory_space<vmem>> -> memref<100xi32, #tpu.memory_space<vmem>>
    %dma_wait3A_215 = arith.constant 0 : i32
    %dma_wait3A_216 = arith.constant 0 : i32
    %dma_wait3A_217 = tpu.memref_slice %arg11[%dma_wait3A_215, %dma_wait3A_216] : memref<10240x64xf32, #tpu.memory_space<vmem_shared>> -> memref<10240x64xf32, #tpu.memory_space<vmem_shared>>
    tpu.wait_indirect_dma semaphore(%arg18 : memref<!tpu.dma_semaphore, #tpu.memory_space<semaphore_mem>>) src(%dma_wait3A_211 : memref<100x64xf32, #tpu.memory_space<vmem>>) dst(%dma_wait3A_217 : memref<10240x64xf32, #tpu.memory_space<vmem_shared>>)
    %dma_wait3A_218 = arith.constant 3 : i32
    %dma_wait3A_219 = arith.constant 0 : i32
    %dma_wait3A_220 = arith.constant 0 : i32
    %dma_wait3A_221 = arith.constant 0 : i32
    %dma_wait3A_222 = tpu.memref_slice %arg9[%dma_wait3A_218, %dma_wait3A_220, %dma_wait3A_221] : memref<4x100x64xf32, #tpu.memory_space<vmem>> -> memref<1x100x64xf32, #tpu.memory_space<vmem>>
    %dma_wait3A_223 = tpu.memref_squeeze %dma_wait3A_222 : memref<1x100x64xf32, #tpu.memory_space<vmem>> -> memref<100x64xf32, #tpu.memory_space<vmem>>
    %dma_wait3A_224 = arith.constant 0 : i32
    %dma_wait3A_225 = tpu.memref_slice %arg8[%dma_wait3A_219, %dma_wait3A_224] : memref<100x100xi32, #tpu.memory_space<vmem>> -> memref<1x100xi32, #tpu.memory_space<vmem>>
    %dma_wait3A_226 = tpu.memref_squeeze %dma_wait3A_225 : memref<1x100xi32, #tpu.memory_space<vmem>> -> memref<100xi32, #tpu.memory_space<vmem>>
    %dma_wait3A_227 = arith.constant 0 : i32
    %dma_wait3A_228 = arith.constant 0 : i32
    %dma_wait3A_229 = tpu.memref_slice %arg11[%dma_wait3A_227, %dma_wait3A_228] : memref<10240x64xf32, #tpu.memory_space<vmem_shared>> -> memref<10240x64xf32, #tpu.memory_space<vmem_shared>>
    tpu.wait_indirect_dma semaphore(%arg19 : memref<!tpu.dma_semaphore, #tpu.memory_space<semaphore_mem>>) src(%dma_wait3A_223 : memref<100x64xf32, #tpu.memory_space<vmem>>) dst(%dma_wait3A_229 : memref<10240x64xf32, #tpu.memory_space<vmem_shared>>)
    %barrier3A_230 = arith.constant 0 : index
    tpu.barrier barrier_id(%barrier3A_230)
    %run_scoped3A_231 = arith.constant 1 : i32
    "tpu.region"() ({
      %run_scoped3A_232 = tpu.sem_alloc : memref<!tpu.dma_semaphore, #tpu.memory_space<semaphore_mem>>
      %dma_start3A_233 = arith.constant 0 : i32
      %dma_start3A_234 = tpu.memref_slice %arg6[%run_scoped3A_231, %arg0, %mul3A_7, %dma_start3A_233] : memref<2x2x10240x64xf32, #tpu.memory_space<hbm>> -> memref<1x1x640x64xf32, #tpu.memory_space<hbm>>
      %dma_start3A_235 = tpu.memref_squeeze %dma_start3A_234 : memref<1x1x640x64xf32, #tpu.memory_space<hbm>> -> memref<640x64xf32, #tpu.memory_space<hbm>>
      %dma_start3A_236 = arith.constant 0 : i32
      %dma_start3A_237 = tpu.memref_slice %arg11[%mul3A_7, %dma_start3A_236] : memref<10240x64xf32, #tpu.memory_space<vmem_shared>> -> memref<640x64xf32, #tpu.memory_space<vmem_shared>>
      tpu.enqueue_dma source(%dma_start3A_237 : memref<640x64xf32, #tpu.memory_space<vmem_shared>>) target(%dma_start3A_235 : memref<640x64xf32, #tpu.memory_space<hbm>>) target_semaphore(%run_scoped3A_232 : memref<!tpu.dma_semaphore, #tpu.memory_space<semaphore_mem>>)
      %dma_wait3A_238 = arith.constant 0 : i32
      %dma_wait3A_239 = tpu.memref_slice %arg6[%run_scoped3A_231, %arg0, %mul3A_7, %dma_wait3A_238] : memref<2x2x10240x64xf32, #tpu.memory_space<hbm>> -> memref<1x1x640x64xf32, #tpu.memory_space<hbm>>
      %dma_wait3A_240 = tpu.memref_squeeze %dma_wait3A_239 : memref<1x1x640x64xf32, #tpu.memory_space<hbm>> -> memref<640x64xf32, #tpu.memory_space<hbm>>
      %dma_wait3A_241 = arith.constant 0 : i32
      %dma_wait3A_242 = tpu.memref_slice %arg11[%mul3A_7, %dma_wait3A_241] : memref<10240x64xf32, #tpu.memory_space<vmem_shared>> -> memref<640x64xf32, #tpu.memory_space<vmem_shared>>
      tpu.wait_dma2 semaphore(%run_scoped3A_232 : memref<!tpu.dma_semaphore, #tpu.memory_space<semaphore_mem>>) src(%dma_wait3A_242 : memref<640x64xf32, #tpu.memory_space<vmem_shared>>) dst(%dma_wait3A_240 : memref<640x64xf32, #tpu.memory_space<hbm>>)
      tpu.yield
    }) : () -> ()
    return
  }
}

module attributes {stable_mosaic.version = 14 : i64} {
  func.func @body(%arg0: i32, %arg1: memref<1000x128xf32, #tpu.memory_space<vmem>>, %arg2: memref<2x1000x16xf32, #tpu.memory_space<vmem>>, %arg3: memref<128x128xf32, #tpu.memory_space<vmem>>, %arg4: memref<1000x64xf32, #tpu.memory_space<vmem>>, %arg5: memref<1000x64xf32, #tpu.memory_space<vmem>>, %arg6: memref<1000x16xf32, #tpu.memory_space<vmem>>) attributes {dimension_semantics = [#tpu.dimension_semantics<arbitrary>], iteration_bounds = array<i64: 10>, scalar_prefetch = 0 : i64, scratch_operands = 0 : i64, tpu.core_type = #tpu.core_type<tc>, window_params = [{transform_indices = @transform_0, window_bounds = array<i64: 1000, 128>}, {transform_indices = @transform_1, window_bounds = array<i64: 2, 1000, 16>}, {pipeline_mode = #tpu.pipeline_mode<synchronous>, transform_indices = @transform_2, window_bounds = array<i64: 128, 128>}, {transform_indices = @transform_3, window_bounds = array<i64: 1000, 64>}, {transform_indices = @transform_4, window_bounds = array<i64: 1000, 64>}, {transform_indices = @transform_5, window_bounds = array<i64: 1000, 16>}]} {
    %get3A = arith.constant 0 : index
    %get3A_0 = arith.constant 0 : index
    %get3A_1 = arith.constant 0 : index
    %get3A_2 = vector.load %arg2[%get3A, %get3A_0, %get3A_1] : memref<2x1000x16xf32, #tpu.memory_space<vmem>>, vector<1x1000x16xf32>
    %get3A_3 = vector.shape_cast %get3A_2 : vector<1x1000x16xf32> to vector<1000x16xf32>
    %get3A_4 = arith.constant 1 : index
    %get3A_5 = arith.constant 0 : index
    %get3A_6 = arith.constant 0 : index
    %get3A_7 = vector.load %arg2[%get3A_4, %get3A_5, %get3A_6] : memref<2x1000x16xf32, #tpu.memory_space<vmem>>, vector<1x1000x16xf32>
    %get3A_8 = vector.shape_cast %get3A_7 : vector<1x1000x16xf32> to vector<1000x16xf32>
    %add3A = arith.addf %get3A_3, %get3A_8 : vector<1000x16xf32>
    %add3A_9 = arith.constant 1.000000e+00 : f32
    %add3A_10 = vector.broadcast %add3A_9 : f32 to vector<1000x16xf32>
    %add3A_11 = arith.addf %add3A, %add3A_10 : vector<1000x16xf32>
    %rsqrt3A = math.rsqrt %add3A_11 : vector<1000x16xf32>
    %swap3A = arith.constant 0 : index
    %swap3A_12 = arith.constant 0 : index
    %swap3A_13 = vector.load %arg6[%swap3A, %swap3A_12] : memref<1000x16xf32, #tpu.memory_space<vmem>>, vector<1000x16xf32>
    tpu.vector_store %arg6[%swap3A, %swap3A_12], %rsqrt3A {strides = array<i32>} : memref<1000x16xf32, #tpu.memory_space<vmem>>, vector<1000x16xf32>,
    %get3A_14 = arith.constant 0 : index
    %get3A_15 = arith.constant 0 : index
    %get3A_16 = vector.load %arg1[%get3A_14, %get3A_15] : memref<1000x128xf32, #tpu.memory_space<vmem>>, vector<1000x128xf32>
    %get3A_17 = arith.constant 0 : index
    %get3A_18 = arith.constant 0 : index
    %get3A_19 = vector.load %arg3[%get3A_17, %get3A_18] : memref<128x128xf32, #tpu.memory_space<vmem>>, vector<128x128xf32>
    %dot_general3A = arith.constant dense<0.000000e+00> : vector<1000x128xf32>
    %dot_general3A_20 = tpu.matmul %get3A_16, %get3A_19, %dot_general3A {dimension_numbers = #tpu.dot_dimension_numbers<[1], [0], [0], [1], [0, 0, 1, 1], [], []>, transpose_lhs_hint = false} : vector<1000x128xf32>, vector<128x128xf32>, vector<1000x128xf32> -> vector<1000x128xf32>
    %slice3A = vector.extract_strided_slice %rsqrt3A {offsets = [0, 0], sizes = [1000, 1], strides = [1, 1]} : vector<1000x16xf32> to vector<1000x1xf32>
    %mul3A = vector.broadcast %slice3A : vector<1000x1xf32> to vector<1000x128xf32>
    %mul3A_21 = arith.mulf %dot_general3A_20, %mul3A : vector<1000x128xf32>
    %slice3A_22 = vector.extract_strided_slice %mul3A_21 {offsets = [0, 0], sizes = [1000, 64], strides = [1, 1]} : vector<1000x128xf32> to vector<1000x64xf32>
    %swap3A_23 = arith.constant 0 : index
    %swap3A_24 = arith.constant 0 : index
    %swap3A_25 = vector.load %arg4[%swap3A_23, %swap3A_24] : memref<1000x64xf32, #tpu.memory_space<vmem>>, vector<1000x64xf32>
    tpu.vector_store %arg4[%swap3A_23, %swap3A_24], %slice3A_22 {strides = array<i32>} : memref<1000x64xf32, #tpu.memory_space<vmem>>, vector<1000x64xf32>,
    %slice3A_26 = vector.extract_strided_slice %mul3A_21 {offsets = [0, 64], sizes = [1000, 64], strides = [1, 1]} : vector<1000x128xf32> to vector<1000x64xf32>
    %swap3A_27 = arith.constant 0 : index
    %swap3A_28 = arith.constant 0 : index
    %swap3A_29 = vector.load %arg5[%swap3A_27, %swap3A_28] : memref<1000x64xf32, #tpu.memory_space<vmem>>, vector<1000x64xf32>
    tpu.vector_store %arg5[%swap3A_27, %swap3A_28], %slice3A_26 {strides = array<i32>} : memref<1000x64xf32, #tpu.memory_space<vmem>>, vector<1000x64xf32>,
    return
  }
  func.func @transform_0(%arg0: i32) -> (i32, i32) {
    %c0_i32 = arith.constant 0 : i32
    %c0_i32_0 = arith.constant 0 : i32
    return %arg0, %c0_i32 : i32, i32
  }
  func.func @transform_1(%arg0: i32) -> (i32, i32, i32) {
    %c0_i32 = arith.constant 0 : i32
    %c0_i32_0 = arith.constant 0 : i32
    %c0_i32_1 = arith.constant 0 : i32
    return %c0_i32, %arg0, %c0_i32_0 : i32, i32, i32
  }
  func.func @transform_2(%arg0: i32) -> (i32, i32) {
    %c0_i32 = arith.constant 0 : i32
    %c0_i32_0 = arith.constant 0 : i32
    %c0_i32_1 = arith.constant 0 : i32
    return %c0_i32, %c0_i32_0 : i32, i32
  }
  func.func @transform_3(%arg0: i32) -> (i32, i32) {
    %c0_i32 = arith.constant 0 : i32
    %c0_i32_0 = arith.constant 0 : i32
    return %arg0, %c0_i32 : i32, i32
  }
  func.func @transform_4(%arg0: i32) -> (i32, i32) {
    %c0_i32 = arith.constant 0 : i32
    %c0_i32_0 = arith.constant 0 : i32
    return %arg0, %c0_i32 : i32, i32
  }
  func.func @transform_5(%arg0: i32) -> (i32, i32) {
    %c0_i32 = arith.constant 0 : i32
    %c0_i32_0 = arith.constant 0 : i32
    return %arg0, %c0_i32 : i32, i32
  }
}

module attributes {stable_mosaic.version = 14 : i64} {
  func.func @body(%arg0: i32, %arg1: memref<2x2x1000x64xf32, #tpu.memory_space<vmem>>, %arg2: memref<1000x64xf32, #tpu.memory_space<vmem>>, %arg3: memref<1000x64xf32, #tpu.memory_space<vmem>>, %arg4: memref<1000x16xf32, #tpu.memory_space<vmem>>, %arg5: memref<128x128xf32, #tpu.memory_space<vmem>>, %arg6: memref<1x128xf32, #tpu.memory_space<vmem>>, %arg7: memref<1000x64xf32, #tpu.memory_space<vmem>>, %arg8: memref<1000x64xf32, #tpu.memory_space<vmem>>) attributes {dimension_semantics = [#tpu.dimension_semantics<arbitrary>], iteration_bounds = array<i64: 10>, scalar_prefetch = 0 : i64, scratch_operands = 0 : i64, tpu.core_type = #tpu.core_type<tc>, window_params = [{transform_indices = @transform_0, window_bounds = array<i64: 2, 2, 1000, 64>}, {transform_indices = @transform_1, window_bounds = array<i64: 1000, 64>}, {transform_indices = @transform_2, window_bounds = array<i64: 1000, 64>}, {transform_indices = @transform_3, window_bounds = array<i64: 1000, 16>}, {pipeline_mode = #tpu.pipeline_mode<synchronous>, transform_indices = @transform_4, window_bounds = array<i64: 128, 128>}, {pipeline_mode = #tpu.pipeline_mode<synchronous>, transform_indices = @transform_5, window_bounds = array<i64: 1, 128>}, {transform_indices = @transform_6, window_bounds = array<i64: 1000, 64>}, {transform_indices = @transform_7, window_bounds = array<i64: 1000, 64>}]} {
    %get3A = arith.constant 0 : index
    %get3A_0 = arith.constant 0 : index
    %get3A_1 = vector.load %arg4[%get3A, %get3A_0] : memref<1000x16xf32, #tpu.memory_space<vmem>>, vector<1000x1xf32>
    %get3A_2 = arith.constant 0 : index
    %get3A_3 = arith.constant 0 : index
    %get3A_4 = arith.constant 0 : index
    %get3A_5 = arith.constant 0 : index
    %get3A_6 = vector.load %arg1[%get3A_2, %get3A_3, %get3A_4, %get3A_5] : memref<2x2x1000x64xf32, #tpu.memory_space<vmem>>, vector<1x1x1000x64xf32>
    %get3A_7 = vector.shape_cast %get3A_6 : vector<1x1x1000x64xf32> to vector<1000x64xf32>
    %get3A_8 = arith.constant 0 : index
    %get3A_9 = arith.constant 1 : index
    %get3A_10 = arith.constant 0 : index
    %get3A_11 = arith.constant 0 : index
    %get3A_12 = vector.load %arg1[%get3A_8, %get3A_9, %get3A_10, %get3A_11] : memref<2x2x1000x64xf32, #tpu.memory_space<vmem>>, vector<1x1x1000x64xf32>
    %get3A_13 = vector.shape_cast %get3A_12 : vector<1x1x1000x64xf32> to vector<1000x64xf32>
    %add3A = arith.addf %get3A_7, %get3A_13 : vector<1000x64xf32>
    %get3A_14 = arith.constant 0 : index
    %get3A_15 = arith.constant 0 : index
    %get3A_16 = vector.load %arg2[%get3A_14, %get3A_15] : memref<1000x64xf32, #tpu.memory_space<vmem>>, vector<1000x64xf32>
    %add3A_17 = arith.addf %add3A, %get3A_16 : vector<1000x64xf32>
    %get3A_18 = arith.constant 1 : index
    %get3A_19 = arith.constant 0 : index
    %get3A_20 = arith.constant 0 : index
    %get3A_21 = arith.constant 0 : index
    %get3A_22 = vector.load %arg1[%get3A_18, %get3A_19, %get3A_20, %get3A_21] : memref<2x2x1000x64xf32, #tpu.memory_space<vmem>>, vector<1x1x1000x64xf32>
    %get3A_23 = vector.shape_cast %get3A_22 : vector<1x1x1000x64xf32> to vector<1000x64xf32>
    %get3A_24 = arith.constant 1 : index
    %get3A_25 = arith.constant 1 : index
    %get3A_26 = arith.constant 0 : index
    %get3A_27 = arith.constant 0 : index
    %get3A_28 = vector.load %arg1[%get3A_24, %get3A_25, %get3A_26, %get3A_27] : memref<2x2x1000x64xf32, #tpu.memory_space<vmem>>, vector<1x1x1000x64xf32>
    %get3A_29 = vector.shape_cast %get3A_28 : vector<1x1x1000x64xf32> to vector<1000x64xf32>
    %add3A_30 = arith.addf %get3A_23, %get3A_29 : vector<1000x64xf32>
    %get3A_31 = arith.constant 0 : index
    %get3A_32 = arith.constant 0 : index
    %get3A_33 = vector.load %arg3[%get3A_31, %get3A_32] : memref<1000x64xf32, #tpu.memory_space<vmem>>, vector<1000x64xf32>
    %add3A_34 = arith.addf %add3A_30, %get3A_33 : vector<1000x64xf32>
    %concatenate3A = tpu.concatenate %add3A_17, %add3A_34 in 1 : vector<1000x64xf32>, vector<1000x64xf32> -> vector<1000x128xf32>
    %mul3A = vector.broadcast %get3A_1 : vector<1000x1xf32> to vector<1000x128xf32>
    %mul3A_35 = arith.mulf %concatenate3A, %mul3A : vector<1000x128xf32>
    %get3A_36 = arith.constant 0 : index
    %get3A_37 = arith.constant 0 : index
    %get3A_38 = vector.load %arg6[%get3A_36, %get3A_37] : memref<1x128xf32, #tpu.memory_space<vmem>>, vector<1x128xf32>
    %add3A_39 = vector.broadcast %get3A_38 : vector<1x128xf32> to vector<1000x128xf32>
    %add3A_40 = arith.addf %mul3A_35, %add3A_39 : vector<1000x128xf32>
    %max3A = arith.constant 0.000000e+00 : f32
    %max3A_41 = vector.broadcast %max3A : f32 to vector<1000x128xf32>
    %max3A_42 = arith.maximumf %add3A_40, %max3A_41 : vector<1000x128xf32>
    %get3A_43 = arith.constant 0 : index
    %get3A_44 = arith.constant 0 : index
    %get3A_45 = vector.load %arg5[%get3A_43, %get3A_44] : memref<128x128xf32, #tpu.memory_space<vmem>>, vector<128x128xf32>
    %dot_general3A = arith.constant dense<0.000000e+00> : vector<1000x128xf32>
    %dot_general3A_46 = tpu.matmul %max3A_42, %get3A_45, %dot_general3A {dimension_numbers = #tpu.dot_dimension_numbers<[1], [0], [0], [1], [0, 0, 1, 1], [], []>, transpose_lhs_hint = false} : vector<1000x128xf32>, vector<128x128xf32>, vector<1000x128xf32> -> vector<1000x128xf32>
    %mul3A_47 = vector.broadcast %get3A_1 : vector<1000x1xf32> to vector<1000x128xf32>
    %mul3A_48 = arith.mulf %dot_general3A_46, %mul3A_47 : vector<1000x128xf32>
    %slice3A = vector.extract_strided_slice %mul3A_48 {offsets = [0, 0], sizes = [1000, 64], strides = [1, 1]} : vector<1000x128xf32> to vector<1000x64xf32>
    %swap3A = arith.constant 0 : index
    %swap3A_49 = arith.constant 0 : index
    %swap3A_50 = vector.load %arg7[%swap3A, %swap3A_49] : memref<1000x64xf32, #tpu.memory_space<vmem>>, vector<1000x64xf32>
    tpu.vector_store %arg7[%swap3A, %swap3A_49], %slice3A {strides = array<i32>} : memref<1000x64xf32, #tpu.memory_space<vmem>>, vector<1000x64xf32>,
    %slice3A_51 = vector.extract_strided_slice %mul3A_48 {offsets = [0, 64], sizes = [1000, 64], strides = [1, 1]} : vector<1000x128xf32> to vector<1000x64xf32>
    %swap3A_52 = arith.constant 0 : index
    %swap3A_53 = arith.constant 0 : index
    %swap3A_54 = vector.load %arg8[%swap3A_52, %swap3A_53] : memref<1000x64xf32, #tpu.memory_space<vmem>>, vector<1000x64xf32>
    tpu.vector_store %arg8[%swap3A_52, %swap3A_53], %slice3A_51 {strides = array<i32>} : memref<1000x64xf32, #tpu.memory_space<vmem>>, vector<1000x64xf32>,
    return
  }
  func.func @transform_0(%arg0: i32) -> (i32, i32, i32, i32) {
    %c0_i32 = arith.constant 0 : i32
    %c0_i32_0 = arith.constant 0 : i32
    %c0_i32_1 = arith.constant 0 : i32
    %c0_i32_2 = arith.constant 0 : i32
    return %c0_i32, %c0_i32_0, %arg0, %c0_i32_1 : i32, i32, i32, i32
  }
  func.func @transform_1(%arg0: i32) -> (i32, i32) {
    %c0_i32 = arith.constant 0 : i32
    %c0_i32_0 = arith.constant 0 : i32
    return %arg0, %c0_i32 : i32, i32
  }
  func.func @transform_2(%arg0: i32) -> (i32, i32) {
    %c0_i32 = arith.constant 0 : i32
    %c0_i32_0 = arith.constant 0 : i32
    return %arg0, %c0_i32 : i32, i32
  }
  func.func @transform_3(%arg0: i32) -> (i32, i32) {
    %c0_i32 = arith.constant 0 : i32
    %c0_i32_0 = arith.constant 0 : i32
    return %arg0, %c0_i32 : i32, i32
  }
  func.func @transform_4(%arg0: i32) -> (i32, i32) {
    %c0_i32 = arith.constant 0 : i32
    %c0_i32_0 = arith.constant 0 : i32
    %c0_i32_1 = arith.constant 0 : i32
    return %c0_i32, %c0_i32_0 : i32, i32
  }
  func.func @transform_5(%arg0: i32) -> (i32, i32) {
    %c0_i32 = arith.constant 0 : i32
    %c0_i32_0 = arith.constant 0 : i32
    %c0_i32_1 = arith.constant 0 : i32
    return %c0_i32, %c0_i32_0 : i32, i32
  }
  func.func @transform_6(%arg0: i32) -> (i32, i32) {
    %c0_i32 = arith.constant 0 : i32
    %c0_i32_0 = arith.constant 0 : i32
    return %arg0, %c0_i32 : i32, i32
  }
  func.func @transform_7(%arg0: i32) -> (i32, i32) {
    %c0_i32 = arith.constant 0 : i32
    %c0_i32_0 = arith.constant 0 : i32
    return %arg0, %c0_i32 : i32, i32
  }
}

module attributes {stable_mosaic.version = 14 : i64} {
  func.func @body(%arg0: i32, %arg1: memref<2x2x1000x64xf32, #tpu.memory_space<vmem>>, %arg2: memref<1000x64xf32, #tpu.memory_space<vmem>>, %arg3: memref<1000x64xf32, #tpu.memory_space<vmem>>, %arg4: memref<1000x16xf32, #tpu.memory_space<vmem>>, %arg5: memref<128x64xf32, #tpu.memory_space<vmem>>, %arg6: memref<128x64xf32, #tpu.memory_space<vmem>>, %arg7: memref<1x128xf32, #tpu.memory_space<vmem>>, %arg8: memref<1000x64xf32, #tpu.memory_space<vmem>>, %arg9: memref<1000x64xf32, #tpu.memory_space<vmem>>) attributes {dimension_semantics = [#tpu.dimension_semantics<arbitrary>], iteration_bounds = array<i64: 10>, scalar_prefetch = 0 : i64, scratch_operands = 0 : i64, tpu.core_type = #tpu.core_type<tc>, window_params = [{transform_indices = @transform_0, window_bounds = array<i64: 2, 2, 1000, 64>}, {transform_indices = @transform_1, window_bounds = array<i64: 1000, 64>}, {transform_indices = @transform_2, window_bounds = array<i64: 1000, 64>}, {transform_indices = @transform_3, window_bounds = array<i64: 1000, 16>}, {pipeline_mode = #tpu.pipeline_mode<synchronous>, transform_indices = @transform_4, window_bounds = array<i64: 128, 64>}, {pipeline_mode = #tpu.pipeline_mode<synchronous>, transform_indices = @transform_5, window_bounds = array<i64: 128, 64>}, {pipeline_mode = #tpu.pipeline_mode<synchronous>, transform_indices = @transform_6, window_bounds = array<i64: 1, 128>}, {transform_indices = @transform_7, window_bounds = array<i64: 1000, 64>}, {transform_indices = @transform_8, window_bounds = array<i64: 1000, 64>}]} {
    %get3A = arith.constant 0 : index
    %get3A_0 = arith.constant 0 : index
    %get3A_1 = vector.load %arg4[%get3A, %get3A_0] : memref<1000x16xf32, #tpu.memory_space<vmem>>, vector<1000x1xf32>
    %get3A_2 = arith.constant 0 : index
    %get3A_3 = arith.constant 0 : index
    %get3A_4 = arith.constant 0 : index
    %get3A_5 = arith.constant 0 : index
    %get3A_6 = vector.load %arg1[%get3A_2, %get3A_3, %get3A_4, %get3A_5] : memref<2x2x1000x64xf32, #tpu.memory_space<vmem>>, vector<1x1x1000x64xf32>
    %get3A_7 = vector.shape_cast %get3A_6 : vector<1x1x1000x64xf32> to vector<1000x64xf32>
    %get3A_8 = arith.constant 0 : index
    %get3A_9 = arith.constant 1 : index
    %get3A_10 = arith.constant 0 : index
    %get3A_11 = arith.constant 0 : index
    %get3A_12 = vector.load %arg1[%get3A_8, %get3A_9, %get3A_10, %get3A_11] : memref<2x2x1000x64xf32, #tpu.memory_space<vmem>>, vector<1x1x1000x64xf32>
    %get3A_13 = vector.shape_cast %get3A_12 : vector<1x1x1000x64xf32> to vector<1000x64xf32>
    %add3A = arith.addf %get3A_7, %get3A_13 : vector<1000x64xf32>
    %get3A_14 = arith.constant 0 : index
    %get3A_15 = arith.constant 0 : index
    %get3A_16 = vector.load %arg2[%get3A_14, %get3A_15] : memref<1000x64xf32, #tpu.memory_space<vmem>>, vector<1000x64xf32>
    %add3A_17 = arith.addf %add3A, %get3A_16 : vector<1000x64xf32>
    %get3A_18 = arith.constant 1 : index
    %get3A_19 = arith.constant 0 : index
    %get3A_20 = arith.constant 0 : index
    %get3A_21 = arith.constant 0 : index
    %get3A_22 = vector.load %arg1[%get3A_18, %get3A_19, %get3A_20, %get3A_21] : memref<2x2x1000x64xf32, #tpu.memory_space<vmem>>, vector<1x1x1000x64xf32>
    %get3A_23 = vector.shape_cast %get3A_22 : vector<1x1x1000x64xf32> to vector<1000x64xf32>
    %get3A_24 = arith.constant 1 : index
    %get3A_25 = arith.constant 1 : index
    %get3A_26 = arith.constant 0 : index
    %get3A_27 = arith.constant 0 : index
    %get3A_28 = vector.load %arg1[%get3A_24, %get3A_25, %get3A_26, %get3A_27] : memref<2x2x1000x64xf32, #tpu.memory_space<vmem>>, vector<1x1x1000x64xf32>
    %get3A_29 = vector.shape_cast %get3A_28 : vector<1x1x1000x64xf32> to vector<1000x64xf32>
    %add3A_30 = arith.addf %get3A_23, %get3A_29 : vector<1000x64xf32>
    %get3A_31 = arith.constant 0 : index
    %get3A_32 = arith.constant 0 : index
    %get3A_33 = vector.load %arg3[%get3A_31, %get3A_32] : memref<1000x64xf32, #tpu.memory_space<vmem>>, vector<1000x64xf32>
    %add3A_34 = arith.addf %add3A_30, %get3A_33 : vector<1000x64xf32>
    %concatenate3A = tpu.concatenate %add3A_17, %add3A_34 in 1 : vector<1000x64xf32>, vector<1000x64xf32> -> vector<1000x128xf32>
    %mul3A = vector.broadcast %get3A_1 : vector<1000x1xf32> to vector<1000x128xf32>
    %mul3A_35 = arith.mulf %concatenate3A, %mul3A : vector<1000x128xf32>
    %get3A_36 = arith.constant 0 : index
    %get3A_37 = arith.constant 0 : index
    %get3A_38 = vector.load %arg7[%get3A_36, %get3A_37] : memref<1x128xf32, #tpu.memory_space<vmem>>, vector<1x128xf32>
    %add3A_39 = vector.broadcast %get3A_38 : vector<1x128xf32> to vector<1000x128xf32>
    %add3A_40 = arith.addf %mul3A_35, %add3A_39 : vector<1000x128xf32>
    %get3A_41 = arith.constant 0 : index
    %get3A_42 = arith.constant 0 : index
    %get3A_43 = vector.load %arg5[%get3A_41, %get3A_42] : memref<128x64xf32, #tpu.memory_space<vmem>>, vector<128x64xf32>
    %dot_general3A = arith.constant dense<0.000000e+00> : vector<1000x64xf32>
    %dot_general3A_44 = tpu.matmul %add3A_40, %get3A_43, %dot_general3A {dimension_numbers = #tpu.dot_dimension_numbers<[1], [0], [0], [1], [0, 0, 1, 1], [], []>, transpose_lhs_hint = false} : vector<1000x128xf32>, vector<128x64xf32>, vector<1000x64xf32> -> vector<1000x64xf32>
    %swap3A = arith.constant 0 : index
    %swap3A_45 = arith.constant 0 : index
    %swap3A_46 = vector.load %arg8[%swap3A, %swap3A_45] : memref<1000x64xf32, #tpu.memory_space<vmem>>, vector<1000x64xf32>
    tpu.vector_store %arg8[%swap3A, %swap3A_45], %dot_general3A_44 {strides = array<i32>} : memref<1000x64xf32, #tpu.memory_space<vmem>>, vector<1000x64xf32>,
    %get3A_47 = arith.constant 0 : index
    %get3A_48 = arith.constant 0 : index
    %get3A_49 = vector.load %arg6[%get3A_47, %get3A_48] : memref<128x64xf32, #tpu.memory_space<vmem>>, vector<128x64xf32>
    %dot_general3A_50 = arith.constant dense<0.000000e+00> : vector<1000x64xf32>
    %dot_general3A_51 = tpu.matmul %add3A_40, %get3A_49, %dot_general3A_50 {dimension_numbers = #tpu.dot_dimension_numbers<[1], [0], [0], [1], [0, 0, 1, 1], [], []>, transpose_lhs_hint = false} : vector<1000x128xf32>, vector<128x64xf32>, vector<1000x64xf32> -> vector<1000x64xf32>
    %swap3A_52 = arith.constant 0 : index
    %swap3A_53 = arith.constant 0 : index
    %swap3A_54 = vector.load %arg9[%swap3A_52, %swap3A_53] : memref<1000x64xf32, #tpu.memory_space<vmem>>, vector<1000x64xf32>
    tpu.vector_store %arg9[%swap3A_52, %swap3A_53], %dot_general3A_51 {strides = array<i32>} : memref<1000x64xf32, #tpu.memory_space<vmem>>, vector<1000x64xf32>,
    return
  }
  func.func @transform_0(%arg0: i32) -> (i32, i32, i32, i32) {
    %c0_i32 = arith.constant 0 : i32
    %c0_i32_0 = arith.constant 0 : i32
    %c0_i32_1 = arith.constant 0 : i32
    %c0_i32_2 = arith.constant 0 : i32
    return %c0_i32, %c0_i32_0, %arg0, %c0_i32_1 : i32, i32, i32, i32
  }
  func.func @transform_1(%arg0: i32) -> (i32, i32) {
    %c0_i32 = arith.constant 0 : i32
    %c0_i32_0 = arith.constant 0 : i32
    return %arg0, %c0_i32 : i32, i32
  }
  func.func @transform_2(%arg0: i32) -> (i32, i32) {
    %c0_i32 = arith.constant 0 : i32
    %c0_i32_0 = arith.constant 0 : i32
    return %arg0, %c0_i32 : i32, i32
  }
  func.func @transform_3(%arg0: i32) -> (i32, i32) {
    %c0_i32 = arith.constant 0 : i32
    %c0_i32_0 = arith.constant 0 : i32
    return %arg0, %c0_i32 : i32, i32
  }
  func.func @transform_4(%arg0: i32) -> (i32, i32) {
    %c0_i32 = arith.constant 0 : i32
    %c0_i32_0 = arith.constant 0 : i32
    %c0_i32_1 = arith.constant 0 : i32
    return %c0_i32, %c0_i32_0 : i32, i32
  }
  func.func @transform_5(%arg0: i32) -> (i32, i32) {
    %c0_i32 = arith.constant 0 : i32
    %c0_i32_0 = arith.constant 0 : i32
    %c0_i32_1 = arith.constant 0 : i32
    return %c0_i32, %c0_i32_0 : i32, i32
  }
  func.func @transform_6(%arg0: i32) -> (i32, i32) {
    %c0_i32 = arith.constant 0 : i32
    %c0_i32_0 = arith.constant 0 : i32
    %c0_i32_1 = arith.constant 0 : i32
    return %c0_i32, %c0_i32_0 : i32, i32
  }
  func.func @transform_7(%arg0: i32) -> (i32, i32) {
    %c0_i32 = arith.constant 0 : i32
    %c0_i32_0 = arith.constant 0 : i32
    return %arg0, %c0_i32 : i32, i32
  }
  func.func @transform_8(%arg0: i32) -> (i32, i32) {
    %c0_i32 = arith.constant 0 : i32
    %c0_i32_0 = arith.constant 0 : i32
    return %arg0, %c0_i32 : i32, i32
  }
}

module attributes {stable_mosaic.version = 14 : i64} {
  func.func @body(%arg0: i32, %arg1: memref<1280x128xf32, #tpu.memory_space<vmem>>, %arg2: memref<1280x128xf32, #tpu.memory_space<vmem>>, %arg3: memref<16x1280xf32, #tpu.memory_space<vmem>>, %arg4: memref<16x1280xf32, #tpu.memory_space<vmem>>, %arg5: memref<16x64xf32, #tpu.memory_space<vmem>>, %arg6: memref<1x128xf32, #tpu.memory_space<vmem>>, %arg7: memref<4x128xf32, #tpu.memory_space<vmem>>, %arg8: memref<4x1xf32, #tpu.memory_space<vmem>>, %arg9: memref<4x1280xf32, #tpu.memory_space<vmem>>) attributes {dimension_semantics = [#tpu.dimension_semantics<arbitrary>], iteration_bounds = array<i64: 125>, scalar_prefetch = 0 : i64, scratch_operands = 0 : i64, tpu.core_type = #tpu.core_type<tc>, window_params = [{transform_indices = @transform_0, window_bounds = array<i64: 1280, 128>}, {transform_indices = @transform_1, window_bounds = array<i64: 1280, 128>}, {transform_indices = @transform_2, window_bounds = array<i64: 16, 1280>}, {transform_indices = @transform_3, window_bounds = array<i64: 16, 1280>}, {pipeline_mode = #tpu.pipeline_mode<synchronous>, transform_indices = @transform_4, window_bounds = array<i64: 16, 64>}, {pipeline_mode = #tpu.pipeline_mode<synchronous>, transform_indices = @transform_5, window_bounds = array<i64: 1, 128>}, {pipeline_mode = #tpu.pipeline_mode<synchronous>, transform_indices = @transform_6, window_bounds = array<i64: 4, 128>}, {pipeline_mode = #tpu.pipeline_mode<synchronous>, transform_indices = @transform_7, window_bounds = array<i64: 4, 1>}, {transform_indices = @transform_8, window_bounds = array<i64: 4, 1280>}]} {
    %get3A = arith.constant 0 : index
    %get3A_0 = arith.constant 0 : index
    %get3A_1 = vector.load %arg3[%get3A, %get3A_0] : memref<16x1280xf32, #tpu.memory_space<vmem>>, vector<16x1280xf32>
    %get3A_2 = arith.constant 0 : index
    %get3A_3 = arith.constant 0 : index
    %get3A_4 = vector.load %arg5[%get3A_2, %get3A_3] : memref<16x64xf32, #tpu.memory_space<vmem>>, vector<16x64xf32>
    %dot_general3A = arith.constant dense<0.000000e+00> : vector<1280x64xf32>
    %dot_general3A_5 = tpu.matmul %get3A_1, %get3A_4, %dot_general3A {dimension_numbers = #tpu.dot_dimension_numbers<[0], [0], [1], [1], [0, 1, 1, 1], [], []>, transpose_lhs_hint = false} : vector<16x1280xf32>, vector<16x64xf32>, vector<1280x64xf32> -> vector<1280x64xf32>
    %get3A_6 = arith.constant 0 : index
    %get3A_7 = arith.constant 0 : index
    %get3A_8 = vector.load %arg4[%get3A_6, %get3A_7] : memref<16x1280xf32, #tpu.memory_space<vmem>>, vector<16x1280xf32>
    %get3A_9 = arith.constant 0 : index
    %get3A_10 = arith.constant 0 : index
    %get3A_11 = vector.load %arg5[%get3A_9, %get3A_10] : memref<16x64xf32, #tpu.memory_space<vmem>>, vector<16x64xf32>
    %dot_general3A_12 = arith.constant dense<0.000000e+00> : vector<1280x64xf32>
    %dot_general3A_13 = tpu.matmul %get3A_8, %get3A_11, %dot_general3A_12 {dimension_numbers = #tpu.dot_dimension_numbers<[0], [0], [1], [1], [0, 1, 1, 1], [], []>, transpose_lhs_hint = false} : vector<16x1280xf32>, vector<16x64xf32>, vector<1280x64xf32> -> vector<1280x64xf32>
    %get3A_14 = arith.constant 0 : index
    %get3A_15 = arith.constant 0 : index
    %get3A_16 = vector.load %arg1[%get3A_14, %get3A_15] : memref<1280x128xf32, #tpu.memory_space<vmem>>, vector<1280x128xf32>
    %get3A_17 = arith.constant 0 : index
    %get3A_18 = arith.constant 0 : index
    %get3A_19 = vector.load %arg2[%get3A_17, %get3A_18] : memref<1280x128xf32, #tpu.memory_space<vmem>>, vector<1280x128xf32>
    %add3A = arith.addf %get3A_16, %get3A_19 : vector<1280x128xf32>
    %concatenate3A = tpu.concatenate %dot_general3A_5, %dot_general3A_13 in 1 : vector<1280x64xf32>, vector<1280x64xf32> -> vector<1280x128xf32>
    %add3A_20 = arith.addf %add3A, %concatenate3A : vector<1280x128xf32>
    %get3A_21 = arith.constant 0 : index
    %get3A_22 = arith.constant 0 : index
    %get3A_23 = vector.load %arg6[%get3A_21, %get3A_22] : memref<1x128xf32, #tpu.memory_space<vmem>>, vector<1x128xf32>
    %add3A_24 = vector.broadcast %get3A_23 : vector<1x128xf32> to vector<1280x128xf32>
    %add3A_25 = arith.addf %add3A_20, %add3A_24 : vector<1280x128xf32>
    %max3A = arith.constant 0.000000e+00 : f32
    %max3A_26 = vector.broadcast %max3A : f32 to vector<1280x128xf32>
    %max3A_27 = arith.maximumf %add3A_25, %max3A_26 : vector<1280x128xf32>
    %get3A_28 = arith.constant 0 : index
    %get3A_29 = arith.constant 0 : index
    %get3A_30 = vector.load %arg7[%get3A_28, %get3A_29] : memref<4x128xf32, #tpu.memory_space<vmem>>, vector<4x128xf32>
    %dot_general3A_31 = arith.constant dense<0.000000e+00> : vector<4x1280xf32>
    %dot_general3A_32 = tpu.matmul %get3A_30, %max3A_27, %dot_general3A_31 {dimension_numbers = #tpu.dot_dimension_numbers<[1], [1], [0], [0], [0, 0, 1, 0], [], []>, transpose_lhs_hint = false} : vector<4x128xf32>, vector<1280x128xf32>, vector<4x1280xf32> -> vector<4x1280xf32>
    %get3A_33 = arith.constant 0 : index
    %get3A_34 = arith.constant 0 : index
    %get3A_35 = vector.load %arg8[%get3A_33, %get3A_34] : memref<4x1xf32, #tpu.memory_space<vmem>>, vector<4x1xf32>
    %add3A_36 = vector.broadcast %get3A_35 : vector<4x1xf32> to vector<4x1280xf32>
    %add3A_37 = arith.addf %dot_general3A_32, %add3A_36 : vector<4x1280xf32>
    %swap3A = arith.constant 0 : index
    %swap3A_38 = arith.constant 0 : index
    %swap3A_39 = vector.load %arg9[%swap3A, %swap3A_38] : memref<4x1280xf32, #tpu.memory_space<vmem>>, vector<4x1280xf32>
    tpu.vector_store %arg9[%swap3A, %swap3A_38], %add3A_37 {strides = array<i32>} : memref<4x1280xf32, #tpu.memory_space<vmem>>, vector<4x1280xf32>,
    return
  }
  func.func @transform_0(%arg0: i32) -> (i32, i32) {
    %c0_i32 = arith.constant 0 : i32
    %c0_i32_0 = arith.constant 0 : i32
    return %arg0, %c0_i32 : i32, i32
  }
  func.func @transform_1(%arg0: i32) -> (i32, i32) {
    %c0_i32 = arith.constant 0 : i32
    %c0_i32_0 = arith.constant 0 : i32
    return %arg0, %c0_i32 : i32, i32
  }
  func.func @transform_2(%arg0: i32) -> (i32, i32) {
    %c0_i32 = arith.constant 0 : i32
    %c0_i32_0 = arith.constant 0 : i32
    return %c0_i32, %arg0 : i32, i32
  }
  func.func @transform_3(%arg0: i32) -> (i32, i32) {
    %add3A = arith.constant 125 : i32
    %add3A_0 = arith.addi %arg0, %add3A : i32
    %c0_i32 = arith.constant 0 : i32
    %c0_i32_1 = arith.constant 0 : i32
    return %c0_i32, %add3A_0 : i32, i32
  }
  func.func @transform_4(%arg0: i32) -> (i32, i32) {
    %c0_i32 = arith.constant 0 : i32
    %c0_i32_0 = arith.constant 0 : i32
    %c0_i32_1 = arith.constant 0 : i32
    return %c0_i32, %c0_i32_0 : i32, i32
  }
  func.func @transform_5(%arg0: i32) -> (i32, i32) {
    %c0_i32 = arith.constant 0 : i32
    %c0_i32_0 = arith.constant 0 : i32
    %c0_i32_1 = arith.constant 0 : i32
    return %c0_i32, %c0_i32_0 : i32, i32
  }
  func.func @transform_6(%arg0: i32) -> (i32, i32) {
    %c0_i32 = arith.constant 0 : i32
    %c0_i32_0 = arith.constant 0 : i32
    %c0_i32_1 = arith.constant 0 : i32
    return %c0_i32, %c0_i32_0 : i32, i32
  }
  func.func @transform_7(%arg0: i32) -> (i32, i32) {
    %c0_i32 = arith.constant 0 : i32
    %c0_i32_0 = arith.constant 0 : i32
    %c0_i32_1 = arith.constant 0 : i32
    return %c0_i32, %c0_i32_0 : i32, i32
  }
  func.func @transform_8(%arg0: i32) -> (i32, i32) {
    %c0_i32 = arith.constant 0 : i32
    %c0_i32_0 = arith.constant 0 : i32
    return %c0_i32, %arg0 : i32, i32
  }
}

</mosaic_0001>

<sc_bundles>
// kernel: kernel.10.cloned.1.call-start
scs
__scs_entry_jumppad:
0x0: {  	(pc) =	sbr.rel $0x88, $3  }
0x1: {  	(tag) =	ssettag $0x0;
	lr =	simm.s32 $0x1  }
0x2: {  	[smem:$0x3F94] =	sst lr;
	_ =	strace $0xD0000000  }
0x3: {  	_ = 	snop  }
0x4: {  	_ = 	snop  }
0x5: {  	_ = 	snop  }
0x6: {  	_ = 	snop  }
0x7: {  	_ = 	snop  }
__scs_overlays_trampoline_lowered:
0x8: {  	[smem:$0x3FA3] =	sst s0  }
0x9: {  	[smem:$0x3FA4] =	sst s1  }
0xa: {  	[smem:$0x3FA5] =	sst s2  }
0xb: {  	[smem:$0x3FA6] =	sst s3  }
0xc: {  	[smem:$0x3FA7] =	sst s4  }
0xd: {  	[smem:$0x3FA8] =	sst s5  }
0xe: {  	[smem:$0x3FA9] =	sst s6  }
0xf: {  	[smem:$0x3FAA] =	sst s7  }
0x10: {  	[smem:$0x3FAB] =	sst s8  }
0x11: {  	[smem:$0x3FAC] =	sst s9;
	s0 =	simm.s32 @!p0 $0x0  }
0x12: {  	s1 =	sld [smem:$0x3F92];
	s0 =	simm.s32 @p0 $0x1  }
0x13: {  	[smem:$0x3FAD] =	sst s0;
	s0 =	simm.s32 @!p1 $0x0  }
0x14: {  	s2 =	sld [smem:$0x3F91];
	s0 =	simm.s32 @p1 $0x1  }
0x15: {  	[smem:$0x3FAE] =	sst s0;
	s0 =	simm.s32 @!p2 $0x0  }
0x16: {  	s3 =	sld [smem:$0x3FDB];
	s0 =	simm.s32 @p2 $0x1  }
0x17: {  	s4 =	simm.s32 $0x1BF5;
	[smem:$0x3FB0] =	sst s0  }
0x18: {  	s0 =	sld [smem:$0x3F93];
	_ =	swait.ge [sflag:s4], $0x0  }
0x19: {  	s7 =	sld [smem:$0x3F94]  }
0x1a: {  	s8 =	sadd.s32 $0xFFFFE003, lr  }
0x1b: {  	s9 =	sadd.s32 $0xFFFFFEF7, lr;
	s5 =	simm.s32 $0xFFFFFFFF;
	p2 =	slt.u32 s8, $0xFFFFF086  }
0x1c: {  	p1 =	slt.u32 s9, $0xF7A;
	s5 =	simm.s32 @!p2 $0x0  }
0x1d: {  	s5 =	simm.s32 @p1 $0x1;
	p0 =	seq.s32 s7, s2  }
0x1e: {  	s7 =	smul.u32 @!p0 $0xF7A, s2;
	p2 =	seq.s32 @!p0 s5, $0x0  }
0x1f: {  	s9 =	smul.u32 $0xF7A, s1;
	s8 =	simm.s32 @!p0 $0x1BF5;
	p2 =	por !p2, p0  }
0x20: {  	[sflag:s8] =	ssyncset.s32 @!p0 $0xFFFFF086;
	s6 =	sadd.s32 @!p0 s3, s7;
	s7 =	simm.s32 @!p0 $0x108  }
0x21: {  	s3 =	sadd.s32 s3, s9;
	s6 =	sadd.s32 @!p0 $0x88, s6;
	s7 =	simm.s32 @p2 $0x1082  }
0x22: {  	[simem:s7], [sflag:s8] =	dma.local @!p0 [hbm:s6], $0xF7A  }
0x23: {  	s9 =	sor.u32 $0xD0000000, s2;
	s6 =	simm.s32 $0x108;
	_ =	swait.ge @!p0 [sflag:s8], $0x0  }
0x24: {  	s3 =	sadd.s32 $0x88, s3;
	s6 =	simm.s32 @!p1 $0x1082;
	[sflag:s4] =	ssyncset.s32 $0xFFFFF086  }
0x25: {  	[simem:s6], [sflag:s4] =	dma.local [hbm:s3], $0xF7A  }
0x26: {  	[smem:$0x3F94] =	sst s1;
	(tag) =	ssettag s2;
	_ =	strace s9  }
0x27: {  	s1 =	sld [smem:$0x3FA4]  }
0x28: {  	s2 =	sld [smem:$0x3FA5]  }
0x29: {  	s4 =	sld [smem:$0x3FA7]  }
0x2a: {  	p0 =	seq.s32 s5, $0x0;
	s5 =	sld [smem:$0x3FA8]  }
0x2b: {  	s6 =	sld [smem:$0x3FA9]  }
0x2c: {  	s7 =	sld [smem:$0x3FAA]  }
0x2d: {  	s3 =	simm.s32 $0x108;
	s8 =	sld [smem:$0x3FAB]  }
0x2e: {  	s3 =	simm.s32 @!p0 $0x1082;
	s9 =	sld [smem:$0x3FAC]  }
0x2f: {  	lr =	sadd.s32 s0, s3;
	s0 =	sld [smem:$0x3FA3]  }
0x30: {  	s3 =	sld [smem:$0x3FA6]  }
0x31: {  	[smem:$0x3FAF] =	sst s10  }
0x32: {  	s10 =	sld [smem:$0x3FAD];
	_ =	sdelay $0x3  }
0x33: {  	p0 =	seq.s32 s10, $0x1;
	s10 =	sld [smem:$0x3FAF];
	_ =	sdelay $0x3  }
0x34: {  	[smem:$0x3FAF] =	sst s10  }
0x35: {  	s10 =	sld [smem:$0x3FAE];
	_ =	sdelay $0x3  }
0x36: {  	p1 =	seq.s32 s10, $0x1;
	s10 =	sld [smem:$0x3FAF];
	_ =	sdelay $0x3  }
0x37: {  	[smem:$0x3FAF] =	sst s10  }
0x38: {  	s10 =	sld [smem:$0x3FB0]  }
0x39: {  	_ = 	snop;
	(pc) =	sbr.ind lr, $3  }
0x3a: {  	_ = 	snop  }
0x3b: {  	_ = 	snop  }
0x3c: {  	p2 =	seq.s32 s10, $0x1;
	s10 =	sld [smem:$0x3FAF]  }
0x3d: {  	_ =	shalt  }
0x3e: {  	_ =	shalt  }
0x3f: {  	_ =	shalt  }
0x40: {  	_ =	shalt  }
0x41: {  	_ =	shalt  }
0x42: {  	_ =	shalt  }
0x43: {  	_ =	shalt  }
0x44: {  	_ =	shalt  }
0x45: {  	_ =	shalt  }
0x46: {  	_ =	shalt  }
0x47: {  	_ =	shalt  }
0x48: {  	_ =	shalt  }
0x49: {  	_ =	shalt  }
0x4a: {  	_ =	shalt  }
0x4b: {  	_ =	shalt  }
0x4c: {  	_ =	shalt  }
0x4d: {  	_ =	shalt  }
0x4e: {  	_ =	shalt  }
0x4f: {  	_ =	shalt  }
0x50: {  	_ =	shalt  }
0x51: {  	_ =	shalt  }
0x52: {  	_ =	shalt  }
0x53: {  	_ =	shalt  }
0x54: {  	_ =	shalt  }
0x55: {  	_ =	shalt  }
0x56: {  	_ =	shalt  }
0x57: {  	_ =	shalt  }
0x58: {  	_ =	shalt  }
0x59: {  	_ =	shalt  }
0x5a: {  	_ =	shalt  }
0x5b: {  	_ =	shalt  }
0x5c: {  	_ =	shalt  }
0x5d: {  	_ =	shalt  }
0x5e: {  	_ =	shalt  }
0x5f: {  	_ =	shalt  }
0x60: {  	_ =	shalt  }
0x61: {  	_ =	shalt  }
0x62: {  	_ =	shalt  }
0x63: {  	_ =	shalt  }
0x64: {  	_ =	shalt  }
0x65: {  	_ =	shalt  }
0x66: {  	_ =	shalt  }
0x67: {  	_ =	shalt  }
0x68: {  	_ =	shalt  }
0x69: {  	_ =	shalt  }
0x6a: {  	_ =	shalt  }
0x6b: {  	_ =	shalt  }
0x6c: {  	_ =	shalt  }
0x6d: {  	_ =	shalt  }
0x6e: {  	_ =	shalt  }
0x6f: {  	_ =	shalt  }
0x70: {  	_ =	shalt  }
0x71: {  	_ =	shalt  }
0x72: {  	_ =	shalt  }
0x73: {  	_ =	shalt  }
0x74: {  	_ =	shalt  }
0x75: {  	_ =	shalt  }
0x76: {  	_ =	shalt  }
0x77: {  	_ =	shalt  }
0x78: {  	_ =	shalt  }
0x79: {  	_ =	shalt  }
0x7a: {  	_ =	shalt  }
0x7b: {  	_ =	shalt  }
0x7c: {  	_ =	shalt  }
0x7d: {  	_ =	shalt  }
0x7e: {  	_ =	shalt  }
0x7f: {  	_ =	shalt  }
0x80: {  	_ =	shalt  }
0x81: {  	_ =	shalt  }
0x82: {  	_ =	shalt  }
0x83: {  	_ =	shalt  }
0x84: {  	_ =	shalt  }
0x85: {  	_ =	shalt  }
0x86: {  	_ =	shalt  }
0x87: {  	_ =	shalt  }
.Lfunc_end0:
.L_simem_size_0:
called_computation_lowered:
.L_overlay_start_0:
0x88: {  	s2 =	sld [smem:$0x3FD9]  }
0x89: {  	s3 =	sld [smem:$0x3FFE];
	_ =	sdelay $0x1  }
0x8a: {  	s1 =	srdreg.scid  }
0x8b: {  	s0 =	sand.u32 $0x1, s1  }
0x8c: {  	s17 =	sshll.u32 s0, $0xA;
	s2 =	sadd.s32 s3, s2  }
0x8d: {  	s2 =	sadd.s32 s2, s17  }
0x8e: {  	[smem:$0x3FBB] =	sst s2  }
0x8f: {  	_ = 	snop  }
0x90: {  	s2 =	sld [smem:$0x3FD0];
	(tm) =	ssettm $0x1  }
0x91: {  	s18 =	sld [smem:$0x3FFB];
	_ =	sdelay $0x3  }
0x92: {  	_ =	strace s18  }
0x93: {  	s3 =	sld [smem:$0x3FFC];
	_ =	sdelay $0x3  }
0x94: {  	_ =	strace s3  }
0x95: {  	s3 =	sld [smem:$0x3FFD];
	_ =	sdelay $0x3  }
0x96: {  	_ =	strace s3  }
0x97: {  	_ =	strace $0x8FFFFFFF  }
0x98: {  	s19 =	sld [smem:$0x3FDB];
	_ =	sdelay $0x1  }
0x99: {  	s4 =	simm.s32 $_scs_section_size  }
0x9a: {  	s5 =	simm.s32 $_size__tile_overlayer_lowered;
	s6 =	simm.s32 $_tile_overlayer_lowered  }
0x9b: {  	s22 =	simm.s32 $0x1BFF;
	s21 =	sshll.u32 s6, $0x1;
	s3 =	sadd.s32 s4, s19  }
0x9c: {  	s7 =	simm.s32 $0x0;
	s20 =	sshll.u32 s5, $0x1;
	s5 =	sadd.s32 s21, s3  }
0x9d: {  	[timem:s7], [sflag:s22] =	dma.local [hbm:s5], s20  }
0x9e: {  	_ =	swait.ge [sflag:s22], s20  }
0x9f: {  	s4 =	ssub.s32 $0x0, s20;
	[sflag:s22] =	ssyncset.done $0x0  }
0xa0: {  	[sflag:s22] =	ssyncadd.s32 s4;
	_ =	sdelay $0x1  }
0xa1: {  	s23 =	simm.s32 $0x1B8B  }
0xa2: {  	_ =	swait.ge [sflag:s23], $0x1  }
0xa3: {  	[sflag:s23] =	ssyncset.done $0x0  }
0xa4: {  	s25 =	simm.s32 $0x1B8E;
	s24 =	sld [smem:$0x3FFE];
	[sflag:s23] =	ssyncadd.s32 $0xFFFFFFFF  }
0xa5: {  	s26 =	simm.s32 $execute0_lowered;
	[smem:$0x3FD2] =	sst s25  }
0xa6: {  	s5 =	sshll.u32 s26, $0x1;
	_ =	strace $0x80000046;
	[dreg:$0x1] =	wrdreg $0xFFFFFFFF  }
0xa7: {  	s28 =	simm.s32 $_size_execute0_lowered;
	s3 =	sadd.s32 s3, s5;
	[dreg:$0x0] =	wrdreg $0x0  }
0xa8: {  	s5 =	sshll.u32 s28, $0x1;
	[dreg:$0x2] =	wrdreg s3  }
0xa9: {  	[dreg:$0x3] =	wrdreg s5  }
0xaa: {  	[dreg:$0x4] =	wrdreg $0xC0  }
0xab: {  	_ =	task [dreg:s7], $0x5FFFF  }
0xac: {  	[dreg:$0x1] =	wrdreg $0xFFFFFFFF  }
0xad: {  	[dreg:$0x0] =	wrdreg $0x60  }
0xae: {  	[dreg:$0x2] =	wrdreg s24  }
0xaf: {  	[dreg:$0x3] =	wrdreg s2  }
0xb0: {  	[dreg:$0x4] =	wrdreg $0x36E00  }
0xb1: {  	[dreg:$0x5] =	wrdreg $0x9  }
0xb2: {  	_ =	task.clear_ibuf [dreg:s7], $0x6FFFF;
	_ =	strace $0x90000046  }
0xb3: {  	s29 =	simm.s32 $0x9;
	_ =	strace $0x80000048  }
0xb4: {  	_ =	swait.ge [sflag:s29], $0x1  }
0xb5: {  	[sflag:s29] =	ssyncadd.s32 $0xFFFFFFFF  }
0xb6: {  	_ =	strace $0x90000048  }
0xb7: {  	_ =	sfence  }
0xb8: {  	s30 =	sld [smem:$0x0];
	_ =	sdelay $0x2  }
0xb9: {  	s31 =	sshll.u32 s1, $0xD;
	s1 =	sshrl.u32 s1, $0x2  }
0xba: {  	s3 =	sand.u32 $0x4000, s31;
	s1 =	sadd.s32 s1, s30  }
0xbb: {  	s0 =	sor.u32 s3, s0;
	s1 =	sshll.u32 s1, $0x11  }
0xbc: {  	s0 =	sor.u32 s1, s0  }
0xbd: {  	s0 =	sadd.s32 $0x8F2B, s0  }
0xbe: {  	[sflag:s0] =	ssyncadd.remote.s32 $0x1  }
0xbf: {  	_ =	sfence.sel $0xFFFF  }
0xc0: {  	[dreg:$0x0] =	wrdreg $0xFFFFFFFF;
	(pc) =	sbr.abs _section_cstart, $3  }
0xc1: {  	[dreg:$0x1] =	wrdreg $0xFFFFFFFF  }
0xc2: {  	_ =	task.clear_ibuf [dreg:s7], $0x2FFFF;
	_ =	strace $0x9FFFFFFF  }
0xc3: {  	(tm) =	ssettm $0x7FFFFFFF  }
tec
execute0_lowered:
.L_overlay_start_1:
0x0: {  	(tag) =	ssettag $0x1  }
0x1: {  	s4 =	rddreg [dreg:$0x0]  }
0x2: {  	s0 =	srdreg.scid;
	s10 =	rddreg [dreg:$0x1]  }
0x3: {  	s2 =	rddreg [dreg:$0x2];
	s5 =	sand.u32 $0x1, s0;
	s0 =	stileid.u32  }
0x4: {  	s3 =	simm.s32 $0x0;
	s14 =	simm.s32 $0x64;
	s7 =	smul.u32 $0xA000, s0  }
0x5: {  	s15 =	simm.s32 $0x28A0;
	[smem:$0x7FF] =	sst s3;
	s8 =	smul.u32 $0x2800, s0  }
0x6: {  	s1 =	sshll.u32 s5, $0x4;
	s28 =	ssub.s32 $0x2, s5;
	s12 =	smul.u32 $0x28000, s5  }
0x7: {  	s16 =	sshll.u32 s0, $0x6;
	s6 =	sor.u32 s0, s1;
	s1 =	rddreg [dreg:$0x3]  }
0x8: {  	_ =	strace $0x80000047;
	s30 =	sshrl.u32 s28, $0x1;
	s16 =	sor.u32 $0x1C01, s16  }
0x9: {  	s6 =	smul.u32 $0x514, s6;
	s29 =	sshrl.u32 s7, $0x2;
	s12 =	sadd.s32 s8, s12  }
0xa: {  	s13 =	ssub.s32 s28, s30;
	s11 =	sadd.s32 s29, s2;
	s31 =	sshrl.u32 s12, $0x3  }
0xb: {  	s12 =	simm.s32 $0x2EE0;
	s9 =	sadd.s32 s6, s4;
	s4 =	sadd.s32 s8, s2  }
0xc: {  	s5 =	sadd.s32 $0x800, s11;
	s6 =	sadd.s32 $0x1000, s11;
	s7 =	sadd.s32 $0x1800, s11  }
0xd: {  	s8 =	sadd.s32 $0x2000, s11;
	s10 =	sadd.s32 s10, s31;
	s11 =	smax.u32 s13, $0x1  }
0xe: {  	v0 =	vimm.f32 $1.000000000e+00;
	v1 =	vimm.f32 $0.0e+00;
	s13 =	simm.s32 $0x1;
	s9 =	sadd.s32 $0x4E00, s9;
	s17 =	sshrl.u32 s4, $0x3  }
.LBB2_1:
0xf: {  	s18 =	simm.s32 $0x0  }
.LBB2_2:
0x10: {  	p0 =	sne.s32 s18, $0x18C0  }
.Ltmp0:
0x11: {  	_ = 	snop;
	(pc) =	sbr.rel @p0 .LBB2_2-.Ltmp0, $3  }
0x12: {  	_ =	sdelay $0x1  }
0x13: {  	s19 =	sshra.s32 s18, $0x2  }
0x14: {  	s18 =	sadd.s32 $0x40, s18;
	[tilespmem:s19+$0x28A0] =	vst v0  }
0x15: {  	s18 =	simm.s32 $0x40;
	s19 =	simm.s32 $0x0  }
.LBB2_4:
0x16: {  	p0 =	sne.s32 s18, $0x1FC0;
	[tilespmem:s19+$0x2EE0] =	vst v1;
	s19 =	smov.u32 s18;
	s18 =	sadd.s32 $0x40, s18  }
.Ltmp1:
0x17: {  	(pc) =	sbr.rel @p0 .LBB2_4-.Ltmp1, $2  }
0x18: {  	_ =	sdelay $0x2  }
0x19: {  	s19 =	sshra.s32 s19, $0x2  }
0x1a: {  	[tilespmem:s19+$0x2EE0] =	vst v1  }
0x1b: {  	[spmem:s4] =	stream.linear.scatter [tilespmem:s12], [sflag:$0x1], $0x800, $0x38;
	[tilespmem:$0x5EE0] =	vst v63  }
0x1c: {  	_ =	swait.ge [sflag:s13], $0x800  }
0x1d: {  	[sflag:s13] =	ssyncset.done $0x0  }
0x1e: {  	[sflag:s13] =	ssyncadd.s32 $0xFFFFF800  }
0x1f: {  	[spmem:s5] =	stream.linear.scatter [tilespmem:s12], [sflag:$0x1], $0x800, $0x38;
	[tilespmem:$0x5EE0] =	vst v63  }
0x20: {  	_ =	swait.ge [sflag:s13], $0x800  }
0x21: {  	[sflag:s13] =	ssyncset.done $0x0  }
0x22: {  	[sflag:s13] =	ssyncadd.s32 $0xFFFFF800  }
0x23: {  	[spmem:s6] =	stream.linear.scatter [tilespmem:s12], [sflag:$0x1], $0x800, $0x38;
	[tilespmem:$0x5EE0] =	vst v63  }
0x24: {  	_ =	swait.ge [sflag:s13], $0x800  }
0x25: {  	[sflag:s13] =	ssyncset.done $0x0  }
0x26: {  	[sflag:s13] =	ssyncadd.s32 $0xFFFFF800  }
0x27: {  	[spmem:s7] =	stream.linear.scatter [tilespmem:s12], [sflag:$0x1], $0x800, $0x38;
	[tilespmem:$0x5EE0] =	vst v63  }
0x28: {  	_ =	swait.ge [sflag:s13], $0x800  }
0x29: {  	[sflag:s13] =	ssyncset.done $0x0  }
0x2a: {  	[sflag:s13] =	ssyncadd.s32 $0xFFFFF800  }
0x2b: {  	[spmem:s8] =	stream.linear.scatter [tilespmem:s12], [sflag:$0x1], $0x800, $0x38;
	[tilespmem:$0x5EE0] =	vst v63  }
0x2c: {  	_ =	swait.ge [sflag:s13], $0x800  }
0x2d: {  	[sflag:s13] =	ssyncset.done $0x0  }
0x2e: {  	[sflag:s13] =	ssyncadd.s32 $0xFFFFF800  }
0x2f: {  	s18 =	simm.s32 $0x0;
	[bflag:$0x0] =	sbarrier.arrive $0xFFFF  }
0x30: {  	[tilespmem:s18], [sflag:$0x1] =	stream.linear.gather [hbm4b:s9+s18], $0x28A0, $0x38;
	[tilespmem:$0x5EE0] =	vst v63  }
0x31: {  	_ =	swait.ge [sflag:s13], $0x28A0  }
0x32: {  	[sflag:s13] =	ssyncset.done $0x0  }
0x33: {  	s31 =	simm.s32 $0x0;
	[sflag:s13] =	ssyncadd.s32 $0xFFFFD760  }
0x34: {  	[spmem:s2] =	stream.indirect.scatter.add.f32 [tilespmem:s15], [sflag:$0x1], $0x10, s31, s14, $0xb8;
	[tilespmem:$0x5EE0] =	vst v63  }
0x35: {  	_ =	swait.ge [sflag:s13], $0x640  }
0x36: {  	s18 =	simm.s32 $0x1A0;
	[sflag:s13] =	ssyncset.done $0x0  }
.LBB2_6:
0x37: {  	s19 =	sshra.s32 s18, $0x2;
	[sflag:s13] =	ssyncadd.s32 $0xFFFFF9C0;
	p0 =	sne.s32 s18, $0xA0E0  }
0x38: {  	[spmem:s2] =	stream.indirect.scatter.add.f32 [tilespmem:s15], [sflag:$0x1], $0x10, s19, s14, $0xb8;
	[tilespmem:$0x5EE0] =	vst v63  }
.Ltmp2:
0x39: {  	_ = 	snop;
	(pc) =	sbr.rel @p0 .LBB2_6-.Ltmp2, $4  }
0x3a: {  	_ = 	snop  }
0x3b: {  	s18 =	sadd.s32 $0x1A0, s18  }
0x3c: {  	_ =	swait.ge [sflag:s13], $0x640  }
0x3d: {  	[sflag:s13] =	ssyncset.done $0x0  }
0x3e: {  	s3 =	sadd.s32 $0x1, s3  }
0x3f: {  	[sflag:s13] =	ssyncadd.s32 $0xFFFFF9C0;
	p0 =	sne.s32 s3, s11  }
.Ltmp3:
0x40: {  	[bflag:$0x0] =	sbarrier.arrive $0xFFFF;
	(pc) =	sbr.rel @p0 .LBB2_1-.Ltmp3, $4  }
0x41: {  	[hbm:s10], [sflag:s16] =	dma.local [spmem:s17], $0x500  }
0x42: {  	_ =	swait.ge [sflag:s13], $0x500  }
0x43: {  	[sflag:s13] =	ssyncset.done $0x0  }
0x44: {  	[sflag:s13] =	ssyncadd.s32 $0xFFFFFB00  }
0x45: {  	_ =	sfence.sel $0x180000  }
0x46: {  	[bflag:$0x0] =	sbarrier.arrive $0xFFFF  }
0x47: {  	p0 =	sne.s32 s0, $0x0;
	_ =	strace $0x90000047  }
0x48: {  	s0 =	sadd.s32 @!p0 $0x100000, s1;
	[bflag:$0x2] =	sbarrier.arrive $0xFFFF  }
0x49: {  	[sflag:s0] =	ssyncadd.tile.s32 @!p0 $0x1;
	_ =	shalt  }
.Lfunc_end2:
_tile_overlayer_lowered:
.L_overlay_start_2:
0x4a: {  	(tag) =	ssettag $0x2  }
0x4b: {  	s0 =	rddreg [dreg:$0x0];
	s2 =	stileid.u32  }
0x4c: {  	s1 =	rddreg [dreg:$0x1];
	p0 =	sne.s32 s2, $0x0  }
0x4d: {  	s3 =	rddreg [dreg:$0x2];
	[bflag:$0x3] =	sbarrier.arrive $0xFFFF;
	s2 =	simm.s32 @!p0 $0x1C01  }
0x4e: {  	[timem:s3], [sflag:s2] =	dma.local @!p0 [hbm:s0], s1  }
0x4f: {  	s0 =	simm.s32 @!p0 $0x1  }
0x50: {  	_ =	swait.ge @!p0 [sflag:s0], s1  }
0x51: {  	s1 =	ssub.s32 @!p0 $0x0, s1;
	[sflag:s0] =	ssyncset.done @!p0 $0x0  }
0x52: {  	[sflag:s0] =	ssyncadd.s32 @!p0 s1  }
0x53: {  	[bflag:$0x3] =	sbarrier.arrive $0xFFFF  }
0x54: {  	_ =	shalt  }

// kernel: kernel.13.cloned.1.call-start
scs
__scs_entry_jumppad:
0x0: {  	(pc) =	sbr.rel $0x88, $3  }
0x1: {  	(tag) =	ssettag $0x0;
	lr =	simm.s32 $0x1  }
0x2: {  	[smem:$0x3F94] =	sst lr;
	_ =	strace $0xD0000000  }
0x3: {  	_ = 	snop  }
0x4: {  	_ = 	snop  }
0x5: {  	_ = 	snop  }
0x6: {  	_ = 	snop  }
0x7: {  	_ = 	snop  }
__scs_overlays_trampoline_lowered:
0x8: {  	[smem:$0x3FA3] =	sst s0  }
0x9: {  	[smem:$0x3FA4] =	sst s1  }
0xa: {  	[smem:$0x3FA5] =	sst s2  }
0xb: {  	[smem:$0x3FA6] =	sst s3  }
0xc: {  	[smem:$0x3FA7] =	sst s4  }
0xd: {  	[smem:$0x3FA8] =	sst s5  }
0xe: {  	[smem:$0x3FA9] =	sst s6  }
0xf: {  	[smem:$0x3FAA] =	sst s7  }
0x10: {  	[smem:$0x3FAB] =	sst s8  }
0x11: {  	[smem:$0x3FAC] =	sst s9;
	s0 =	simm.s32 @!p0 $0x0  }
0x12: {  	s1 =	sld [smem:$0x3F92];
	s0 =	simm.s32 @p0 $0x1  }
0x13: {  	[smem:$0x3FAD] =	sst s0;
	s0 =	simm.s32 @!p1 $0x0  }
0x14: {  	s2 =	sld [smem:$0x3F91];
	s0 =	simm.s32 @p1 $0x1  }
0x15: {  	[smem:$0x3FAE] =	sst s0;
	s0 =	simm.s32 @!p2 $0x0  }
0x16: {  	s3 =	sld [smem:$0x3FDB];
	s0 =	simm.s32 @p2 $0x1  }
0x17: {  	s4 =	simm.s32 $0x1BF5;
	[smem:$0x3FB0] =	sst s0  }
0x18: {  	s0 =	sld [smem:$0x3F93];
	_ =	swait.ge [sflag:s4], $0x0  }
0x19: {  	s7 =	sld [smem:$0x3F94]  }
0x1a: {  	s8 =	sadd.s32 $0xFFFFE003, lr  }
0x1b: {  	s9 =	sadd.s32 $0xFFFFFEF7, lr;
	s5 =	simm.s32 $0xFFFFFFFF;
	p2 =	slt.u32 s8, $0xFFFFF086  }
0x1c: {  	p1 =	slt.u32 s9, $0xF7A;
	s5 =	simm.s32 @!p2 $0x0  }
0x1d: {  	s5 =	simm.s32 @p1 $0x1;
	p0 =	seq.s32 s7, s2  }
0x1e: {  	s7 =	smul.u32 @!p0 $0xF7A, s2;
	p2 =	seq.s32 @!p0 s5, $0x0  }
0x1f: {  	s9 =	smul.u32 $0xF7A, s1;
	s8 =	simm.s32 @!p0 $0x1BF5;
	p2 =	por !p2, p0  }
0x20: {  	[sflag:s8] =	ssyncset.s32 @!p0 $0xFFFFF086;
	s6 =	sadd.s32 @!p0 s3, s7;
	s7 =	simm.s32 @!p0 $0x108  }
0x21: {  	s3 =	sadd.s32 s3, s9;
	s6 =	sadd.s32 @!p0 $0x88, s6;
	s7 =	simm.s32 @p2 $0x1082  }
0x22: {  	[simem:s7], [sflag:s8] =	dma.local @!p0 [hbm:s6], $0xF7A  }
0x23: {  	s9 =	sor.u32 $0xD0000000, s2;
	s6 =	simm.s32 $0x108;
	_ =	swait.ge @!p0 [sflag:s8], $0x0  }
0x24: {  	s3 =	sadd.s32 $0x88, s3;
	s6 =	simm.s32 @!p1 $0x1082;
	[sflag:s4] =	ssyncset.s32 $0xFFFFF086  }
0x25: {  	[simem:s6], [sflag:s4] =	dma.local [hbm:s3], $0xF7A  }
0x26: {  	[smem:$0x3F94] =	sst s1;
	(tag) =	ssettag s2;
	_ =	strace s9  }
0x27: {  	s1 =	sld [smem:$0x3FA4]  }
0x28: {  	s2 =	sld [smem:$0x3FA5]  }
0x29: {  	s4 =	sld [smem:$0x3FA7]  }
0x2a: {  	p0 =	seq.s32 s5, $0x0;
	s5 =	sld [smem:$0x3FA8]  }
0x2b: {  	s6 =	sld [smem:$0x3FA9]  }
0x2c: {  	s7 =	sld [smem:$0x3FAA]  }
0x2d: {  	s3 =	simm.s32 $0x108;
	s8 =	sld [smem:$0x3FAB]  }
0x2e: {  	s3 =	simm.s32 @!p0 $0x1082;
	s9 =	sld [smem:$0x3FAC]  }
0x2f: {  	lr =	sadd.s32 s0, s3;
	s0 =	sld [smem:$0x3FA3]  }
0x30: {  	s3 =	sld [smem:$0x3FA6]  }
0x31: {  	[smem:$0x3FAF] =	sst s10  }
0x32: {  	s10 =	sld [smem:$0x3FAD];
	_ =	sdelay $0x3  }
0x33: {  	p0 =	seq.s32 s10, $0x1;
	s10 =	sld [smem:$0x3FAF];
	_ =	sdelay $0x3  }
0x34: {  	[smem:$0x3FAF] =	sst s10  }
0x35: {  	s10 =	sld [smem:$0x3FAE];
	_ =	sdelay $0x3  }
0x36: {  	p1 =	seq.s32 s10, $0x1;
	s10 =	sld [smem:$0x3FAF];
	_ =	sdelay $0x3  }
0x37: {  	[smem:$0x3FAF] =	sst s10  }
0x38: {  	s10 =	sld [smem:$0x3FB0]  }
0x39: {  	_ = 	snop;
	(pc) =	sbr.ind lr, $3  }
0x3a: {  	_ = 	snop  }
0x3b: {  	_ = 	snop  }
0x3c: {  	p2 =	seq.s32 s10, $0x1;
	s10 =	sld [smem:$0x3FAF]  }
0x3d: {  	_ =	shalt  }
0x3e: {  	_ =	shalt  }
0x3f: {  	_ =	shalt  }
0x40: {  	_ =	shalt  }
0x41: {  	_ =	shalt  }
0x42: {  	_ =	shalt  }
0x43: {  	_ =	shalt  }
0x44: {  	_ =	shalt  }
0x45: {  	_ =	shalt  }
0x46: {  	_ =	shalt  }
0x47: {  	_ =	shalt  }
0x48: {  	_ =	shalt  }
0x49: {  	_ =	shalt  }
0x4a: {  	_ =	shalt  }
0x4b: {  	_ =	shalt  }
0x4c: {  	_ =	shalt  }
0x4d: {  	_ =	shalt  }
0x4e: {  	_ =	shalt  }
0x4f: {  	_ =	shalt  }
0x50: {  	_ =	shalt  }
0x51: {  	_ =	shalt  }
0x52: {  	_ =	shalt  }
0x53: {  	_ =	shalt  }
0x54: {  	_ =	shalt  }
0x55: {  	_ =	shalt  }
0x56: {  	_ =	shalt  }
0x57: {  	_ =	shalt  }
0x58: {  	_ =	shalt  }
0x59: {  	_ =	shalt  }
0x5a: {  	_ =	shalt  }
0x5b: {  	_ =	shalt  }
0x5c: {  	_ =	shalt  }
0x5d: {  	_ =	shalt  }
0x5e: {  	_ =	shalt  }
0x5f: {  	_ =	shalt  }
0x60: {  	_ =	shalt  }
0x61: {  	_ =	shalt  }
0x62: {  	_ =	shalt  }
0x63: {  	_ =	shalt  }
0x64: {  	_ =	shalt  }
0x65: {  	_ =	shalt  }
0x66: {  	_ =	shalt  }
0x67: {  	_ =	shalt  }
0x68: {  	_ =	shalt  }
0x69: {  	_ =	shalt  }
0x6a: {  	_ =	shalt  }
0x6b: {  	_ =	shalt  }
0x6c: {  	_ =	shalt  }
0x6d: {  	_ =	shalt  }
0x6e: {  	_ =	shalt  }
0x6f: {  	_ =	shalt  }
0x70: {  	_ =	shalt  }
0x71: {  	_ =	shalt  }
0x72: {  	_ =	shalt  }
0x73: {  	_ =	shalt  }
0x74: {  	_ =	shalt  }
0x75: {  	_ =	shalt  }
0x76: {  	_ =	shalt  }
0x77: {  	_ =	shalt  }
0x78: {  	_ =	shalt  }
0x79: {  	_ =	shalt  }
0x7a: {  	_ =	shalt  }
0x7b: {  	_ =	shalt  }
0x7c: {  	_ =	shalt  }
0x7d: {  	_ =	shalt  }
0x7e: {  	_ =	shalt  }
0x7f: {  	_ =	shalt  }
0x80: {  	_ =	shalt  }
0x81: {  	_ =	shalt  }
0x82: {  	_ =	shalt  }
0x83: {  	_ =	shalt  }
0x84: {  	_ =	shalt  }
0x85: {  	_ =	shalt  }
0x86: {  	_ =	shalt  }
0x87: {  	_ =	shalt  }
.Lfunc_end0:
.L_simem_size_0:
called_computation.1_lowered:
.L_overlay_start_0:
0x88: {  	s2 =	sld [smem:$0x3FD9]  }
0x89: {  	s3 =	sld [smem:$0x3FFE];
	_ =	sdelay $0x1  }
0x8a: {  	s1 =	srdreg.scid  }
0x8b: {  	s0 =	sand.u32 $0x1, s1  }
0x8c: {  	s17 =	sshll.u32 s0, $0xA;
	s2 =	sadd.s32 s3, s2  }
0x8d: {  	s2 =	sadd.s32 s2, s17  }
0x8e: {  	[smem:$0x3FBB] =	sst s2  }
0x8f: {  	_ = 	snop  }
0x90: {  	s2 =	sld [smem:$0x3FD0];
	(tm) =	ssettm $0x1  }
0x91: {  	s18 =	sld [smem:$0x3FFB];
	_ =	sdelay $0x3  }
0x92: {  	_ =	strace s18  }
0x93: {  	s3 =	sld [smem:$0x3FFC];
	_ =	sdelay $0x3  }
0x94: {  	_ =	strace s3  }
0x95: {  	s3 =	sld [smem:$0x3FFD];
	_ =	sdelay $0x3  }
0x96: {  	_ =	strace s3  }
0x97: {  	_ =	strace $0x8FFFFFFF  }
0x98: {  	s19 =	sld [smem:$0x3FDB];
	_ =	sdelay $0x1  }
0x99: {  	s4 =	simm.s32 $_scs_section_size  }
0x9a: {  	s5 =	simm.s32 $_size__tile_overlayer_lowered;
	s6 =	simm.s32 $_tile_overlayer_lowered  }
0x9b: {  	s22 =	simm.s32 $0x1BFF;
	s21 =	sshll.u32 s6, $0x1;
	s3 =	sadd.s32 s4, s19  }
0x9c: {  	s7 =	simm.s32 $0x0;
	s20 =	sshll.u32 s5, $0x1;
	s5 =	sadd.s32 s21, s3  }
0x9d: {  	[timem:s7], [sflag:s22] =	dma.local [hbm:s5], s20  }
0x9e: {  	_ =	swait.ge [sflag:s22], s20  }
0x9f: {  	s4 =	ssub.s32 $0x0, s20;
	[sflag:s22] =	ssyncset.done $0x0  }
0xa0: {  	[sflag:s22] =	ssyncadd.s32 s4;
	_ =	sdelay $0x1  }
0xa1: {  	s23 =	simm.s32 $0x1B8B  }
0xa2: {  	_ =	swait.ge [sflag:s23], $0x1  }
0xa3: {  	[sflag:s23] =	ssyncset.done $0x0  }
0xa4: {  	s25 =	simm.s32 $0x1B8E;
	s24 =	sld [smem:$0x3FFE];
	[sflag:s23] =	ssyncadd.s32 $0xFFFFFFFF  }
0xa5: {  	s26 =	simm.s32 $execute0_lowered;
	[smem:$0x3FD2] =	sst s25  }
0xa6: {  	s5 =	sshll.u32 s26, $0x1;
	_ =	strace $0x80000049;
	[dreg:$0x1] =	wrdreg $0xFFFFFFFF  }
0xa7: {  	s28 =	simm.s32 $_size_execute0_lowered;
	s3 =	sadd.s32 s3, s5;
	[dreg:$0x0] =	wrdreg $0x0  }
0xa8: {  	s5 =	sshll.u32 s28, $0x1;
	[dreg:$0x2] =	wrdreg s3  }
0xa9: {  	[dreg:$0x3] =	wrdreg s5  }
0xaa: {  	[dreg:$0x4] =	wrdreg $0xC0  }
0xab: {  	_ =	task [dreg:s7], $0x5FFFF  }
0xac: {  	[dreg:$0x1] =	wrdreg $0xFFFFFFFF  }
0xad: {  	[dreg:$0x0] =	wrdreg $0x60  }
0xae: {  	[dreg:$0x2] =	wrdreg s2  }
0xaf: {  	[dreg:$0x3] =	wrdreg s24  }
0xb0: {  	[dreg:$0x4] =	wrdreg $0xD5400  }
0xb1: {  	[dreg:$0x5] =	wrdreg $0x9  }
0xb2: {  	_ =	task.clear_ibuf [dreg:s7], $0x6FFFF;
	_ =	strace $0x90000049  }
0xb3: {  	s29 =	simm.s32 $0x9;
	_ =	strace $0x8000004B  }
0xb4: {  	_ =	swait.ge [sflag:s29], $0x1  }
0xb5: {  	[sflag:s29] =	ssyncadd.s32 $0xFFFFFFFF  }
0xb6: {  	_ =	strace $0x9000004B  }
0xb7: {  	_ =	sfence  }
0xb8: {  	s30 =	sld [smem:$0x0];
	_ =	sdelay $0x2  }
0xb9: {  	s31 =	sshll.u32 s1, $0xD;
	s1 =	sshrl.u32 s1, $0x2  }
0xba: {  	s3 =	sand.u32 $0x4000, s31;
	s1 =	sadd.s32 s1, s30  }
0xbb: {  	s0 =	sor.u32 s3, s0;
	s1 =	sshll.u32 s1, $0x11  }
0xbc: {  	s0 =	sor.u32 s1, s0  }
0xbd: {  	s0 =	sadd.s32 $0x8F2B, s0  }
0xbe: {  	[sflag:s0] =	ssyncadd.remote.s32 $0x1  }
0xbf: {  	_ =	sfence.sel $0xFFFF  }
0xc0: {  	[dreg:$0x0] =	wrdreg $0xFFFFFFFF;
	(pc) =	sbr.abs _section_cstart, $3  }
0xc1: {  	[dreg:$0x1] =	wrdreg $0xFFFFFFFF  }
0xc2: {  	_ =	task.clear_ibuf [dreg:s7], $0x2FFFF;
	_ =	strace $0x9FFFFFFF  }
0xc3: {  	(tm) =	ssettm $0x7FFFFFFF  }
tec
execute0_lowered:
.L_overlay_start_1:
0x0: {  	(tag) =	ssettag $0x1  }
0x1: {  	s1 =	rddreg [dreg:$0x0]  }
0x2: {  	s0 =	rddreg [dreg:$0x1]  }
0x3: {  	s3 =	rddreg [dreg:$0x2];
	s2 =	srdreg.scid  }
0x4: {  	s9 =	stileid.u32;
	s4 =	simm.s32 $0x0;
	s16 =	simm.s32 $0x9  }
0x5: {  	s18 =	simm.s32 $0xB540;
	s19 =	simm.s32 $0x64;
	s20 =	simm.s32 $0x5140  }
0x6: {  	s28 =	simm.s32 $0x1;
	s29 =	simm.s32 $0x5;
	s30 =	simm.s32 $0x2  }
0x7: {  	s31 =	simm.s32 $0x6;
	s17 =	simm.s32 $0x7;
	s14 =	simm.s32 $0x5070  }
0x8: {  	s2 =	sand.u32 $0x1, s2;
	s6 =	smul.u32 $0xA000, s9;
	[smem:$0x7FF] =	sst s4  }
0x9: {  	s5 =	sshll.u32 s2, $0x4;
	s7 =	smul.u32 $0xA0000, s2;
	_ =	strace $0x8000004A  }
0xa: {  	s2 =	ssub.s32 $0x2, s2;
	s8 =	sor.u32 s9, s5;
	s9 =	smul.u32 $0x28000, s9  }
0xb: {  	s5 =	sadd.s32 $0x40800, s0;
	s21 =	sshrl.u32 s2, $0x1;
	s8 =	smul.u32 $0x514, s8  }
0xc: {  	s7 =	sadd.s32 s6, s7;
	s2 =	ssub.s32 s2, s21;
	s21 =	simm.s32 $0x50D8  }
0xd: {  	s7 =	sshrl.u32 s7, $0x3;
	s23 =	sshrl.u32 s9, $0x2;
	s26 =	smax.u32 s2, $0x1  }
0xe: {  	s2 =	simm.s32 $0x4;
	s8 =	sadd.s32 s8, s0;
	s0 =	sadd.s32 s7, s0  }
0xf: {  	s24 =	sadd.s32 s23, s3;
	[dreg:$0x8] =	wrdreg s26;
	s26 =	simm.s32 $0x9C40  }
0x10: {  	s22 =	sadd.s32 $0xF200, s8;
	s8 =	sadd.s32 $0x4E00, s8;
	s9 =	sadd.s32 $0x2000, s24  }
0x11: {  	s10 =	sadd.s32 $0x4000, s24;
	s11 =	sadd.s32 $0x6000, s24;
	[dreg:$0x4] =	wrdreg s22  }
0x12: {  	s12 =	sadd.s32 $0x8000, s24;
	s25 =	sadd.s32 $0xA2600, s0;
	[dreg:$0x5] =	wrdreg s8  }
0x13: {  	s0 =	sadd.s32 $0xCA600, s0;
	s24 =	simm.s32 $0x8340;
	[dreg:$0x6] =	wrdreg s25  }
0x14: {  	s8 =	sadd.s32 s6, s3;
	[dreg:$0x7] =	wrdreg s0;
	s25 =	simm.s32 $0x68  }
0x15: {  	v0 =	vimm.f32 $0.0e+00;
	s22 =	simm.s32 $0x6A40;
	s0 =	simm.s32 $0x3;
	s6 =	simm.s32 $0x8  }
.LBB2_1:
0x16: {  	s15 =	simm.s32 $0x100;
	s7 =	simm.s32 $0x0  }
.LBB2_2:
0x17: {  	p0 =	sne.s32 s15, $0x7F00;
	[tilespmem:s7+$0xB570] =	vst v0;
	s23 =	smov.u32 s15;
	s15 =	sadd.s32 $0x100, s15  }
.Ltmp0:
0x18: {  	[tilespmem:s7+$0xB560] =	vst v0;
	(pc) =	sbr.rel @p0 .LBB2_2-.Ltmp0, $3  }
0x19: {  	[tilespmem:s7+$0xB540] =	vst v0  }
0x1a: {  	[tilespmem:s7+$0xB550] =	vst v0;
	_ =	sdelay $0x1  }
0x1b: {  	s7 =	sshra.s32 s23, $0x2  }
0x1c: {  	[tilespmem:s7+$0xB570] =	vst v0  }
0x1d: {  	[tilespmem:s7+$0xB560] =	vst v0  }
0x1e: {  	[tilespmem:s7+$0xB540] =	vst v0  }
0x1f: {  	[tilespmem:s7+$0xB550] =	vst v0;
	s7 =	simm.s32 $0x0;
	s13 =	rddreg [dreg:$0x4]  }
0x20: {  	[tilespmem:s7], [sflag:$0x9] =	stream.linear.gather [hbm4b:s13+s7], $0x28A0, $0x38;
	[tilespmem:$0x17540] =	vst v63  }
0x21: {  	_ =	swait.ge [sflag:s16], $0x28A0  }
0x22: {  	[sflag:s16] =	ssyncset.done $0x0  }
0x23: {  	s15 =	simm.s32 $0x28A0;
	s23 =	rddreg [dreg:$0x5];
	[sflag:s16] =	ssyncadd.s32 $0xFFFFD760  }
0x24: {  	[tilespmem:s15], [sflag:$0x9] =	stream.linear.gather [hbm4b:s23+s7], $0x28A0, $0x38;
	[tilespmem:$0x17540] =	vst v63  }
0x25: {  	_ =	swait.ge [sflag:s16], $0x28A0  }
0x26: {  	[sflag:s16] =	ssyncset.done $0x0  }
0x27: {  	[sflag:s16] =	ssyncadd.s32 $0xFFFFD760  }
0x28: {  	[spmem:s8] =	stream.linear.scatter [tilespmem:s18], [sflag:$0x9], $0x2000, $0x38;
	[tilespmem:$0x17540] =	vst v63  }
0x29: {  	_ =	swait.ge [sflag:s16], $0x2000  }
0x2a: {  	[sflag:s16] =	ssyncset.done $0x0  }
0x2b: {  	[sflag:s16] =	ssyncadd.s32 $0xFFFFE000  }
0x2c: {  	[spmem:s9] =	stream.linear.scatter [tilespmem:s18], [sflag:$0x9], $0x2000, $0x38;
	[tilespmem:$0x17540] =	vst v63  }
0x2d: {  	_ =	swait.ge [sflag:s16], $0x2000  }
0x2e: {  	[sflag:s16] =	ssyncset.done $0x0  }
0x2f: {  	[sflag:s16] =	ssyncadd.s32 $0xFFFFE000  }
0x30: {  	[spmem:s10] =	stream.linear.scatter [tilespmem:s18], [sflag:$0x9], $0x2000, $0x38;
	[tilespmem:$0x17540] =	vst v63  }
0x31: {  	_ =	swait.ge [sflag:s16], $0x2000  }
0x32: {  	[sflag:s16] =	ssyncset.done $0x0  }
0x33: {  	[sflag:s16] =	ssyncadd.s32 $0xFFFFE000  }
0x34: {  	[spmem:s11] =	stream.linear.scatter [tilespmem:s18], [sflag:$0x9], $0x2000, $0x38;
	[tilespmem:$0x17540] =	vst v63  }
0x35: {  	_ =	swait.ge [sflag:s16], $0x2000  }
0x36: {  	[sflag:s16] =	ssyncset.done $0x0  }
0x37: {  	[sflag:s16] =	ssyncadd.s32 $0xFFFFE000  }
0x38: {  	[spmem:s12] =	stream.linear.scatter [tilespmem:s18], [sflag:$0x9], $0x2000, $0x38;
	[tilespmem:$0x17540] =	vst v63  }
0x39: {  	_ =	swait.ge [sflag:s16], $0x2000  }
0x3a: {  	[sflag:s16] =	ssyncset.done $0x0  }
0x3b: {  	[sflag:s16] =	ssyncadd.s32 $0xFFFFE000  }
0x3c: {  	[bflag:$0x0] =	sbarrier.arrive $0xFFFF  }
0x3d: {  	[tilespmem:s20], [sflag:$0x1] =	stream.indirect.gather [hbm4b:s1+s19], $0x40, s7, s19, $0xb8;
	[tilespmem:$0x17540] =	vst v63  }
0x3e: {  	_ = 	snop  }
0x3f: {  	[tilespmem:s22], [sflag:$0x2] =	stream.indirect.gather [hbm4b:s1+s19], $0x40, s25, s19, $0xb8;
	[tilespmem:$0x17540] =	vst v63  }
0x40: {  	s13 =	simm.s32 $0xD0  }
0x41: {  	[tilespmem:s24], [sflag:$0x3] =	stream.indirect.gather [hbm4b:s1+s19], $0x40, s13, s19, $0xb8;
	[tilespmem:$0x17540] =	vst v63  }
0x42: {  	s15 =	simm.s32 $0x138  }
0x43: {  	[tilespmem:s26], [sflag:$0x4] =	stream.indirect.gather [hbm4b:s1+s19], $0x40, s15, s19, $0xb8;
	[tilespmem:$0x17540] =	vst v63  }
0x44: {  	_ =	swait.ge [sflag:s28], $0x1900  }
0x45: {  	[sflag:s28] =	ssyncset.done $0x0  }
0x46: {  	s23 =	simm.s32 $0x28A0;
	[sflag:s28] =	ssyncadd.s32 $0xFFFFE700  }
0x47: {  	[spmem:s3] =	stream.indirect.scatter.add.f32 [tilespmem:s20], [sflag:$0x5], $0x40, s23, s19, $0xb8;
	[tilespmem:$0x17540] =	vst v63  }
0x48: {  	_ =	swait.ge [sflag:s29], $0x1900  }
0x49: {  	[sflag:s29] =	ssyncset.done $0x0  }
0x4a: {  	s13 =	simm.s32 $0x1A0;
	[sflag:s29] =	ssyncadd.s32 $0xFFFFE700  }
0x4b: {  	[tilespmem:s20], [sflag:$0x1] =	stream.indirect.gather [hbm4b:s1+s19], $0x40, s13, s19, $0xb8;
	[tilespmem:$0x17540] =	vst v63  }
0x4c: {  	_ =	swait.ge [sflag:s30], $0x1900  }
0x4d: {  	[sflag:s30] =	ssyncset.done $0x0  }
0x4e: {  	s15 =	simm.s32 $0x2908;
	[sflag:s30] =	ssyncadd.s32 $0xFFFFE700  }
0x4f: {  	[spmem:s3] =	stream.indirect.scatter.add.f32 [tilespmem:s22], [sflag:$0x6], $0x40, s15, s19, $0xb8;
	[tilespmem:$0x17540] =	vst v63  }
0x50: {  	_ =	swait.ge [sflag:s31], $0x1900  }
0x51: {  	[sflag:s31] =	ssyncset.done $0x0  }
0x52: {  	s23 =	simm.s32 $0x208;
	[sflag:s31] =	ssyncadd.s32 $0xFFFFE700  }
0x53: {  	[tilespmem:s22], [sflag:$0x2] =	stream.indirect.gather [hbm4b:s1+s19], $0x40, s23, s19, $0xb8;
	[tilespmem:$0x17540] =	vst v63  }
0x54: {  	_ =	swait.ge [sflag:s0], $0x1900  }
0x55: {  	[sflag:s0] =	ssyncset.done $0x0  }
0x56: {  	s13 =	simm.s32 $0x2970;
	[sflag:s0] =	ssyncadd.s32 $0xFFFFE700  }
0x57: {  	[spmem:s3] =	stream.indirect.scatter.add.f32 [tilespmem:s24], [sflag:$0x7], $0x40, s13, s19, $0xb8;
	[tilespmem:$0x17540] =	vst v63  }
0x58: {  	_ =	swait.ge [sflag:s17], $0x1900  }
0x59: {  	[sflag:s17] =	ssyncset.done $0x0  }
0x5a: {  	s15 =	simm.s32 $0x270;
	[sflag:s17] =	ssyncadd.s32 $0xFFFFE700  }
0x5b: {  	[tilespmem:s24], [sflag:$0x3] =	stream.indirect.gather [hbm4b:s1+s19], $0x40, s15, s19, $0xb8;
	[tilespmem:$0x17540] =	vst v63  }
0x5c: {  	_ =	swait.ge [sflag:s2], $0x1900  }
0x5d: {  	[sflag:s2] =	ssyncset.done $0x0  }
0x5e: {  	s23 =	simm.s32 $0x29D8;
	[sflag:s2] =	ssyncadd.s32 $0xFFFFE700  }
0x5f: {  	[spmem:s3] =	stream.indirect.scatter.add.f32 [tilespmem:s26], [sflag:$0x8], $0x40, s23, s19, $0xb8;
	[tilespmem:$0x17540] =	vst v63  }
0x60: {  	_ =	swait.ge [sflag:s6], $0x1900  }
0x61: {  	[sflag:s6] =	ssyncset.done $0x0  }
0x62: {  	s7 =	simm.s32 $0x2D8;
	s15 =	simm.s32 $0x680;
	[sflag:s6] =	ssyncadd.s32 $0xFFFFE700  }
.LBB2_4:
0x63: {  	[tilespmem:s26], [sflag:$0x4] =	stream.indirect.gather [hbm4b:s1+s19], $0x40, s7, s19, $0xb8;
	[tilespmem:$0x17540] =	vst v63  }
0x64: {  	s7 =	smov.u32 s15  }
0x65: {  	p0 =	sne.s32 s15, $0x9580;
	s15 =	sadd.s32 $0x680, s15;
	_ =	swait.ge [sflag:s28], $0x1900  }
0x66: {  	s23 =	sshra.s32 s7, $0x2;
	[sflag:s28] =	ssyncset.done $0x0  }
0x67: {  	s7 =	sadd.s32 $0x28A0, s23;
	[sflag:s28] =	ssyncadd.s32 $0xFFFFE700  }
0x68: {  	[spmem:s3] =	stream.indirect.scatter.add.f32 [tilespmem:s20], [sflag:$0x5], $0x40, s7, s19, $0xb8;
	[tilespmem:$0x17540] =	vst v63  }
0x69: {  	_ =	swait.ge [sflag:s29], $0x1900  }
0x6a: {  	[sflag:s29] =	ssyncset.done $0x0  }
0x6b: {  	s7 =	sadd.s32 $0x1A0, s23;
	[sflag:s29] =	ssyncadd.s32 $0xFFFFE700  }
0x6c: {  	[tilespmem:s20], [sflag:$0x1] =	stream.indirect.gather [hbm4b:s1+s19], $0x40, s7, s19, $0xb8;
	[tilespmem:$0x17540] =	vst v63  }
0x6d: {  	_ =	swait.ge [sflag:s30], $0x1900  }
0x6e: {  	[sflag:s30] =	ssyncset.done $0x0  }
0x6f: {  	s7 =	sadd.s32 $0x2908, s23;
	[sflag:s30] =	ssyncadd.s32 $0xFFFFE700  }
0x70: {  	[spmem:s3] =	stream.indirect.scatter.add.f32 [tilespmem:s22], [sflag:$0x6], $0x40, s7, s19, $0xb8;
	[tilespmem:$0x17540] =	vst v63  }
0x71: {  	_ =	swait.ge [sflag:s31], $0x1900  }
0x72: {  	[sflag:s31] =	ssyncset.done $0x0  }
0x73: {  	s7 =	sadd.s32 $0x208, s23;
	[sflag:s31] =	ssyncadd.s32 $0xFFFFE700  }
0x74: {  	[tilespmem:s22], [sflag:$0x2] =	stream.indirect.gather [hbm4b:s1+s19], $0x40, s7, s19, $0xb8;
	[tilespmem:$0x17540] =	vst v63  }
0x75: {  	_ =	swait.ge [sflag:s0], $0x1900  }
0x76: {  	[sflag:s0] =	ssyncset.done $0x0  }
0x77: {  	s7 =	sadd.s32 $0x2970, s23;
	[sflag:s0] =	ssyncadd.s32 $0xFFFFE700  }
0x78: {  	[spmem:s3] =	stream.indirect.scatter.add.f32 [tilespmem:s24], [sflag:$0x7], $0x40, s7, s19, $0xb8;
	[tilespmem:$0x17540] =	vst v63  }
0x79: {  	_ =	swait.ge [sflag:s17], $0x1900  }
0x7a: {  	[sflag:s17] =	ssyncset.done $0x0  }
0x7b: {  	s7 =	sadd.s32 $0x270, s23;
	[sflag:s17] =	ssyncadd.s32 $0xFFFFE700  }
0x7c: {  	[tilespmem:s24], [sflag:$0x3] =	stream.indirect.gather [hbm4b:s1+s19], $0x40, s7, s19, $0xb8;
	[tilespmem:$0x17540] =	vst v63  }
0x7d: {  	_ =	swait.ge [sflag:s2], $0x1900  }
0x7e: {  	[sflag:s2] =	ssyncset.done $0x0  }
.Ltmp1:
0x7f: {  	s7 =	sadd.s32 $0x29D8, s23;
	[sflag:s2] =	ssyncadd.s32 $0xFFFFE700;
	(pc) =	sbr.rel @p0 .LBB2_4-.Ltmp1, $4  }
0x80: {  	[spmem:s3] =	stream.indirect.scatter.add.f32 [tilespmem:s26], [sflag:$0x8], $0x40, s7, s19, $0xb8;
	[tilespmem:$0x17540] =	vst v63  }
0x81: {  	_ =	swait.ge [sflag:s6], $0x1900  }
0x82: {  	[sflag:s6] =	ssyncset.done $0x0  }
0x83: {  	s7 =	sadd.s32 $0x2D8, s23;
	[sflag:s6] =	ssyncadd.s32 $0xFFFFE700  }
0x84: {  	[tilespmem:s26], [sflag:$0x4] =	stream.indirect.gather [hbm4b:s1+s19], $0x40, s7, s19, $0xb8;
	[tilespmem:$0x17540] =	vst v63  }
0x85: {  	_ =	swait.ge [sflag:s28], $0x1900  }
0x86: {  	[sflag:s28] =	ssyncset.done $0x0  }
0x87: {  	s13 =	simm.s32 $0x4FA0;
	[sflag:s28] =	ssyncadd.s32 $0xFFFFE700  }
0x88: {  	[spmem:s3] =	stream.indirect.scatter.add.f32 [tilespmem:s20], [sflag:$0x5], $0x40, s13, s19, $0xb8;
	[tilespmem:$0x17540] =	vst v63  }
0x89: {  	_ =	swait.ge [sflag:s30], $0x1900  }
0x8a: {  	[sflag:s30] =	ssyncset.done $0x0  }
0x8b: {  	s15 =	simm.s32 $0x5008;
	[sflag:s30] =	ssyncadd.s32 $0xFFFFE700  }
0x8c: {  	[spmem:s3] =	stream.indirect.scatter.add.f32 [tilespmem:s22], [sflag:$0x6], $0x40, s15, s19, $0xb8;
	[tilespmem:$0x17540] =	vst v63  }
0x8d: {  	_ =	swait.ge [sflag:s0], $0x1900  }
0x8e: {  	[sflag:s0] =	ssyncset.done $0x0  }
0x8f: {  	[sflag:s0] =	ssyncadd.s32 $0xFFFFE700  }
0x90: {  	[spmem:s3] =	stream.indirect.scatter.add.f32 [tilespmem:s24], [sflag:$0x7], $0x40, s14, s19, $0xb8;
	[tilespmem:$0x17540] =	vst v63  }
0x91: {  	_ =	swait.ge [sflag:s2], $0x1900  }
0x92: {  	[sflag:s2] =	ssyncset.done $0x0  }
0x93: {  	[sflag:s2] =	ssyncadd.s32 $0xFFFFE700  }
0x94: {  	[spmem:s3] =	stream.indirect.scatter.add.f32 [tilespmem:s26], [sflag:$0x8], $0x40, s21, s19, $0xb8;
	[tilespmem:$0x17540] =	vst v63  }
0x95: {  	_ =	swait.ge [sflag:s29], $0x1900  }
0x96: {  	[sflag:s29] =	ssyncset.done $0x0  }
0x97: {  	[sflag:s29] =	ssyncadd.s32 $0xFFFFE700  }
0x98: {  	_ =	swait.ge [sflag:s31], $0x1900  }
0x99: {  	[sflag:s31] =	ssyncset.done $0x0  }
0x9a: {  	[sflag:s31] =	ssyncadd.s32 $0xFFFFE700  }
0x9b: {  	_ =	swait.ge [sflag:s17], $0x1900  }
0x9c: {  	[sflag:s17] =	ssyncset.done $0x0  }
0x9d: {  	[sflag:s17] =	ssyncadd.s32 $0xFFFFE700  }
0x9e: {  	_ =	swait.ge [sflag:s6], $0x1900  }
0x9f: {  	[sflag:s6] =	ssyncset.done $0x0  }
0xa0: {  	s23 =	stileid.u32;
	[sflag:s6] =	ssyncadd.s32 $0xFFFFE700  }
0xa1: {  	s7 =	sshll.u32 s23, $0x6;
	[bflag:$0x0] =	sbarrier.arrive $0xFFFF  }
0xa2: {  	s23 =	sshrl.u32 s8, $0x3;
	s15 =	sor.u32 $0x1C09, s7;
	s13 =	rddreg [dreg:$0x6]  }
0xa3: {  	[hbm:s13], [sflag:s15] =	dma.local [spmem:s23], $0x1400  }
0xa4: {  	_ =	swait.ge [sflag:s16], $0x1400  }
0xa5: {  	[sflag:s16] =	ssyncset.done $0x0  }
0xa6: {  	[sflag:s16] =	ssyncadd.s32 $0xFFFFEC00  }
0xa7: {  	[spmem:s8] =	stream.linear.scatter [tilespmem:s18], [sflag:$0x9], $0x2000, $0x38;
	[tilespmem:$0x17540] =	vst v63  }
0xa8: {  	_ =	swait.ge [sflag:s16], $0x2000  }
0xa9: {  	[sflag:s16] =	ssyncset.done $0x0  }
0xaa: {  	[sflag:s16] =	ssyncadd.s32 $0xFFFFE000  }
0xab: {  	[spmem:s9] =	stream.linear.scatter [tilespmem:s18], [sflag:$0x9], $0x2000, $0x38;
	[tilespmem:$0x17540] =	vst v63  }
0xac: {  	_ =	swait.ge [sflag:s16], $0x2000  }
0xad: {  	[sflag:s16] =	ssyncset.done $0x0  }
0xae: {  	[sflag:s16] =	ssyncadd.s32 $0xFFFFE000  }
0xaf: {  	[spmem:s10] =	stream.linear.scatter [tilespmem:s18], [sflag:$0x9], $0x2000, $0x38;
	[tilespmem:$0x17540] =	vst v63  }
0xb0: {  	_ =	swait.ge [sflag:s16], $0x2000  }
0xb1: {  	[sflag:s16] =	ssyncset.done $0x0  }
0xb2: {  	[sflag:s16] =	ssyncadd.s32 $0xFFFFE000  }
0xb3: {  	[spmem:s11] =	stream.linear.scatter [tilespmem:s18], [sflag:$0x9], $0x2000, $0x38;
	[tilespmem:$0x17540] =	vst v63  }
0xb4: {  	_ =	swait.ge [sflag:s16], $0x2000  }
0xb5: {  	[sflag:s16] =	ssyncset.done $0x0  }
0xb6: {  	[sflag:s16] =	ssyncadd.s32 $0xFFFFE000  }
0xb7: {  	[spmem:s12] =	stream.linear.scatter [tilespmem:s18], [sflag:$0x9], $0x2000, $0x38;
	[tilespmem:$0x17540] =	vst v63  }
0xb8: {  	_ =	swait.ge [sflag:s16], $0x2000  }
0xb9: {  	[sflag:s16] =	ssyncset.done $0x0  }
0xba: {  	[sflag:s16] =	ssyncadd.s32 $0xFFFFE000  }
0xbb: {  	s13 =	simm.s32 $0x0;
	[bflag:$0x0] =	sbarrier.arrive $0xFFFF  }
0xbc: {  	[tilespmem:s20], [sflag:$0x1] =	stream.indirect.gather [hbm4b:s5+s19], $0x40, s13, s19, $0xb8;
	[tilespmem:$0x17540] =	vst v63  }
0xbd: {  	_ = 	snop  }
0xbe: {  	[tilespmem:s22], [sflag:$0x2] =	stream.indirect.gather [hbm4b:s5+s19], $0x40, s25, s19, $0xb8;
	[tilespmem:$0x17540] =	vst v63  }
0xbf: {  	s25 =	simm.s32 $0xD0  }
0xc0: {  	[tilespmem:s24], [sflag:$0x3] =	stream.indirect.gather [hbm4b:s5+s19], $0x40, s25, s19, $0xb8;
	[tilespmem:$0x17540] =	vst v63  }
0xc1: {  	s13 =	simm.s32 $0x138  }
0xc2: {  	[tilespmem:s26], [sflag:$0x4] =	stream.indirect.gather [hbm4b:s5+s19], $0x40, s13, s19, $0xb8;
	[tilespmem:$0x17540] =	vst v63  }
0xc3: {  	_ =	swait.ge [sflag:s28], $0x1900  }
0xc4: {  	[sflag:s28] =	ssyncset.done $0x0  }
0xc5: {  	s25 =	simm.s32 $0x28A0;
	[sflag:s28] =	ssyncadd.s32 $0xFFFFE700  }
0xc6: {  	[spmem:s3] =	stream.indirect.scatter.add.f32 [tilespmem:s20], [sflag:$0x5], $0x40, s25, s19, $0xb8;
	[tilespmem:$0x17540] =	vst v63  }
0xc7: {  	_ =	swait.ge [sflag:s29], $0x1900  }
0xc8: {  	[sflag:s29] =	ssyncset.done $0x0  }
0xc9: {  	s13 =	simm.s32 $0x1A0;
	[sflag:s29] =	ssyncadd.s32 $0xFFFFE700  }
0xca: {  	[tilespmem:s20], [sflag:$0x1] =	stream.indirect.gather [hbm4b:s5+s19], $0x40, s13, s19, $0xb8;
	[tilespmem:$0x17540] =	vst v63  }
0xcb: {  	_ =	swait.ge [sflag:s30], $0x1900  }
0xcc: {  	[sflag:s30] =	ssyncset.done $0x0  }
0xcd: {  	s25 =	simm.s32 $0x2908;
	[sflag:s30] =	ssyncadd.s32 $0xFFFFE700  }
0xce: {  	[spmem:s3] =	stream.indirect.scatter.add.f32 [tilespmem:s22], [sflag:$0x6], $0x40, s25, s19, $0xb8;
	[tilespmem:$0x17540] =	vst v63  }
0xcf: {  	_ =	swait.ge [sflag:s31], $0x1900  }
0xd0: {  	[sflag:s31] =	ssyncset.done $0x0  }
0xd1: {  	s13 =	simm.s32 $0x208;
	[sflag:s31] =	ssyncadd.s32 $0xFFFFE700  }
0xd2: {  	[tilespmem:s22], [sflag:$0x2] =	stream.indirect.gather [hbm4b:s5+s19], $0x40, s13, s19, $0xb8;
	[tilespmem:$0x17540] =	vst v63  }
0xd3: {  	_ =	swait.ge [sflag:s0], $0x1900  }
0xd4: {  	[sflag:s0] =	ssyncset.done $0x0  }
0xd5: {  	s25 =	simm.s32 $0x2970;
	[sflag:s0] =	ssyncadd.s32 $0xFFFFE700  }
0xd6: {  	[spmem:s3] =	stream.indirect.scatter.add.f32 [tilespmem:s24], [sflag:$0x7], $0x40, s25, s19, $0xb8;
	[tilespmem:$0x17540] =	vst v63  }
0xd7: {  	_ =	swait.ge [sflag:s17], $0x1900  }
0xd8: {  	[sflag:s17] =	ssyncset.done $0x0  }
0xd9: {  	s13 =	simm.s32 $0x270;
	[sflag:s17] =	ssyncadd.s32 $0xFFFFE700  }
0xda: {  	[tilespmem:s24], [sflag:$0x3] =	stream.indirect.gather [hbm4b:s5+s19], $0x40, s13, s19, $0xb8;
	[tilespmem:$0x17540] =	vst v63  }
0xdb: {  	_ =	swait.ge [sflag:s2], $0x1900  }
0xdc: {  	[sflag:s2] =	ssyncset.done $0x0  }
0xdd: {  	s25 =	simm.s32 $0x29D8;
	[sflag:s2] =	ssyncadd.s32 $0xFFFFE700  }
0xde: {  	[spmem:s3] =	stream.indirect.scatter.add.f32 [tilespmem:s26], [sflag:$0x8], $0x40, s25, s19, $0xb8;
	[tilespmem:$0x17540] =	vst v63  }
0xdf: {  	_ =	swait.ge [sflag:s6], $0x1900  }
0xe0: {  	[sflag:s6] =	ssyncset.done $0x0  }
0xe1: {  	s7 =	simm.s32 $0x2D8;
	s25 =	simm.s32 $0x680;
	[sflag:s6] =	ssyncadd.s32 $0xFFFFE700  }
.LBB2_6:
0xe2: {  	[tilespmem:s26], [sflag:$0x4] =	stream.indirect.gather [hbm4b:s5+s19], $0x40, s7, s19, $0xb8;
	[tilespmem:$0x17540] =	vst v63  }
0xe3: {  	s7 =	smov.u32 s25  }
0xe4: {  	p0 =	sne.s32 s25, $0x9580;
	s25 =	sadd.s32 $0x680, s25;
	_ =	swait.ge [sflag:s28], $0x1900  }
0xe5: {  	s7 =	sshra.s32 s7, $0x2;
	[sflag:s28] =	ssyncset.done $0x0  }
0xe6: {  	s13 =	sadd.s32 $0x28A0, s7;
	[sflag:s28] =	ssyncadd.s32 $0xFFFFE700  }
0xe7: {  	[spmem:s3] =	stream.indirect.scatter.add.f32 [tilespmem:s20], [sflag:$0x5], $0x40, s13, s19, $0xb8;
	[tilespmem:$0x17540] =	vst v63  }
0xe8: {  	_ =	swait.ge [sflag:s29], $0x1900  }
0xe9: {  	[sflag:s29] =	ssyncset.done $0x0  }
0xea: {  	s13 =	sadd.s32 $0x1A0, s7;
	[sflag:s29] =	ssyncadd.s32 $0xFFFFE700  }
0xeb: {  	[tilespmem:s20], [sflag:$0x1] =	stream.indirect.gather [hbm4b:s5+s19], $0x40, s13, s19, $0xb8;
	[tilespmem:$0x17540] =	vst v63  }
0xec: {  	_ =	swait.ge [sflag:s30], $0x1900  }
0xed: {  	[sflag:s30] =	ssyncset.done $0x0  }
0xee: {  	s13 =	sadd.s32 $0x2908, s7;
	[sflag:s30] =	ssyncadd.s32 $0xFFFFE700  }
0xef: {  	[spmem:s3] =	stream.indirect.scatter.add.f32 [tilespmem:s22], [sflag:$0x6], $0x40, s13, s19, $0xb8;
	[tilespmem:$0x17540] =	vst v63  }
0xf0: {  	_ =	swait.ge [sflag:s31], $0x1900  }
0xf1: {  	[sflag:s31] =	ssyncset.done $0x0  }
0xf2: {  	s13 =	sadd.s32 $0x208, s7;
	[sflag:s31] =	ssyncadd.s32 $0xFFFFE700  }
0xf3: {  	[tilespmem:s22], [sflag:$0x2] =	stream.indirect.gather [hbm4b:s5+s19], $0x40, s13, s19, $0xb8;
	[tilespmem:$0x17540] =	vst v63  }
0xf4: {  	_ =	swait.ge [sflag:s0], $0x1900  }
0xf5: {  	[sflag:s0] =	ssyncset.done $0x0  }
0xf6: {  	s13 =	sadd.s32 $0x2970, s7;
	[sflag:s0] =	ssyncadd.s32 $0xFFFFE700  }
0xf7: {  	[spmem:s3] =	stream.indirect.scatter.add.f32 [tilespmem:s24], [sflag:$0x7], $0x40, s13, s19, $0xb8;
	[tilespmem:$0x17540] =	vst v63  }
0xf8: {  	_ =	swait.ge [sflag:s17], $0x1900  }
0xf9: {  	[sflag:s17] =	ssyncset.done $0x0  }
0xfa: {  	s13 =	sadd.s32 $0x270, s7;
	[sflag:s17] =	ssyncadd.s32 $0xFFFFE700  }
0xfb: {  	[tilespmem:s24], [sflag:$0x3] =	stream.indirect.gather [hbm4b:s5+s19], $0x40, s13, s19, $0xb8;
	[tilespmem:$0x17540] =	vst v63  }
0xfc: {  	_ =	swait.ge [sflag:s2], $0x1900  }
0xfd: {  	[sflag:s2] =	ssyncset.done $0x0  }
.Ltmp2:
0xfe: {  	s13 =	sadd.s32 $0x29D8, s7;
	[sflag:s2] =	ssyncadd.s32 $0xFFFFE700;
	(pc) =	sbr.rel @p0 .LBB2_6-.Ltmp2, $4  }
0xff: {  	[spmem:s3] =	stream.indirect.scatter.add.f32 [tilespmem:s26], [sflag:$0x8], $0x40, s13, s19, $0xb8;
	[tilespmem:$0x17540] =	vst v63  }
0x100: {  	_ =	swait.ge [sflag:s6], $0x1900  }
0x101: {  	[sflag:s6] =	ssyncset.done $0x0  }
0x102: {  	s7 =	sadd.s32 $0x2D8, s7;
	[sflag:s6] =	ssyncadd.s32 $0xFFFFE700  }
0x103: {  	[tilespmem:s26], [sflag:$0x4] =	stream.indirect.gather [hbm4b:s5+s19], $0x40, s7, s19, $0xb8;
	[tilespmem:$0x17540] =	vst v63  }
0x104: {  	_ =	swait.ge [sflag:s28], $0x1900  }
0x105: {  	[sflag:s28] =	ssyncset.done $0x0  }
0x106: {  	s13 =	simm.s32 $0x4FA0;
	[sflag:s28] =	ssyncadd.s32 $0xFFFFE700  }
0x107: {  	[spmem:s3] =	stream.indirect.scatter.add.f32 [tilespmem:s20], [sflag:$0x5], $0x40, s13, s19, $0xb8;
	[tilespmem:$0x17540] =	vst v63  }
0x108: {  	_ =	swait.ge [sflag:s30], $0x1900  }
0x109: {  	[sflag:s30] =	ssyncset.done $0x0  }
0x10a: {  	s25 =	simm.s32 $0x5008;
	[sflag:s30] =	ssyncadd.s32 $0xFFFFE700  }
0x10b: {  	[spmem:s3] =	stream.indirect.scatter.add.f32 [tilespmem:s22], [sflag:$0x6], $0x40, s25, s19, $0xb8;
	[tilespmem:$0x17540] =	vst v63  }
0x10c: {  	_ =	swait.ge [sflag:s0], $0x1900  }
0x10d: {  	[sflag:s0] =	ssyncset.done $0x0  }
0x10e: {  	[sflag:s0] =	ssyncadd.s32 $0xFFFFE700  }
0x10f: {  	[spmem:s3] =	stream.indirect.scatter.add.f32 [tilespmem:s24], [sflag:$0x7], $0x40, s14, s19, $0xb8;
	[tilespmem:$0x17540] =	vst v63  }
0x110: {  	_ =	swait.ge [sflag:s2], $0x1900  }
0x111: {  	[sflag:s2] =	ssyncset.done $0x0  }
0x112: {  	[sflag:s2] =	ssyncadd.s32 $0xFFFFE700  }
0x113: {  	[spmem:s3] =	stream.indirect.scatter.add.f32 [tilespmem:s26], [sflag:$0x8], $0x40, s21, s19, $0xb8;
	[tilespmem:$0x17540] =	vst v63  }
0x114: {  	_ =	swait.ge [sflag:s29], $0x1900  }
0x115: {  	[sflag:s29] =	ssyncset.done $0x0  }
0x116: {  	[sflag:s29] =	ssyncadd.s32 $0xFFFFE700  }
0x117: {  	_ =	swait.ge [sflag:s31], $0x1900  }
0x118: {  	[sflag:s31] =	ssyncset.done $0x0  }
0x119: {  	[sflag:s31] =	ssyncadd.s32 $0xFFFFE700  }
0x11a: {  	_ =	swait.ge [sflag:s17], $0x1900  }
0x11b: {  	[sflag:s17] =	ssyncset.done $0x0  }
0x11c: {  	[sflag:s17] =	ssyncadd.s32 $0xFFFFE700  }
0x11d: {  	_ =	swait.ge [sflag:s6], $0x1900  }
0x11e: {  	[sflag:s6] =	ssyncset.done $0x0  }
0x11f: {  	[sflag:s6] =	ssyncadd.s32 $0xFFFFE700  }
0x120: {  	[bflag:$0x0] =	sbarrier.arrive $0xFFFF  }
0x121: {  	s13 =	rddreg [dreg:$0x7]  }
0x122: {  	[hbm:s13], [sflag:s15] =	dma.local [spmem:s23], $0x1400  }
0x123: {  	_ =	swait.ge [sflag:s16], $0x1400  }
0x124: {  	s4 =	sadd.s32 $0x1, s4;
	s25 =	rddreg [dreg:$0x8]  }
0x125: {  	p0 =	sne.s32 s4, s25  }
.Ltmp3:
0x126: {  	_ = 	snop;
	(pc) =	sbr.rel @p0 .LBB2_1-.Ltmp3, $3  }
0x127: {  	_ =	sdelay $0x1  }
0x128: {  	[sflag:s16] =	ssyncset.done $0x0  }
0x129: {  	[sflag:s16] =	ssyncadd.s32 $0xFFFFEC00;
	s25 =	simm.s32 $0x68  }
0x12a: {  	_ =	sfence.sel $0x180000  }
0x12b: {  	[bflag:$0x0] =	sbarrier.arrive $0xFFFF  }
0x12c: {  	_ =	strace $0x9000004A  }
0x12d: {  	s0 =	stileid.u32;
	[bflag:$0x2] =	sbarrier.arrive $0xFFFF  }
0x12e: {  	p0 =	sne.s32 s0, $0x0;
	s0 =	rddreg [dreg:$0x3]  }
0x12f: {  	s0 =	sadd.s32 @!p0 $0x100000, s0  }
0x130: {  	[sflag:s0] =	ssyncadd.tile.s32 @!p0 $0x1;
	_ =	shalt  }
.Lfunc_end2:
_tile_overlayer_lowered:
.L_overlay_start_2:
0x131: {  	(tag) =	ssettag $0x2  }
0x132: {  	s0 =	rddreg [dreg:$0x0];
	s2 =	stileid.u32  }
0x133: {  	s1 =	rddreg [dreg:$0x1];
	p0 =	sne.s32 s2, $0x0  }
0x134: {  	s3 =	rddreg [dreg:$0x2];
	[bflag:$0x3] =	sbarrier.arrive $0xFFFF;
	s2 =	simm.s32 @!p0 $0x1C09  }
0x135: {  	[timem:s3], [sflag:s2] =	dma.local @!p0 [hbm:s0], s1  }
0x136: {  	s0 =	simm.s32 @!p0 $0x9  }
0x137: {  	_ =	swait.ge @!p0 [sflag:s0], s1  }
0x138: {  	s1 =	ssub.s32 @!p0 $0x0, s1;
	[sflag:s0] =	ssyncset.done @!p0 $0x0  }
0x139: {  	[sflag:s0] =	ssyncadd.s32 @!p0 s1  }
0x13a: {  	[bflag:$0x3] =	sbarrier.arrive $0xFFFF  }
0x13b: {  	_ =	shalt  }

// kernel: kernel.16.cloned.1.call-start
scs
__scs_entry_jumppad:
0x0: {  	(pc) =	sbr.rel $0x88, $3  }
0x1: {  	(tag) =	ssettag $0x0;
	lr =	simm.s32 $0x1  }
0x2: {  	[smem:$0x3F94] =	sst lr;
	_ =	strace $0xD0000000  }
0x3: {  	_ = 	snop  }
0x4: {  	_ = 	snop  }
0x5: {  	_ = 	snop  }
0x6: {  	_ = 	snop  }
0x7: {  	_ = 	snop  }
__scs_overlays_trampoline_lowered:
0x8: {  	[smem:$0x3FA3] =	sst s0  }
0x9: {  	[smem:$0x3FA4] =	sst s1  }
0xa: {  	[smem:$0x3FA5] =	sst s2  }
0xb: {  	[smem:$0x3FA6] =	sst s3  }
0xc: {  	[smem:$0x3FA7] =	sst s4  }
0xd: {  	[smem:$0x3FA8] =	sst s5  }
0xe: {  	[smem:$0x3FA9] =	sst s6  }
0xf: {  	[smem:$0x3FAA] =	sst s7  }
0x10: {  	[smem:$0x3FAB] =	sst s8  }
0x11: {  	[smem:$0x3FAC] =	sst s9;
	s0 =	simm.s32 @!p0 $0x0  }
0x12: {  	s1 =	sld [smem:$0x3F92];
	s0 =	simm.s32 @p0 $0x1  }
0x13: {  	[smem:$0x3FAD] =	sst s0;
	s0 =	simm.s32 @!p1 $0x0  }
0x14: {  	s2 =	sld [smem:$0x3F91];
	s0 =	simm.s32 @p1 $0x1  }
0x15: {  	[smem:$0x3FAE] =	sst s0;
	s0 =	simm.s32 @!p2 $0x0  }
0x16: {  	s3 =	sld [smem:$0x3FDB];
	s0 =	simm.s32 @p2 $0x1  }
0x17: {  	s4 =	simm.s32 $0x1BF5;
	[smem:$0x3FB0] =	sst s0  }
0x18: {  	s0 =	sld [smem:$0x3F93];
	_ =	swait.ge [sflag:s4], $0x0  }
0x19: {  	s7 =	sld [smem:$0x3F94]  }
0x1a: {  	s8 =	sadd.s32 $0xFFFFE003, lr  }
0x1b: {  	s9 =	sadd.s32 $0xFFFFFEF7, lr;
	s5 =	simm.s32 $0xFFFFFFFF;
	p2 =	slt.u32 s8, $0xFFFFF086  }
0x1c: {  	p1 =	slt.u32 s9, $0xF7A;
	s5 =	simm.s32 @!p2 $0x0  }
0x1d: {  	s5 =	simm.s32 @p1 $0x1;
	p0 =	seq.s32 s7, s2  }
0x1e: {  	s7 =	smul.u32 @!p0 $0xF7A, s2;
	p2 =	seq.s32 @!p0 s5, $0x0  }
0x1f: {  	s9 =	smul.u32 $0xF7A, s1;
	s8 =	simm.s32 @!p0 $0x1BF5;
	p2 =	por !p2, p0  }
0x20: {  	[sflag:s8] =	ssyncset.s32 @!p0 $0xFFFFF086;
	s6 =	sadd.s32 @!p0 s3, s7;
	s7 =	simm.s32 @!p0 $0x108  }
0x21: {  	s3 =	sadd.s32 s3, s9;
	s6 =	sadd.s32 @!p0 $0x88, s6;
	s7 =	simm.s32 @p2 $0x1082  }
0x22: {  	[simem:s7], [sflag:s8] =	dma.local @!p0 [hbm:s6], $0xF7A  }
0x23: {  	s9 =	sor.u32 $0xD0000000, s2;
	s6 =	simm.s32 $0x108;
	_ =	swait.ge @!p0 [sflag:s8], $0x0  }
0x24: {  	s3 =	sadd.s32 $0x88, s3;
	s6 =	simm.s32 @!p1 $0x1082;
	[sflag:s4] =	ssyncset.s32 $0xFFFFF086  }
0x25: {  	[simem:s6], [sflag:s4] =	dma.local [hbm:s3], $0xF7A  }
0x26: {  	[smem:$0x3F94] =	sst s1;
	(tag) =	ssettag s2;
	_ =	strace s9  }
0x27: {  	s1 =	sld [smem:$0x3FA4]  }
0x28: {  	s2 =	sld [smem:$0x3FA5]  }
0x29: {  	s4 =	sld [smem:$0x3FA7]  }
0x2a: {  	p0 =	seq.s32 s5, $0x0;
	s5 =	sld [smem:$0x3FA8]  }
0x2b: {  	s6 =	sld [smem:$0x3FA9]  }
0x2c: {  	s7 =	sld [smem:$0x3FAA]  }
0x2d: {  	s3 =	simm.s32 $0x108;
	s8 =	sld [smem:$0x3FAB]  }
0x2e: {  	s3 =	simm.s32 @!p0 $0x1082;
	s9 =	sld [smem:$0x3FAC]  }
0x2f: {  	lr =	sadd.s32 s0, s3;
	s0 =	sld [smem:$0x3FA3]  }
0x30: {  	s3 =	sld [smem:$0x3FA6]  }
0x31: {  	[smem:$0x3FAF] =	sst s10  }
0x32: {  	s10 =	sld [smem:$0x3FAD];
	_ =	sdelay $0x3  }
0x33: {  	p0 =	seq.s32 s10, $0x1;
	s10 =	sld [smem:$0x3FAF];
	_ =	sdelay $0x3  }
0x34: {  	[smem:$0x3FAF] =	sst s10  }
0x35: {  	s10 =	sld [smem:$0x3FAE];
	_ =	sdelay $0x3  }
0x36: {  	p1 =	seq.s32 s10, $0x1;
	s10 =	sld [smem:$0x3FAF];
	_ =	sdelay $0x3  }
0x37: {  	[smem:$0x3FAF] =	sst s10  }
0x38: {  	s10 =	sld [smem:$0x3FB0]  }
0x39: {  	_ = 	snop;
	(pc) =	sbr.ind lr, $3  }
0x3a: {  	_ = 	snop  }
0x3b: {  	_ = 	snop  }
0x3c: {  	p2 =	seq.s32 s10, $0x1;
	s10 =	sld [smem:$0x3FAF]  }
0x3d: {  	_ =	shalt  }
0x3e: {  	_ =	shalt  }
0x3f: {  	_ =	shalt  }
0x40: {  	_ =	shalt  }
0x41: {  	_ =	shalt  }
0x42: {  	_ =	shalt  }
0x43: {  	_ =	shalt  }
0x44: {  	_ =	shalt  }
0x45: {  	_ =	shalt  }
0x46: {  	_ =	shalt  }
0x47: {  	_ =	shalt  }
0x48: {  	_ =	shalt  }
0x49: {  	_ =	shalt  }
0x4a: {  	_ =	shalt  }
0x4b: {  	_ =	shalt  }
0x4c: {  	_ =	shalt  }
0x4d: {  	_ =	shalt  }
0x4e: {  	_ =	shalt  }
0x4f: {  	_ =	shalt  }
0x50: {  	_ =	shalt  }
0x51: {  	_ =	shalt  }
0x52: {  	_ =	shalt  }
0x53: {  	_ =	shalt  }
0x54: {  	_ =	shalt  }
0x55: {  	_ =	shalt  }
0x56: {  	_ =	shalt  }
0x57: {  	_ =	shalt  }
0x58: {  	_ =	shalt  }
0x59: {  	_ =	shalt  }
0x5a: {  	_ =	shalt  }
0x5b: {  	_ =	shalt  }
0x5c: {  	_ =	shalt  }
0x5d: {  	_ =	shalt  }
0x5e: {  	_ =	shalt  }
0x5f: {  	_ =	shalt  }
0x60: {  	_ =	shalt  }
0x61: {  	_ =	shalt  }
0x62: {  	_ =	shalt  }
0x63: {  	_ =	shalt  }
0x64: {  	_ =	shalt  }
0x65: {  	_ =	shalt  }
0x66: {  	_ =	shalt  }
0x67: {  	_ =	shalt  }
0x68: {  	_ =	shalt  }
0x69: {  	_ =	shalt  }
0x6a: {  	_ =	shalt  }
0x6b: {  	_ =	shalt  }
0x6c: {  	_ =	shalt  }
0x6d: {  	_ =	shalt  }
0x6e: {  	_ =	shalt  }
0x6f: {  	_ =	shalt  }
0x70: {  	_ =	shalt  }
0x71: {  	_ =	shalt  }
0x72: {  	_ =	shalt  }
0x73: {  	_ =	shalt  }
0x74: {  	_ =	shalt  }
0x75: {  	_ =	shalt  }
0x76: {  	_ =	shalt  }
0x77: {  	_ =	shalt  }
0x78: {  	_ =	shalt  }
0x79: {  	_ =	shalt  }
0x7a: {  	_ =	shalt  }
0x7b: {  	_ =	shalt  }
0x7c: {  	_ =	shalt  }
0x7d: {  	_ =	shalt  }
0x7e: {  	_ =	shalt  }
0x7f: {  	_ =	shalt  }
0x80: {  	_ =	shalt  }
0x81: {  	_ =	shalt  }
0x82: {  	_ =	shalt  }
0x83: {  	_ =	shalt  }
0x84: {  	_ =	shalt  }
0x85: {  	_ =	shalt  }
0x86: {  	_ =	shalt  }
0x87: {  	_ =	shalt  }
.Lfunc_end0:
.L_simem_size_0:
called_computation.2_lowered:
.L_overlay_start_0:
0x88: {  	s2 =	sld [smem:$0x3FD9]  }
0x89: {  	s3 =	sld [smem:$0x3FFE];
	_ =	sdelay $0x1  }
0x8a: {  	s1 =	srdreg.scid  }
0x8b: {  	s0 =	sand.u32 $0x1, s1  }
0x8c: {  	s17 =	sshll.u32 s0, $0xA;
	s2 =	sadd.s32 s3, s2  }
0x8d: {  	s2 =	sadd.s32 s2, s17  }
0x8e: {  	[smem:$0x3FBB] =	sst s2  }
0x8f: {  	_ = 	snop  }
0x90: {  	s2 =	sld [smem:$0x3FD0];
	(tm) =	ssettm $0x1  }
0x91: {  	s18 =	sld [smem:$0x3FFB];
	_ =	sdelay $0x3  }
0x92: {  	_ =	strace s18  }
0x93: {  	s3 =	sld [smem:$0x3FFC];
	_ =	sdelay $0x3  }
0x94: {  	_ =	strace s3  }
0x95: {  	s3 =	sld [smem:$0x3FFD];
	_ =	sdelay $0x3  }
0x96: {  	_ =	strace s3  }
0x97: {  	_ =	strace $0x8FFFFFFF  }
0x98: {  	s19 =	sld [smem:$0x3FDB];
	_ =	sdelay $0x1  }
0x99: {  	s4 =	simm.s32 $_scs_section_size  }
0x9a: {  	s5 =	simm.s32 $_size__tile_overlayer_lowered;
	s6 =	simm.s32 $_tile_overlayer_lowered  }
0x9b: {  	s22 =	simm.s32 $0x1BFF;
	s21 =	sshll.u32 s6, $0x1;
	s3 =	sadd.s32 s4, s19  }
0x9c: {  	s7 =	simm.s32 $0x0;
	s20 =	sshll.u32 s5, $0x1;
	s5 =	sadd.s32 s21, s3  }
0x9d: {  	[timem:s7], [sflag:s22] =	dma.local [hbm:s5], s20  }
0x9e: {  	_ =	swait.ge [sflag:s22], s20  }
0x9f: {  	s4 =	ssub.s32 $0x0, s20;
	[sflag:s22] =	ssyncset.done $0x0  }
0xa0: {  	[sflag:s22] =	ssyncadd.s32 s4;
	_ =	sdelay $0x1  }
0xa1: {  	s23 =	simm.s32 $0x1B8B  }
0xa2: {  	_ =	swait.ge [sflag:s23], $0x1  }
0xa3: {  	[sflag:s23] =	ssyncset.done $0x0  }
0xa4: {  	s25 =	simm.s32 $0x1B8E;
	s24 =	sld [smem:$0x3FFE];
	[sflag:s23] =	ssyncadd.s32 $0xFFFFFFFF  }
0xa5: {  	s26 =	simm.s32 $execute0_lowered;
	[smem:$0x3FD2] =	sst s25  }
0xa6: {  	s5 =	sshll.u32 s26, $0x1;
	_ =	strace $0x8000004C;
	[dreg:$0x1] =	wrdreg $0xFFFFFFFF  }
0xa7: {  	s28 =	simm.s32 $_size_execute0_lowered;
	s3 =	sadd.s32 s3, s5;
	[dreg:$0x0] =	wrdreg $0x0  }
0xa8: {  	s5 =	sshll.u32 s28, $0x1;
	[dreg:$0x2] =	wrdreg s3  }
0xa9: {  	[dreg:$0x3] =	wrdreg s5  }
0xaa: {  	[dreg:$0x4] =	wrdreg $0xC0  }
0xab: {  	_ =	task [dreg:s7], $0x5FFFF  }
0xac: {  	[dreg:$0x1] =	wrdreg $0xFFFFFFFF  }
0xad: {  	[dreg:$0x0] =	wrdreg $0x60  }
0xae: {  	[dreg:$0x2] =	wrdreg s2  }
0xaf: {  	[dreg:$0x3] =	wrdreg s24  }
0xb0: {  	[dreg:$0x4] =	wrdreg $0xD5400  }
0xb1: {  	[dreg:$0x5] =	wrdreg $0x9  }
0xb2: {  	_ =	task.clear_ibuf [dreg:s7], $0x6FFFF;
	_ =	strace $0x9000004C  }
0xb3: {  	s29 =	simm.s32 $0x9;
	_ =	strace $0x8000004E  }
0xb4: {  	_ =	swait.ge [sflag:s29], $0x1  }
0xb5: {  	[sflag:s29] =	ssyncadd.s32 $0xFFFFFFFF  }
0xb6: {  	_ =	strace $0x9000004E  }
0xb7: {  	_ =	sfence  }
0xb8: {  	s30 =	sld [smem:$0x0];
	_ =	sdelay $0x2  }
0xb9: {  	s31 =	sshll.u32 s1, $0xD;
	s1 =	sshrl.u32 s1, $0x2  }
0xba: {  	s3 =	sand.u32 $0x4000, s31;
	s1 =	sadd.s32 s1, s30  }
0xbb: {  	s0 =	sor.u32 s3, s0;
	s1 =	sshll.u32 s1, $0x11  }
0xbc: {  	s0 =	sor.u32 s1, s0  }
0xbd: {  	s0 =	sadd.s32 $0x8F2B, s0  }
0xbe: {  	[sflag:s0] =	ssyncadd.remote.s32 $0x1  }
0xbf: {  	_ =	sfence.sel $0xFFFF  }
0xc0: {  	[dreg:$0x0] =	wrdreg $0xFFFFFFFF;
	(pc) =	sbr.abs _section_cstart, $3  }
0xc1: {  	[dreg:$0x1] =	wrdreg $0xFFFFFFFF  }
0xc2: {  	_ =	task.clear_ibuf [dreg:s7], $0x2FFFF;
	_ =	strace $0x9FFFFFFF  }
0xc3: {  	(tm) =	ssettm $0x7FFFFFFF  }
tec
execute0_lowered:
.L_overlay_start_1:
0x0: {  	(tag) =	ssettag $0x1  }
0x1: {  	s1 =	rddreg [dreg:$0x0]  }
0x2: {  	s0 =	rddreg [dreg:$0x1]  }
0x3: {  	s3 =	rddreg [dreg:$0x2];
	s2 =	srdreg.scid  }
0x4: {  	s9 =	stileid.u32;
	s4 =	simm.s32 $0x0;
	s16 =	simm.s32 $0x9  }
0x5: {  	s18 =	simm.s32 $0xB540;
	s19 =	simm.s32 $0x64;
	s20 =	simm.s32 $0x5140  }
0x6: {  	s28 =	simm.s32 $0x1;
	s29 =	simm.s32 $0x5;
	s30 =	simm.s32 $0x2  }
0x7: {  	s31 =	simm.s32 $0x6;
	s17 =	simm.s32 $0x7;
	s14 =	simm.s32 $0x5070  }
0x8: {  	s2 =	sand.u32 $0x1, s2;
	s6 =	smul.u32 $0xA000, s9;
	[smem:$0x7FF] =	sst s4  }
0x9: {  	s5 =	sshll.u32 s2, $0x4;
	s7 =	smul.u32 $0xA0000, s2;
	_ =	strace $0x8000004D  }
0xa: {  	s2 =	ssub.s32 $0x2, s2;
	s8 =	sor.u32 s9, s5;
	s9 =	smul.u32 $0x28000, s9  }
0xb: {  	s5 =	sadd.s32 $0x40800, s0;
	s21 =	sshrl.u32 s2, $0x1;
	s8 =	smul.u32 $0x514, s8  }
0xc: {  	s7 =	sadd.s32 s6, s7;
	s2 =	ssub.s32 s2, s21;
	s21 =	simm.s32 $0x50D8  }
0xd: {  	s7 =	sshrl.u32 s7, $0x3;
	s23 =	sshrl.u32 s9, $0x2;
	s26 =	smax.u32 s2, $0x1  }
0xe: {  	s2 =	simm.s32 $0x4;
	s8 =	sadd.s32 s8, s0;
	s0 =	sadd.s32 s7, s0  }
0xf: {  	s24 =	sadd.s32 s23, s3;
	[dreg:$0x8] =	wrdreg s26;
	s26 =	simm.s32 $0x9C40  }
0x10: {  	s22 =	sadd.s32 $0xF200, s8;
	s8 =	sadd.s32 $0x4E00, s8;
	s9 =	sadd.s32 $0x2000, s24  }
0x11: {  	s10 =	sadd.s32 $0x4000, s24;
	s11 =	sadd.s32 $0x6000, s24;
	[dreg:$0x4] =	wrdreg s22  }
0x12: {  	s12 =	sadd.s32 $0x8000, s24;
	s25 =	sadd.s32 $0x54200, s0;
	[dreg:$0x5] =	wrdreg s8  }
0x13: {  	s0 =	sadd.s32 $0x7C200, s0;
	s24 =	simm.s32 $0x8340;
	[dreg:$0x6] =	wrdreg s25  }
0x14: {  	s8 =	sadd.s32 s6, s3;
	[dreg:$0x7] =	wrdreg s0;
	s25 =	simm.s32 $0x68  }
0x15: {  	v0 =	vimm.f32 $0.0e+00;
	s22 =	simm.s32 $0x6A40;
	s0 =	simm.s32 $0x3;
	s6 =	simm.s32 $0x8  }
.LBB2_1:
0x16: {  	s15 =	simm.s32 $0x100;
	s7 =	simm.s32 $0x0  }
.LBB2_2:
0x17: {  	p0 =	sne.s32 s15, $0x7F00;
	[tilespmem:s7+$0xB570] =	vst v0;
	s23 =	smov.u32 s15;
	s15 =	sadd.s32 $0x100, s15  }
.Ltmp0:
0x18: {  	[tilespmem:s7+$0xB560] =	vst v0;
	(pc) =	sbr.rel @p0 .LBB2_2-.Ltmp0, $3  }
0x19: {  	[tilespmem:s7+$0xB540] =	vst v0  }
0x1a: {  	[tilespmem:s7+$0xB550] =	vst v0;
	_ =	sdelay $0x1  }
0x1b: {  	s7 =	sshra.s32 s23, $0x2  }
0x1c: {  	[tilespmem:s7+$0xB570] =	vst v0  }
0x1d: {  	[tilespmem:s7+$0xB560] =	vst v0  }
0x1e: {  	[tilespmem:s7+$0xB540] =	vst v0  }
0x1f: {  	[tilespmem:s7+$0xB550] =	vst v0;
	s7 =	simm.s32 $0x0;
	s13 =	rddreg [dreg:$0x4]  }
0x20: {  	[tilespmem:s7], [sflag:$0x9] =	stream.linear.gather [hbm4b:s13+s7], $0x28A0, $0x38;
	[tilespmem:$0x17540] =	vst v63  }
0x21: {  	_ =	swait.ge [sflag:s16], $0x28A0  }
0x22: {  	[sflag:s16] =	ssyncset.done $0x0  }
0x23: {  	s15 =	simm.s32 $0x28A0;
	s23 =	rddreg [dreg:$0x5];
	[sflag:s16] =	ssyncadd.s32 $0xFFFFD760  }
0x24: {  	[tilespmem:s15], [sflag:$0x9] =	stream.linear.gather [hbm4b:s23+s7], $0x28A0, $0x38;
	[tilespmem:$0x17540] =	vst v63  }
0x25: {  	_ =	swait.ge [sflag:s16], $0x28A0  }
0x26: {  	[sflag:s16] =	ssyncset.done $0x0  }
0x27: {  	[sflag:s16] =	ssyncadd.s32 $0xFFFFD760  }
0x28: {  	[spmem:s8] =	stream.linear.scatter [tilespmem:s18], [sflag:$0x9], $0x2000, $0x38;
	[tilespmem:$0x17540] =	vst v63  }
0x29: {  	_ =	swait.ge [sflag:s16], $0x2000  }
0x2a: {  	[sflag:s16] =	ssyncset.done $0x0  }
0x2b: {  	[sflag:s16] =	ssyncadd.s32 $0xFFFFE000  }
0x2c: {  	[spmem:s9] =	stream.linear.scatter [tilespmem:s18], [sflag:$0x9], $0x2000, $0x38;
	[tilespmem:$0x17540] =	vst v63  }
0x2d: {  	_ =	swait.ge [sflag:s16], $0x2000  }
0x2e: {  	[sflag:s16] =	ssyncset.done $0x0  }
0x2f: {  	[sflag:s16] =	ssyncadd.s32 $0xFFFFE000  }
0x30: {  	[spmem:s10] =	stream.linear.scatter [tilespmem:s18], [sflag:$0x9], $0x2000, $0x38;
	[tilespmem:$0x17540] =	vst v63  }
0x31: {  	_ =	swait.ge [sflag:s16], $0x2000  }
0x32: {  	[sflag:s16] =	ssyncset.done $0x0  }
0x33: {  	[sflag:s16] =	ssyncadd.s32 $0xFFFFE000  }
0x34: {  	[spmem:s11] =	stream.linear.scatter [tilespmem:s18], [sflag:$0x9], $0x2000, $0x38;
	[tilespmem:$0x17540] =	vst v63  }
0x35: {  	_ =	swait.ge [sflag:s16], $0x2000  }
0x36: {  	[sflag:s16] =	ssyncset.done $0x0  }
0x37: {  	[sflag:s16] =	ssyncadd.s32 $0xFFFFE000  }
0x38: {  	[spmem:s12] =	stream.linear.scatter [tilespmem:s18], [sflag:$0x9], $0x2000, $0x38;
	[tilespmem:$0x17540] =	vst v63  }
0x39: {  	_ =	swait.ge [sflag:s16], $0x2000  }
0x3a: {  	[sflag:s16] =	ssyncset.done $0x0  }
0x3b: {  	[sflag:s16] =	ssyncadd.s32 $0xFFFFE000  }
0x3c: {  	[bflag:$0x0] =	sbarrier.arrive $0xFFFF  }
0x3d: {  	[tilespmem:s20], [sflag:$0x1] =	stream.indirect.gather [hbm4b:s1+s19], $0x40, s7, s19, $0xb8;
	[tilespmem:$0x17540] =	vst v63  }
0x3e: {  	_ = 	snop  }
0x3f: {  	[tilespmem:s22], [sflag:$0x2] =	stream.indirect.gather [hbm4b:s1+s19], $0x40, s25, s19, $0xb8;
	[tilespmem:$0x17540] =	vst v63  }
0x40: {  	s13 =	simm.s32 $0xD0  }
0x41: {  	[tilespmem:s24], [sflag:$0x3] =	stream.indirect.gather [hbm4b:s1+s19], $0x40, s13, s19, $0xb8;
	[tilespmem:$0x17540] =	vst v63  }
0x42: {  	s15 =	simm.s32 $0x138  }
0x43: {  	[tilespmem:s26], [sflag:$0x4] =	stream.indirect.gather [hbm4b:s1+s19], $0x40, s15, s19, $0xb8;
	[tilespmem:$0x17540] =	vst v63  }
0x44: {  	_ =	swait.ge [sflag:s28], $0x1900  }
0x45: {  	[sflag:s28] =	ssyncset.done $0x0  }
0x46: {  	s23 =	simm.s32 $0x28A0;
	[sflag:s28] =	ssyncadd.s32 $0xFFFFE700  }
0x47: {  	[spmem:s3] =	stream.indirect.scatter.add.f32 [tilespmem:s20], [sflag:$0x5], $0x40, s23, s19, $0xb8;
	[tilespmem:$0x17540] =	vst v63  }
0x48: {  	_ =	swait.ge [sflag:s29], $0x1900  }
0x49: {  	[sflag:s29] =	ssyncset.done $0x0  }
0x4a: {  	s13 =	simm.s32 $0x1A0;
	[sflag:s29] =	ssyncadd.s32 $0xFFFFE700  }
0x4b: {  	[tilespmem:s20], [sflag:$0x1] =	stream.indirect.gather [hbm4b:s1+s19], $0x40, s13, s19, $0xb8;
	[tilespmem:$0x17540] =	vst v63  }
0x4c: {  	_ =	swait.ge [sflag:s30], $0x1900  }
0x4d: {  	[sflag:s30] =	ssyncset.done $0x0  }
0x4e: {  	s15 =	simm.s32 $0x2908;
	[sflag:s30] =	ssyncadd.s32 $0xFFFFE700  }
0x4f: {  	[spmem:s3] =	stream.indirect.scatter.add.f32 [tilespmem:s22], [sflag:$0x6], $0x40, s15, s19, $0xb8;
	[tilespmem:$0x17540] =	vst v63  }
0x50: {  	_ =	swait.ge [sflag:s31], $0x1900  }
0x51: {  	[sflag:s31] =	ssyncset.done $0x0  }
0x52: {  	s23 =	simm.s32 $0x208;
	[sflag:s31] =	ssyncadd.s32 $0xFFFFE700  }
0x53: {  	[tilespmem:s22], [sflag:$0x2] =	stream.indirect.gather [hbm4b:s1+s19], $0x40, s23, s19, $0xb8;
	[tilespmem:$0x17540] =	vst v63  }
0x54: {  	_ =	swait.ge [sflag:s0], $0x1900  }
0x55: {  	[sflag:s0] =	ssyncset.done $0x0  }
0x56: {  	s13 =	simm.s32 $0x2970;
	[sflag:s0] =	ssyncadd.s32 $0xFFFFE700  }
0x57: {  	[spmem:s3] =	stream.indirect.scatter.add.f32 [tilespmem:s24], [sflag:$0x7], $0x40, s13, s19, $0xb8;
	[tilespmem:$0x17540] =	vst v63  }
0x58: {  	_ =	swait.ge [sflag:s17], $0x1900  }
0x59: {  	[sflag:s17] =	ssyncset.done $0x0  }
0x5a: {  	s15 =	simm.s32 $0x270;
	[sflag:s17] =	ssyncadd.s32 $0xFFFFE700  }
0x5b: {  	[tilespmem:s24], [sflag:$0x3] =	stream.indirect.gather [hbm4b:s1+s19], $0x40, s15, s19, $0xb8;
	[tilespmem:$0x17540] =	vst v63  }
0x5c: {  	_ =	swait.ge [sflag:s2], $0x1900  }
0x5d: {  	[sflag:s2] =	ssyncset.done $0x0  }
0x5e: {  	s23 =	simm.s32 $0x29D8;
	[sflag:s2] =	ssyncadd.s32 $0xFFFFE700  }
0x5f: {  	[spmem:s3] =	stream.indirect.scatter.add.f32 [tilespmem:s26], [sflag:$0x8], $0x40, s23, s19, $0xb8;
	[tilespmem:$0x17540] =	vst v63  }
0x60: {  	_ =	swait.ge [sflag:s6], $0x1900  }
0x61: {  	[sflag:s6] =	ssyncset.done $0x0  }
0x62: {  	s7 =	simm.s32 $0x2D8;
	s15 =	simm.s32 $0x680;
	[sflag:s6] =	ssyncadd.s32 $0xFFFFE700  }
.LBB2_4:
0x63: {  	[tilespmem:s26], [sflag:$0x4] =	stream.indirect.gather [hbm4b:s1+s19], $0x40, s7, s19, $0xb8;
	[tilespmem:$0x17540] =	vst v63  }
0x64: {  	s7 =	smov.u32 s15  }
0x65: {  	p0 =	sne.s32 s15, $0x9580;
	s15 =	sadd.s32 $0x680, s15;
	_ =	swait.ge [sflag:s28], $0x1900  }
0x66: {  	s23 =	sshra.s32 s7, $0x2;
	[sflag:s28] =	ssyncset.done $0x0  }
0x67: {  	s7 =	sadd.s32 $0x28A0, s23;
	[sflag:s28] =	ssyncadd.s32 $0xFFFFE700  }
0x68: {  	[spmem:s3] =	stream.indirect.scatter.add.f32 [tilespmem:s20], [sflag:$0x5], $0x40, s7, s19, $0xb8;
	[tilespmem:$0x17540] =	vst v63  }
0x69: {  	_ =	swait.ge [sflag:s29], $0x1900  }
0x6a: {  	[sflag:s29] =	ssyncset.done $0x0  }
0x6b: {  	s7 =	sadd.s32 $0x1A0, s23;
	[sflag:s29] =	ssyncadd.s32 $0xFFFFE700  }
0x6c: {  	[tilespmem:s20], [sflag:$0x1] =	stream.indirect.gather [hbm4b:s1+s19], $0x40, s7, s19, $0xb8;
	[tilespmem:$0x17540] =	vst v63  }
0x6d: {  	_ =	swait.ge [sflag:s30], $0x1900  }
0x6e: {  	[sflag:s30] =	ssyncset.done $0x0  }
0x6f: {  	s7 =	sadd.s32 $0x2908, s23;
	[sflag:s30] =	ssyncadd.s32 $0xFFFFE700  }
0x70: {  	[spmem:s3] =	stream.indirect.scatter.add.f32 [tilespmem:s22], [sflag:$0x6], $0x40, s7, s19, $0xb8;
	[tilespmem:$0x17540] =	vst v63  }
0x71: {  	_ =	swait.ge [sflag:s31], $0x1900  }
0x72: {  	[sflag:s31] =	ssyncset.done $0x0  }
0x73: {  	s7 =	sadd.s32 $0x208, s23;
	[sflag:s31] =	ssyncadd.s32 $0xFFFFE700  }
0x74: {  	[tilespmem:s22], [sflag:$0x2] =	stream.indirect.gather [hbm4b:s1+s19], $0x40, s7, s19, $0xb8;
	[tilespmem:$0x17540] =	vst v63  }
0x75: {  	_ =	swait.ge [sflag:s0], $0x1900  }
0x76: {  	[sflag:s0] =	ssyncset.done $0x0  }
0x77: {  	s7 =	sadd.s32 $0x2970, s23;
	[sflag:s0] =	ssyncadd.s32 $0xFFFFE700  }
0x78: {  	[spmem:s3] =	stream.indirect.scatter.add.f32 [tilespmem:s24], [sflag:$0x7], $0x40, s7, s19, $0xb8;
	[tilespmem:$0x17540] =	vst v63  }
0x79: {  	_ =	swait.ge [sflag:s17], $0x1900  }
0x7a: {  	[sflag:s17] =	ssyncset.done $0x0  }
0x7b: {  	s7 =	sadd.s32 $0x270, s23;
	[sflag:s17] =	ssyncadd.s32 $0xFFFFE700  }
0x7c: {  	[tilespmem:s24], [sflag:$0x3] =	stream.indirect.gather [hbm4b:s1+s19], $0x40, s7, s19, $0xb8;
	[tilespmem:$0x17540] =	vst v63  }
0x7d: {  	_ =	swait.ge [sflag:s2], $0x1900  }
0x7e: {  	[sflag:s2] =	ssyncset.done $0x0  }
.Ltmp1:
0x7f: {  	s7 =	sadd.s32 $0x29D8, s23;
	[sflag:s2] =	ssyncadd.s32 $0xFFFFE700;
	(pc) =	sbr.rel @p0 .LBB2_4-.Ltmp1, $4  }
0x80: {  	[spmem:s3] =	stream.indirect.scatter.add.f32 [tilespmem:s26], [sflag:$0x8], $0x40, s7, s19, $0xb8;
	[tilespmem:$0x17540] =	vst v63  }
0x81: {  	_ =	swait.ge [sflag:s6], $0x1900  }
0x82: {  	[sflag:s6] =	ssyncset.done $0x0  }
0x83: {  	s7 =	sadd.s32 $0x2D8, s23;
	[sflag:s6] =	ssyncadd.s32 $0xFFFFE700  }
0x84: {  	[tilespmem:s26], [sflag:$0x4] =	stream.indirect.gather [hbm4b:s1+s19], $0x40, s7, s19, $0xb8;
	[tilespmem:$0x17540] =	vst v63  }
0x85: {  	_ =	swait.ge [sflag:s28], $0x1900  }
0x86: {  	[sflag:s28] =	ssyncset.done $0x0  }
0x87: {  	s13 =	simm.s32 $0x4FA0;
	[sflag:s28] =	ssyncadd.s32 $0xFFFFE700  }
0x88: {  	[spmem:s3] =	stream.indirect.scatter.add.f32 [tilespmem:s20], [sflag:$0x5], $0x40, s13, s19, $0xb8;
	[tilespmem:$0x17540] =	vst v63  }
0x89: {  	_ =	swait.ge [sflag:s30], $0x1900  }
0x8a: {  	[sflag:s30] =	ssyncset.done $0x0  }
0x8b: {  	s15 =	simm.s32 $0x5008;
	[sflag:s30] =	ssyncadd.s32 $0xFFFFE700  }
0x8c: {  	[spmem:s3] =	stream.indirect.scatter.add.f32 [tilespmem:s22], [sflag:$0x6], $0x40, s15, s19, $0xb8;
	[tilespmem:$0x17540] =	vst v63  }
0x8d: {  	_ =	swait.ge [sflag:s0], $0x1900  }
0x8e: {  	[sflag:s0] =	ssyncset.done $0x0  }
0x8f: {  	[sflag:s0] =	ssyncadd.s32 $0xFFFFE700  }
0x90: {  	[spmem:s3] =	stream.indirect.scatter.add.f32 [tilespmem:s24], [sflag:$0x7], $0x40, s14, s19, $0xb8;
	[tilespmem:$0x17540] =	vst v63  }
0x91: {  	_ =	swait.ge [sflag:s2], $0x1900  }
0x92: {  	[sflag:s2] =	ssyncset.done $0x0  }
0x93: {  	[sflag:s2] =	ssyncadd.s32 $0xFFFFE700  }
0x94: {  	[spmem:s3] =	stream.indirect.scatter.add.f32 [tilespmem:s26], [sflag:$0x8], $0x40, s21, s19, $0xb8;
	[tilespmem:$0x17540] =	vst v63  }
0x95: {  	_ =	swait.ge [sflag:s29], $0x1900  }
0x96: {  	[sflag:s29] =	ssyncset.done $0x0  }
0x97: {  	[sflag:s29] =	ssyncadd.s32 $0xFFFFE700  }
0x98: {  	_ =	swait.ge [sflag:s31], $0x1900  }
0x99: {  	[sflag:s31] =	ssyncset.done $0x0  }
0x9a: {  	[sflag:s31] =	ssyncadd.s32 $0xFFFFE700  }
0x9b: {  	_ =	swait.ge [sflag:s17], $0x1900  }
0x9c: {  	[sflag:s17] =	ssyncset.done $0x0  }
0x9d: {  	[sflag:s17] =	ssyncadd.s32 $0xFFFFE700  }
0x9e: {  	_ =	swait.ge [sflag:s6], $0x1900  }
0x9f: {  	[sflag:s6] =	ssyncset.done $0x0  }
0xa0: {  	s23 =	stileid.u32;
	[sflag:s6] =	ssyncadd.s32 $0xFFFFE700  }
0xa1: {  	s7 =	sshll.u32 s23, $0x6;
	[bflag:$0x0] =	sbarrier.arrive $0xFFFF  }
0xa2: {  	s23 =	sshrl.u32 s8, $0x3;
	s15 =	sor.u32 $0x1C09, s7;
	s13 =	rddreg [dreg:$0x6]  }
0xa3: {  	[hbm:s13], [sflag:s15] =	dma.local [spmem:s23], $0x1400  }
0xa4: {  	_ =	swait.ge [sflag:s16], $0x1400  }
0xa5: {  	[sflag:s16] =	ssyncset.done $0x0  }
0xa6: {  	[sflag:s16] =	ssyncadd.s32 $0xFFFFEC00  }
0xa7: {  	[spmem:s8] =	stream.linear.scatter [tilespmem:s18], [sflag:$0x9], $0x2000, $0x38;
	[tilespmem:$0x17540] =	vst v63  }
0xa8: {  	_ =	swait.ge [sflag:s16], $0x2000  }
0xa9: {  	[sflag:s16] =	ssyncset.done $0x0  }
0xaa: {  	[sflag:s16] =	ssyncadd.s32 $0xFFFFE000  }
0xab: {  	[spmem:s9] =	stream.linear.scatter [tilespmem:s18], [sflag:$0x9], $0x2000, $0x38;
	[tilespmem:$0x17540] =	vst v63  }
0xac: {  	_ =	swait.ge [sflag:s16], $0x2000  }
0xad: {  	[sflag:s16] =	ssyncset.done $0x0  }
0xae: {  	[sflag:s16] =	ssyncadd.s32 $0xFFFFE000  }
0xaf: {  	[spmem:s10] =	stream.linear.scatter [tilespmem:s18], [sflag:$0x9], $0x2000, $0x38;
	[tilespmem:$0x17540] =	vst v63  }
0xb0: {  	_ =	swait.ge [sflag:s16], $0x2000  }
0xb1: {  	[sflag:s16] =	ssyncset.done $0x0  }
0xb2: {  	[sflag:s16] =	ssyncadd.s32 $0xFFFFE000  }
0xb3: {  	[spmem:s11] =	stream.linear.scatter [tilespmem:s18], [sflag:$0x9], $0x2000, $0x38;
	[tilespmem:$0x17540] =	vst v63  }
0xb4: {  	_ =	swait.ge [sflag:s16], $0x2000  }
0xb5: {  	[sflag:s16] =	ssyncset.done $0x0  }
0xb6: {  	[sflag:s16] =	ssyncadd.s32 $0xFFFFE000  }
0xb7: {  	[spmem:s12] =	stream.linear.scatter [tilespmem:s18], [sflag:$0x9], $0x2000, $0x38;
	[tilespmem:$0x17540] =	vst v63  }
0xb8: {  	_ =	swait.ge [sflag:s16], $0x2000  }
0xb9: {  	[sflag:s16] =	ssyncset.done $0x0  }
0xba: {  	[sflag:s16] =	ssyncadd.s32 $0xFFFFE000  }
0xbb: {  	s13 =	simm.s32 $0x0;
	[bflag:$0x0] =	sbarrier.arrive $0xFFFF  }
0xbc: {  	[tilespmem:s20], [sflag:$0x1] =	stream.indirect.gather [hbm4b:s5+s19], $0x40, s13, s19, $0xb8;
	[tilespmem:$0x17540] =	vst v63  }
0xbd: {  	_ = 	snop  }
0xbe: {  	[tilespmem:s22], [sflag:$0x2] =	stream.indirect.gather [hbm4b:s5+s19], $0x40, s25, s19, $0xb8;
	[tilespmem:$0x17540] =	vst v63  }
0xbf: {  	s25 =	simm.s32 $0xD0  }
0xc0: {  	[tilespmem:s24], [sflag:$0x3] =	stream.indirect.gather [hbm4b:s5+s19], $0x40, s25, s19, $0xb8;
	[tilespmem:$0x17540] =	vst v63  }
0xc1: {  	s13 =	simm.s32 $0x138  }
0xc2: {  	[tilespmem:s26], [sflag:$0x4] =	stream.indirect.gather [hbm4b:s5+s19], $0x40, s13, s19, $0xb8;
	[tilespmem:$0x17540] =	vst v63  }
0xc3: {  	_ =	swait.ge [sflag:s28], $0x1900  }
0xc4: {  	[sflag:s28] =	ssyncset.done $0x0  }
0xc5: {  	s25 =	simm.s32 $0x28A0;
	[sflag:s28] =	ssyncadd.s32 $0xFFFFE700  }
0xc6: {  	[spmem:s3] =	stream.indirect.scatter.add.f32 [tilespmem:s20], [sflag:$0x5], $0x40, s25, s19, $0xb8;
	[tilespmem:$0x17540] =	vst v63  }
0xc7: {  	_ =	swait.ge [sflag:s29], $0x1900  }
0xc8: {  	[sflag:s29] =	ssyncset.done $0x0  }
0xc9: {  	s13 =	simm.s32 $0x1A0;
	[sflag:s29] =	ssyncadd.s32 $0xFFFFE700  }
0xca: {  	[tilespmem:s20], [sflag:$0x1] =	stream.indirect.gather [hbm4b:s5+s19], $0x40, s13, s19, $0xb8;
	[tilespmem:$0x17540] =	vst v63  }
0xcb: {  	_ =	swait.ge [sflag:s30], $0x1900  }
0xcc: {  	[sflag:s30] =	ssyncset.done $0x0  }
0xcd: {  	s25 =	simm.s32 $0x2908;
	[sflag:s30] =	ssyncadd.s32 $0xFFFFE700  }
0xce: {  	[spmem:s3] =	stream.indirect.scatter.add.f32 [tilespmem:s22], [sflag:$0x6], $0x40, s25, s19, $0xb8;
	[tilespmem:$0x17540] =	vst v63  }
0xcf: {  	_ =	swait.ge [sflag:s31], $0x1900  }
0xd0: {  	[sflag:s31] =	ssyncset.done $0x0  }
0xd1: {  	s13 =	simm.s32 $0x208;
	[sflag:s31] =	ssyncadd.s32 $0xFFFFE700  }
0xd2: {  	[tilespmem:s22], [sflag:$0x2] =	stream.indirect.gather [hbm4b:s5+s19], $0x40, s13, s19, $0xb8;
	[tilespmem:$0x17540] =	vst v63  }
0xd3: {  	_ =	swait.ge [sflag:s0], $0x1900  }
0xd4: {  	[sflag:s0] =	ssyncset.done $0x0  }
0xd5: {  	s25 =	simm.s32 $0x2970;
	[sflag:s0] =	ssyncadd.s32 $0xFFFFE700  }
0xd6: {  	[spmem:s3] =	stream.indirect.scatter.add.f32 [tilespmem:s24], [sflag:$0x7], $0x40, s25, s19, $0xb8;
	[tilespmem:$0x17540] =	vst v63  }
0xd7: {  	_ =	swait.ge [sflag:s17], $0x1900  }
0xd8: {  	[sflag:s17] =	ssyncset.done $0x0  }
0xd9: {  	s13 =	simm.s32 $0x270;
	[sflag:s17] =	ssyncadd.s32 $0xFFFFE700  }
0xda: {  	[tilespmem:s24], [sflag:$0x3] =	stream.indirect.gather [hbm4b:s5+s19], $0x40, s13, s19, $0xb8;
	[tilespmem:$0x17540] =	vst v63  }
0xdb: {  	_ =	swait.ge [sflag:s2], $0x1900  }
0xdc: {  	[sflag:s2] =	ssyncset.done $0x0  }
0xdd: {  	s25 =	simm.s32 $0x29D8;
	[sflag:s2] =	ssyncadd.s32 $0xFFFFE700  }
0xde: {  	[spmem:s3] =	stream.indirect.scatter.add.f32 [tilespmem:s26], [sflag:$0x8], $0x40, s25, s19, $0xb8;
	[tilespmem:$0x17540] =	vst v63  }
0xdf: {  	_ =	swait.ge [sflag:s6], $0x1900  }
0xe0: {  	[sflag:s6] =	ssyncset.done $0x0  }
0xe1: {  	s7 =	simm.s32 $0x2D8;
	s25 =	simm.s32 $0x680;
	[sflag:s6] =	ssyncadd.s32 $0xFFFFE700  }
.LBB2_6:
0xe2: {  	[tilespmem:s26], [sflag:$0x4] =	stream.indirect.gather [hbm4b:s5+s19], $0x40, s7, s19, $0xb8;
	[tilespmem:$0x17540] =	vst v63  }
0xe3: {  	s7 =	smov.u32 s25  }
0xe4: {  	p0 =	sne.s32 s25, $0x9580;
	s25 =	sadd.s32 $0x680, s25;
	_ =	swait.ge [sflag:s28], $0x1900  }
0xe5: {  	s7 =	sshra.s32 s7, $0x2;
	[sflag:s28] =	ssyncset.done $0x0  }
0xe6: {  	s13 =	sadd.s32 $0x28A0, s7;
	[sflag:s28] =	ssyncadd.s32 $0xFFFFE700  }
0xe7: {  	[spmem:s3] =	stream.indirect.scatter.add.f32 [tilespmem:s20], [sflag:$0x5], $0x40, s13, s19, $0xb8;
	[tilespmem:$0x17540] =	vst v63  }
0xe8: {  	_ =	swait.ge [sflag:s29], $0x1900  }
0xe9: {  	[sflag:s29] =	ssyncset.done $0x0  }
0xea: {  	s13 =	sadd.s32 $0x1A0, s7;
	[sflag:s29] =	ssyncadd.s32 $0xFFFFE700  }
0xeb: {  	[tilespmem:s20], [sflag:$0x1] =	stream.indirect.gather [hbm4b:s5+s19], $0x40, s13, s19, $0xb8;
	[tilespmem:$0x17540] =	vst v63  }
0xec: {  	_ =	swait.ge [sflag:s30], $0x1900  }
0xed: {  	[sflag:s30] =	ssyncset.done $0x0  }
0xee: {  	s13 =	sadd.s32 $0x2908, s7;
	[sflag:s30] =	ssyncadd.s32 $0xFFFFE700  }
0xef: {  	[spmem:s3] =	stream.indirect.scatter.add.f32 [tilespmem:s22], [sflag:$0x6], $0x40, s13, s19, $0xb8;
	[tilespmem:$0x17540] =	vst v63  }
0xf0: {  	_ =	swait.ge [sflag:s31], $0x1900  }
0xf1: {  	[sflag:s31] =	ssyncset.done $0x0  }
0xf2: {  	s13 =	sadd.s32 $0x208, s7;
	[sflag:s31] =	ssyncadd.s32 $0xFFFFE700  }
0xf3: {  	[tilespmem:s22], [sflag:$0x2] =	stream.indirect.gather [hbm4b:s5+s19], $0x40, s13, s19, $0xb8;
	[tilespmem:$0x17540] =	vst v63  }
0xf4: {  	_ =	swait.ge [sflag:s0], $0x1900  }
0xf5: {  	[sflag:s0] =	ssyncset.done $0x0  }
0xf6: {  	s13 =	sadd.s32 $0x2970, s7;
	[sflag:s0] =	ssyncadd.s32 $0xFFFFE700  }
0xf7: {  	[spmem:s3] =	stream.indirect.scatter.add.f32 [tilespmem:s24], [sflag:$0x7], $0x40, s13, s19, $0xb8;
	[tilespmem:$0x17540] =	vst v63  }
0xf8: {  	_ =	swait.ge [sflag:s17], $0x1900  }
0xf9: {  	[sflag:s17] =	ssyncset.done $0x0  }
0xfa: {  	s13 =	sadd.s32 $0x270, s7;
	[sflag:s17] =	ssyncadd.s32 $0xFFFFE700  }
0xfb: {  	[tilespmem:s24], [sflag:$0x3] =	stream.indirect.gather [hbm4b:s5+s19], $0x40, s13, s19, $0xb8;
	[tilespmem:$0x17540] =	vst v63  }
0xfc: {  	_ =	swait.ge [sflag:s2], $0x1900  }
0xfd: {  	[sflag:s2] =	ssyncset.done $0x0  }
.Ltmp2:
0xfe: {  	s13 =	sadd.s32 $0x29D8, s7;
	[sflag:s2] =	ssyncadd.s32 $0xFFFFE700;
	(pc) =	sbr.rel @p0 .LBB2_6-.Ltmp2, $4  }
0xff: {  	[spmem:s3] =	stream.indirect.scatter.add.f32 [tilespmem:s26], [sflag:$0x8], $0x40, s13, s19, $0xb8;
	[tilespmem:$0x17540] =	vst v63  }
0x100: {  	_ =	swait.ge [sflag:s6], $0x1900  }
0x101: {  	[sflag:s6] =	ssyncset.done $0x0  }
0x102: {  	s7 =	sadd.s32 $0x2D8, s7;
	[sflag:s6] =	ssyncadd.s32 $0xFFFFE700  }
0x103: {  	[tilespmem:s26], [sflag:$0x4] =	stream.indirect.gather [hbm4b:s5+s19], $0x40, s7, s19, $0xb8;
	[tilespmem:$0x17540] =	vst v63  }
0x104: {  	_ =	swait.ge [sflag:s28], $0x1900  }
0x105: {  	[sflag:s28] =	ssyncset.done $0x0  }
0x106: {  	s13 =	simm.s32 $0x4FA0;
	[sflag:s28] =	ssyncadd.s32 $0xFFFFE700  }
0x107: {  	[spmem:s3] =	stream.indirect.scatter.add.f32 [tilespmem:s20], [sflag:$0x5], $0x40, s13, s19, $0xb8;
	[tilespmem:$0x17540] =	vst v63  }
0x108: {  	_ =	swait.ge [sflag:s30], $0x1900  }
0x109: {  	[sflag:s30] =	ssyncset.done $0x0  }
0x10a: {  	s25 =	simm.s32 $0x5008;
	[sflag:s30] =	ssyncadd.s32 $0xFFFFE700  }
0x10b: {  	[spmem:s3] =	stream.indirect.scatter.add.f32 [tilespmem:s22], [sflag:$0x6], $0x40, s25, s19, $0xb8;
	[tilespmem:$0x17540] =	vst v63  }
0x10c: {  	_ =	swait.ge [sflag:s0], $0x1900  }
0x10d: {  	[sflag:s0] =	ssyncset.done $0x0  }
0x10e: {  	[sflag:s0] =	ssyncadd.s32 $0xFFFFE700  }
0x10f: {  	[spmem:s3] =	stream.indirect.scatter.add.f32 [tilespmem:s24], [sflag:$0x7], $0x40, s14, s19, $0xb8;
	[tilespmem:$0x17540] =	vst v63  }
0x110: {  	_ =	swait.ge [sflag:s2], $0x1900  }
0x111: {  	[sflag:s2] =	ssyncset.done $0x0  }
0x112: {  	[sflag:s2] =	ssyncadd.s32 $0xFFFFE700  }
0x113: {  	[spmem:s3] =	stream.indirect.scatter.add.f32 [tilespmem:s26], [sflag:$0x8], $0x40, s21, s19, $0xb8;
	[tilespmem:$0x17540] =	vst v63  }
0x114: {  	_ =	swait.ge [sflag:s29], $0x1900  }
0x115: {  	[sflag:s29] =	ssyncset.done $0x0  }
0x116: {  	[sflag:s29] =	ssyncadd.s32 $0xFFFFE700  }
0x117: {  	_ =	swait.ge [sflag:s31], $0x1900  }
0x118: {  	[sflag:s31] =	ssyncset.done $0x0  }
0x119: {  	[sflag:s31] =	ssyncadd.s32 $0xFFFFE700  }
0x11a: {  	_ =	swait.ge [sflag:s17], $0x1900  }
0x11b: {  	[sflag:s17] =	ssyncset.done $0x0  }
0x11c: {  	[sflag:s17] =	ssyncadd.s32 $0xFFFFE700  }
0x11d: {  	_ =	swait.ge [sflag:s6], $0x1900  }
0x11e: {  	[sflag:s6] =	ssyncset.done $0x0  }
0x11f: {  	[sflag:s6] =	ssyncadd.s32 $0xFFFFE700  }
0x120: {  	[bflag:$0x0] =	sbarrier.arrive $0xFFFF  }
0x121: {  	s13 =	rddreg [dreg:$0x7]  }
0x122: {  	[hbm:s13], [sflag:s15] =	dma.local [spmem:s23], $0x1400  }
0x123: {  	_ =	swait.ge [sflag:s16], $0x1400  }
0x124: {  	s4 =	sadd.s32 $0x1, s4;
	s25 =	rddreg [dreg:$0x8]  }
0x125: {  	p0 =	sne.s32 s4, s25  }
.Ltmp3:
0x126: {  	_ = 	snop;
	(pc) =	sbr.rel @p0 .LBB2_1-.Ltmp3, $3  }
0x127: {  	_ =	sdelay $0x1  }
0x128: {  	[sflag:s16] =	ssyncset.done $0x0  }
0x129: {  	[sflag:s16] =	ssyncadd.s32 $0xFFFFEC00;
	s25 =	simm.s32 $0x68  }
0x12a: {  	_ =	sfence.sel $0x180000  }
0x12b: {  	[bflag:$0x0] =	sbarrier.arrive $0xFFFF  }
0x12c: {  	_ =	strace $0x9000004D  }
0x12d: {  	s0 =	stileid.u32;
	[bflag:$0x2] =	sbarrier.arrive $0xFFFF  }
0x12e: {  	p0 =	sne.s32 s0, $0x0;
	s0 =	rddreg [dreg:$0x3]  }
0x12f: {  	s0 =	sadd.s32 @!p0 $0x100000, s0  }
0x130: {  	[sflag:s0] =	ssyncadd.tile.s32 @!p0 $0x1;
	_ =	shalt  }
.Lfunc_end2:
_tile_overlayer_lowered:
.L_overlay_start_2:
0x131: {  	(tag) =	ssettag $0x2  }
0x132: {  	s0 =	rddreg [dreg:$0x0];
	s2 =	stileid.u32  }
0x133: {  	s1 =	rddreg [dreg:$0x1];
	p0 =	sne.s32 s2, $0x0  }
0x134: {  	s3 =	rddreg [dreg:$0x2];
	[bflag:$0x3] =	sbarrier.arrive $0xFFFF;
	s2 =	simm.s32 @!p0 $0x1C09  }
0x135: {  	[timem:s3], [sflag:s2] =	dma.local @!p0 [hbm:s0], s1  }
0x136: {  	s0 =	simm.s32 @!p0 $0x9  }
0x137: {  	_ =	swait.ge @!p0 [sflag:s0], s1  }
0x138: {  	s1 =	ssub.s32 @!p0 $0x0, s1;
	[sflag:s0] =	ssyncset.done @!p0 $0x0  }
0x139: {  	[sflag:s0] =	ssyncadd.s32 @!p0 s1  }
0x13a: {  	[bflag:$0x3] =	sbarrier.arrive $0xFFFF  }
0x13b: {  	_ =	shalt  }

// kernel: kernel.19.cloned.1.call-start
scs
__scs_entry_jumppad:
0x0: {  	(pc) =	sbr.rel $0x88, $3  }
0x1: {  	(tag) =	ssettag $0x0;
	lr =	simm.s32 $0x1  }
0x2: {  	[smem:$0x3F94] =	sst lr;
	_ =	strace $0xD0000000  }
0x3: {  	_ = 	snop  }
0x4: {  	_ = 	snop  }
0x5: {  	_ = 	snop  }
0x6: {  	_ = 	snop  }
0x7: {  	_ = 	snop  }
__scs_overlays_trampoline_lowered:
0x8: {  	[smem:$0x3FA3] =	sst s0  }
0x9: {  	[smem:$0x3FA4] =	sst s1  }
0xa: {  	[smem:$0x3FA5] =	sst s2  }
0xb: {  	[smem:$0x3FA6] =	sst s3  }
0xc: {  	[smem:$0x3FA7] =	sst s4  }
0xd: {  	[smem:$0x3FA8] =	sst s5  }
0xe: {  	[smem:$0x3FA9] =	sst s6  }
0xf: {  	[smem:$0x3FAA] =	sst s7  }
0x10: {  	[smem:$0x3FAB] =	sst s8  }
0x11: {  	[smem:$0x3FAC] =	sst s9;
	s0 =	simm.s32 @!p0 $0x0  }
0x12: {  	s1 =	sld [smem:$0x3F92];
	s0 =	simm.s32 @p0 $0x1  }
0x13: {  	[smem:$0x3FAD] =	sst s0;
	s0 =	simm.s32 @!p1 $0x0  }
0x14: {  	s2 =	sld [smem:$0x3F91];
	s0 =	simm.s32 @p1 $0x1  }
0x15: {  	[smem:$0x3FAE] =	sst s0;
	s0 =	simm.s32 @!p2 $0x0  }
0x16: {  	s3 =	sld [smem:$0x3FDB];
	s0 =	simm.s32 @p2 $0x1  }
0x17: {  	s4 =	simm.s32 $0x1BF5;
	[smem:$0x3FB0] =	sst s0  }
0x18: {  	s0 =	sld [smem:$0x3F93];
	_ =	swait.ge [sflag:s4], $0x0  }
0x19: {  	s7 =	sld [smem:$0x3F94]  }
0x1a: {  	s8 =	sadd.s32 $0xFFFFE003, lr  }
0x1b: {  	s9 =	sadd.s32 $0xFFFFFEF7, lr;
	s5 =	simm.s32 $0xFFFFFFFF;
	p2 =	slt.u32 s8, $0xFFFFF086  }
0x1c: {  	p1 =	slt.u32 s9, $0xF7A;
	s5 =	simm.s32 @!p2 $0x0  }
0x1d: {  	s5 =	simm.s32 @p1 $0x1;
	p0 =	seq.s32 s7, s2  }
0x1e: {  	s7 =	smul.u32 @!p0 $0xF7A, s2;
	p2 =	seq.s32 @!p0 s5, $0x0  }
0x1f: {  	s9 =	smul.u32 $0xF7A, s1;
	s8 =	simm.s32 @!p0 $0x1BF5;
	p2 =	por !p2, p0  }
0x20: {  	[sflag:s8] =	ssyncset.s32 @!p0 $0xFFFFF086;
	s6 =	sadd.s32 @!p0 s3, s7;
	s7 =	simm.s32 @!p0 $0x108  }
0x21: {  	s3 =	sadd.s32 s3, s9;
	s6 =	sadd.s32 @!p0 $0x88, s6;
	s7 =	simm.s32 @p2 $0x1082  }
0x22: {  	[simem:s7], [sflag:s8] =	dma.local @!p0 [hbm:s6], $0xF7A  }
0x23: {  	s9 =	sor.u32 $0xD0000000, s2;
	s6 =	simm.s32 $0x108;
	_ =	swait.ge @!p0 [sflag:s8], $0x0  }
0x24: {  	s3 =	sadd.s32 $0x88, s3;
	s6 =	simm.s32 @!p1 $0x1082;
	[sflag:s4] =	ssyncset.s32 $0xFFFFF086  }
0x25: {  	[simem:s6], [sflag:s4] =	dma.local [hbm:s3], $0xF7A  }
0x26: {  	[smem:$0x3F94] =	sst s1;
	(tag) =	ssettag s2;
	_ =	strace s9  }
0x27: {  	s1 =	sld [smem:$0x3FA4]  }
0x28: {  	s2 =	sld [smem:$0x3FA5]  }
0x29: {  	s4 =	sld [smem:$0x3FA7]  }
0x2a: {  	p0 =	seq.s32 s5, $0x0;
	s5 =	sld [smem:$0x3FA8]  }
0x2b: {  	s6 =	sld [smem:$0x3FA9]  }
0x2c: {  	s7 =	sld [smem:$0x3FAA]  }
0x2d: {  	s3 =	simm.s32 $0x108;
	s8 =	sld [smem:$0x3FAB]  }
0x2e: {  	s3 =	simm.s32 @!p0 $0x1082;
	s9 =	sld [smem:$0x3FAC]  }
0x2f: {  	lr =	sadd.s32 s0, s3;
	s0 =	sld [smem:$0x3FA3]  }
0x30: {  	s3 =	sld [smem:$0x3FA6]  }
0x31: {  	[smem:$0x3FAF] =	sst s10  }
0x32: {  	s10 =	sld [smem:$0x3FAD];
	_ =	sdelay $0x3  }
0x33: {  	p0 =	seq.s32 s10, $0x1;
	s10 =	sld [smem:$0x3FAF];
	_ =	sdelay $0x3  }
0x34: {  	[smem:$0x3FAF] =	sst s10  }
0x35: {  	s10 =	sld [smem:$0x3FAE];
	_ =	sdelay $0x3  }
0x36: {  	p1 =	seq.s32 s10, $0x1;
	s10 =	sld [smem:$0x3FAF];
	_ =	sdelay $0x3  }
0x37: {  	[smem:$0x3FAF] =	sst s10  }
0x38: {  	s10 =	sld [smem:$0x3FB0]  }
0x39: {  	_ = 	snop;
	(pc) =	sbr.ind lr, $3  }
0x3a: {  	_ = 	snop  }
0x3b: {  	_ = 	snop  }
0x3c: {  	p2 =	seq.s32 s10, $0x1;
	s10 =	sld [smem:$0x3FAF]  }
0x3d: {  	_ =	shalt  }
0x3e: {  	_ =	shalt  }
0x3f: {  	_ =	shalt  }
0x40: {  	_ =	shalt  }
0x41: {  	_ =	shalt  }
0x42: {  	_ =	shalt  }
0x43: {  	_ =	shalt  }
0x44: {  	_ =	shalt  }
0x45: {  	_ =	shalt  }
0x46: {  	_ =	shalt  }
0x47: {  	_ =	shalt  }
0x48: {  	_ =	shalt  }
0x49: {  	_ =	shalt  }
0x4a: {  	_ =	shalt  }
0x4b: {  	_ =	shalt  }
0x4c: {  	_ =	shalt  }
0x4d: {  	_ =	shalt  }
0x4e: {  	_ =	shalt  }
0x4f: {  	_ =	shalt  }
0x50: {  	_ =	shalt  }
0x51: {  	_ =	shalt  }
0x52: {  	_ =	shalt  }
0x53: {  	_ =	shalt  }
0x54: {  	_ =	shalt  }
0x55: {  	_ =	shalt  }
0x56: {  	_ =	shalt  }
0x57: {  	_ =	shalt  }
0x58: {  	_ =	shalt  }
0x59: {  	_ =	shalt  }
0x5a: {  	_ =	shalt  }
0x5b: {  	_ =	shalt  }
0x5c: {  	_ =	shalt  }
0x5d: {  	_ =	shalt  }
0x5e: {  	_ =	shalt  }
0x5f: {  	_ =	shalt  }
0x60: {  	_ =	shalt  }
0x61: {  	_ =	shalt  }
0x62: {  	_ =	shalt  }
0x63: {  	_ =	shalt  }
0x64: {  	_ =	shalt  }
0x65: {  	_ =	shalt  }
0x66: {  	_ =	shalt  }
0x67: {  	_ =	shalt  }
0x68: {  	_ =	shalt  }
0x69: {  	_ =	shalt  }
0x6a: {  	_ =	shalt  }
0x6b: {  	_ =	shalt  }
0x6c: {  	_ =	shalt  }
0x6d: {  	_ =	shalt  }
0x6e: {  	_ =	shalt  }
0x6f: {  	_ =	shalt  }
0x70: {  	_ =	shalt  }
0x71: {  	_ =	shalt  }
0x72: {  	_ =	shalt  }
0x73: {  	_ =	shalt  }
0x74: {  	_ =	shalt  }
0x75: {  	_ =	shalt  }
0x76: {  	_ =	shalt  }
0x77: {  	_ =	shalt  }
0x78: {  	_ =	shalt  }
0x79: {  	_ =	shalt  }
0x7a: {  	_ =	shalt  }
0x7b: {  	_ =	shalt  }
0x7c: {  	_ =	shalt  }
0x7d: {  	_ =	shalt  }
0x7e: {  	_ =	shalt  }
0x7f: {  	_ =	shalt  }
0x80: {  	_ =	shalt  }
0x81: {  	_ =	shalt  }
0x82: {  	_ =	shalt  }
0x83: {  	_ =	shalt  }
0x84: {  	_ =	shalt  }
0x85: {  	_ =	shalt  }
0x86: {  	_ =	shalt  }
0x87: {  	_ =	shalt  }
.Lfunc_end0:
.L_simem_size_0:
called_computation.3_lowered:
.L_overlay_start_0:
0x88: {  	s2 =	sld [smem:$0x3FD9]  }
0x89: {  	s3 =	sld [smem:$0x3FFE];
	_ =	sdelay $0x1  }
0x8a: {  	s1 =	srdreg.scid  }
0x8b: {  	s0 =	sand.u32 $0x1, s1  }
0x8c: {  	s17 =	sshll.u32 s0, $0xA;
	s2 =	sadd.s32 s3, s2  }
0x8d: {  	s2 =	sadd.s32 s2, s17  }
0x8e: {  	[smem:$0x3FBB] =	sst s2  }
0x8f: {  	_ = 	snop  }
0x90: {  	s2 =	sld [smem:$0x3FD0];
	(tm) =	ssettm $0x1  }
0x91: {  	s18 =	sld [smem:$0x3FFB];
	_ =	sdelay $0x3  }
0x92: {  	_ =	strace s18  }
0x93: {  	s3 =	sld [smem:$0x3FFC];
	_ =	sdelay $0x3  }
0x94: {  	_ =	strace s3  }
0x95: {  	s3 =	sld [smem:$0x3FFD];
	_ =	sdelay $0x3  }
0x96: {  	_ =	strace s3  }
0x97: {  	_ =	strace $0x8FFFFFFF  }
0x98: {  	s19 =	sld [smem:$0x3FDB];
	_ =	sdelay $0x1  }
0x99: {  	s4 =	simm.s32 $_scs_section_size  }
0x9a: {  	s5 =	simm.s32 $_size__tile_overlayer_lowered;
	s6 =	simm.s32 $_tile_overlayer_lowered  }
0x9b: {  	s22 =	simm.s32 $0x1BFF;
	s21 =	sshll.u32 s6, $0x1;
	s3 =	sadd.s32 s4, s19  }
0x9c: {  	s7 =	simm.s32 $0x0;
	s20 =	sshll.u32 s5, $0x1;
	s5 =	sadd.s32 s21, s3  }
0x9d: {  	[timem:s7], [sflag:s22] =	dma.local [hbm:s5], s20  }
0x9e: {  	_ =	swait.ge [sflag:s22], s20  }
0x9f: {  	s4 =	ssub.s32 $0x0, s20;
	[sflag:s22] =	ssyncset.done $0x0  }
0xa0: {  	[sflag:s22] =	ssyncadd.s32 s4;
	_ =	sdelay $0x1  }
0xa1: {  	s23 =	simm.s32 $0x1B8B  }
0xa2: {  	_ =	swait.ge [sflag:s23], $0x1  }
0xa3: {  	[sflag:s23] =	ssyncset.done $0x0  }
0xa4: {  	s25 =	simm.s32 $0x1B8E;
	s24 =	sld [smem:$0x3FFE];
	[sflag:s23] =	ssyncadd.s32 $0xFFFFFFFF  }
0xa5: {  	s26 =	simm.s32 $execute0_lowered;
	[smem:$0x3FD2] =	sst s25  }
0xa6: {  	s5 =	sshll.u32 s26, $0x1;
	_ =	strace $0x8000004F;
	[dreg:$0x1] =	wrdreg $0xFFFFFFFF  }
0xa7: {  	s28 =	simm.s32 $_size_execute0_lowered;
	s3 =	sadd.s32 s3, s5;
	[dreg:$0x0] =	wrdreg $0x0  }
0xa8: {  	s5 =	sshll.u32 s28, $0x1;
	[dreg:$0x2] =	wrdreg s3  }
0xa9: {  	[dreg:$0x3] =	wrdreg s5  }
0xaa: {  	[dreg:$0x4] =	wrdreg $0xC0  }
0xab: {  	_ =	task [dreg:s7], $0x5FFFF  }
0xac: {  	[dreg:$0x1] =	wrdreg $0xFFFFFFFF  }
0xad: {  	[dreg:$0x0] =	wrdreg $0x60  }
0xae: {  	[dreg:$0x2] =	wrdreg s2  }
0xaf: {  	[dreg:$0x3] =	wrdreg s24  }
0xb0: {  	[dreg:$0x4] =	wrdreg $0x9  }
0xb1: {  	_ =	task.clear_ibuf [dreg:s7], $0x5FFFF;
	_ =	strace $0x9000004F  }
0xb2: {  	s29 =	simm.s32 $0x9;
	_ =	strace $0x80000051  }
0xb3: {  	_ =	swait.ge [sflag:s29], $0x1  }
0xb4: {  	[sflag:s29] =	ssyncadd.s32 $0xFFFFFFFF  }
0xb5: {  	_ =	strace $0x90000051  }
0xb6: {  	_ =	sfence  }
0xb7: {  	s30 =	sld [smem:$0x0];
	_ =	sdelay $0x2  }
0xb8: {  	s31 =	sshll.u32 s1, $0xD;
	s1 =	sshrl.u32 s1, $0x2  }
0xb9: {  	s3 =	sand.u32 $0x4000, s31;
	s1 =	sadd.s32 s1, s30  }
0xba: {  	s0 =	sor.u32 s3, s0;
	s1 =	sshll.u32 s1, $0x11  }
0xbb: {  	s0 =	sor.u32 s1, s0  }
0xbc: {  	s0 =	sadd.s32 $0x8F2B, s0  }
0xbd: {  	[sflag:s0] =	ssyncadd.remote.s32 $0x1  }
0xbe: {  	_ =	sfence.sel $0xFFFF  }
0xbf: {  	[dreg:$0x0] =	wrdreg $0xFFFFFFFF;
	(pc) =	sbr.abs _section_cstart, $3  }
0xc0: {  	[dreg:$0x1] =	wrdreg $0xFFFFFFFF  }
0xc1: {  	_ =	task.clear_ibuf [dreg:s7], $0x2FFFF;
	_ =	strace $0x9FFFFFFF  }
0xc2: {  	(tm) =	ssettm $0x7FFFFFFF  }
0xc3: {  	_ =	shalt  }
tec
execute0_lowered:
.L_overlay_start_1:
0x0: {  	(tag) =	ssettag $0x1  }
0x1: {  	s2 =	rddreg [dreg:$0x0]  }
0x2: {  	s0 =	srdreg.scid;
	s1 =	rddreg [dreg:$0x1]  }
0x3: {  	s13 =	stileid.u32;
	s3 =	simm.s32 $0x0;
	s18 =	simm.s32 $0x50  }
0x4: {  	s19 =	simm.s32 $0x4E20;
	s20 =	simm.s32 $0x9E20;
	s28 =	simm.s32 $0xC620  }
0x5: {  	s30 =	simm.s32 $0x8A20;
	s31 =	simm.s32 $0x2;
	s7 =	smul.u32 $0x2710, s13  }
0x6: {  	s0 =	sand.u32 $0x1, s0;
	[smem:$0x7FF] =	sst s3;
	s29 =	smul.u32 $0x13880, s13  }
0x7: {  	s14 =	sadd.s32 $0xB7E00, s1;
	s4 =	sshll.u32 s0, $0x4;
	s6 =	smul.u32 $0x27100, s0  }
0x8: {  	s8 =	ssub.s32 $0x2, s0;
	s0 =	smul.u32 $0x138800, s0;
	s4 =	sor.u32 s13, s4  }
0x9: {  	_ =	strace $0x80000050;
	s9 =	sshrl.u32 s8, $0x1;
	s5 =	smul.u32 $0x2710, s4  }
0xa: {  	s4 =	sadd.s32 $0x4E00, s1;
	s6 =	sadd.s32 s7, s6;
	s22 =	ssub.s32 s8, s9  }
0xb: {  	s7 =	simm.s32 $0x0;
	s6 =	sshll.u32 s6, $0x3;
	s24 =	smax.u32 s22, $0x1  }
0xc: {  	s22 =	simm.s32 $0x5;
	s5 =	sshrl.u32 s5, $0x3;
	[dreg:$0x5] =	wrdreg s24  }
0xd: {  	s25 =	sadd.s32 $0x280, s6;
	s26 =	sadd.s32 $0x780, s6;
	s6 =	sadd.s32 $0x500, s6  }
0xe: {  	s5 =	sadd.s32 s5, s1;
	s1 =	sadd.s32 $0x328E00, s1;
	s8 =	sadd.s32 s25, s14  }
0xf: {  	s10 =	sadd.s32 s26, s14;
	s12 =	sadd.s32 s6, s14;
	s23 =	sadd.s32 $0xAE000, s5  }
.Ltmp0:
0x10: {  	s5 =	sadd.s32 $0xA4200, s5;
	s9 =	sadd.s32 s25, s1;
	(pc) =	sbr.rel .LBB2_1-.Ltmp0, $4  }
0x11: {  	s11 =	sadd.s32 s26, s1;
	s13 =	sadd.s32 s6, s1;
	s1 =	sadd.s32 s0, s1  }
0x12: {  	s0 =	sadd.s32 s0, s14;
	s6 =	simm.s32 $0x4;
	[dreg:$0x3] =	wrdreg s23  }
0x13: {  	[dreg:$0x4] =	wrdreg s5;
	s14 =	sadd.s32 s29, s1;
	s15 =	sadd.s32 s29, s0  }
0x14: {  	s0 =	simm.s32 $0xDA20;
	s1 =	simm.s32 $0x1;
	s5 =	simm.s32 $0x3  }
.LBB2_6:
0x15: {  	_ =	swait.ge [sflag:s22], $0x1400  }
0x16: {  	[sflag:s22] =	ssyncset.done $0x0  }
0x17: {  	[sflag:s22] =	ssyncadd.s32 $0xFFFFEC00  }
0x18: {  	_ =	swait.ge [sflag:s22], $0x1400  }
0x19: {  	[sflag:s22] =	ssyncset.done $0x0  }
0x1a: {  	s16 =	simm.s32 $0x6;
	[sflag:s22] =	ssyncadd.s32 $0xFFFFEC00  }
0x1b: {  	_ =	swait.ge [sflag:s16], $0x1400  }
0x1c: {  	[sflag:s16] =	ssyncset.done $0x0  }
0x1d: {  	[sflag:s16] =	ssyncadd.s32 $0xFFFFEC00  }
0x1e: {  	_ =	swait.ge [sflag:s16], $0x1400  }
0x1f: {  	[sflag:s16] =	ssyncset.done $0x0  }
0x20: {  	s26 =	simm.s32 $0x7;
	[sflag:s16] =	ssyncadd.s32 $0xFFFFEC00  }
0x21: {  	_ =	swait.ge [sflag:s26], $0x1400  }
0x22: {  	[sflag:s26] =	ssyncset.done $0x0  }
0x23: {  	[sflag:s26] =	ssyncadd.s32 $0xFFFFEC00  }
0x24: {  	_ =	swait.ge [sflag:s26], $0x1400  }
0x25: {  	[sflag:s26] =	ssyncset.done $0x0  }
0x26: {  	s17 =	simm.s32 $0x8;
	[sflag:s26] =	ssyncadd.s32 $0xFFFFEC00  }
0x27: {  	_ =	swait.ge [sflag:s17], $0x1400  }
0x28: {  	[sflag:s17] =	ssyncset.done $0x0  }
0x29: {  	[sflag:s17] =	ssyncadd.s32 $0xFFFFEC00  }
0x2a: {  	_ =	swait.ge [sflag:s17], $0x1400  }
0x2b: {  	s7 =	sadd.s32 $0x1, s7;
	s29 =	rddreg [dreg:$0x5]  }
0x2c: {  	p0 =	sne.s32 s7, s29  }
.Ltmp1:
0x2d: {  	_ = 	snop;
	(pc) =	sbr.rel @!p0 .LBB2_7-.Ltmp1, $3  }
0x2e: {  	_ =	sdelay $0x1  }
0x2f: {  	[sflag:s17] =	ssyncset.done $0x0  }
0x30: {  	[sflag:s17] =	ssyncadd.s32 $0xFFFFEC00  }
.LBB2_1:
0x31: {  	s16 =	rddreg [dreg:$0x3];
	s17 =	simm.s32 $0x9  }
0x32: {  	[tilespmem:s3], [sflag:$0x9] =	stream.linear.gather [hbm4b:s16+s3], $0x2710, $0x38;
	[tilespmem:$0xEE20] =	vst v63  }
0x33: {  	_ =	swait.ge [sflag:s17], $0x2710  }
0x34: {  	[sflag:s17] =	ssyncset.done $0x0  }
0x35: {  	s21 =	simm.s32 $0x2710;
	s26 =	rddreg [dreg:$0x4];
	[sflag:s17] =	ssyncadd.s32 $0xFFFFD8F0  }
0x36: {  	[tilespmem:s21], [sflag:$0x9] =	stream.linear.gather [hbm4b:s26+s3], $0x2710, $0x38;
	[tilespmem:$0xEE20] =	vst v63  }
0x37: {  	_ =	swait.ge [sflag:s17], $0x2710  }
0x38: {  	[sflag:s17] =	ssyncset.done $0x0  }
0x39: {  	[sflag:s17] =	ssyncadd.s32 $0xFFFFD8F0  }
0x3a: {  	[tilespmem:s19], [sflag:$0x1] =	stream.indirect.gather [hbm4b:s2+s18], $0x40, s3, s18, $0xb8;
	[tilespmem:$0xEE20] =	vst v63  }
0x3b: {  	_ = 	snop  }
0x3c: {  	[tilespmem:s20], [sflag:$0x1] =	stream.indirect.gather [hbm4b:s4+s18], $0x40, s21, s18, $0xb8;
	[tilespmem:$0xEE20] =	vst v63  }
0x3d: {  	s29 =	simm.s32 $0x6220  }
0x3e: {  	[tilespmem:s29], [sflag:$0x2] =	stream.indirect.gather [hbm4b:s2+s18], $0x40, s18, s18, $0xb8;
	[tilespmem:$0xEE20] =	vst v63  }
0x3f: {  	s17 =	simm.s32 $0x2760;
	s21 =	simm.s32 $0xB220  }
0x40: {  	[tilespmem:s21], [sflag:$0x2] =	stream.indirect.gather [hbm4b:s4+s18], $0x40, s17, s18, $0xb8;
	[tilespmem:$0xEE20] =	vst v63  }
0x41: {  	s23 =	simm.s32 $0xA0;
	s24 =	simm.s32 $0x7620  }
0x42: {  	[tilespmem:s24], [sflag:$0x3] =	stream.indirect.gather [hbm4b:s2+s18], $0x40, s23, s18, $0xb8;
	[tilespmem:$0xEE20] =	vst v63  }
0x43: {  	s25 =	simm.s32 $0x27B0  }
0x44: {  	[tilespmem:s28], [sflag:$0x3] =	stream.indirect.gather [hbm4b:s4+s18], $0x40, s25, s18, $0xb8;
	[tilespmem:$0xEE20] =	vst v63  }
.Ltmp2:
0x45: {  	_ = 	snop;
	(pc) =	sbr.rel .LBB2_2-.Ltmp2, $4  }
0x46: {  	s16 =	simm.s32 $0x1;
	s26 =	simm.s32 $0xF0;
	s29 =	simm.s32 $0x2800  }
0x47: {  	[tilespmem:s30], [sflag:$0x4] =	stream.indirect.gather [hbm4b:s2+s18], $0x40, s26, s18, $0xb8;
	[tilespmem:$0xEE20] =	vst v63  }
0x48: {  	s17 =	simm.s32 $0x0;
	s24 =	simm.s32 $0x0;
	s26 =	simm.s32 $0x0  }
0x49: {  	[tilespmem:s0], [sflag:$0x4] =	stream.indirect.gather [hbm4b:s4+s18], $0x40, s29, s18, $0xb8;
	[tilespmem:$0xEE20] =	vst v63  }
.LBB2_5:
0x4a: {  	s24 =	sadd.s32 $0xA00, s24  }
0x4b: {  	p0 =	sne.s32 s24, $0x14000  }
.Ltmp3:
0x4c: {  	_ = 	snop;
	(pc) =	sbr.rel @!p0 .LBB2_6-.Ltmp3, $2  }
0x4d: {  	_ =	sdelay $0x2  }
0x4e: {  	s26 =	sadd.s32 $0x1, s26;
	s16 =	sadd.s32 $0x4, s16;
	s17 =	sadd.s32 $0x500, s17  }
.LBB2_2:
0x4f: {  	_ =	swait.ge [sflag:s1], $0x1400  }
0x50: {  	[sflag:s1] =	ssyncset.done $0x0  }
0x51: {  	[sflag:s1] =	ssyncadd.s32 $0xFFFFEC00  }
0x52: {  	p0 =	seq.s32 s24, $0x13600;
	_ =	swait.ge [sflag:s1], $0x1400  }
.Ltmp4:
0x53: {  	[sflag:s1] =	ssyncset.done $0x0;
	(pc) =	sbr.rel @p0 .LBB2_6-.Ltmp4, $4  }
0x54: {  	s29 =	sadd.s32 s24, s15;
	[sflag:s1] =	ssyncadd.s32 $0xFFFFEC00  }
0x55: {  	[hbm4b:s29+s3] =	stream.linear.scatter [tilespmem:s19], [sflag:$0x5], $0x1400, $0x38;
	[tilespmem:$0xEE20] =	vst v63  }
0x56: {  	s25 =	sadd.s32 s24, s14  }
0x57: {  	[hbm4b:s25+s3] =	stream.linear.scatter [tilespmem:s20], [sflag:$0x5], $0x1400, $0x38;
	[tilespmem:$0xEE20] =	vst v63  }
0x58: {  	_ =	swait.ge [sflag:s22], $0x1400  }
0x59: {  	[sflag:s22] =	ssyncset.done $0x0  }
0x5a: {  	[sflag:s22] =	ssyncadd.s32 $0xFFFFEC00  }
0x5b: {  	p0 =	sgt.u32 s16, $0x7C;
	_ =	swait.ge [sflag:s22], $0x1400  }
.Ltmp5:
0x5c: {  	s29 =	sshra.s32 s17, $0x2;
	[sflag:s22] =	ssyncset.done $0x0;
	(pc) =	sbr.rel @p0 .LBB2_5-.Ltmp5, $4  }
0x5d: {  	s21 =	sadd.s32 $0x140, s29;
	[sflag:s22] =	ssyncadd.s32 $0xFFFFEC00  }
0x5e: {  	[tilespmem:s19], [sflag:$0x1] =	stream.indirect.gather [hbm4b:s2+s18], $0x40, s21, s18, $0xb8;
	[tilespmem:$0xEE20] =	vst v63  }
0x5f: {  	s29 =	sadd.s32 $0x2850, s29  }
0x60: {  	[tilespmem:s20], [sflag:$0x1] =	stream.indirect.gather [hbm4b:s4+s18], $0x40, s29, s18, $0xb8;
	[tilespmem:$0xEE20] =	vst v63  }
0x61: {  	_ =	swait.ge [sflag:s31], $0x1400  }
0x62: {  	[sflag:s31] =	ssyncset.done $0x0  }
0x63: {  	[sflag:s31] =	ssyncadd.s32 $0xFFFFEC00  }
0x64: {  	_ =	swait.ge [sflag:s31], $0x1400  }
0x65: {  	s21 =	sadd.s32 s24, s8;
	[sflag:s31] =	ssyncset.done $0x0  }
0x66: {  	s23 =	simm.s32 $0x6220;
	p0 =	sgt.u32 s26, $0x1D;
	[sflag:s31] =	ssyncadd.s32 $0xFFFFEC00  }
0x67: {  	[hbm4b:s21+s3] =	stream.linear.scatter [tilespmem:s23], [sflag:$0x6], $0x1400, $0x38;
	[tilespmem:$0xEE20] =	vst v63  }
0x68: {  	s25 =	simm.s32 $0xB220;
	s23 =	sadd.s32 s24, s9;
	s21 =	simm.s32 @!p0 $0x6  }
0x69: {  	[hbm4b:s23+s3] =	stream.linear.scatter [tilespmem:s25], [sflag:$0x6], $0x1400, $0x38;
	[tilespmem:$0xEE20] =	vst v63  }
0x6a: {  	_ =	swait.ge @!p0 [sflag:s21], $0x1400  }
0x6b: {  	[sflag:s21] =	ssyncset.done @!p0 $0x0  }
0x6c: {  	[sflag:s21] =	ssyncadd.s32 @!p0 $0xFFFFEC00  }
0x6d: {  	_ =	swait.ge @!p0 [sflag:s21], $0x1400  }
0x6e: {  	[sflag:s21] =	ssyncset.done @!p0 $0x0  }
0x6f: {  	[sflag:s21] =	ssyncadd.s32 @!p0 $0xFFFFEC00;
	s21 =	sshra.s32 @!p0 s17, $0x2  }
0x70: {  	s23 =	simm.s32 @!p0 $0x50;
	s25 =	simm.s32 @!p0 $0x6220;
	s29 =	sadd.s32 @!p0 $0x190, s21  }
0x71: {  	[tilespmem:s25], [sflag:$0x2] =	stream.indirect.gather @!p0 [hbm4b:s2+s23], $0x40, s29, s23, $0xb8;
	[tilespmem:$0xEE20] =	vst v63  }
0x72: {  	s25 =	sadd.s32 @!p0 $0x28A0, s21;
	s29 =	simm.s32 @!p0 $0xB220  }
0x73: {  	[tilespmem:s29], [sflag:$0x2] =	stream.indirect.gather @!p0 [hbm4b:s4+s23], $0x40, s25, s23, $0xb8;
	[tilespmem:$0xEE20] =	vst v63  }
0x74: {  	_ =	swait.ge [sflag:s5], $0x1400  }
0x75: {  	[sflag:s5] =	ssyncset.done $0x0  }
0x76: {  	[sflag:s5] =	ssyncadd.s32 $0xFFFFEC00  }
0x77: {  	_ =	swait.ge [sflag:s5], $0x1400  }
0x78: {  	[sflag:s5] =	ssyncset.done $0x0  }
0x79: {  	s25 =	sadd.s32 s24, s12;
	s29 =	simm.s32 $0x7620;
	[sflag:s5] =	ssyncadd.s32 $0xFFFFEC00  }
0x7a: {  	[hbm4b:s25+s3] =	stream.linear.scatter [tilespmem:s29], [sflag:$0x7], $0x1400, $0x38;
	[tilespmem:$0xEE20] =	vst v63  }
0x7b: {  	s29 =	sadd.s32 s24, s13;
	s25 =	simm.s32 @!p0 $0x7  }
0x7c: {  	[hbm4b:s29+s3] =	stream.linear.scatter [tilespmem:s28], [sflag:$0x7], $0x1400, $0x38;
	[tilespmem:$0xEE20] =	vst v63  }
0x7d: {  	_ =	swait.ge @!p0 [sflag:s25], $0x1400  }
0x7e: {  	[sflag:s25] =	ssyncset.done @!p0 $0x0  }
0x7f: {  	[sflag:s25] =	ssyncadd.s32 @!p0 $0xFFFFEC00  }
0x80: {  	_ =	swait.ge @!p0 [sflag:s25], $0x1400  }
0x81: {  	[sflag:s25] =	ssyncset.done @!p0 $0x0  }
0x82: {  	s29 =	simm.s32 @!p0 $0x7620;
	[sflag:s25] =	ssyncadd.s32 @!p0 $0xFFFFEC00;
	s25 =	sadd.s32 @!p0 $0x1E0, s21  }
0x83: {  	[tilespmem:s29], [sflag:$0x3] =	stream.indirect.gather @!p0 [hbm4b:s2+s23], $0x40, s25, s23, $0xb8;
	[tilespmem:$0xEE20] =	vst v63  }
0x84: {  	s25 =	sadd.s32 @!p0 $0x28F0, s21;
	s29 =	simm.s32 @!p0 $0xC620  }
0x85: {  	[tilespmem:s29], [sflag:$0x3] =	stream.indirect.gather @!p0 [hbm4b:s4+s23], $0x40, s25, s23, $0xb8;
	[tilespmem:$0xEE20] =	vst v63  }
0x86: {  	_ =	swait.ge [sflag:s6], $0x1400  }
0x87: {  	[sflag:s6] =	ssyncset.done $0x0  }
0x88: {  	[sflag:s6] =	ssyncadd.s32 $0xFFFFEC00  }
0x89: {  	_ =	swait.ge [sflag:s6], $0x1400  }
0x8a: {  	[sflag:s6] =	ssyncset.done $0x0  }
0x8b: {  	s29 =	sadd.s32 s24, s10;
	[sflag:s6] =	ssyncadd.s32 $0xFFFFEC00  }
0x8c: {  	[hbm4b:s29+s3] =	stream.linear.scatter [tilespmem:s30], [sflag:$0x8], $0x1400, $0x38;
	[tilespmem:$0xEE20] =	vst v63  }
0x8d: {  	s25 =	simm.s32 @!p0 $0x8;
	s29 =	sadd.s32 s24, s11  }
0x8e: {  	[hbm4b:s29+s3] =	stream.linear.scatter [tilespmem:s0], [sflag:$0x8], $0x1400, $0x38;
	[tilespmem:$0xEE20] =	vst v63  }
0x8f: {  	_ =	swait.ge @!p0 [sflag:s25], $0x1400  }
0x90: {  	[sflag:s25] =	ssyncset.done @!p0 $0x0  }
0x91: {  	[sflag:s25] =	ssyncadd.s32 @!p0 $0xFFFFEC00  }
0x92: {  	_ =	swait.ge @!p0 [sflag:s25], $0x1400  }
.Ltmp6:
0x93: {  	[sflag:s25] =	ssyncset.done @!p0 $0x0;
	(pc) =	sbr.rel .LBB2_5-.Ltmp6, $4  }
0x94: {  	s29 =	simm.s32 @!p0 $0x8A20;
	[sflag:s25] =	ssyncadd.s32 @!p0 $0xFFFFEC00;
	s25 =	sadd.s32 @!p0 $0x230, s21  }
0x95: {  	[tilespmem:s29], [sflag:$0x4] =	stream.indirect.gather @!p0 [hbm4b:s2+s23], $0x40, s25, s23, $0xb8;
	[tilespmem:$0xEE20] =	vst v63  }
0x96: {  	s21 =	sadd.s32 @!p0 $0x2940, s21;
	s25 =	simm.s32 @!p0 $0xDA20  }
0x97: {  	[tilespmem:s25], [sflag:$0x4] =	stream.indirect.gather @!p0 [hbm4b:s4+s23], $0x40, s21, s23, $0xb8;
	[tilespmem:$0xEE20] =	vst v63  }
.LBB2_7:
0x98: {  	_ =	sfence.sel $0x180000  }
0x99: {  	[bflag:$0x0] =	sbarrier.arrive $0xFFFF  }
0x9a: {  	_ =	strace $0x90000050  }
0x9b: {  	s0 =	stileid.u32;
	[bflag:$0x2] =	sbarrier.arrive $0xFFFF  }
0x9c: {  	p0 =	sne.s32 s0, $0x0;
	s0 =	rddreg [dreg:$0x2]  }
0x9d: {  	s0 =	sadd.s32 @!p0 $0x100000, s0  }
0x9e: {  	[sflag:s0] =	ssyncadd.tile.s32 @!p0 $0x1;
	_ =	shalt  }
.Lfunc_end2:
_tile_overlayer_lowered:
.L_overlay_start_2:
0x9f: {  	(tag) =	ssettag $0x2  }
0xa0: {  	s0 =	rddreg [dreg:$0x0];
	s2 =	stileid.u32  }
0xa1: {  	s1 =	rddreg [dreg:$0x1];
	p0 =	sne.s32 s2, $0x0  }
0xa2: {  	s3 =	rddreg [dreg:$0x2];
	[bflag:$0x3] =	sbarrier.arrive $0xFFFF;
	s2 =	simm.s32 @!p0 $0x1C09  }
0xa3: {  	[timem:s3], [sflag:s2] =	dma.local @!p0 [hbm:s0], s1  }
0xa4: {  	s0 =	simm.s32 @!p0 $0x9  }
0xa5: {  	_ =	swait.ge @!p0 [sflag:s0], s1  }
0xa6: {  	s1 =	ssub.s32 @!p0 $0x0, s1;
	[sflag:s0] =	ssyncset.done @!p0 $0x0  }
0xa7: {  	[sflag:s0] =	ssyncadd.s32 @!p0 s1  }
0xa8: {  	[bflag:$0x3] =	sbarrier.arrive $0xFFFF  }
0xa9: {  	_ =	shalt  }

</sc_bundles>
